<compile_context>
chip_gen: v7x
topology: tpu7x:2x2x1
jax: 0.10.2.dev20260603
libtpu: 0.0.44.dev20260713+nightly
codegen_flags: <defaults>
</compile_context>

<pallas_src>
import functools

import jax
import jax.numpy as jnp
from jax import lax
from jax.experimental import pallas as pl
from jax.experimental.pallas import tpu as pltpu
from jax.experimental.pallas import tpu_sc as plsc

NUM_NODES = 1000000
MEMORY_DIM = 64
BATCH = 16384
NC = 2
NS = 16
NW = NC * NS
B_PER_W = BATCH // NW

BLK_W = 512
BLK_SHIFT = 9
PAD_LANES = ((NUM_NODES + 127) // 128) * 128
BASE_MAX = PAD_LANES - BLK_W
NBUF = 3


def _sc_gather_body(memT, sid_hbm, spos_hbm, out_hbm,
                    ids_v, pos_v, blocks_v, rows_v, posb_v, dsem, ssem):
    wid = lax.axis_index("s") * NC + lax.axis_index("c")
    base = wid * B_PER_W
    pltpu.sync_copy(sid_hbm.at[pl.ds(base, B_PER_W)], ids_v)
    pltpu.sync_copy(spos_hbm.at[pl.ds(base, B_PER_W)], pos_v)

    def blk_copy(b):
        slot = lax.rem(b, NBUF)
        base = jnp.minimum(b * BLK_W, BASE_MAX)
        return pltpu.make_async_copy(
            memT.at[:, pl.ds(pl.multiple_of(base, 128), BLK_W)],
            blocks_v.at[slot],
            dsem.at[slot],
        )

    first = ids_v[pl.ds(0, 16)]
    lastv = ids_v[pl.ds(B_PER_W - 16, 16)]
    first_blk = lax.shift_right_logical(first[0], BLK_SHIFT)
    my_last_blk = lax.shift_right_logical(lastv[15], BLK_SHIFT)
    blk_copy(first_blk).start()
    blk_copy(jnp.minimum(first_blk + 1, my_last_blk)).start()

    def step_body(w, carry):
        blk_copy(jnp.minimum(w + 2, my_last_blk)).start()
        blk_copy(w).wait()
        return carry

    def group_body(g, waited):
        def chunk_body(cc, waited):
            c = g * 8 + cc
            v_ids = ids_v[pl.ds(c * 16, 16)]
            v_pos = pos_v[pl.ds(c * 16, 16)]
            posb_v[0, pl.ds(cc * 16, 16)] = v_pos
            for j in range(16):
                id_s = v_ids[j]
                tgt = lax.shift_right_logical(id_s, BLK_SHIFT)
                lax.fori_loop(waited + 1, tgt + 1, step_body, 0)
                waited = jnp.maximum(waited, tgt)

                slot = lax.rem(tgt, NBUF)
                col = id_s - jnp.minimum(tgt * BLK_W, BASE_MAX)
                lane_idx = jnp.broadcast_to(col, (16,))
                blk_ref = blocks_v.at[slot]
                for ccc in range(4):
                    ridx = jnp.arange(16, dtype=jnp.int32) + (16 * ccc)
                    val = plsc.load_gather(blk_ref, [ridx, lane_idx])
                    rows_v[cc * 16 + j, pl.ds(16 * ccc, 16)] = val
            return waited

        waited = lax.fori_loop(0, 8, chunk_body, waited)
        pltpu.async_copy(rows_v, out_hbm.at[posb_v.at[0]], ssem).wait()
        return waited

    lax.fori_loop(0, B_PER_W // 128, group_body, first_blk - 1)
    blk_copy(my_last_blk).wait()
    blk_copy(my_last_blk).wait()


@functools.cache
def _sc_gather():
    return pl.kernel(
        _sc_gather_body,
        out_type=jax.ShapeDtypeStruct((BATCH, 128), jnp.float32),
        mesh=plsc.VectorSubcoreMesh(core_axis_name="c", subcore_axis_name="s"),
        scratch_types=[
            pltpu.VMEM((B_PER_W,), jnp.int32),
            pltpu.VMEM((B_PER_W,), jnp.int32),
            pltpu.VMEM((NBUF, MEMORY_DIM, BLK_W), jnp.float32),
            pltpu.VMEM((128, 128), jnp.float32),
            pltpu.VMEM((1, 128), jnp.int32),
            pltpu.SemaphoreType.DMA((NBUF,)),
            pltpu.SemaphoreType.DMA,
        ],
        compiler_params=pltpu.CompilerParams(use_tc_tiling_on_sc=True, needs_layout_passes=False),
    )


def _gru_body(h_ref, wr_ref, wz_ref, wn_ref, br_ref, bz_ref, bin_ref,
              bhn_ref, out_ref):
    h = h_ref[...][:, :MEMORY_DIM]
    ghr = jnp.dot(h, wr_ref[...], preferred_element_type=jnp.float32)
    ghz = jnp.dot(h, wz_ref[...], preferred_element_type=jnp.float32)
    ghn = jnp.dot(h, wn_ref[...], preferred_element_type=jnp.float32)
    r = jax.nn.sigmoid(ghr + br_ref[...])
    z = jax.nn.sigmoid(ghz + bz_ref[...])
    n = jnp.tanh(bin_ref[...] + r * (ghn + bhn_ref[...]))
    out_ref[...] = (1.0 - z) * n + z * h


def _gru_call(h128, wr, wz, wn, br, bz, bin_, bhn, *, interpret=False):
    BR = 2048
    grid = BATCH // BR
    in_spec = pl.BlockSpec((BR, 128), lambda i: (i, 0))
    out_spec = pl.BlockSpec((BR, MEMORY_DIM), lambda i: (i, 0))
    w_spec = pl.BlockSpec((MEMORY_DIM, MEMORY_DIM), lambda i: (0, 0))
    b_spec = pl.BlockSpec((1, MEMORY_DIM), lambda i: (0, 0))
    return pl.pallas_call(
        _gru_body,
        grid=(grid,),
        in_specs=[in_spec, w_spec, w_spec, w_spec,
                  b_spec, b_spec, b_spec, b_spec],
        out_specs=out_spec,
        out_shape=jax.ShapeDtypeStruct((BATCH, MEMORY_DIM), jnp.float32),
        interpret=interpret,
    )(h128, wr, wz, wn, br, bz, bin_, bhn)


def kernel(n_id, memory, W_ih, W_hh, b_ih, b_hh):
    del W_ih
    H = MEMORY_DIM
    memT = memory.T
    sid, spos = lax.sort_key_val(n_id, jnp.arange(BATCH, dtype=jnp.int32))
    h128 = _sc_gather()(memT, sid, spos)
    wr = W_hh[:H].T
    wz = W_hh[H:2 * H].T
    wn = W_hh[2 * H:].T
    br = (b_ih[:H] + b_hh[:H]).reshape(1, H)
    bz = (b_ih[H:2 * H] + b_hh[H:2 * H]).reshape(1, H)
    bin_ = b_ih[2 * H:].reshape(1, H)
    bhn = b_hh[2 * H:].reshape(1, H)
    new_mem = _gru_call(h128, wr, wz, wn, br, bz, bin_, bhn)
    last_update = jnp.zeros((n_id.shape[0],), dtype=jnp.int32)
    return (new_mem, last_update)

# --- scband reference (transcript-rebuilt; emitter-appended) ---
"""Pipeline reference for scband-tgnmemory-22428319220240 (READ-ONLY COPY).

The authoritative reference and input builder live on the scoring server;
editing this copy changes nothing except your own understanding.
"""

import jax, jax.numpy as jnp
import numpy as np

NUM_NODES = 1000000
MEMORY_DIM = 64
RAW_MSG_DIM = 16
TIME_DIM = 16
# IdentityMessage.out_channels = raw_msg_dim + 2*memory_dim + time_dim
MSG_DIM = RAW_MSG_DIM + 2 * MEMORY_DIM + TIME_DIM
BATCH = 16384


def setup_inputs(seed: int = 0) -> dict:
    key = jax.random.key(seed)
    ks = jax.random.split(key, 6)
    n_id = jax.random.randint(ks[0], (BATCH,), 0, NUM_NODES, dtype=jnp.int32)
    # module state buffer: per-node memory table
    memory = jax.random.normal(ks[1], (NUM_NODES, MEMORY_DIM), dtype=jnp.float32)
    # GRUCell parameters (input size = MSG_DIM, hidden size = MEMORY_DIM)
    W_ih = jax.random.normal(ks[2], (3 * MEMORY_DIM, MSG_DIM), dtype=jnp.float32) * 0.05
    W_hh = jax.random.normal(ks[3], (3 * MEMORY_DIM, MEMORY_DIM), dtype=jnp.float32) * 0.05
    b_ih = jnp.zeros((3 * MEMORY_DIM,), dtype=jnp.float32)
    b_hh = jnp.zeros((3 * MEMORY_DIM,), dtype=jnp.float32)
    return {"n_id": n_id, "memory": memory, "W_ih": W_ih, "W_hh": W_hh,
            "b_ih": b_ih, "b_hh": b_hh}


def _gru_cell(x, h, W_ih, W_hh, b_ih, b_hh):
    # Faithful nn.GRUCell math
    gx = x @ W_ih.T + b_ih
    gh = h @ W_hh.T + b_hh
    H = h.shape[-1]
    r = jax.nn.sigmoid(gx[:, :H] + gh[:, :H])
    z = jax.nn.sigmoid(gx[:, H:2 * H] + gh[:, H:2 * H])
    n = jnp.tanh(gx[:, 2 * H:] + r * gh[:, 2 * H:])
    return (1.0 - z) * n + z * h


def reference(n_id, memory, W_ih, W_hh, b_ih, b_hh):
    # TGNMemory.forward(n_id) in training mode right after reset_state():
    # all per-node message stores are empty, so the message/aggregation
    # pipeline (IdentityMessage + LastAggregator) yields all-zero aggregated
    # messages; the GRU cell then updates the gathered node memories.
    h = jnp.take(memory, n_id, axis=0)  # memory[n_id] gather (SparseCore)
    aggr = jnp.zeros((n_id.shape[0], MSG_DIM), dtype=memory.dtype)
    new_mem = _gru_cell(aggr, h, W_ih, W_hh, b_ih, b_hh)
    # scatter-max of empty timestamp set -> zeros, then gathered at n_id
    last_update = jnp.zeros((n_id.shape[0],), dtype=jnp.int32)
    return (new_mem, last_update)

if __name__ == "__main__":
    import jax
    _d = setup_inputs()
    print(jax.jit(kernel)(*tuple(_d.values())))

</pallas_src>

<mosaic_0001>
#map = affine_map<(d0, d1) -> (0, 0)>
#map1 = affine_map<(d0, d1) -> (0)>
module attributes {stable_mosaic.version = 14 : i64} {
  func.func @_sc_gather_body(%arg0: i32, %arg1: i32, %arg2: memref<64x1000000xf32, #tpu.memory_space<hbm>>, %arg3: memref<16384xi32, #tpu.memory_space<hbm>>, %arg4: memref<16384xi32, #tpu.memory_space<hbm>>, %arg5: memref<16384x128xf32, #tpu.memory_space<hbm>>, %arg6: memref<512xi32, #tpu.memory_space<vmem>>, %arg7: memref<512xi32, #tpu.memory_space<vmem>>, %arg8: memref<3x64x512xf32, #tpu.memory_space<vmem>>, %arg9: memref<128x128xf32, #tpu.memory_space<vmem>>, %arg10: memref<1x128xi32, #tpu.memory_space<vmem>>, %arg11: memref<3x!tpu.dma_semaphore, #tpu.memory_space<semaphore_mem>>, %arg12: memref<!tpu.dma_semaphore, #tpu.memory_space<semaphore_mem>>) attributes {dimension_semantics = [#tpu.dimension_semantics<core_parallel>, #tpu.dimension_semantics<subcore_parallel>], iteration_bounds = array<i64: 2, 16>, scalar_prefetch = 0 : i64, scratch_operands = 7 : i64, tpu.core_type = #tpu.core_type<sc_vector_subcore>, window_params = [{transform_indices = #map}, {transform_indices = #map1}, {transform_indices = #map1}, {transform_indices = #map}]} {
    %mul3A = arith.constant 2 : i32
    %mul3A_0 = arith.muli %arg1, %mul3A : i32
    %add3A = arith.addi %mul3A_0, %arg0 : i32
    %mul3A_1 = arith.constant 512 : i32
    %mul3A_2 = arith.muli %add3A, %mul3A_1 : i32
    "tpu.region"() ({
      %run_scoped3A = tpu.sem_alloc : memref<!tpu.dma_semaphore, #tpu.memory_space<semaphore_mem>>
      %dma_start3A_99 = tpu.memref_slice %arg3[%mul3A_2] : memref<16384xi32, #tpu.memory_space<hbm>> -> memref<512xi32, #tpu.memory_space<hbm>>
      %dma_start3A_100 = tpu.memref_slice %arg3[%mul3A_2] : memref<16384xi32, #tpu.memory_space<hbm>> -> memref<512xi32, #tpu.memory_space<hbm>>
      tpu.enqueue_dma source(%dma_start3A_100 : memref<512xi32, #tpu.memory_space<hbm>>) target(%arg6 : memref<512xi32, #tpu.memory_space<vmem>>) target_semaphore(%run_scoped3A : memref<!tpu.dma_semaphore, #tpu.memory_space<semaphore_mem>>)
      %dma_wait3A_101 = tpu.memref_slice %arg3[%mul3A_2] : memref<16384xi32, #tpu.memory_space<hbm>> -> memref<512xi32, #tpu.memory_space<hbm>>
      %dma_wait3A_102 = tpu.memref_slice %arg3[%mul3A_2] : memref<16384xi32, #tpu.memory_space<hbm>> -> memref<512xi32, #tpu.memory_space<hbm>>
      tpu.wait_dma2 semaphore(%run_scoped3A : memref<!tpu.dma_semaphore, #tpu.memory_space<semaphore_mem>>) src(%dma_wait3A_102 : memref<512xi32, #tpu.memory_space<hbm>>) dst(%arg6 : memref<512xi32, #tpu.memory_space<vmem>>)
      tpu.yield
    }) : () -> ()
    "tpu.region"() ({
      %run_scoped3A = tpu.sem_alloc : memref<!tpu.dma_semaphore, #tpu.memory_space<semaphore_mem>>
      %dma_start3A_99 = tpu.memref_slice %arg4[%mul3A_2] : memref<16384xi32, #tpu.memory_space<hbm>> -> memref<512xi32, #tpu.memory_space<hbm>>
      %dma_start3A_100 = tpu.memref_slice %arg4[%mul3A_2] : memref<16384xi32, #tpu.memory_space<hbm>> -> memref<512xi32, #tpu.memory_space<hbm>>
      tpu.enqueue_dma source(%dma_start3A_100 : memref<512xi32, #tpu.memory_space<hbm>>) target(%arg7 : memref<512xi32, #tpu.memory_space<vmem>>) target_semaphore(%run_scoped3A : memref<!tpu.dma_semaphore, #tpu.memory_space<semaphore_mem>>)
      %dma_wait3A_101 = tpu.memref_slice %arg4[%mul3A_2] : memref<16384xi32, #tpu.memory_space<hbm>> -> memref<512xi32, #tpu.memory_space<hbm>>
      %dma_wait3A_102 = tpu.memref_slice %arg4[%mul3A_2] : memref<16384xi32, #tpu.memory_space<hbm>> -> memref<512xi32, #tpu.memory_space<hbm>>
      tpu.wait_dma2 semaphore(%run_scoped3A : memref<!tpu.dma_semaphore, #tpu.memory_space<semaphore_mem>>) src(%dma_wait3A_102 : memref<512xi32, #tpu.memory_space<hbm>>) dst(%arg7 : memref<512xi32, #tpu.memory_space<vmem>>)
      tpu.yield
    }) : () -> ()
    %get3A = arith.constant 0 : index
    %get3A_3 = tpu.vector_load %arg6[%get3A] {strides = array<i32>} : memref<512xi32, #tpu.memory_space<vmem>>, vector<16xi32>,
    %get3A_4 = arith.constant 496 : index
    %get3A_5 = tpu.vector_load %arg6[%get3A_4] {strides = array<i32>} : memref<512xi32, #tpu.memory_space<vmem>>, vector<16xi32>,
    %slice3A = vector.extract_strided_slice %get3A_3 {offsets = [0], sizes = [1], strides = [1]} : vector<16xi32> to vector<1xi32>
    %squeeze3A = vector.extract %slice3A[0] : i32 from vector<1xi32>
    %shift_right_logical3A = arith.constant 9 : i32
    %shift_right_logical3A_6 = arith.shrui %squeeze3A, %shift_right_logical3A : i32
    %slice3A_7 = vector.extract_strided_slice %get3A_5 {offsets = [15], sizes = [1], strides = [1]} : vector<16xi32> to vector<1xi32>
    %squeeze3A_8 = vector.extract %slice3A_7[0] : i32 from vector<1xi32>
    %shift_right_logical3A_9 = arith.constant 9 : i32
    %shift_right_logical3A_10 = arith.shrui %squeeze3A_8, %shift_right_logical3A_9 : i32
    %rem3A = arith.constant 3 : i32
    %rem3A_11 = arith.remsi %shift_right_logical3A_6, %rem3A : i32
    %mul3A_12 = arith.constant 512 : i32
    %mul3A_13 = arith.muli %shift_right_logical3A_6, %mul3A_12 : i32
    %min3A = arith.constant 999552 : i32
    %min3A_14 = arith.minsi %mul3A_13, %min3A : i32
    %multiple_of3A = tpu.assume_multiple %min3A_14, 128 : i32
    %dma_start3A = arith.constant 0 : i32
    %dma_start3A_15 = arith.constant 0 : i32
    %dma_start3A_16 = tpu.memref_slice %arg8[%rem3A_11, %dma_start3A, %dma_start3A_15] : memref<3x64x512xf32, #tpu.memory_space<vmem>> -> memref<1x64x512xf32, #tpu.memory_space<vmem>>
    %dma_start3A_17 = tpu.memref_squeeze %dma_start3A_16 : memref<1x64x512xf32, #tpu.memory_space<vmem>> -> memref<64x512xf32, #tpu.memory_space<vmem>>
    %dma_start3A_18 = arith.constant 0 : i32
    %dma_start3A_19 = tpu.memref_slice %arg2[%dma_start3A_18, %multiple_of3A] : memref<64x1000000xf32, #tpu.memory_space<hbm>> -> memref<64x512xf32, #tpu.memory_space<hbm>>
    %dma_start3A_20 = tpu.memref_slice %arg11[%rem3A_11] : memref<3x!tpu.dma_semaphore, #tpu.memory_space<semaphore_mem>> -> memref<1x!tpu.dma_semaphore, #tpu.memory_space<semaphore_mem>>
    %dma_start3A_21 = tpu.memref_squeeze %dma_start3A_20 : memref<1x!tpu.dma_semaphore, #tpu.memory_space<semaphore_mem>> -> memref<!tpu.dma_semaphore, #tpu.memory_space<semaphore_mem>>
    %dma_start3A_22 = arith.constant 0 : i32
    %dma_start3A_23 = arith.constant 0 : i32
    %dma_start3A_24 = tpu.memref_slice %arg8[%rem3A_11, %dma_start3A_22, %dma_start3A_23] : memref<3x64x512xf32, #tpu.memory_space<vmem>> -> memref<1x64x512xf32, #tpu.memory_space<vmem>>
    %dma_start3A_25 = tpu.memref_squeeze %dma_start3A_24 : memref<1x64x512xf32, #tpu.memory_space<vmem>> -> memref<64x512xf32, #tpu.memory_space<vmem>>
    %dma_start3A_26 = arith.constant 0 : i32
    %dma_start3A_27 = tpu.memref_slice %arg2[%dma_start3A_26, %multiple_of3A] : memref<64x1000000xf32, #tpu.memory_space<hbm>> -> memref<64x512xf32, #tpu.memory_space<hbm>>
    tpu.enqueue_dma source(%dma_start3A_27 : memref<64x512xf32, #tpu.memory_space<hbm>>) target(%dma_start3A_25 : memref<64x512xf32, #tpu.memory_space<vmem>>) target_semaphore(%dma_start3A_21 : memref<!tpu.dma_semaphore, #tpu.memory_space<semaphore_mem>>)
    %add3A_28 = arith.constant 1 : i32
    %add3A_29 = arith.addi %shift_right_logical3A_6, %add3A_28 : i32
    %min3A_30 = arith.minsi %add3A_29, %shift_right_logical3A_10 : i32
    %rem3A_31 = arith.constant 3 : i32
    %rem3A_32 = arith.remsi %min3A_30, %rem3A_31 : i32
    %mul3A_33 = arith.constant 512 : i32
    %mul3A_34 = arith.muli %min3A_30, %mul3A_33 : i32
    %min3A_35 = arith.constant 999552 : i32
    %min3A_36 = arith.minsi %mul3A_34, %min3A_35 : i32
    %multiple_of3A_37 = tpu.assume_multiple %min3A_36, 128 : i32
    %dma_start3A_38 = arith.constant 0 : i32
    %dma_start3A_39 = arith.constant 0 : i32
    %dma_start3A_40 = tpu.memref_slice %arg8[%rem3A_32, %dma_start3A_38, %dma_start3A_39] : memref<3x64x512xf32, #tpu.memory_space<vmem>> -> memref<1x64x512xf32, #tpu.memory_space<vmem>>
    %dma_start3A_41 = tpu.memref_squeeze %dma_start3A_40 : memref<1x64x512xf32, #tpu.memory_space<vmem>> -> memref<64x512xf32, #tpu.memory_space<vmem>>
    %dma_start3A_42 = arith.constant 0 : i32
    %dma_start3A_43 = tpu.memref_slice %arg2[%dma_start3A_42, %multiple_of3A_37] : memref<64x1000000xf32, #tpu.memory_space<hbm>> -> memref<64x512xf32, #tpu.memory_space<hbm>>
    %dma_start3A_44 = tpu.memref_slice %arg11[%rem3A_32] : memref<3x!tpu.dma_semaphore, #tpu.memory_space<semaphore_mem>> -> memref<1x!tpu.dma_semaphore, #tpu.memory_space<semaphore_mem>>
    %dma_start3A_45 = tpu.memref_squeeze %dma_start3A_44 : memref<1x!tpu.dma_semaphore, #tpu.memory_space<semaphore_mem>> -> memref<!tpu.dma_semaphore, #tpu.memory_space<semaphore_mem>>
    %dma_start3A_46 = arith.constant 0 : i32
    %dma_start3A_47 = arith.constant 0 : i32
    %dma_start3A_48 = tpu.memref_slice %arg8[%rem3A_32, %dma_start3A_46, %dma_start3A_47] : memref<3x64x512xf32, #tpu.memory_space<vmem>> -> memref<1x64x512xf32, #tpu.memory_space<vmem>>
    %dma_start3A_49 = tpu.memref_squeeze %dma_start3A_48 : memref<1x64x512xf32, #tpu.memory_space<vmem>> -> memref<64x512xf32, #tpu.memory_space<vmem>>
    %dma_start3A_50 = arith.constant 0 : i32
    %dma_start3A_51 = tpu.memref_slice %arg2[%dma_start3A_50, %multiple_of3A_37] : memref<64x1000000xf32, #tpu.memory_space<hbm>> -> memref<64x512xf32, #tpu.memory_space<hbm>>
    tpu.enqueue_dma source(%dma_start3A_51 : memref<64x512xf32, #tpu.memory_space<hbm>>) target(%dma_start3A_49 : memref<64x512xf32, #tpu.memory_space<vmem>>) target_semaphore(%dma_start3A_45 : memref<!tpu.dma_semaphore, #tpu.memory_space<semaphore_mem>>)
    %sub3A = arith.constant 1 : i32
    %sub3A_52 = arith.subi %shift_right_logical3A_6, %sub3A : i32
    %scan3A = arith.constant 0 : i32
    %scan3A_53 = arith.constant 4 : i32
    %scan3A_54 = arith.addi %scan3A, %scan3A_53 : i32
    %scan3A_55 = arith.constant 1 : i32
    %scan3A_56 = scf.for %scan3A_99 = %scan3A to %scan3A_54 step %scan3A_55 iter_args(%scan3A_100 = %sub3A_52) -> (i32)  : i32 {
      %scan3A_101 = arith.constant 0 : i32
      %scan3A_102 = arith.constant 8 : i32
      %scan3A_103 = arith.addi %scan3A_101, %scan3A_102 : i32
      %scan3A_104 = arith.constant 1 : i32
      %scan3A_105 = scf.for %scan3A_121 = %scan3A_101 to %scan3A_103 step %scan3A_104 iter_args(%scan3A_122 = %scan3A_100) -> (i32)  : i32 {
        %mul3A_123 = arith.constant 8 : i32
        %mul3A_124 = arith.muli %scan3A_99, %mul3A_123 : i32
        %add3A_125 = arith.addi %mul3A_124, %scan3A_121 : i32
        %mul3A_126 = arith.constant 16 : i32
        %mul3A_127 = arith.muli %add3A_125, %mul3A_126 : i32
        %get3A_128 = arith.index_cast %mul3A_127 : i32 to index
        %get3A_129 = tpu.vector_load %arg6[%get3A_128] {strides = array<i32>} : memref<512xi32, #tpu.memory_space<vmem>>, vector<16xi32>,
        %mul3A_130 = arith.constant 16 : i32
        %mul3A_131 = arith.muli %add3A_125, %mul3A_130 : i32
        %get3A_132 = arith.index_cast %mul3A_131 : i32 to index
        %get3A_133 = tpu.vector_load %arg7[%get3A_132] {strides = array<i32>} : memref<512xi32, #tpu.memory_space<vmem>>, vector<16xi32>,
        %mul3A_134 = arith.constant 16 : i32
        %mul3A_135 = arith.muli %scan3A_121, %mul3A_134 : i32
        %swap3A = arith.constant 0 : i32
        %swap3A_136 = arith.index_cast %swap3A : i32 to index
        %swap3A_137 = arith.index_cast %mul3A_135 : i32 to index
        %swap3A_138 = tpu.vector_load %arg10[%swap3A_136, %swap3A_137] {strides = array<i32>} : memref<1x128xi32, #tpu.memory_space<vmem>>, vector<16xi32>,
        tpu.vector_store %arg10[%swap3A_136, %swap3A_137], %get3A_133 {strides = array<i32>} : memref<1x128xi32, #tpu.memory_space<vmem>>, vector<16xi32>,
        %slice3A_139 = vector.extract_strided_slice %get3A_129 {offsets = [0], sizes = [1], strides = [1]} : vector<16xi32> to vector<1xi32>
        %squeeze3A_140 = vector.extract %slice3A_139[0] : i32 from vector<1xi32>
        %shift_right_logical3A_141 = arith.constant 9 : i32
        %shift_right_logical3A_142 = arith.shrui %squeeze3A_140, %shift_right_logical3A_141 : i32
        %add3A_143 = arith.constant 1 : i32
        %add3A_144 = arith.addi %scan3A_122, %add3A_143 : i32
        %add3A_145 = arith.constant 1 : i32
        %add3A_146 = arith.addi %shift_right_logical3A_142, %add3A_145 : i32
        %while3A = arith.constant 0 : i32
        %while3A_147 = arith.subi %add3A_146, %add3A_144 : i32
        %while3A_148 = arith.addi %add3A_144, %while3A_147 : i32
        %while3A_149 = arith.constant 1 : i32
        %while3A_150 = arith.divsi %while3A_147, %while3A_149 : i32
        %while3A_151 = arith.muli %while3A_150, %while3A_149 : i32
        %while3A_152 = arith.addi %add3A_144, %while3A_151 : i32
        %while3A_153 = arith.constant 1 : i32
        scf.for %while3A_1574 = %add3A_144 to %while3A_152 step %while3A_153  : i32 {
          %add3A_1575 = arith.constant 2 : i32
          %add3A_1576 = arith.addi %while3A_1574, %add3A_1575 : i32
          %min3A_1577 = arith.minsi %add3A_1576, %shift_right_logical3A_10 : i32
          %rem3A_1578 = arith.constant 3 : i32
          %rem3A_1579 = arith.remsi %min3A_1577, %rem3A_1578 : i32
          %mul3A_1580 = arith.constant 512 : i32
          %mul3A_1581 = arith.muli %min3A_1577, %mul3A_1580 : i32
          %min3A_1582 = arith.constant 999552 : i32
          %min3A_1583 = arith.minsi %mul3A_1581, %min3A_1582 : i32
          %multiple_of3A_1584 = tpu.assume_multiple %min3A_1583, 128 : i32
          %dma_start3A_1585 = arith.constant 0 : i32
          %dma_start3A_1586 = arith.constant 0 : i32
          %dma_start3A_1587 = tpu.memref_slice %arg8[%rem3A_1579, %dma_start3A_1585, %dma_start3A_1586] : memref<3x64x512xf32, #tpu.memory_space<vmem>> -> memref<1x64x512xf32, #tpu.memory_space<vmem>>
          %dma_start3A_1588 = tpu.memref_squeeze %dma_start3A_1587 : memref<1x64x512xf32, #tpu.memory_space<vmem>> -> memref<64x512xf32, #tpu.memory_space<vmem>>
          %dma_start3A_1589 = arith.constant 0 : i32
          %dma_start3A_1590 = tpu.memref_slice %arg2[%dma_start3A_1589, %multiple_of3A_1584] : memref<64x1000000xf32, #tpu.memory_space<hbm>> -> memref<64x512xf32, #tpu.memory_space<hbm>>
          %dma_start3A_1591 = tpu.memref_slice %arg11[%rem3A_1579] : memref<3x!tpu.dma_semaphore, #tpu.memory_space<semaphore_mem>> -> memref<1x!tpu.dma_semaphore, #tpu.memory_space<semaphore_mem>>
          %dma_start3A_1592 = tpu.memref_squeeze %dma_start3A_1591 : memref<1x!tpu.dma_semaphore, #tpu.memory_space<semaphore_mem>> -> memref<!tpu.dma_semaphore, #tpu.memory_space<semaphore_mem>>
          %dma_start3A_1593 = arith.constant 0 : i32
          %dma_start3A_1594 = arith.constant 0 : i32
          %dma_start3A_1595 = tpu.memref_slice %arg8[%rem3A_1579, %dma_start3A_1593, %dma_start3A_1594] : memref<3x64x512xf32, #tpu.memory_space<vmem>> -> memref<1x64x512xf32, #tpu.memory_space<vmem>>
          %dma_start3A_1596 = tpu.memref_squeeze %dma_start3A_1595 : memref<1x64x512xf32, #tpu.memory_space<vmem>> -> memref<64x512xf32, #tpu.memory_space<vmem>>
          %dma_start3A_1597 = arith.constant 0 : i32
          %dma_start3A_1598 = tpu.memref_slice %arg2[%dma_start3A_1597, %multiple_of3A_1584] : memref<64x1000000xf32, #tpu.memory_space<hbm>> -> memref<64x512xf32, #tpu.memory_space<hbm>>
          tpu.enqueue_dma source(%dma_start3A_1598 : memref<64x512xf32, #tpu.memory_space<hbm>>) target(%dma_start3A_1596 : memref<64x512xf32, #tpu.memory_space<vmem>>) target_semaphore(%dma_start3A_1592 : memref<!tpu.dma_semaphore, #tpu.memory_space<semaphore_mem>>)
          %rem3A_1599 = arith.constant 3 : i32
          %rem3A_1600 = arith.remsi %while3A_1574, %rem3A_1599 : i32
          %mul3A_1601 = arith.constant 512 : i32
          %mul3A_1602 = arith.muli %while3A_1574, %mul3A_1601 : i32
          %min3A_1603 = arith.constant 999552 : i32
          %min3A_1604 = arith.minsi %mul3A_1602, %min3A_1603 : i32
          %multiple_of3A_1605 = tpu.assume_multiple %min3A_1604, 128 : i32
          %dma_wait3A_1606 = arith.constant 0 : i32
          %dma_wait3A_1607 = arith.constant 0 : i32
          %dma_wait3A_1608 = tpu.memref_slice %arg8[%rem3A_1600, %dma_wait3A_1606, %dma_wait3A_1607] : memref<3x64x512xf32, #tpu.memory_space<vmem>> -> memref<1x64x512xf32, #tpu.memory_space<vmem>>
          %dma_wait3A_1609 = tpu.memref_squeeze %dma_wait3A_1608 : memref<1x64x512xf32, #tpu.memory_space<vmem>> -> memref<64x512xf32, #tpu.memory_space<vmem>>
          %dma_wait3A_1610 = arith.constant 0 : i32
          %dma_wait3A_1611 = tpu.memref_slice %arg2[%dma_wait3A_1610, %multiple_of3A_1605] : memref<64x1000000xf32, #tpu.memory_space<hbm>> -> memref<64x512xf32, #tpu.memory_space<hbm>>
          %dma_wait3A_1612 = tpu.memref_slice %arg11[%rem3A_1600] : memref<3x!tpu.dma_semaphore, #tpu.memory_space<semaphore_mem>> -> memref<1x!tpu.dma_semaphore, #tpu.memory_space<semaphore_mem>>
          %dma_wait3A_1613 = tpu.memref_squeeze %dma_wait3A_1612 : memref<1x!tpu.dma_semaphore, #tpu.memory_space<semaphore_mem>> -> memref<!tpu.dma_semaphore, #tpu.memory_space<semaphore_mem>>
          %dma_wait3A_1614 = arith.constant 0 : i32
          %dma_wait3A_1615 = arith.constant 0 : i32
          %dma_wait3A_1616 = tpu.memref_slice %arg8[%rem3A_1600, %dma_wait3A_1614, %dma_wait3A_1615] : memref<3x64x512xf32, #tpu.memory_space<vmem>> -> memref<1x64x512xf32, #tpu.memory_space<vmem>>
          %dma_wait3A_1617 = tpu.memref_squeeze %dma_wait3A_1616 : memref<1x64x512xf32, #tpu.memory_space<vmem>> -> memref<64x512xf32, #tpu.memory_space<vmem>>
          %dma_wait3A_1618 = arith.constant 0 : i32
          %dma_wait3A_1619 = tpu.memref_slice %arg2[%dma_wait3A_1618, %multiple_of3A_1605] : memref<64x1000000xf32, #tpu.memory_space<hbm>> -> memref<64x512xf32, #tpu.memory_space<hbm>>
          tpu.wait_dma2 semaphore(%dma_wait3A_1613 : memref<!tpu.dma_semaphore, #tpu.memory_space<semaphore_mem>>) src(%dma_wait3A_1619 : memref<64x512xf32, #tpu.memory_space<hbm>>) dst(%dma_wait3A_1617 : memref<64x512xf32, #tpu.memory_space<vmem>>)
        }
        %while3A_154 = arith.constant 1 : i32
        scf.for %while3A_1574 = %while3A_152 to %while3A_148 step %while3A_154  : i32 {
          %add3A_1575 = arith.constant 2 : i32
          %add3A_1576 = arith.addi %while3A_1574, %add3A_1575 : i32
          %min3A_1577 = arith.minsi %add3A_1576, %shift_right_logical3A_10 : i32
          %rem3A_1578 = arith.constant 3 : i32
          %rem3A_1579 = arith.remsi %min3A_1577, %rem3A_1578 : i32
          %mul3A_1580 = arith.constant 512 : i32
          %mul3A_1581 = arith.muli %min3A_1577, %mul3A_1580 : i32
          %min3A_1582 = arith.constant 999552 : i32
          %min3A_1583 = arith.minsi %mul3A_1581, %min3A_1582 : i32
          %multiple_of3A_1584 = tpu.assume_multiple %min3A_1583, 128 : i32
          %dma_start3A_1585 = arith.constant 0 : i32
          %dma_start3A_1586 = arith.constant 0 : i32
          %dma_start3A_1587 = tpu.memref_slice %arg8[%rem3A_1579, %dma_start3A_1585, %dma_start3A_1586] : memref<3x64x512xf32, #tpu.memory_space<vmem>> -> memref<1x64x512xf32, #tpu.memory_space<vmem>>
          %dma_start3A_1588 = tpu.memref_squeeze %dma_start3A_1587 : memref<1x64x512xf32, #tpu.memory_space<vmem>> -> memref<64x512xf32, #tpu.memory_space<vmem>>
          %dma_start3A_1589 = arith.constant 0 : i32
          %dma_start3A_1590 = tpu.memref_slice %arg2[%dma_start3A_1589, %multiple_of3A_1584] : memref<64x1000000xf32, #tpu.memory_space<hbm>> -> memref<64x512xf32, #tpu.memory_space<hbm>>
          %dma_start3A_1591 = tpu.memref_slice %arg11[%rem3A_1579] : memref<3x!tpu.dma_semaphore, #tpu.memory_space<semaphore_mem>> -> memref<1x!tpu.dma_semaphore, #tpu.memory_space<semaphore_mem>>
          %dma_start3A_1592 = tpu.memref_squeeze %dma_start3A_1591 : memref<1x!tpu.dma_semaphore, #tpu.memory_space<semaphore_mem>> -> memref<!tpu.dma_semaphore, #tpu.memory_space<semaphore_mem>>
          %dma_start3A_1593 = arith.constant 0 : i32
          %dma_start3A_1594 = arith.constant 0 : i32
          %dma_start3A_1595 = tpu.memref_slice %arg8[%rem3A_1579, %dma_start3A_1593, %dma_start3A_1594] : memref<3x64x512xf32, #tpu.memory_space<vmem>> -> memref<1x64x512xf32, #tpu.memory_space<vmem>>
          %dma_start3A_1596 = tpu.memref_squeeze %dma_start3A_1595 : memref<1x64x512xf32, #tpu.memory_space<vmem>> -> memref<64x512xf32, #tpu.memory_space<vmem>>
          %dma_start3A_1597 = arith.constant 0 : i32
          %dma_start3A_1598 = tpu.memref_slice %arg2[%dma_start3A_1597, %multiple_of3A_1584] : memref<64x1000000xf32, #tpu.memory_space<hbm>> -> memref<64x512xf32, #tpu.memory_space<hbm>>
          tpu.enqueue_dma source(%dma_start3A_1598 : memref<64x512xf32, #tpu.memory_space<hbm>>) target(%dma_start3A_1596 : memref<64x512xf32, #tpu.memory_space<vmem>>) target_semaphore(%dma_start3A_1592 : memref<!tpu.dma_semaphore, #tpu.memory_space<semaphore_mem>>)
          %rem3A_1599 = arith.constant 3 : i32
          %rem3A_1600 = arith.remsi %while3A_1574, %rem3A_1599 : i32
          %mul3A_1601 = arith.constant 512 : i32
          %mul3A_1602 = arith.muli %while3A_1574, %mul3A_1601 : i32
          %min3A_1603 = arith.constant 999552 : i32
          %min3A_1604 = arith.minsi %mul3A_1602, %min3A_1603 : i32
          %multiple_of3A_1605 = tpu.assume_multiple %min3A_1604, 128 : i32
          %dma_wait3A_1606 = arith.constant 0 : i32
          %dma_wait3A_1607 = arith.constant 0 : i32
          %dma_wait3A_1608 = tpu.memref_slice %arg8[%rem3A_1600, %dma_wait3A_1606, %dma_wait3A_1607] : memref<3x64x512xf32, #tpu.memory_space<vmem>> -> memref<1x64x512xf32, #tpu.memory_space<vmem>>
          %dma_wait3A_1609 = tpu.memref_squeeze %dma_wait3A_1608 : memref<1x64x512xf32, #tpu.memory_space<vmem>> -> memref<64x512xf32, #tpu.memory_space<vmem>>
          %dma_wait3A_1610 = arith.constant 0 : i32
          %dma_wait3A_1611 = tpu.memref_slice %arg2[%dma_wait3A_1610, %multiple_of3A_1605] : memref<64x1000000xf32, #tpu.memory_space<hbm>> -> memref<64x512xf32, #tpu.memory_space<hbm>>
          %dma_wait3A_1612 = tpu.memref_slice %arg11[%rem3A_1600] : memref<3x!tpu.dma_semaphore, #tpu.memory_space<semaphore_mem>> -> memref<1x!tpu.dma_semaphore, #tpu.memory_space<semaphore_mem>>
          %dma_wait3A_1613 = tpu.memref_squeeze %dma_wait3A_1612 : memref<1x!tpu.dma_semaphore, #tpu.memory_space<semaphore_mem>> -> memref<!tpu.dma_semaphore, #tpu.memory_space<semaphore_mem>>
          %dma_wait3A_1614 = arith.constant 0 : i32
          %dma_wait3A_1615 = arith.constant 0 : i32
          %dma_wait3A_1616 = tpu.memref_slice %arg8[%rem3A_1600, %dma_wait3A_1614, %dma_wait3A_1615] : memref<3x64x512xf32, #tpu.memory_space<vmem>> -> memref<1x64x512xf32, #tpu.memory_space<vmem>>
          %dma_wait3A_1617 = tpu.memref_squeeze %dma_wait3A_1616 : memref<1x64x512xf32, #tpu.memory_space<vmem>> -> memref<64x512xf32, #tpu.memory_space<vmem>>
          %dma_wait3A_1618 = arith.constant 0 : i32
          %dma_wait3A_1619 = tpu.memref_slice %arg2[%dma_wait3A_1618, %multiple_of3A_1605] : memref<64x1000000xf32, #tpu.memory_space<hbm>> -> memref<64x512xf32, #tpu.memory_space<hbm>>
          tpu.wait_dma2 semaphore(%dma_wait3A_1613 : memref<!tpu.dma_semaphore, #tpu.memory_space<semaphore_mem>>) src(%dma_wait3A_1619 : memref<64x512xf32, #tpu.memory_space<hbm>>) dst(%dma_wait3A_1617 : memref<64x512xf32, #tpu.memory_space<vmem>>)
        }
        %max3A = arith.maxsi %scan3A_122, %shift_right_logical3A_142 : i32
        %rem3A_155 = arith.constant 3 : i32
        %rem3A_156 = arith.remsi %shift_right_logical3A_142, %rem3A_155 : i32
        %mul3A_157 = arith.constant 512 : i32
        %mul3A_158 = arith.muli %shift_right_logical3A_142, %mul3A_157 : i32
        %min3A_159 = arith.constant 999552 : i32
        %min3A_160 = arith.minsi %mul3A_158, %min3A_159 : i32
        %sub3A_161 = arith.subi %squeeze3A_140, %min3A_160 : i32
        %broadcast_in_dim3A = vector.broadcast %sub3A_161 : i32 to vector<16xi32>
        %iota3A = tpu.iota {dimensions = array<i32: 0>} : vector<16xi32>
        %add3A_162 = arith.constant 0 : i32
        %add3A_163 = vector.broadcast %add3A_162 : i32 to vector<16xi32>
        %add3A_164 = arith.addi %iota3A, %add3A_163 : vector<16xi32>
        %gather3A = arith.constant 0 : i32
        %gather3A_165 = arith.constant 0 : i32
        %gather3A_166 = tpu.memref_slice %arg8[%rem3A_156, %gather3A, %gather3A_165] : memref<3x64x512xf32, #tpu.memory_space<vmem>> -> memref<1x64x512xf32, #tpu.memory_space<vmem>>
        %gather3A_167 = tpu.memref_squeeze %gather3A_166 : memref<1x64x512xf32, #tpu.memory_space<vmem>> -> memref<64x512xf32, #tpu.memory_space<vmem>>
        %gather3A_168 = tpu.vector_load_idx %gather3A_167[%add3A_164, %broadcast_in_dim3A] : memref<64x512xf32, #tpu.memory_space<vmem>>[vector<16xi32>, vector<16xi32>], vector<16xf32>,
        %mul3A_169 = arith.constant 16 : i32
        %mul3A_170 = arith.muli %scan3A_121, %mul3A_169 : i32
        %add3A_171 = arith.constant 0 : i32
        %add3A_172 = arith.addi %mul3A_170, %add3A_171 : i32
        %swap3A_173 = arith.index_cast %add3A_172 : i32 to index
        %swap3A_174 = arith.constant 0 : index
        %swap3A_175 = tpu.vector_load %arg9[%swap3A_173, %swap3A_174] {strides = array<i32>} : memref<128x128xf32, #tpu.memory_space<vmem>>, vector<16xf32>,
        tpu.vector_store %arg9[%swap3A_173, %swap3A_174], %gather3A_168 {strides = array<i32>} : memref<128x128xf32, #tpu.memory_space<vmem>>, vector<16xf32>,
        %iota3A_176 = tpu.iota {dimensions = array<i32: 0>} : vector<16xi32>
        %add3A_177 = arith.constant 16 : i32
        %add3A_178 = vector.broadcast %add3A_177 : i32 to vector<16xi32>
        %add3A_179 = arith.addi %iota3A_176, %add3A_178 : vector<16xi32>
        %gather3A_180 = arith.constant 0 : i32
        %gather3A_181 = arith.constant 0 : i32
        %gather3A_182 = tpu.memref_slice %arg8[%rem3A_156, %gather3A_180, %gather3A_181] : memref<3x64x512xf32, #tpu.memory_space<vmem>> -> memref<1x64x512xf32, #tpu.memory_space<vmem>>
        %gather3A_183 = tpu.memref_squeeze %gather3A_182 : memref<1x64x512xf32, #tpu.memory_space<vmem>> -> memref<64x512xf32, #tpu.memory_space<vmem>>
        %gather3A_184 = tpu.vector_load_idx %gather3A_183[%add3A_179, %broadcast_in_dim3A] : memref<64x512xf32, #tpu.memory_space<vmem>>[vector<16xi32>, vector<16xi32>], vector<16xf32>,
        %mul3A_185 = arith.constant 16 : i32
        %mul3A_186 = arith.muli %scan3A_121, %mul3A_185 : i32
        %add3A_187 = arith.constant 0 : i32
        %add3A_188 = arith.addi %mul3A_186, %add3A_187 : i32
        %swap3A_189 = arith.index_cast %add3A_188 : i32 to index
        %swap3A_190 = arith.constant 16 : index
        %swap3A_191 = tpu.vector_load %arg9[%swap3A_189, %swap3A_190] {strides = array<i32>} : memref<128x128xf32, #tpu.memory_space<vmem>>, vector<16xf32>,
        tpu.vector_store %arg9[%swap3A_189, %swap3A_190], %gather3A_184 {strides = array<i32>} : memref<128x128xf32, #tpu.memory_space<vmem>>, vector<16xf32>,
        %iota3A_192 = tpu.iota {dimensions = array<i32: 0>} : vector<16xi32>
        %add3A_193 = arith.constant 32 : i32
        %add3A_194 = vector.broadcast %add3A_193 : i32 to vector<16xi32>
        %add3A_195 = arith.addi %iota3A_192, %add3A_194 : vector<16xi32>
        %gather3A_196 = arith.constant 0 : i32
        %gather3A_197 = arith.constant 0 : i32
        %gather3A_198 = tpu.memref_slice %arg8[%rem3A_156, %gather3A_196, %gather3A_197] : memref<3x64x512xf32, #tpu.memory_space<vmem>> -> memref<1x64x512xf32, #tpu.memory_space<vmem>>
        %gather3A_199 = tpu.memref_squeeze %gather3A_198 : memref<1x64x512xf32, #tpu.memory_space<vmem>> -> memref<64x512xf32, #tpu.memory_space<vmem>>
        %gather3A_200 = tpu.vector_load_idx %gather3A_199[%add3A_195, %broadcast_in_dim3A] : memref<64x512xf32, #tpu.memory_space<vmem>>[vector<16xi32>, vector<16xi32>], vector<16xf32>,
        %mul3A_201 = arith.constant 16 : i32
        %mul3A_202 = arith.muli %scan3A_121, %mul3A_201 : i32
        %add3A_203 = arith.constant 0 : i32
        %add3A_204 = arith.addi %mul3A_202, %add3A_203 : i32
        %swap3A_205 = arith.index_cast %add3A_204 : i32 to index
        %swap3A_206 = arith.constant 32 : index
        %swap3A_207 = tpu.vector_load %arg9[%swap3A_205, %swap3A_206] {strides = array<i32>} : memref<128x128xf32, #tpu.memory_space<vmem>>, vector<16xf32>,
        tpu.vector_store %arg9[%swap3A_205, %swap3A_206], %gather3A_200 {strides = array<i32>} : memref<128x128xf32, #tpu.memory_space<vmem>>, vector<16xf32>,
        %iota3A_208 = tpu.iota {dimensions = array<i32: 0>} : vector<16xi32>
        %add3A_209 = arith.constant 48 : i32
        %add3A_210 = vector.broadcast %add3A_209 : i32 to vector<16xi32>
        %add3A_211 = arith.addi %iota3A_208, %add3A_210 : vector<16xi32>
        %gather3A_212 = arith.constant 0 : i32
        %gather3A_213 = arith.constant 0 : i32
        %gather3A_214 = tpu.memref_slice %arg8[%rem3A_156, %gather3A_212, %gather3A_213] : memref<3x64x512xf32, #tpu.memory_space<vmem>> -> memref<1x64x512xf32, #tpu.memory_space<vmem>>
        %gather3A_215 = tpu.memref_squeeze %gather3A_214 : memref<1x64x512xf32, #tpu.memory_space<vmem>> -> memref<64x512xf32, #tpu.memory_space<vmem>>
        %gather3A_216 = tpu.vector_load_idx %gather3A_215[%add3A_211, %broadcast_in_dim3A] : memref<64x512xf32, #tpu.memory_space<vmem>>[vector<16xi32>, vector<16xi32>], vector<16xf32>,
        %mul3A_217 = arith.constant 16 : i32
        %mul3A_218 = arith.muli %scan3A_121, %mul3A_217 : i32
        %add3A_219 = arith.constant 0 : i32
        %add3A_220 = arith.addi %mul3A_218, %add3A_219 : i32
        %swap3A_221 = arith.index_cast %add3A_220 : i32 to index
        %swap3A_222 = arith.constant 48 : index
        %swap3A_223 = tpu.vector_load %arg9[%swap3A_221, %swap3A_222] {strides = array<i32>} : memref<128x128xf32, #tpu.memory_space<vmem>>, vector<16xf32>,
        tpu.vector_store %arg9[%swap3A_221, %swap3A_222], %gather3A_216 {strides = array<i32>} : memref<128x128xf32, #tpu.memory_space<vmem>>, vector<16xf32>,
        %slice3A_224 = vector.extract_strided_slice %get3A_129 {offsets = [1], sizes = [1], strides = [1]} : vector<16xi32> to vector<1xi32>
        %squeeze3A_225 = vector.extract %slice3A_224[0] : i32 from vector<1xi32>
        %shift_right_logical3A_226 = arith.constant 9 : i32
        %shift_right_logical3A_227 = arith.shrui %squeeze3A_225, %shift_right_logical3A_226 : i32
        %add3A_228 = arith.constant 1 : i32
        %add3A_229 = arith.addi %max3A, %add3A_228 : i32
        %add3A_230 = arith.constant 1 : i32
        %add3A_231 = arith.addi %shift_right_logical3A_227, %add3A_230 : i32
        %while3A_232 = arith.constant 0 : i32
        %while3A_233 = arith.subi %add3A_231, %add3A_229 : i32
        %while3A_234 = arith.addi %add3A_229, %while3A_233 : i32
        %while3A_235 = arith.constant 1 : i32
        %while3A_236 = arith.divsi %while3A_233, %while3A_235 : i32
        %while3A_237 = arith.muli %while3A_236, %while3A_235 : i32
        %while3A_238 = arith.addi %add3A_229, %while3A_237 : i32
        %while3A_239 = arith.constant 1 : i32
        scf.for %while3A_1574 = %add3A_229 to %while3A_238 step %while3A_239  : i32 {
          %add3A_1575 = arith.constant 2 : i32
          %add3A_1576 = arith.addi %while3A_1574, %add3A_1575 : i32
          %min3A_1577 = arith.minsi %add3A_1576, %shift_right_logical3A_10 : i32
          %rem3A_1578 = arith.constant 3 : i32
          %rem3A_1579 = arith.remsi %min3A_1577, %rem3A_1578 : i32
          %mul3A_1580 = arith.constant 512 : i32
          %mul3A_1581 = arith.muli %min3A_1577, %mul3A_1580 : i32
          %min3A_1582 = arith.constant 999552 : i32
          %min3A_1583 = arith.minsi %mul3A_1581, %min3A_1582 : i32
          %multiple_of3A_1584 = tpu.assume_multiple %min3A_1583, 128 : i32
          %dma_start3A_1585 = arith.constant 0 : i32
          %dma_start3A_1586 = arith.constant 0 : i32
          %dma_start3A_1587 = tpu.memref_slice %arg8[%rem3A_1579, %dma_start3A_1585, %dma_start3A_1586] : memref<3x64x512xf32, #tpu.memory_space<vmem>> -> memref<1x64x512xf32, #tpu.memory_space<vmem>>
          %dma_start3A_1588 = tpu.memref_squeeze %dma_start3A_1587 : memref<1x64x512xf32, #tpu.memory_space<vmem>> -> memref<64x512xf32, #tpu.memory_space<vmem>>
          %dma_start3A_1589 = arith.constant 0 : i32
          %dma_start3A_1590 = tpu.memref_slice %arg2[%dma_start3A_1589, %multiple_of3A_1584] : memref<64x1000000xf32, #tpu.memory_space<hbm>> -> memref<64x512xf32, #tpu.memory_space<hbm>>
          %dma_start3A_1591 = tpu.memref_slice %arg11[%rem3A_1579] : memref<3x!tpu.dma_semaphore, #tpu.memory_space<semaphore_mem>> -> memref<1x!tpu.dma_semaphore, #tpu.memory_space<semaphore_mem>>
          %dma_start3A_1592 = tpu.memref_squeeze %dma_start3A_1591 : memref<1x!tpu.dma_semaphore, #tpu.memory_space<semaphore_mem>> -> memref<!tpu.dma_semaphore, #tpu.memory_space<semaphore_mem>>
          %dma_start3A_1593 = arith.constant 0 : i32
          %dma_start3A_1594 = arith.constant 0 : i32
          %dma_start3A_1595 = tpu.memref_slice %arg8[%rem3A_1579, %dma_start3A_1593, %dma_start3A_1594] : memref<3x64x512xf32, #tpu.memory_space<vmem>> -> memref<1x64x512xf32, #tpu.memory_space<vmem>>
          %dma_start3A_1596 = tpu.memref_squeeze %dma_start3A_1595 : memref<1x64x512xf32, #tpu.memory_space<vmem>> -> memref<64x512xf32, #tpu.memory_space<vmem>>
          %dma_start3A_1597 = arith.constant 0 : i32
          %dma_start3A_1598 = tpu.memref_slice %arg2[%dma_start3A_1597, %multiple_of3A_1584] : memref<64x1000000xf32, #tpu.memory_space<hbm>> -> memref<64x512xf32, #tpu.memory_space<hbm>>
          tpu.enqueue_dma source(%dma_start3A_1598 : memref<64x512xf32, #tpu.memory_space<hbm>>) target(%dma_start3A_1596 : memref<64x512xf32, #tpu.memory_space<vmem>>) target_semaphore(%dma_start3A_1592 : memref<!tpu.dma_semaphore, #tpu.memory_space<semaphore_mem>>)
          %rem3A_1599 = arith.constant 3 : i32
          %rem3A_1600 = arith.remsi %while3A_1574, %rem3A_1599 : i32
          %mul3A_1601 = arith.constant 512 : i32
          %mul3A_1602 = arith.muli %while3A_1574, %mul3A_1601 : i32
          %min3A_1603 = arith.constant 999552 : i32
          %min3A_1604 = arith.minsi %mul3A_1602, %min3A_1603 : i32
          %multiple_of3A_1605 = tpu.assume_multiple %min3A_1604, 128 : i32
          %dma_wait3A_1606 = arith.constant 0 : i32
          %dma_wait3A_1607 = arith.constant 0 : i32
          %dma_wait3A_1608 = tpu.memref_slice %arg8[%rem3A_1600, %dma_wait3A_1606, %dma_wait3A_1607] : memref<3x64x512xf32, #tpu.memory_space<vmem>> -> memref<1x64x512xf32, #tpu.memory_space<vmem>>
          %dma_wait3A_1609 = tpu.memref_squeeze %dma_wait3A_1608 : memref<1x64x512xf32, #tpu.memory_space<vmem>> -> memref<64x512xf32, #tpu.memory_space<vmem>>
          %dma_wait3A_1610 = arith.constant 0 : i32
          %dma_wait3A_1611 = tpu.memref_slice %arg2[%dma_wait3A_1610, %multiple_of3A_1605] : memref<64x1000000xf32, #tpu.memory_space<hbm>> -> memref<64x512xf32, #tpu.memory_space<hbm>>
          %dma_wait3A_1612 = tpu.memref_slice %arg11[%rem3A_1600] : memref<3x!tpu.dma_semaphore, #tpu.memory_space<semaphore_mem>> -> memref<1x!tpu.dma_semaphore, #tpu.memory_space<semaphore_mem>>
          %dma_wait3A_1613 = tpu.memref_squeeze %dma_wait3A_1612 : memref<1x!tpu.dma_semaphore, #tpu.memory_space<semaphore_mem>> -> memref<!tpu.dma_semaphore, #tpu.memory_space<semaphore_mem>>
          %dma_wait3A_1614 = arith.constant 0 : i32
          %dma_wait3A_1615 = arith.constant 0 : i32
          %dma_wait3A_1616 = tpu.memref_slice %arg8[%rem3A_1600, %dma_wait3A_1614, %dma_wait3A_1615] : memref<3x64x512xf32, #tpu.memory_space<vmem>> -> memref<1x64x512xf32, #tpu.memory_space<vmem>>
          %dma_wait3A_1617 = tpu.memref_squeeze %dma_wait3A_1616 : memref<1x64x512xf32, #tpu.memory_space<vmem>> -> memref<64x512xf32, #tpu.memory_space<vmem>>
          %dma_wait3A_1618 = arith.constant 0 : i32
          %dma_wait3A_1619 = tpu.memref_slice %arg2[%dma_wait3A_1618, %multiple_of3A_1605] : memref<64x1000000xf32, #tpu.memory_space<hbm>> -> memref<64x512xf32, #tpu.memory_space<hbm>>
          tpu.wait_dma2 semaphore(%dma_wait3A_1613 : memref<!tpu.dma_semaphore, #tpu.memory_space<semaphore_mem>>) src(%dma_wait3A_1619 : memref<64x512xf32, #tpu.memory_space<hbm>>) dst(%dma_wait3A_1617 : memref<64x512xf32, #tpu.memory_space<vmem>>)
        }
        %while3A_240 = arith.constant 1 : i32
        scf.for %while3A_1574 = %while3A_238 to %while3A_234 step %while3A_240  : i32 {
          %add3A_1575 = arith.constant 2 : i32
          %add3A_1576 = arith.addi %while3A_1574, %add3A_1575 : i32
          %min3A_1577 = arith.minsi %add3A_1576, %shift_right_logical3A_10 : i32
          %rem3A_1578 = arith.constant 3 : i32
          %rem3A_1579 = arith.remsi %min3A_1577, %rem3A_1578 : i32
          %mul3A_1580 = arith.constant 512 : i32
          %mul3A_1581 = arith.muli %min3A_1577, %mul3A_1580 : i32
          %min3A_1582 = arith.constant 999552 : i32
          %min3A_1583 = arith.minsi %mul3A_1581, %min3A_1582 : i32
          %multiple_of3A_1584 = tpu.assume_multiple %min3A_1583, 128 : i32
          %dma_start3A_1585 = arith.constant 0 : i32
          %dma_start3A_1586 = arith.constant 0 : i32
          %dma_start3A_1587 = tpu.memref_slice %arg8[%rem3A_1579, %dma_start3A_1585, %dma_start3A_1586] : memref<3x64x512xf32, #tpu.memory_space<vmem>> -> memref<1x64x512xf32, #tpu.memory_space<vmem>>
          %dma_start3A_1588 = tpu.memref_squeeze %dma_start3A_1587 : memref<1x64x512xf32, #tpu.memory_space<vmem>> -> memref<64x512xf32, #tpu.memory_space<vmem>>
          %dma_start3A_1589 = arith.constant 0 : i32
          %dma_start3A_1590 = tpu.memref_slice %arg2[%dma_start3A_1589, %multiple_of3A_1584] : memref<64x1000000xf32, #tpu.memory_space<hbm>> -> memref<64x512xf32, #tpu.memory_space<hbm>>
          %dma_start3A_1591 = tpu.memref_slice %arg11[%rem3A_1579] : memref<3x!tpu.dma_semaphore, #tpu.memory_space<semaphore_mem>> -> memref<1x!tpu.dma_semaphore, #tpu.memory_space<semaphore_mem>>
          %dma_start3A_1592 = tpu.memref_squeeze %dma_start3A_1591 : memref<1x!tpu.dma_semaphore, #tpu.memory_space<semaphore_mem>> -> memref<!tpu.dma_semaphore, #tpu.memory_space<semaphore_mem>>
          %dma_start3A_1593 = arith.constant 0 : i32
          %dma_start3A_1594 = arith.constant 0 : i32
          %dma_start3A_1595 = tpu.memref_slice %arg8[%rem3A_1579, %dma_start3A_1593, %dma_start3A_1594] : memref<3x64x512xf32, #tpu.memory_space<vmem>> -> memref<1x64x512xf32, #tpu.memory_space<vmem>>
          %dma_start3A_1596 = tpu.memref_squeeze %dma_start3A_1595 : memref<1x64x512xf32, #tpu.memory_space<vmem>> -> memref<64x512xf32, #tpu.memory_space<vmem>>
          %dma_start3A_1597 = arith.constant 0 : i32
          %dma_start3A_1598 = tpu.memref_slice %arg2[%dma_start3A_1597, %multiple_of3A_1584] : memref<64x1000000xf32, #tpu.memory_space<hbm>> -> memref<64x512xf32, #tpu.memory_space<hbm>>
          tpu.enqueue_dma source(%dma_start3A_1598 : memref<64x512xf32, #tpu.memory_space<hbm>>) target(%dma_start3A_1596 : memref<64x512xf32, #tpu.memory_space<vmem>>) target_semaphore(%dma_start3A_1592 : memref<!tpu.dma_semaphore, #tpu.memory_space<semaphore_mem>>)
          %rem3A_1599 = arith.constant 3 : i32
          %rem3A_1600 = arith.remsi %while3A_1574, %rem3A_1599 : i32
          %mul3A_1601 = arith.constant 512 : i32
          %mul3A_1602 = arith.muli %while3A_1574, %mul3A_1601 : i32
          %min3A_1603 = arith.constant 999552 : i32
          %min3A_1604 = arith.minsi %mul3A_1602, %min3A_1603 : i32
          %multiple_of3A_1605 = tpu.assume_multiple %min3A_1604, 128 : i32
          %dma_wait3A_1606 = arith.constant 0 : i32
          %dma_wait3A_1607 = arith.constant 0 : i32
          %dma_wait3A_1608 = tpu.memref_slice %arg8[%rem3A_1600, %dma_wait3A_1606, %dma_wait3A_1607] : memref<3x64x512xf32, #tpu.memory_space<vmem>> -> memref<1x64x512xf32, #tpu.memory_space<vmem>>
          %dma_wait3A_1609 = tpu.memref_squeeze %dma_wait3A_1608 : memref<1x64x512xf32, #tpu.memory_space<vmem>> -> memref<64x512xf32, #tpu.memory_space<vmem>>
          %dma_wait3A_1610 = arith.constant 0 : i32
          %dma_wait3A_1611 = tpu.memref_slice %arg2[%dma_wait3A_1610, %multiple_of3A_1605] : memref<64x1000000xf32, #tpu.memory_space<hbm>> -> memref<64x512xf32, #tpu.memory_space<hbm>>
          %dma_wait3A_1612 = tpu.memref_slice %arg11[%rem3A_1600] : memref<3x!tpu.dma_semaphore, #tpu.memory_space<semaphore_mem>> -> memref<1x!tpu.dma_semaphore, #tpu.memory_space<semaphore_mem>>
          %dma_wait3A_1613 = tpu.memref_squeeze %dma_wait3A_1612 : memref<1x!tpu.dma_semaphore, #tpu.memory_space<semaphore_mem>> -> memref<!tpu.dma_semaphore, #tpu.memory_space<semaphore_mem>>
          %dma_wait3A_1614 = arith.constant 0 : i32
          %dma_wait3A_1615 = arith.constant 0 : i32
          %dma_wait3A_1616 = tpu.memref_slice %arg8[%rem3A_1600, %dma_wait3A_1614, %dma_wait3A_1615] : memref<3x64x512xf32, #tpu.memory_space<vmem>> -> memref<1x64x512xf32, #tpu.memory_space<vmem>>
          %dma_wait3A_1617 = tpu.memref_squeeze %dma_wait3A_1616 : memref<1x64x512xf32, #tpu.memory_space<vmem>> -> memref<64x512xf32, #tpu.memory_space<vmem>>
          %dma_wait3A_1618 = arith.constant 0 : i32
          %dma_wait3A_1619 = tpu.memref_slice %arg2[%dma_wait3A_1618, %multiple_of3A_1605] : memref<64x1000000xf32, #tpu.memory_space<hbm>> -> memref<64x512xf32, #tpu.memory_space<hbm>>
          tpu.wait_dma2 semaphore(%dma_wait3A_1613 : memref<!tpu.dma_semaphore, #tpu.memory_space<semaphore_mem>>) src(%dma_wait3A_1619 : memref<64x512xf32, #tpu.memory_space<hbm>>) dst(%dma_wait3A_1617 : memref<64x512xf32, #tpu.memory_space<vmem>>)
        }
        %max3A_241 = arith.maxsi %max3A, %shift_right_logical3A_227 : i32
        %rem3A_242 = arith.constant 3 : i32
        %rem3A_243 = arith.remsi %shift_right_logical3A_227, %rem3A_242 : i32
        %mul3A_244 = arith.constant 512 : i32
        %mul3A_245 = arith.muli %shift_right_logical3A_227, %mul3A_244 : i32
        %min3A_246 = arith.constant 999552 : i32
        %min3A_247 = arith.minsi %mul3A_245, %min3A_246 : i32
        %sub3A_248 = arith.subi %squeeze3A_225, %min3A_247 : i32
        %broadcast_in_dim3A_249 = vector.broadcast %sub3A_248 : i32 to vector<16xi32>
        %iota3A_250 = tpu.iota {dimensions = array<i32: 0>} : vector<16xi32>
        %add3A_251 = arith.constant 0 : i32
        %add3A_252 = vector.broadcast %add3A_251 : i32 to vector<16xi32>
        %add3A_253 = arith.addi %iota3A_250, %add3A_252 : vector<16xi32>
        %gather3A_254 = arith.constant 0 : i32
        %gather3A_255 = arith.constant 0 : i32
        %gather3A_256 = tpu.memref_slice %arg8[%rem3A_243, %gather3A_254, %gather3A_255] : memref<3x64x512xf32, #tpu.memory_space<vmem>> -> memref<1x64x512xf32, #tpu.memory_space<vmem>>
        %gather3A_257 = tpu.memref_squeeze %gather3A_256 : memref<1x64x512xf32, #tpu.memory_space<vmem>> -> memref<64x512xf32, #tpu.memory_space<vmem>>
        %gather3A_258 = tpu.vector_load_idx %gather3A_257[%add3A_253, %broadcast_in_dim3A_249] : memref<64x512xf32, #tpu.memory_space<vmem>>[vector<16xi32>, vector<16xi32>], vector<16xf32>,
        %mul3A_259 = arith.constant 16 : i32
        %mul3A_260 = arith.muli %scan3A_121, %mul3A_259 : i32
        %add3A_261 = arith.constant 1 : i32
        %add3A_262 = arith.addi %mul3A_260, %add3A_261 : i32
        %swap3A_263 = arith.index_cast %add3A_262 : i32 to index
        %swap3A_264 = arith.constant 0 : index
        %swap3A_265 = tpu.vector_load %arg9[%swap3A_263, %swap3A_264] {strides = array<i32>} : memref<128x128xf32, #tpu.memory_space<vmem>>, vector<16xf32>,
        tpu.vector_store %arg9[%swap3A_263, %swap3A_264], %gather3A_258 {strides = array<i32>} : memref<128x128xf32, #tpu.memory_space<vmem>>, vector<16xf32>,
        %iota3A_266 = tpu.iota {dimensions = array<i32: 0>} : vector<16xi32>
        %add3A_267 = arith.constant 16 : i32
        %add3A_268 = vector.broadcast %add3A_267 : i32 to vector<16xi32>
        %add3A_269 = arith.addi %iota3A_266, %add3A_268 : vector<16xi32>
        %gather3A_270 = arith.constant 0 : i32
        %gather3A_271 = arith.constant 0 : i32
        %gather3A_272 = tpu.memref_slice %arg8[%rem3A_243, %gather3A_270, %gather3A_271] : memref<3x64x512xf32, #tpu.memory_space<vmem>> -> memref<1x64x512xf32, #tpu.memory_space<vmem>>
        %gather3A_273 = tpu.memref_squeeze %gather3A_272 : memref<1x64x512xf32, #tpu.memory_space<vmem>> -> memref<64x512xf32, #tpu.memory_space<vmem>>
        %gather3A_274 = tpu.vector_load_idx %gather3A_273[%add3A_269, %broadcast_in_dim3A_249] : memref<64x512xf32, #tpu.memory_space<vmem>>[vector<16xi32>, vector<16xi32>], vector<16xf32>,
        %mul3A_275 = arith.constant 16 : i32
        %mul3A_276 = arith.muli %scan3A_121, %mul3A_275 : i32
        %add3A_277 = arith.constant 1 : i32
        %add3A_278 = arith.addi %mul3A_276, %add3A_277 : i32
        %swap3A_279 = arith.index_cast %add3A_278 : i32 to index
        %swap3A_280 = arith.constant 16 : index
        %swap3A_281 = tpu.vector_load %arg9[%swap3A_279, %swap3A_280] {strides = array<i32>} : memref<128x128xf32, #tpu.memory_space<vmem>>, vector<16xf32>,
        tpu.vector_store %arg9[%swap3A_279, %swap3A_280], %gather3A_274 {strides = array<i32>} : memref<128x128xf32, #tpu.memory_space<vmem>>, vector<16xf32>,
        %iota3A_282 = tpu.iota {dimensions = array<i32: 0>} : vector<16xi32>
        %add3A_283 = arith.constant 32 : i32
        %add3A_284 = vector.broadcast %add3A_283 : i32 to vector<16xi32>
        %add3A_285 = arith.addi %iota3A_282, %add3A_284 : vector<16xi32>
        %gather3A_286 = arith.constant 0 : i32
        %gather3A_287 = arith.constant 0 : i32
        %gather3A_288 = tpu.memref_slice %arg8[%rem3A_243, %gather3A_286, %gather3A_287] : memref<3x64x512xf32, #tpu.memory_space<vmem>> -> memref<1x64x512xf32, #tpu.memory_space<vmem>>
        %gather3A_289 = tpu.memref_squeeze %gather3A_288 : memref<1x64x512xf32, #tpu.memory_space<vmem>> -> memref<64x512xf32, #tpu.memory_space<vmem>>
        %gather3A_290 = tpu.vector_load_idx %gather3A_289[%add3A_285, %broadcast_in_dim3A_249] : memref<64x512xf32, #tpu.memory_space<vmem>>[vector<16xi32>, vector<16xi32>], vector<16xf32>,
        %mul3A_291 = arith.constant 16 : i32
        %mul3A_292 = arith.muli %scan3A_121, %mul3A_291 : i32
        %add3A_293 = arith.constant 1 : i32
        %add3A_294 = arith.addi %mul3A_292, %add3A_293 : i32
        %swap3A_295 = arith.index_cast %add3A_294 : i32 to index
        %swap3A_296 = arith.constant 32 : index
        %swap3A_297 = tpu.vector_load %arg9[%swap3A_295, %swap3A_296] {strides = array<i32>} : memref<128x128xf32, #tpu.memory_space<vmem>>, vector<16xf32>,
        tpu.vector_store %arg9[%swap3A_295, %swap3A_296], %gather3A_290 {strides = array<i32>} : memref<128x128xf32, #tpu.memory_space<vmem>>, vector<16xf32>,
        %iota3A_298 = tpu.iota {dimensions = array<i32: 0>} : vector<16xi32>
        %add3A_299 = arith.constant 48 : i32
        %add3A_300 = vector.broadcast %add3A_299 : i32 to vector<16xi32>
        %add3A_301 = arith.addi %iota3A_298, %add3A_300 : vector<16xi32>
        %gather3A_302 = arith.constant 0 : i32
        %gather3A_303 = arith.constant 0 : i32
        %gather3A_304 = tpu.memref_slice %arg8[%rem3A_243, %gather3A_302, %gather3A_303] : memref<3x64x512xf32, #tpu.memory_space<vmem>> -> memref<1x64x512xf32, #tpu.memory_space<vmem>>
        %gather3A_305 = tpu.memref_squeeze %gather3A_304 : memref<1x64x512xf32, #tpu.memory_space<vmem>> -> memref<64x512xf32, #tpu.memory_space<vmem>>
        %gather3A_306 = tpu.vector_load_idx %gather3A_305[%add3A_301, %broadcast_in_dim3A_249] : memref<64x512xf32, #tpu.memory_space<vmem>>[vector<16xi32>, vector<16xi32>], vector<16xf32>,
        %mul3A_307 = arith.constant 16 : i32
        %mul3A_308 = arith.muli %scan3A_121, %mul3A_307 : i32
        %add3A_309 = arith.constant 1 : i32
        %add3A_310 = arith.addi %mul3A_308, %add3A_309 : i32
        %swap3A_311 = arith.index_cast %add3A_310 : i32 to index
        %swap3A_312 = arith.constant 48 : index
        %swap3A_313 = tpu.vector_load %arg9[%swap3A_311, %swap3A_312] {strides = array<i32>} : memref<128x128xf32, #tpu.memory_space<vmem>>, vector<16xf32>,
        tpu.vector_store %arg9[%swap3A_311, %swap3A_312], %gather3A_306 {strides = array<i32>} : memref<128x128xf32, #tpu.memory_space<vmem>>, vector<16xf32>,
        %slice3A_314 = vector.extract_strided_slice %get3A_129 {offsets = [2], sizes = [1], strides = [1]} : vector<16xi32> to vector<1xi32>
        %squeeze3A_315 = vector.extract %slice3A_314[0] : i32 from vector<1xi32>
        %shift_right_logical3A_316 = arith.constant 9 : i32
        %shift_right_logical3A_317 = arith.shrui %squeeze3A_315, %shift_right_logical3A_316 : i32
        %add3A_318 = arith.constant 1 : i32
        %add3A_319 = arith.addi %max3A_241, %add3A_318 : i32
        %add3A_320 = arith.constant 1 : i32
        %add3A_321 = arith.addi %shift_right_logical3A_317, %add3A_320 : i32
        %while3A_322 = arith.constant 0 : i32
        %while3A_323 = arith.subi %add3A_321, %add3A_319 : i32
        %while3A_324 = arith.addi %add3A_319, %while3A_323 : i32
        %while3A_325 = arith.constant 1 : i32
        %while3A_326 = arith.divsi %while3A_323, %while3A_325 : i32
        %while3A_327 = arith.muli %while3A_326, %while3A_325 : i32
        %while3A_328 = arith.addi %add3A_319, %while3A_327 : i32
        %while3A_329 = arith.constant 1 : i32
        scf.for %while3A_1574 = %add3A_319 to %while3A_328 step %while3A_329  : i32 {
          %add3A_1575 = arith.constant 2 : i32
          %add3A_1576 = arith.addi %while3A_1574, %add3A_1575 : i32
          %min3A_1577 = arith.minsi %add3A_1576, %shift_right_logical3A_10 : i32
          %rem3A_1578 = arith.constant 3 : i32
          %rem3A_1579 = arith.remsi %min3A_1577, %rem3A_1578 : i32
          %mul3A_1580 = arith.constant 512 : i32
          %mul3A_1581 = arith.muli %min3A_1577, %mul3A_1580 : i32
          %min3A_1582 = arith.constant 999552 : i32
          %min3A_1583 = arith.minsi %mul3A_1581, %min3A_1582 : i32
          %multiple_of3A_1584 = tpu.assume_multiple %min3A_1583, 128 : i32
          %dma_start3A_1585 = arith.constant 0 : i32
          %dma_start3A_1586 = arith.constant 0 : i32
          %dma_start3A_1587 = tpu.memref_slice %arg8[%rem3A_1579, %dma_start3A_1585, %dma_start3A_1586] : memref<3x64x512xf32, #tpu.memory_space<vmem>> -> memref<1x64x512xf32, #tpu.memory_space<vmem>>
          %dma_start3A_1588 = tpu.memref_squeeze %dma_start3A_1587 : memref<1x64x512xf32, #tpu.memory_space<vmem>> -> memref<64x512xf32, #tpu.memory_space<vmem>>
          %dma_start3A_1589 = arith.constant 0 : i32
          %dma_start3A_1590 = tpu.memref_slice %arg2[%dma_start3A_1589, %multiple_of3A_1584] : memref<64x1000000xf32, #tpu.memory_space<hbm>> -> memref<64x512xf32, #tpu.memory_space<hbm>>
          %dma_start3A_1591 = tpu.memref_slice %arg11[%rem3A_1579] : memref<3x!tpu.dma_semaphore, #tpu.memory_space<semaphore_mem>> -> memref<1x!tpu.dma_semaphore, #tpu.memory_space<semaphore_mem>>
          %dma_start3A_1592 = tpu.memref_squeeze %dma_start3A_1591 : memref<1x!tpu.dma_semaphore, #tpu.memory_space<semaphore_mem>> -> memref<!tpu.dma_semaphore, #tpu.memory_space<semaphore_mem>>
          %dma_start3A_1593 = arith.constant 0 : i32
          %dma_start3A_1594 = arith.constant 0 : i32
          %dma_start3A_1595 = tpu.memref_slice %arg8[%rem3A_1579, %dma_start3A_1593, %dma_start3A_1594] : memref<3x64x512xf32, #tpu.memory_space<vmem>> -> memref<1x64x512xf32, #tpu.memory_space<vmem>>
          %dma_start3A_1596 = tpu.memref_squeeze %dma_start3A_1595 : memref<1x64x512xf32, #tpu.memory_space<vmem>> -> memref<64x512xf32, #tpu.memory_space<vmem>>
          %dma_start3A_1597 = arith.constant 0 : i32
          %dma_start3A_1598 = tpu.memref_slice %arg2[%dma_start3A_1597, %multiple_of3A_1584] : memref<64x1000000xf32, #tpu.memory_space<hbm>> -> memref<64x512xf32, #tpu.memory_space<hbm>>
          tpu.enqueue_dma source(%dma_start3A_1598 : memref<64x512xf32, #tpu.memory_space<hbm>>) target(%dma_start3A_1596 : memref<64x512xf32, #tpu.memory_space<vmem>>) target_semaphore(%dma_start3A_1592 : memref<!tpu.dma_semaphore, #tpu.memory_space<semaphore_mem>>)
          %rem3A_1599 = arith.constant 3 : i32
          %rem3A_1600 = arith.remsi %while3A_1574, %rem3A_1599 : i32
          %mul3A_1601 = arith.constant 512 : i32
          %mul3A_1602 = arith.muli %while3A_1574, %mul3A_1601 : i32
          %min3A_1603 = arith.constant 999552 : i32
          %min3A_1604 = arith.minsi %mul3A_1602, %min3A_1603 : i32
          %multiple_of3A_1605 = tpu.assume_multiple %min3A_1604, 128 : i32
          %dma_wait3A_1606 = arith.constant 0 : i32
          %dma_wait3A_1607 = arith.constant 0 : i32
          %dma_wait3A_1608 = tpu.memref_slice %arg8[%rem3A_1600, %dma_wait3A_1606, %dma_wait3A_1607] : memref<3x64x512xf32, #tpu.memory_space<vmem>> -> memref<1x64x512xf32, #tpu.memory_space<vmem>>
          %dma_wait3A_1609 = tpu.memref_squeeze %dma_wait3A_1608 : memref<1x64x512xf32, #tpu.memory_space<vmem>> -> memref<64x512xf32, #tpu.memory_space<vmem>>
          %dma_wait3A_1610 = arith.constant 0 : i32
          %dma_wait3A_1611 = tpu.memref_slice %arg2[%dma_wait3A_1610, %multiple_of3A_1605] : memref<64x1000000xf32, #tpu.memory_space<hbm>> -> memref<64x512xf32, #tpu.memory_space<hbm>>
          %dma_wait3A_1612 = tpu.memref_slice %arg11[%rem3A_1600] : memref<3x!tpu.dma_semaphore, #tpu.memory_space<semaphore_mem>> -> memref<1x!tpu.dma_semaphore, #tpu.memory_space<semaphore_mem>>
          %dma_wait3A_1613 = tpu.memref_squeeze %dma_wait3A_1612 : memref<1x!tpu.dma_semaphore, #tpu.memory_space<semaphore_mem>> -> memref<!tpu.dma_semaphore, #tpu.memory_space<semaphore_mem>>
          %dma_wait3A_1614 = arith.constant 0 : i32
          %dma_wait3A_1615 = arith.constant 0 : i32
          %dma_wait3A_1616 = tpu.memref_slice %arg8[%rem3A_1600, %dma_wait3A_1614, %dma_wait3A_1615] : memref<3x64x512xf32, #tpu.memory_space<vmem>> -> memref<1x64x512xf32, #tpu.memory_space<vmem>>
          %dma_wait3A_1617 = tpu.memref_squeeze %dma_wait3A_1616 : memref<1x64x512xf32, #tpu.memory_space<vmem>> -> memref<64x512xf32, #tpu.memory_space<vmem>>
          %dma_wait3A_1618 = arith.constant 0 : i32
          %dma_wait3A_1619 = tpu.memref_slice %arg2[%dma_wait3A_1618, %multiple_of3A_1605] : memref<64x1000000xf32, #tpu.memory_space<hbm>> -> memref<64x512xf32, #tpu.memory_space<hbm>>
          tpu.wait_dma2 semaphore(%dma_wait3A_1613 : memref<!tpu.dma_semaphore, #tpu.memory_space<semaphore_mem>>) src(%dma_wait3A_1619 : memref<64x512xf32, #tpu.memory_space<hbm>>) dst(%dma_wait3A_1617 : memref<64x512xf32, #tpu.memory_space<vmem>>)
        }
        %while3A_330 = arith.constant 1 : i32
        scf.for %while3A_1574 = %while3A_328 to %while3A_324 step %while3A_330  : i32 {
          %add3A_1575 = arith.constant 2 : i32
          %add3A_1576 = arith.addi %while3A_1574, %add3A_1575 : i32
          %min3A_1577 = arith.minsi %add3A_1576, %shift_right_logical3A_10 : i32
          %rem3A_1578 = arith.constant 3 : i32
          %rem3A_1579 = arith.remsi %min3A_1577, %rem3A_1578 : i32
          %mul3A_1580 = arith.constant 512 : i32
          %mul3A_1581 = arith.muli %min3A_1577, %mul3A_1580 : i32
          %min3A_1582 = arith.constant 999552 : i32
          %min3A_1583 = arith.minsi %mul3A_1581, %min3A_1582 : i32
          %multiple_of3A_1584 = tpu.assume_multiple %min3A_1583, 128 : i32
          %dma_start3A_1585 = arith.constant 0 : i32
          %dma_start3A_1586 = arith.constant 0 : i32
          %dma_start3A_1587 = tpu.memref_slice %arg8[%rem3A_1579, %dma_start3A_1585, %dma_start3A_1586] : memref<3x64x512xf32, #tpu.memory_space<vmem>> -> memref<1x64x512xf32, #tpu.memory_space<vmem>>
          %dma_start3A_1588 = tpu.memref_squeeze %dma_start3A_1587 : memref<1x64x512xf32, #tpu.memory_space<vmem>> -> memref<64x512xf32, #tpu.memory_space<vmem>>
          %dma_start3A_1589 = arith.constant 0 : i32
          %dma_start3A_1590 = tpu.memref_slice %arg2[%dma_start3A_1589, %multiple_of3A_1584] : memref<64x1000000xf32, #tpu.memory_space<hbm>> -> memref<64x512xf32, #tpu.memory_space<hbm>>
          %dma_start3A_1591 = tpu.memref_slice %arg11[%rem3A_1579] : memref<3x!tpu.dma_semaphore, #tpu.memory_space<semaphore_mem>> -> memref<1x!tpu.dma_semaphore, #tpu.memory_space<semaphore_mem>>
          %dma_start3A_1592 = tpu.memref_squeeze %dma_start3A_1591 : memref<1x!tpu.dma_semaphore, #tpu.memory_space<semaphore_mem>> -> memref<!tpu.dma_semaphore, #tpu.memory_space<semaphore_mem>>
          %dma_start3A_1593 = arith.constant 0 : i32
          %dma_start3A_1594 = arith.constant 0 : i32
          %dma_start3A_1595 = tpu.memref_slice %arg8[%rem3A_1579, %dma_start3A_1593, %dma_start3A_1594] : memref<3x64x512xf32, #tpu.memory_space<vmem>> -> memref<1x64x512xf32, #tpu.memory_space<vmem>>
          %dma_start3A_1596 = tpu.memref_squeeze %dma_start3A_1595 : memref<1x64x512xf32, #tpu.memory_space<vmem>> -> memref<64x512xf32, #tpu.memory_space<vmem>>
          %dma_start3A_1597 = arith.constant 0 : i32
          %dma_start3A_1598 = tpu.memref_slice %arg2[%dma_start3A_1597, %multiple_of3A_1584] : memref<64x1000000xf32, #tpu.memory_space<hbm>> -> memref<64x512xf32, #tpu.memory_space<hbm>>
          tpu.enqueue_dma source(%dma_start3A_1598 : memref<64x512xf32, #tpu.memory_space<hbm>>) target(%dma_start3A_1596 : memref<64x512xf32, #tpu.memory_space<vmem>>) target_semaphore(%dma_start3A_1592 : memref<!tpu.dma_semaphore, #tpu.memory_space<semaphore_mem>>)
          %rem3A_1599 = arith.constant 3 : i32
          %rem3A_1600 = arith.remsi %while3A_1574, %rem3A_1599 : i32
          %mul3A_1601 = arith.constant 512 : i32
          %mul3A_1602 = arith.muli %while3A_1574, %mul3A_1601 : i32
          %min3A_1603 = arith.constant 999552 : i32
          %min3A_1604 = arith.minsi %mul3A_1602, %min3A_1603 : i32
          %multiple_of3A_1605 = tpu.assume_multiple %min3A_1604, 128 : i32
          %dma_wait3A_1606 = arith.constant 0 : i32
          %dma_wait3A_1607 = arith.constant 0 : i32
          %dma_wait3A_1608 = tpu.memref_slice %arg8[%rem3A_1600, %dma_wait3A_1606, %dma_wait3A_1607] : memref<3x64x512xf32, #tpu.memory_space<vmem>> -> memref<1x64x512xf32, #tpu.memory_space<vmem>>
          %dma_wait3A_1609 = tpu.memref_squeeze %dma_wait3A_1608 : memref<1x64x512xf32, #tpu.memory_space<vmem>> -> memref<64x512xf32, #tpu.memory_space<vmem>>
          %dma_wait3A_1610 = arith.constant 0 : i32
          %dma_wait3A_1611 = tpu.memref_slice %arg2[%dma_wait3A_1610, %multiple_of3A_1605] : memref<64x1000000xf32, #tpu.memory_space<hbm>> -> memref<64x512xf32, #tpu.memory_space<hbm>>
          %dma_wait3A_1612 = tpu.memref_slice %arg11[%rem3A_1600] : memref<3x!tpu.dma_semaphore, #tpu.memory_space<semaphore_mem>> -> memref<1x!tpu.dma_semaphore, #tpu.memory_space<semaphore_mem>>
          %dma_wait3A_1613 = tpu.memref_squeeze %dma_wait3A_1612 : memref<1x!tpu.dma_semaphore, #tpu.memory_space<semaphore_mem>> -> memref<!tpu.dma_semaphore, #tpu.memory_space<semaphore_mem>>
          %dma_wait3A_1614 = arith.constant 0 : i32
          %dma_wait3A_1615 = arith.constant 0 : i32
          %dma_wait3A_1616 = tpu.memref_slice %arg8[%rem3A_1600, %dma_wait3A_1614, %dma_wait3A_1615] : memref<3x64x512xf32, #tpu.memory_space<vmem>> -> memref<1x64x512xf32, #tpu.memory_space<vmem>>
          %dma_wait3A_1617 = tpu.memref_squeeze %dma_wait3A_1616 : memref<1x64x512xf32, #tpu.memory_space<vmem>> -> memref<64x512xf32, #tpu.memory_space<vmem>>
          %dma_wait3A_1618 = arith.constant 0 : i32
          %dma_wait3A_1619 = tpu.memref_slice %arg2[%dma_wait3A_1618, %multiple_of3A_1605] : memref<64x1000000xf32, #tpu.memory_space<hbm>> -> memref<64x512xf32, #tpu.memory_space<hbm>>
          tpu.wait_dma2 semaphore(%dma_wait3A_1613 : memref<!tpu.dma_semaphore, #tpu.memory_space<semaphore_mem>>) src(%dma_wait3A_1619 : memref<64x512xf32, #tpu.memory_space<hbm>>) dst(%dma_wait3A_1617 : memref<64x512xf32, #tpu.memory_space<vmem>>)
        }
        %max3A_331 = arith.maxsi %max3A_241, %shift_right_logical3A_317 : i32
        %rem3A_332 = arith.constant 3 : i32
        %rem3A_333 = arith.remsi %shift_right_logical3A_317, %rem3A_332 : i32
        %mul3A_334 = arith.constant 512 : i32
        %mul3A_335 = arith.muli %shift_right_logical3A_317, %mul3A_334 : i32
        %min3A_336 = arith.constant 999552 : i32
        %min3A_337 = arith.minsi %mul3A_335, %min3A_336 : i32
        %sub3A_338 = arith.subi %squeeze3A_315, %min3A_337 : i32
        %broadcast_in_dim3A_339 = vector.broadcast %sub3A_338 : i32 to vector<16xi32>
        %iota3A_340 = tpu.iota {dimensions = array<i32: 0>} : vector<16xi32>
        %add3A_341 = arith.constant 0 : i32
        %add3A_342 = vector.broadcast %add3A_341 : i32 to vector<16xi32>
        %add3A_343 = arith.addi %iota3A_340, %add3A_342 : vector<16xi32>
        %gather3A_344 = arith.constant 0 : i32
        %gather3A_345 = arith.constant 0 : i32
        %gather3A_346 = tpu.memref_slice %arg8[%rem3A_333, %gather3A_344, %gather3A_345] : memref<3x64x512xf32, #tpu.memory_space<vmem>> -> memref<1x64x512xf32, #tpu.memory_space<vmem>>
        %gather3A_347 = tpu.memref_squeeze %gather3A_346 : memref<1x64x512xf32, #tpu.memory_space<vmem>> -> memref<64x512xf32, #tpu.memory_space<vmem>>
        %gather3A_348 = tpu.vector_load_idx %gather3A_347[%add3A_343, %broadcast_in_dim3A_339] : memref<64x512xf32, #tpu.memory_space<vmem>>[vector<16xi32>, vector<16xi32>], vector<16xf32>,
        %mul3A_349 = arith.constant 16 : i32
        %mul3A_350 = arith.muli %scan3A_121, %mul3A_349 : i32
        %add3A_351 = arith.constant 2 : i32
        %add3A_352 = arith.addi %mul3A_350, %add3A_351 : i32
        %swap3A_353 = arith.index_cast %add3A_352 : i32 to index
        %swap3A_354 = arith.constant 0 : index
        %swap3A_355 = tpu.vector_load %arg9[%swap3A_353, %swap3A_354] {strides = array<i32>} : memref<128x128xf32, #tpu.memory_space<vmem>>, vector<16xf32>,
        tpu.vector_store %arg9[%swap3A_353, %swap3A_354], %gather3A_348 {strides = array<i32>} : memref<128x128xf32, #tpu.memory_space<vmem>>, vector<16xf32>,
        %iota3A_356 = tpu.iota {dimensions = array<i32: 0>} : vector<16xi32>
        %add3A_357 = arith.constant 16 : i32
        %add3A_358 = vector.broadcast %add3A_357 : i32 to vector<16xi32>
        %add3A_359 = arith.addi %iota3A_356, %add3A_358 : vector<16xi32>
        %gather3A_360 = arith.constant 0 : i32
        %gather3A_361 = arith.constant 0 : i32
        %gather3A_362 = tpu.memref_slice %arg8[%rem3A_333, %gather3A_360, %gather3A_361] : memref<3x64x512xf32, #tpu.memory_space<vmem>> -> memref<1x64x512xf32, #tpu.memory_space<vmem>>
        %gather3A_363 = tpu.memref_squeeze %gather3A_362 : memref<1x64x512xf32, #tpu.memory_space<vmem>> -> memref<64x512xf32, #tpu.memory_space<vmem>>
        %gather3A_364 = tpu.vector_load_idx %gather3A_363[%add3A_359, %broadcast_in_dim3A_339] : memref<64x512xf32, #tpu.memory_space<vmem>>[vector<16xi32>, vector<16xi32>], vector<16xf32>,
        %mul3A_365 = arith.constant 16 : i32
        %mul3A_366 = arith.muli %scan3A_121, %mul3A_365 : i32
        %add3A_367 = arith.constant 2 : i32
        %add3A_368 = arith.addi %mul3A_366, %add3A_367 : i32
        %swap3A_369 = arith.index_cast %add3A_368 : i32 to index
        %swap3A_370 = arith.constant 16 : index
        %swap3A_371 = tpu.vector_load %arg9[%swap3A_369, %swap3A_370] {strides = array<i32>} : memref<128x128xf32, #tpu.memory_space<vmem>>, vector<16xf32>,
        tpu.vector_store %arg9[%swap3A_369, %swap3A_370], %gather3A_364 {strides = array<i32>} : memref<128x128xf32, #tpu.memory_space<vmem>>, vector<16xf32>,
        %iota3A_372 = tpu.iota {dimensions = array<i32: 0>} : vector<16xi32>
        %add3A_373 = arith.constant 32 : i32
        %add3A_374 = vector.broadcast %add3A_373 : i32 to vector<16xi32>
        %add3A_375 = arith.addi %iota3A_372, %add3A_374 : vector<16xi32>
        %gather3A_376 = arith.constant 0 : i32
        %gather3A_377 = arith.constant 0 : i32
        %gather3A_378 = tpu.memref_slice %arg8[%rem3A_333, %gather3A_376, %gather3A_377] : memref<3x64x512xf32, #tpu.memory_space<vmem>> -> memref<1x64x512xf32, #tpu.memory_space<vmem>>
        %gather3A_379 = tpu.memref_squeeze %gather3A_378 : memref<1x64x512xf32, #tpu.memory_space<vmem>> -> memref<64x512xf32, #tpu.memory_space<vmem>>
        %gather3A_380 = tpu.vector_load_idx %gather3A_379[%add3A_375, %broadcast_in_dim3A_339] : memref<64x512xf32, #tpu.memory_space<vmem>>[vector<16xi32>, vector<16xi32>], vector<16xf32>,
        %mul3A_381 = arith.constant 16 : i32
        %mul3A_382 = arith.muli %scan3A_121, %mul3A_381 : i32
        %add3A_383 = arith.constant 2 : i32
        %add3A_384 = arith.addi %mul3A_382, %add3A_383 : i32
        %swap3A_385 = arith.index_cast %add3A_384 : i32 to index
        %swap3A_386 = arith.constant 32 : index
        %swap3A_387 = tpu.vector_load %arg9[%swap3A_385, %swap3A_386] {strides = array<i32>} : memref<128x128xf32, #tpu.memory_space<vmem>>, vector<16xf32>,
        tpu.vector_store %arg9[%swap3A_385, %swap3A_386], %gather3A_380 {strides = array<i32>} : memref<128x128xf32, #tpu.memory_space<vmem>>, vector<16xf32>,
        %iota3A_388 = tpu.iota {dimensions = array<i32: 0>} : vector<16xi32>
        %add3A_389 = arith.constant 48 : i32
        %add3A_390 = vector.broadcast %add3A_389 : i32 to vector<16xi32>
        %add3A_391 = arith.addi %iota3A_388, %add3A_390 : vector<16xi32>
        %gather3A_392 = arith.constant 0 : i32
        %gather3A_393 = arith.constant 0 : i32
        %gather3A_394 = tpu.memref_slice %arg8[%rem3A_333, %gather3A_392, %gather3A_393] : memref<3x64x512xf32, #tpu.memory_space<vmem>> -> memref<1x64x512xf32, #tpu.memory_space<vmem>>
        %gather3A_395 = tpu.memref_squeeze %gather3A_394 : memref<1x64x512xf32, #tpu.memory_space<vmem>> -> memref<64x512xf32, #tpu.memory_space<vmem>>
        %gather3A_396 = tpu.vector_load_idx %gather3A_395[%add3A_391, %broadcast_in_dim3A_339] : memref<64x512xf32, #tpu.memory_space<vmem>>[vector<16xi32>, vector<16xi32>], vector<16xf32>,
        %mul3A_397 = arith.constant 16 : i32
        %mul3A_398 = arith.muli %scan3A_121, %mul3A_397 : i32
        %add3A_399 = arith.constant 2 : i32
        %add3A_400 = arith.addi %mul3A_398, %add3A_399 : i32
        %swap3A_401 = arith.index_cast %add3A_400 : i32 to index
        %swap3A_402 = arith.constant 48 : index
        %swap3A_403 = tpu.vector_load %arg9[%swap3A_401, %swap3A_402] {strides = array<i32>} : memref<128x128xf32, #tpu.memory_space<vmem>>, vector<16xf32>,
        tpu.vector_store %arg9[%swap3A_401, %swap3A_402], %gather3A_396 {strides = array<i32>} : memref<128x128xf32, #tpu.memory_space<vmem>>, vector<16xf32>,
        %slice3A_404 = vector.extract_strided_slice %get3A_129 {offsets = [3], sizes = [1], strides = [1]} : vector<16xi32> to vector<1xi32>
        %squeeze3A_405 = vector.extract %slice3A_404[0] : i32 from vector<1xi32>
        %shift_right_logical3A_406 = arith.constant 9 : i32
        %shift_right_logical3A_407 = arith.shrui %squeeze3A_405, %shift_right_logical3A_406 : i32
        %add3A_408 = arith.constant 1 : i32
        %add3A_409 = arith.addi %max3A_331, %add3A_408 : i32
        %add3A_410 = arith.constant 1 : i32
        %add3A_411 = arith.addi %shift_right_logical3A_407, %add3A_410 : i32
        %while3A_412 = arith.constant 0 : i32
        %while3A_413 = arith.subi %add3A_411, %add3A_409 : i32
        %while3A_414 = arith.addi %add3A_409, %while3A_413 : i32
        %while3A_415 = arith.constant 1 : i32
        %while3A_416 = arith.divsi %while3A_413, %while3A_415 : i32
        %while3A_417 = arith.muli %while3A_416, %while3A_415 : i32
        %while3A_418 = arith.addi %add3A_409, %while3A_417 : i32
        %while3A_419 = arith.constant 1 : i32
        scf.for %while3A_1574 = %add3A_409 to %while3A_418 step %while3A_419  : i32 {
          %add3A_1575 = arith.constant 2 : i32
          %add3A_1576 = arith.addi %while3A_1574, %add3A_1575 : i32
          %min3A_1577 = arith.minsi %add3A_1576, %shift_right_logical3A_10 : i32
          %rem3A_1578 = arith.constant 3 : i32
          %rem3A_1579 = arith.remsi %min3A_1577, %rem3A_1578 : i32
          %mul3A_1580 = arith.constant 512 : i32
          %mul3A_1581 = arith.muli %min3A_1577, %mul3A_1580 : i32
          %min3A_1582 = arith.constant 999552 : i32
          %min3A_1583 = arith.minsi %mul3A_1581, %min3A_1582 : i32
          %multiple_of3A_1584 = tpu.assume_multiple %min3A_1583, 128 : i32
          %dma_start3A_1585 = arith.constant 0 : i32
          %dma_start3A_1586 = arith.constant 0 : i32
          %dma_start3A_1587 = tpu.memref_slice %arg8[%rem3A_1579, %dma_start3A_1585, %dma_start3A_1586] : memref<3x64x512xf32, #tpu.memory_space<vmem>> -> memref<1x64x512xf32, #tpu.memory_space<vmem>>
          %dma_start3A_1588 = tpu.memref_squeeze %dma_start3A_1587 : memref<1x64x512xf32, #tpu.memory_space<vmem>> -> memref<64x512xf32, #tpu.memory_space<vmem>>
          %dma_start3A_1589 = arith.constant 0 : i32
          %dma_start3A_1590 = tpu.memref_slice %arg2[%dma_start3A_1589, %multiple_of3A_1584] : memref<64x1000000xf32, #tpu.memory_space<hbm>> -> memref<64x512xf32, #tpu.memory_space<hbm>>
          %dma_start3A_1591 = tpu.memref_slice %arg11[%rem3A_1579] : memref<3x!tpu.dma_semaphore, #tpu.memory_space<semaphore_mem>> -> memref<1x!tpu.dma_semaphore, #tpu.memory_space<semaphore_mem>>
          %dma_start3A_1592 = tpu.memref_squeeze %dma_start3A_1591 : memref<1x!tpu.dma_semaphore, #tpu.memory_space<semaphore_mem>> -> memref<!tpu.dma_semaphore, #tpu.memory_space<semaphore_mem>>
          %dma_start3A_1593 = arith.constant 0 : i32
          %dma_start3A_1594 = arith.constant 0 : i32
          %dma_start3A_1595 = tpu.memref_slice %arg8[%rem3A_1579, %dma_start3A_1593, %dma_start3A_1594] : memref<3x64x512xf32, #tpu.memory_space<vmem>> -> memref<1x64x512xf32, #tpu.memory_space<vmem>>
          %dma_start3A_1596 = tpu.memref_squeeze %dma_start3A_1595 : memref<1x64x512xf32, #tpu.memory_space<vmem>> -> memref<64x512xf32, #tpu.memory_space<vmem>>
          %dma_start3A_1597 = arith.constant 0 : i32
          %dma_start3A_1598 = tpu.memref_slice %arg2[%dma_start3A_1597, %multiple_of3A_1584] : memref<64x1000000xf32, #tpu.memory_space<hbm>> -> memref<64x512xf32, #tpu.memory_space<hbm>>
          tpu.enqueue_dma source(%dma_start3A_1598 : memref<64x512xf32, #tpu.memory_space<hbm>>) target(%dma_start3A_1596 : memref<64x512xf32, #tpu.memory_space<vmem>>) target_semaphore(%dma_start3A_1592 : memref<!tpu.dma_semaphore, #tpu.memory_space<semaphore_mem>>)
          %rem3A_1599 = arith.constant 3 : i32
          %rem3A_1600 = arith.remsi %while3A_1574, %rem3A_1599 : i32
          %mul3A_1601 = arith.constant 512 : i32
          %mul3A_1602 = arith.muli %while3A_1574, %mul3A_1601 : i32
          %min3A_1603 = arith.constant 999552 : i32
          %min3A_1604 = arith.minsi %mul3A_1602, %min3A_1603 : i32
          %multiple_of3A_1605 = tpu.assume_multiple %min3A_1604, 128 : i32
          %dma_wait3A_1606 = arith.constant 0 : i32
          %dma_wait3A_1607 = arith.constant 0 : i32
          %dma_wait3A_1608 = tpu.memref_slice %arg8[%rem3A_1600, %dma_wait3A_1606, %dma_wait3A_1607] : memref<3x64x512xf32, #tpu.memory_space<vmem>> -> memref<1x64x512xf32, #tpu.memory_space<vmem>>
          %dma_wait3A_1609 = tpu.memref_squeeze %dma_wait3A_1608 : memref<1x64x512xf32, #tpu.memory_space<vmem>> -> memref<64x512xf32, #tpu.memory_space<vmem>>
          %dma_wait3A_1610 = arith.constant 0 : i32
          %dma_wait3A_1611 = tpu.memref_slice %arg2[%dma_wait3A_1610, %multiple_of3A_1605] : memref<64x1000000xf32, #tpu.memory_space<hbm>> -> memref<64x512xf32, #tpu.memory_space<hbm>>
          %dma_wait3A_1612 = tpu.memref_slice %arg11[%rem3A_1600] : memref<3x!tpu.dma_semaphore, #tpu.memory_space<semaphore_mem>> -> memref<1x!tpu.dma_semaphore, #tpu.memory_space<semaphore_mem>>
          %dma_wait3A_1613 = tpu.memref_squeeze %dma_wait3A_1612 : memref<1x!tpu.dma_semaphore, #tpu.memory_space<semaphore_mem>> -> memref<!tpu.dma_semaphore, #tpu.memory_space<semaphore_mem>>
          %dma_wait3A_1614 = arith.constant 0 : i32
          %dma_wait3A_1615 = arith.constant 0 : i32
          %dma_wait3A_1616 = tpu.memref_slice %arg8[%rem3A_1600, %dma_wait3A_1614, %dma_wait3A_1615] : memref<3x64x512xf32, #tpu.memory_space<vmem>> -> memref<1x64x512xf32, #tpu.memory_space<vmem>>
          %dma_wait3A_1617 = tpu.memref_squeeze %dma_wait3A_1616 : memref<1x64x512xf32, #tpu.memory_space<vmem>> -> memref<64x512xf32, #tpu.memory_space<vmem>>
          %dma_wait3A_1618 = arith.constant 0 : i32
          %dma_wait3A_1619 = tpu.memref_slice %arg2[%dma_wait3A_1618, %multiple_of3A_1605] : memref<64x1000000xf32, #tpu.memory_space<hbm>> -> memref<64x512xf32, #tpu.memory_space<hbm>>
          tpu.wait_dma2 semaphore(%dma_wait3A_1613 : memref<!tpu.dma_semaphore, #tpu.memory_space<semaphore_mem>>) src(%dma_wait3A_1619 : memref<64x512xf32, #tpu.memory_space<hbm>>) dst(%dma_wait3A_1617 : memref<64x512xf32, #tpu.memory_space<vmem>>)
        }
        %while3A_420 = arith.constant 1 : i32
        scf.for %while3A_1574 = %while3A_418 to %while3A_414 step %while3A_420  : i32 {
          %add3A_1575 = arith.constant 2 : i32
          %add3A_1576 = arith.addi %while3A_1574, %add3A_1575 : i32
          %min3A_1577 = arith.minsi %add3A_1576, %shift_right_logical3A_10 : i32
          %rem3A_1578 = arith.constant 3 : i32
          %rem3A_1579 = arith.remsi %min3A_1577, %rem3A_1578 : i32
          %mul3A_1580 = arith.constant 512 : i32
          %mul3A_1581 = arith.muli %min3A_1577, %mul3A_1580 : i32
          %min3A_1582 = arith.constant 999552 : i32
          %min3A_1583 = arith.minsi %mul3A_1581, %min3A_1582 : i32
          %multiple_of3A_1584 = tpu.assume_multiple %min3A_1583, 128 : i32
          %dma_start3A_1585 = arith.constant 0 : i32
          %dma_start3A_1586 = arith.constant 0 : i32
          %dma_start3A_1587 = tpu.memref_slice %arg8[%rem3A_1579, %dma_start3A_1585, %dma_start3A_1586] : memref<3x64x512xf32, #tpu.memory_space<vmem>> -> memref<1x64x512xf32, #tpu.memory_space<vmem>>
          %dma_start3A_1588 = tpu.memref_squeeze %dma_start3A_1587 : memref<1x64x512xf32, #tpu.memory_space<vmem>> -> memref<64x512xf32, #tpu.memory_space<vmem>>
          %dma_start3A_1589 = arith.constant 0 : i32
          %dma_start3A_1590 = tpu.memref_slice %arg2[%dma_start3A_1589, %multiple_of3A_1584] : memref<64x1000000xf32, #tpu.memory_space<hbm>> -> memref<64x512xf32, #tpu.memory_space<hbm>>
          %dma_start3A_1591 = tpu.memref_slice %arg11[%rem3A_1579] : memref<3x!tpu.dma_semaphore, #tpu.memory_space<semaphore_mem>> -> memref<1x!tpu.dma_semaphore, #tpu.memory_space<semaphore_mem>>
          %dma_start3A_1592 = tpu.memref_squeeze %dma_start3A_1591 : memref<1x!tpu.dma_semaphore, #tpu.memory_space<semaphore_mem>> -> memref<!tpu.dma_semaphore, #tpu.memory_space<semaphore_mem>>
          %dma_start3A_1593 = arith.constant 0 : i32
          %dma_start3A_1594 = arith.constant 0 : i32
          %dma_start3A_1595 = tpu.memref_slice %arg8[%rem3A_1579, %dma_start3A_1593, %dma_start3A_1594] : memref<3x64x512xf32, #tpu.memory_space<vmem>> -> memref<1x64x512xf32, #tpu.memory_space<vmem>>
          %dma_start3A_1596 = tpu.memref_squeeze %dma_start3A_1595 : memref<1x64x512xf32, #tpu.memory_space<vmem>> -> memref<64x512xf32, #tpu.memory_space<vmem>>
          %dma_start3A_1597 = arith.constant 0 : i32
          %dma_start3A_1598 = tpu.memref_slice %arg2[%dma_start3A_1597, %multiple_of3A_1584] : memref<64x1000000xf32, #tpu.memory_space<hbm>> -> memref<64x512xf32, #tpu.memory_space<hbm>>
          tpu.enqueue_dma source(%dma_start3A_1598 : memref<64x512xf32, #tpu.memory_space<hbm>>) target(%dma_start3A_1596 : memref<64x512xf32, #tpu.memory_space<vmem>>) target_semaphore(%dma_start3A_1592 : memref<!tpu.dma_semaphore, #tpu.memory_space<semaphore_mem>>)
          %rem3A_1599 = arith.constant 3 : i32
          %rem3A_1600 = arith.remsi %while3A_1574, %rem3A_1599 : i32
          %mul3A_1601 = arith.constant 512 : i32
          %mul3A_1602 = arith.muli %while3A_1574, %mul3A_1601 : i32
          %min3A_1603 = arith.constant 999552 : i32
          %min3A_1604 = arith.minsi %mul3A_1602, %min3A_1603 : i32
          %multiple_of3A_1605 = tpu.assume_multiple %min3A_1604, 128 : i32
          %dma_wait3A_1606 = arith.constant 0 : i32
          %dma_wait3A_1607 = arith.constant 0 : i32
          %dma_wait3A_1608 = tpu.memref_slice %arg8[%rem3A_1600, %dma_wait3A_1606, %dma_wait3A_1607] : memref<3x64x512xf32, #tpu.memory_space<vmem>> -> memref<1x64x512xf32, #tpu.memory_space<vmem>>
          %dma_wait3A_1609 = tpu.memref_squeeze %dma_wait3A_1608 : memref<1x64x512xf32, #tpu.memory_space<vmem>> -> memref<64x512xf32, #tpu.memory_space<vmem>>
          %dma_wait3A_1610 = arith.constant 0 : i32
          %dma_wait3A_1611 = tpu.memref_slice %arg2[%dma_wait3A_1610, %multiple_of3A_1605] : memref<64x1000000xf32, #tpu.memory_space<hbm>> -> memref<64x512xf32, #tpu.memory_space<hbm>>
          %dma_wait3A_1612 = tpu.memref_slice %arg11[%rem3A_1600] : memref<3x!tpu.dma_semaphore, #tpu.memory_space<semaphore_mem>> -> memref<1x!tpu.dma_semaphore, #tpu.memory_space<semaphore_mem>>
          %dma_wait3A_1613 = tpu.memref_squeeze %dma_wait3A_1612 : memref<1x!tpu.dma_semaphore, #tpu.memory_space<semaphore_mem>> -> memref<!tpu.dma_semaphore, #tpu.memory_space<semaphore_mem>>
          %dma_wait3A_1614 = arith.constant 0 : i32
          %dma_wait3A_1615 = arith.constant 0 : i32
          %dma_wait3A_1616 = tpu.memref_slice %arg8[%rem3A_1600, %dma_wait3A_1614, %dma_wait3A_1615] : memref<3x64x512xf32, #tpu.memory_space<vmem>> -> memref<1x64x512xf32, #tpu.memory_space<vmem>>
          %dma_wait3A_1617 = tpu.memref_squeeze %dma_wait3A_1616 : memref<1x64x512xf32, #tpu.memory_space<vmem>> -> memref<64x512xf32, #tpu.memory_space<vmem>>
          %dma_wait3A_1618 = arith.constant 0 : i32
          %dma_wait3A_1619 = tpu.memref_slice %arg2[%dma_wait3A_1618, %multiple_of3A_1605] : memref<64x1000000xf32, #tpu.memory_space<hbm>> -> memref<64x512xf32, #tpu.memory_space<hbm>>
          tpu.wait_dma2 semaphore(%dma_wait3A_1613 : memref<!tpu.dma_semaphore, #tpu.memory_space<semaphore_mem>>) src(%dma_wait3A_1619 : memref<64x512xf32, #tpu.memory_space<hbm>>) dst(%dma_wait3A_1617 : memref<64x512xf32, #tpu.memory_space<vmem>>)
        }
        %max3A_421 = arith.maxsi %max3A_331, %shift_right_logical3A_407 : i32
        %rem3A_422 = arith.constant 3 : i32
        %rem3A_423 = arith.remsi %shift_right_logical3A_407, %rem3A_422 : i32
        %mul3A_424 = arith.constant 512 : i32
        %mul3A_425 = arith.muli %shift_right_logical3A_407, %mul3A_424 : i32
        %min3A_426 = arith.constant 999552 : i32
        %min3A_427 = arith.minsi %mul3A_425, %min3A_426 : i32
        %sub3A_428 = arith.subi %squeeze3A_405, %min3A_427 : i32
        %broadcast_in_dim3A_429 = vector.broadcast %sub3A_428 : i32 to vector<16xi32>
        %iota3A_430 = tpu.iota {dimensions = array<i32: 0>} : vector<16xi32>
        %add3A_431 = arith.constant 0 : i32
        %add3A_432 = vector.broadcast %add3A_431 : i32 to vector<16xi32>
        %add3A_433 = arith.addi %iota3A_430, %add3A_432 : vector<16xi32>
        %gather3A_434 = arith.constant 0 : i32
        %gather3A_435 = arith.constant 0 : i32
        %gather3A_436 = tpu.memref_slice %arg8[%rem3A_423, %gather3A_434, %gather3A_435] : memref<3x64x512xf32, #tpu.memory_space<vmem>> -> memref<1x64x512xf32, #tpu.memory_space<vmem>>
        %gather3A_437 = tpu.memref_squeeze %gather3A_436 : memref<1x64x512xf32, #tpu.memory_space<vmem>> -> memref<64x512xf32, #tpu.memory_space<vmem>>
        %gather3A_438 = tpu.vector_load_idx %gather3A_437[%add3A_433, %broadcast_in_dim3A_429] : memref<64x512xf32, #tpu.memory_space<vmem>>[vector<16xi32>, vector<16xi32>], vector<16xf32>,
        %mul3A_439 = arith.constant 16 : i32
        %mul3A_440 = arith.muli %scan3A_121, %mul3A_439 : i32
        %add3A_441 = arith.constant 3 : i32
        %add3A_442 = arith.addi %mul3A_440, %add3A_441 : i32
        %swap3A_443 = arith.index_cast %add3A_442 : i32 to index
        %swap3A_444 = arith.constant 0 : index
        %swap3A_445 = tpu.vector_load %arg9[%swap3A_443, %swap3A_444] {strides = array<i32>} : memref<128x128xf32, #tpu.memory_space<vmem>>, vector<16xf32>,
        tpu.vector_store %arg9[%swap3A_443, %swap3A_444], %gather3A_438 {strides = array<i32>} : memref<128x128xf32, #tpu.memory_space<vmem>>, vector<16xf32>,
        %iota3A_446 = tpu.iota {dimensions = array<i32: 0>} : vector<16xi32>
        %add3A_447 = arith.constant 16 : i32
        %add3A_448 = vector.broadcast %add3A_447 : i32 to vector<16xi32>
        %add3A_449 = arith.addi %iota3A_446, %add3A_448 : vector<16xi32>
        %gather3A_450 = arith.constant 0 : i32
        %gather3A_451 = arith.constant 0 : i32
        %gather3A_452 = tpu.memref_slice %arg8[%rem3A_423, %gather3A_450, %gather3A_451] : memref<3x64x512xf32, #tpu.memory_space<vmem>> -> memref<1x64x512xf32, #tpu.memory_space<vmem>>
        %gather3A_453 = tpu.memref_squeeze %gather3A_452 : memref<1x64x512xf32, #tpu.memory_space<vmem>> -> memref<64x512xf32, #tpu.memory_space<vmem>>
        %gather3A_454 = tpu.vector_load_idx %gather3A_453[%add3A_449, %broadcast_in_dim3A_429] : memref<64x512xf32, #tpu.memory_space<vmem>>[vector<16xi32>, vector<16xi32>], vector<16xf32>,
        %mul3A_455 = arith.constant 16 : i32
        %mul3A_456 = arith.muli %scan3A_121, %mul3A_455 : i32
        %add3A_457 = arith.constant 3 : i32
        %add3A_458 = arith.addi %mul3A_456, %add3A_457 : i32
        %swap3A_459 = arith.index_cast %add3A_458 : i32 to index
        %swap3A_460 = arith.constant 16 : index
        %swap3A_461 = tpu.vector_load %arg9[%swap3A_459, %swap3A_460] {strides = array<i32>} : memref<128x128xf32, #tpu.memory_space<vmem>>, vector<16xf32>,
        tpu.vector_store %arg9[%swap3A_459, %swap3A_460], %gather3A_454 {strides = array<i32>} : memref<128x128xf32, #tpu.memory_space<vmem>>, vector<16xf32>,
        %iota3A_462 = tpu.iota {dimensions = array<i32: 0>} : vector<16xi32>
        %add3A_463 = arith.constant 32 : i32
        %add3A_464 = vector.broadcast %add3A_463 : i32 to vector<16xi32>
        %add3A_465 = arith.addi %iota3A_462, %add3A_464 : vector<16xi32>
        %gather3A_466 = arith.constant 0 : i32
        %gather3A_467 = arith.constant 0 : i32
        %gather3A_468 = tpu.memref_slice %arg8[%rem3A_423, %gather3A_466, %gather3A_467] : memref<3x64x512xf32, #tpu.memory_space<vmem>> -> memref<1x64x512xf32, #tpu.memory_space<vmem>>
        %gather3A_469 = tpu.memref_squeeze %gather3A_468 : memref<1x64x512xf32, #tpu.memory_space<vmem>> -> memref<64x512xf32, #tpu.memory_space<vmem>>
        %gather3A_470 = tpu.vector_load_idx %gather3A_469[%add3A_465, %broadcast_in_dim3A_429] : memref<64x512xf32, #tpu.memory_space<vmem>>[vector<16xi32>, vector<16xi32>], vector<16xf32>,
        %mul3A_471 = arith.constant 16 : i32
        %mul3A_472 = arith.muli %scan3A_121, %mul3A_471 : i32
        %add3A_473 = arith.constant 3 : i32
        %add3A_474 = arith.addi %mul3A_472, %add3A_473 : i32
        %swap3A_475 = arith.index_cast %add3A_474 : i32 to index
        %swap3A_476 = arith.constant 32 : index
        %swap3A_477 = tpu.vector_load %arg9[%swap3A_475, %swap3A_476] {strides = array<i32>} : memref<128x128xf32, #tpu.memory_space<vmem>>, vector<16xf32>,
        tpu.vector_store %arg9[%swap3A_475, %swap3A_476], %gather3A_470 {strides = array<i32>} : memref<128x128xf32, #tpu.memory_space<vmem>>, vector<16xf32>,
        %iota3A_478 = tpu.iota {dimensions = array<i32: 0>} : vector<16xi32>
        %add3A_479 = arith.constant 48 : i32
        %add3A_480 = vector.broadcast %add3A_479 : i32 to vector<16xi32>
        %add3A_481 = arith.addi %iota3A_478, %add3A_480 : vector<16xi32>
        %gather3A_482 = arith.constant 0 : i32
        %gather3A_483 = arith.constant 0 : i32
        %gather3A_484 = tpu.memref_slice %arg8[%rem3A_423, %gather3A_482, %gather3A_483] : memref<3x64x512xf32, #tpu.memory_space<vmem>> -> memref<1x64x512xf32, #tpu.memory_space<vmem>>
        %gather3A_485 = tpu.memref_squeeze %gather3A_484 : memref<1x64x512xf32, #tpu.memory_space<vmem>> -> memref<64x512xf32, #tpu.memory_space<vmem>>
        %gather3A_486 = tpu.vector_load_idx %gather3A_485[%add3A_481, %broadcast_in_dim3A_429] : memref<64x512xf32, #tpu.memory_space<vmem>>[vector<16xi32>, vector<16xi32>], vector<16xf32>,
        %mul3A_487 = arith.constant 16 : i32
        %mul3A_488 = arith.muli %scan3A_121, %mul3A_487 : i32
        %add3A_489 = arith.constant 3 : i32
        %add3A_490 = arith.addi %mul3A_488, %add3A_489 : i32
        %swap3A_491 = arith.index_cast %add3A_490 : i32 to index
        %swap3A_492 = arith.constant 48 : index
        %swap3A_493 = tpu.vector_load %arg9[%swap3A_491, %swap3A_492] {strides = array<i32>} : memref<128x128xf32, #tpu.memory_space<vmem>>, vector<16xf32>,
        tpu.vector_store %arg9[%swap3A_491, %swap3A_492], %gather3A_486 {strides = array<i32>} : memref<128x128xf32, #tpu.memory_space<vmem>>, vector<16xf32>,
        %slice3A_494 = vector.extract_strided_slice %get3A_129 {offsets = [4], sizes = [1], strides = [1]} : vector<16xi32> to vector<1xi32>
        %squeeze3A_495 = vector.extract %slice3A_494[0] : i32 from vector<1xi32>
        %shift_right_logical3A_496 = arith.constant 9 : i32
        %shift_right_logical3A_497 = arith.shrui %squeeze3A_495, %shift_right_logical3A_496 : i32
        %add3A_498 = arith.constant 1 : i32
        %add3A_499 = arith.addi %max3A_421, %add3A_498 : i32
        %add3A_500 = arith.constant 1 : i32
        %add3A_501 = arith.addi %shift_right_logical3A_497, %add3A_500 : i32
        %while3A_502 = arith.constant 0 : i32
        %while3A_503 = arith.subi %add3A_501, %add3A_499 : i32
        %while3A_504 = arith.addi %add3A_499, %while3A_503 : i32
        %while3A_505 = arith.constant 1 : i32
        %while3A_506 = arith.divsi %while3A_503, %while3A_505 : i32
        %while3A_507 = arith.muli %while3A_506, %while3A_505 : i32
        %while3A_508 = arith.addi %add3A_499, %while3A_507 : i32
        %while3A_509 = arith.constant 1 : i32
        scf.for %while3A_1574 = %add3A_499 to %while3A_508 step %while3A_509  : i32 {
          %add3A_1575 = arith.constant 2 : i32
          %add3A_1576 = arith.addi %while3A_1574, %add3A_1575 : i32
          %min3A_1577 = arith.minsi %add3A_1576, %shift_right_logical3A_10 : i32
          %rem3A_1578 = arith.constant 3 : i32
          %rem3A_1579 = arith.remsi %min3A_1577, %rem3A_1578 : i32
          %mul3A_1580 = arith.constant 512 : i32
          %mul3A_1581 = arith.muli %min3A_1577, %mul3A_1580 : i32
          %min3A_1582 = arith.constant 999552 : i32
          %min3A_1583 = arith.minsi %mul3A_1581, %min3A_1582 : i32
          %multiple_of3A_1584 = tpu.assume_multiple %min3A_1583, 128 : i32
          %dma_start3A_1585 = arith.constant 0 : i32
          %dma_start3A_1586 = arith.constant 0 : i32
          %dma_start3A_1587 = tpu.memref_slice %arg8[%rem3A_1579, %dma_start3A_1585, %dma_start3A_1586] : memref<3x64x512xf32, #tpu.memory_space<vmem>> -> memref<1x64x512xf32, #tpu.memory_space<vmem>>
          %dma_start3A_1588 = tpu.memref_squeeze %dma_start3A_1587 : memref<1x64x512xf32, #tpu.memory_space<vmem>> -> memref<64x512xf32, #tpu.memory_space<vmem>>
          %dma_start3A_1589 = arith.constant 0 : i32
          %dma_start3A_1590 = tpu.memref_slice %arg2[%dma_start3A_1589, %multiple_of3A_1584] : memref<64x1000000xf32, #tpu.memory_space<hbm>> -> memref<64x512xf32, #tpu.memory_space<hbm>>
          %dma_start3A_1591 = tpu.memref_slice %arg11[%rem3A_1579] : memref<3x!tpu.dma_semaphore, #tpu.memory_space<semaphore_mem>> -> memref<1x!tpu.dma_semaphore, #tpu.memory_space<semaphore_mem>>
          %dma_start3A_1592 = tpu.memref_squeeze %dma_start3A_1591 : memref<1x!tpu.dma_semaphore, #tpu.memory_space<semaphore_mem>> -> memref<!tpu.dma_semaphore, #tpu.memory_space<semaphore_mem>>
          %dma_start3A_1593 = arith.constant 0 : i32
          %dma_start3A_1594 = arith.constant 0 : i32
          %dma_start3A_1595 = tpu.memref_slice %arg8[%rem3A_1579, %dma_start3A_1593, %dma_start3A_1594] : memref<3x64x512xf32, #tpu.memory_space<vmem>> -> memref<1x64x512xf32, #tpu.memory_space<vmem>>
          %dma_start3A_1596 = tpu.memref_squeeze %dma_start3A_1595 : memref<1x64x512xf32, #tpu.memory_space<vmem>> -> memref<64x512xf32, #tpu.memory_space<vmem>>
          %dma_start3A_1597 = arith.constant 0 : i32
          %dma_start3A_1598 = tpu.memref_slice %arg2[%dma_start3A_1597, %multiple_of3A_1584] : memref<64x1000000xf32, #tpu.memory_space<hbm>> -> memref<64x512xf32, #tpu.memory_space<hbm>>
          tpu.enqueue_dma source(%dma_start3A_1598 : memref<64x512xf32, #tpu.memory_space<hbm>>) target(%dma_start3A_1596 : memref<64x512xf32, #tpu.memory_space<vmem>>) target_semaphore(%dma_start3A_1592 : memref<!tpu.dma_semaphore, #tpu.memory_space<semaphore_mem>>)
          %rem3A_1599 = arith.constant 3 : i32
          %rem3A_1600 = arith.remsi %while3A_1574, %rem3A_1599 : i32
          %mul3A_1601 = arith.constant 512 : i32
          %mul3A_1602 = arith.muli %while3A_1574, %mul3A_1601 : i32
          %min3A_1603 = arith.constant 999552 : i32
          %min3A_1604 = arith.minsi %mul3A_1602, %min3A_1603 : i32
          %multiple_of3A_1605 = tpu.assume_multiple %min3A_1604, 128 : i32
          %dma_wait3A_1606 = arith.constant 0 : i32
          %dma_wait3A_1607 = arith.constant 0 : i32
          %dma_wait3A_1608 = tpu.memref_slice %arg8[%rem3A_1600, %dma_wait3A_1606, %dma_wait3A_1607] : memref<3x64x512xf32, #tpu.memory_space<vmem>> -> memref<1x64x512xf32, #tpu.memory_space<vmem>>
          %dma_wait3A_1609 = tpu.memref_squeeze %dma_wait3A_1608 : memref<1x64x512xf32, #tpu.memory_space<vmem>> -> memref<64x512xf32, #tpu.memory_space<vmem>>
          %dma_wait3A_1610 = arith.constant 0 : i32
          %dma_wait3A_1611 = tpu.memref_slice %arg2[%dma_wait3A_1610, %multiple_of3A_1605] : memref<64x1000000xf32, #tpu.memory_space<hbm>> -> memref<64x512xf32, #tpu.memory_space<hbm>>
          %dma_wait3A_1612 = tpu.memref_slice %arg11[%rem3A_1600] : memref<3x!tpu.dma_semaphore, #tpu.memory_space<semaphore_mem>> -> memref<1x!tpu.dma_semaphore, #tpu.memory_space<semaphore_mem>>
          %dma_wait3A_1613 = tpu.memref_squeeze %dma_wait3A_1612 : memref<1x!tpu.dma_semaphore, #tpu.memory_space<semaphore_mem>> -> memref<!tpu.dma_semaphore, #tpu.memory_space<semaphore_mem>>
          %dma_wait3A_1614 = arith.constant 0 : i32
          %dma_wait3A_1615 = arith.constant 0 : i32
          %dma_wait3A_1616 = tpu.memref_slice %arg8[%rem3A_1600, %dma_wait3A_1614, %dma_wait3A_1615] : memref<3x64x512xf32, #tpu.memory_space<vmem>> -> memref<1x64x512xf32, #tpu.memory_space<vmem>>
          %dma_wait3A_1617 = tpu.memref_squeeze %dma_wait3A_1616 : memref<1x64x512xf32, #tpu.memory_space<vmem>> -> memref<64x512xf32, #tpu.memory_space<vmem>>
          %dma_wait3A_1618 = arith.constant 0 : i32
          %dma_wait3A_1619 = tpu.memref_slice %arg2[%dma_wait3A_1618, %multiple_of3A_1605] : memref<64x1000000xf32, #tpu.memory_space<hbm>> -> memref<64x512xf32, #tpu.memory_space<hbm>>
          tpu.wait_dma2 semaphore(%dma_wait3A_1613 : memref<!tpu.dma_semaphore, #tpu.memory_space<semaphore_mem>>) src(%dma_wait3A_1619 : memref<64x512xf32, #tpu.memory_space<hbm>>) dst(%dma_wait3A_1617 : memref<64x512xf32, #tpu.memory_space<vmem>>)
        }
        %while3A_510 = arith.constant 1 : i32
        scf.for %while3A_1574 = %while3A_508 to %while3A_504 step %while3A_510  : i32 {
          %add3A_1575 = arith.constant 2 : i32
          %add3A_1576 = arith.addi %while3A_1574, %add3A_1575 : i32
          %min3A_1577 = arith.minsi %add3A_1576, %shift_right_logical3A_10 : i32
          %rem3A_1578 = arith.constant 3 : i32
          %rem3A_1579 = arith.remsi %min3A_1577, %rem3A_1578 : i32
          %mul3A_1580 = arith.constant 512 : i32
          %mul3A_1581 = arith.muli %min3A_1577, %mul3A_1580 : i32
          %min3A_1582 = arith.constant 999552 : i32
          %min3A_1583 = arith.minsi %mul3A_1581, %min3A_1582 : i32
          %multiple_of3A_1584 = tpu.assume_multiple %min3A_1583, 128 : i32
          %dma_start3A_1585 = arith.constant 0 : i32
          %dma_start3A_1586 = arith.constant 0 : i32
          %dma_start3A_1587 = tpu.memref_slice %arg8[%rem3A_1579, %dma_start3A_1585, %dma_start3A_1586] : memref<3x64x512xf32, #tpu.memory_space<vmem>> -> memref<1x64x512xf32, #tpu.memory_space<vmem>>
          %dma_start3A_1588 = tpu.memref_squeeze %dma_start3A_1587 : memref<1x64x512xf32, #tpu.memory_space<vmem>> -> memref<64x512xf32, #tpu.memory_space<vmem>>
          %dma_start3A_1589 = arith.constant 0 : i32
          %dma_start3A_1590 = tpu.memref_slice %arg2[%dma_start3A_1589, %multiple_of3A_1584] : memref<64x1000000xf32, #tpu.memory_space<hbm>> -> memref<64x512xf32, #tpu.memory_space<hbm>>
          %dma_start3A_1591 = tpu.memref_slice %arg11[%rem3A_1579] : memref<3x!tpu.dma_semaphore, #tpu.memory_space<semaphore_mem>> -> memref<1x!tpu.dma_semaphore, #tpu.memory_space<semaphore_mem>>
          %dma_start3A_1592 = tpu.memref_squeeze %dma_start3A_1591 : memref<1x!tpu.dma_semaphore, #tpu.memory_space<semaphore_mem>> -> memref<!tpu.dma_semaphore, #tpu.memory_space<semaphore_mem>>
          %dma_start3A_1593 = arith.constant 0 : i32
          %dma_start3A_1594 = arith.constant 0 : i32
          %dma_start3A_1595 = tpu.memref_slice %arg8[%rem3A_1579, %dma_start3A_1593, %dma_start3A_1594] : memref<3x64x512xf32, #tpu.memory_space<vmem>> -> memref<1x64x512xf32, #tpu.memory_space<vmem>>
          %dma_start3A_1596 = tpu.memref_squeeze %dma_start3A_1595 : memref<1x64x512xf32, #tpu.memory_space<vmem>> -> memref<64x512xf32, #tpu.memory_space<vmem>>
          %dma_start3A_1597 = arith.constant 0 : i32
          %dma_start3A_1598 = tpu.memref_slice %arg2[%dma_start3A_1597, %multiple_of3A_1584] : memref<64x1000000xf32, #tpu.memory_space<hbm>> -> memref<64x512xf32, #tpu.memory_space<hbm>>
          tpu.enqueue_dma source(%dma_start3A_1598 : memref<64x512xf32, #tpu.memory_space<hbm>>) target(%dma_start3A_1596 : memref<64x512xf32, #tpu.memory_space<vmem>>) target_semaphore(%dma_start3A_1592 : memref<!tpu.dma_semaphore, #tpu.memory_space<semaphore_mem>>)
          %rem3A_1599 = arith.constant 3 : i32
          %rem3A_1600 = arith.remsi %while3A_1574, %rem3A_1599 : i32
          %mul3A_1601 = arith.constant 512 : i32
          %mul3A_1602 = arith.muli %while3A_1574, %mul3A_1601 : i32
          %min3A_1603 = arith.constant 999552 : i32
          %min3A_1604 = arith.minsi %mul3A_1602, %min3A_1603 : i32
          %multiple_of3A_1605 = tpu.assume_multiple %min3A_1604, 128 : i32
          %dma_wait3A_1606 = arith.constant 0 : i32
          %dma_wait3A_1607 = arith.constant 0 : i32
          %dma_wait3A_1608 = tpu.memref_slice %arg8[%rem3A_1600, %dma_wait3A_1606, %dma_wait3A_1607] : memref<3x64x512xf32, #tpu.memory_space<vmem>> -> memref<1x64x512xf32, #tpu.memory_space<vmem>>
          %dma_wait3A_1609 = tpu.memref_squeeze %dma_wait3A_1608 : memref<1x64x512xf32, #tpu.memory_space<vmem>> -> memref<64x512xf32, #tpu.memory_space<vmem>>
          %dma_wait3A_1610 = arith.constant 0 : i32
          %dma_wait3A_1611 = tpu.memref_slice %arg2[%dma_wait3A_1610, %multiple_of3A_1605] : memref<64x1000000xf32, #tpu.memory_space<hbm>> -> memref<64x512xf32, #tpu.memory_space<hbm>>
          %dma_wait3A_1612 = tpu.memref_slice %arg11[%rem3A_1600] : memref<3x!tpu.dma_semaphore, #tpu.memory_space<semaphore_mem>> -> memref<1x!tpu.dma_semaphore, #tpu.memory_space<semaphore_mem>>
          %dma_wait3A_1613 = tpu.memref_squeeze %dma_wait3A_1612 : memref<1x!tpu.dma_semaphore, #tpu.memory_space<semaphore_mem>> -> memref<!tpu.dma_semaphore, #tpu.memory_space<semaphore_mem>>
          %dma_wait3A_1614 = arith.constant 0 : i32
          %dma_wait3A_1615 = arith.constant 0 : i32
          %dma_wait3A_1616 = tpu.memref_slice %arg8[%rem3A_1600, %dma_wait3A_1614, %dma_wait3A_1615] : memref<3x64x512xf32, #tpu.memory_space<vmem>> -> memref<1x64x512xf32, #tpu.memory_space<vmem>>
          %dma_wait3A_1617 = tpu.memref_squeeze %dma_wait3A_1616 : memref<1x64x512xf32, #tpu.memory_space<vmem>> -> memref<64x512xf32, #tpu.memory_space<vmem>>
          %dma_wait3A_1618 = arith.constant 0 : i32
          %dma_wait3A_1619 = tpu.memref_slice %arg2[%dma_wait3A_1618, %multiple_of3A_1605] : memref<64x1000000xf32, #tpu.memory_space<hbm>> -> memref<64x512xf32, #tpu.memory_space<hbm>>
          tpu.wait_dma2 semaphore(%dma_wait3A_1613 : memref<!tpu.dma_semaphore, #tpu.memory_space<semaphore_mem>>) src(%dma_wait3A_1619 : memref<64x512xf32, #tpu.memory_space<hbm>>) dst(%dma_wait3A_1617 : memref<64x512xf32, #tpu.memory_space<vmem>>)
        }
        %max3A_511 = arith.maxsi %max3A_421, %shift_right_logical3A_497 : i32
        %rem3A_512 = arith.constant 3 : i32
        %rem3A_513 = arith.remsi %shift_right_logical3A_497, %rem3A_512 : i32
        %mul3A_514 = arith.constant 512 : i32
        %mul3A_515 = arith.muli %shift_right_logical3A_497, %mul3A_514 : i32
        %min3A_516 = arith.constant 999552 : i32
        %min3A_517 = arith.minsi %mul3A_515, %min3A_516 : i32
        %sub3A_518 = arith.subi %squeeze3A_495, %min3A_517 : i32
        %broadcast_in_dim3A_519 = vector.broadcast %sub3A_518 : i32 to vector<16xi32>
        %iota3A_520 = tpu.iota {dimensions = array<i32: 0>} : vector<16xi32>
        %add3A_521 = arith.constant 0 : i32
        %add3A_522 = vector.broadcast %add3A_521 : i32 to vector<16xi32>
        %add3A_523 = arith.addi %iota3A_520, %add3A_522 : vector<16xi32>
        %gather3A_524 = arith.constant 0 : i32
        %gather3A_525 = arith.constant 0 : i32
        %gather3A_526 = tpu.memref_slice %arg8[%rem3A_513, %gather3A_524, %gather3A_525] : memref<3x64x512xf32, #tpu.memory_space<vmem>> -> memref<1x64x512xf32, #tpu.memory_space<vmem>>
        %gather3A_527 = tpu.memref_squeeze %gather3A_526 : memref<1x64x512xf32, #tpu.memory_space<vmem>> -> memref<64x512xf32, #tpu.memory_space<vmem>>
        %gather3A_528 = tpu.vector_load_idx %gather3A_527[%add3A_523, %broadcast_in_dim3A_519] : memref<64x512xf32, #tpu.memory_space<vmem>>[vector<16xi32>, vector<16xi32>], vector<16xf32>,
        %mul3A_529 = arith.constant 16 : i32
        %mul3A_530 = arith.muli %scan3A_121, %mul3A_529 : i32
        %add3A_531 = arith.constant 4 : i32
        %add3A_532 = arith.addi %mul3A_530, %add3A_531 : i32
        %swap3A_533 = arith.index_cast %add3A_532 : i32 to index
        %swap3A_534 = arith.constant 0 : index
        %swap3A_535 = tpu.vector_load %arg9[%swap3A_533, %swap3A_534] {strides = array<i32>} : memref<128x128xf32, #tpu.memory_space<vmem>>, vector<16xf32>,
        tpu.vector_store %arg9[%swap3A_533, %swap3A_534], %gather3A_528 {strides = array<i32>} : memref<128x128xf32, #tpu.memory_space<vmem>>, vector<16xf32>,
        %iota3A_536 = tpu.iota {dimensions = array<i32: 0>} : vector<16xi32>
        %add3A_537 = arith.constant 16 : i32
        %add3A_538 = vector.broadcast %add3A_537 : i32 to vector<16xi32>
        %add3A_539 = arith.addi %iota3A_536, %add3A_538 : vector<16xi32>
        %gather3A_540 = arith.constant 0 : i32
        %gather3A_541 = arith.constant 0 : i32
        %gather3A_542 = tpu.memref_slice %arg8[%rem3A_513, %gather3A_540, %gather3A_541] : memref<3x64x512xf32, #tpu.memory_space<vmem>> -> memref<1x64x512xf32, #tpu.memory_space<vmem>>
        %gather3A_543 = tpu.memref_squeeze %gather3A_542 : memref<1x64x512xf32, #tpu.memory_space<vmem>> -> memref<64x512xf32, #tpu.memory_space<vmem>>
        %gather3A_544 = tpu.vector_load_idx %gather3A_543[%add3A_539, %broadcast_in_dim3A_519] : memref<64x512xf32, #tpu.memory_space<vmem>>[vector<16xi32>, vector<16xi32>], vector<16xf32>,
        %mul3A_545 = arith.constant 16 : i32
        %mul3A_546 = arith.muli %scan3A_121, %mul3A_545 : i32
        %add3A_547 = arith.constant 4 : i32
        %add3A_548 = arith.addi %mul3A_546, %add3A_547 : i32
        %swap3A_549 = arith.index_cast %add3A_548 : i32 to index
        %swap3A_550 = arith.constant 16 : index
        %swap3A_551 = tpu.vector_load %arg9[%swap3A_549, %swap3A_550] {strides = array<i32>} : memref<128x128xf32, #tpu.memory_space<vmem>>, vector<16xf32>,
        tpu.vector_store %arg9[%swap3A_549, %swap3A_550], %gather3A_544 {strides = array<i32>} : memref<128x128xf32, #tpu.memory_space<vmem>>, vector<16xf32>,
        %iota3A_552 = tpu.iota {dimensions = array<i32: 0>} : vector<16xi32>
        %add3A_553 = arith.constant 32 : i32
        %add3A_554 = vector.broadcast %add3A_553 : i32 to vector<16xi32>
        %add3A_555 = arith.addi %iota3A_552, %add3A_554 : vector<16xi32>
        %gather3A_556 = arith.constant 0 : i32
        %gather3A_557 = arith.constant 0 : i32
        %gather3A_558 = tpu.memref_slice %arg8[%rem3A_513, %gather3A_556, %gather3A_557] : memref<3x64x512xf32, #tpu.memory_space<vmem>> -> memref<1x64x512xf32, #tpu.memory_space<vmem>>
        %gather3A_559 = tpu.memref_squeeze %gather3A_558 : memref<1x64x512xf32, #tpu.memory_space<vmem>> -> memref<64x512xf32, #tpu.memory_space<vmem>>
        %gather3A_560 = tpu.vector_load_idx %gather3A_559[%add3A_555, %broadcast_in_dim3A_519] : memref<64x512xf32, #tpu.memory_space<vmem>>[vector<16xi32>, vector<16xi32>], vector<16xf32>,
        %mul3A_561 = arith.constant 16 : i32
        %mul3A_562 = arith.muli %scan3A_121, %mul3A_561 : i32
        %add3A_563 = arith.constant 4 : i32
        %add3A_564 = arith.addi %mul3A_562, %add3A_563 : i32
        %swap3A_565 = arith.index_cast %add3A_564 : i32 to index
        %swap3A_566 = arith.constant 32 : index
        %swap3A_567 = tpu.vector_load %arg9[%swap3A_565, %swap3A_566] {strides = array<i32>} : memref<128x128xf32, #tpu.memory_space<vmem>>, vector<16xf32>,
        tpu.vector_store %arg9[%swap3A_565, %swap3A_566], %gather3A_560 {strides = array<i32>} : memref<128x128xf32, #tpu.memory_space<vmem>>, vector<16xf32>,
        %iota3A_568 = tpu.iota {dimensions = array<i32: 0>} : vector<16xi32>
        %add3A_569 = arith.constant 48 : i32
        %add3A_570 = vector.broadcast %add3A_569 : i32 to vector<16xi32>
        %add3A_571 = arith.addi %iota3A_568, %add3A_570 : vector<16xi32>
        %gather3A_572 = arith.constant 0 : i32
        %gather3A_573 = arith.constant 0 : i32
        %gather3A_574 = tpu.memref_slice %arg8[%rem3A_513, %gather3A_572, %gather3A_573] : memref<3x64x512xf32, #tpu.memory_space<vmem>> -> memref<1x64x512xf32, #tpu.memory_space<vmem>>
        %gather3A_575 = tpu.memref_squeeze %gather3A_574 : memref<1x64x512xf32, #tpu.memory_space<vmem>> -> memref<64x512xf32, #tpu.memory_space<vmem>>
        %gather3A_576 = tpu.vector_load_idx %gather3A_575[%add3A_571, %broadcast_in_dim3A_519] : memref<64x512xf32, #tpu.memory_space<vmem>>[vector<16xi32>, vector<16xi32>], vector<16xf32>,
        %mul3A_577 = arith.constant 16 : i32
        %mul3A_578 = arith.muli %scan3A_121, %mul3A_577 : i32
        %add3A_579 = arith.constant 4 : i32
        %add3A_580 = arith.addi %mul3A_578, %add3A_579 : i32
        %swap3A_581 = arith.index_cast %add3A_580 : i32 to index
        %swap3A_582 = arith.constant 48 : index
        %swap3A_583 = tpu.vector_load %arg9[%swap3A_581, %swap3A_582] {strides = array<i32>} : memref<128x128xf32, #tpu.memory_space<vmem>>, vector<16xf32>,
        tpu.vector_store %arg9[%swap3A_581, %swap3A_582], %gather3A_576 {strides = array<i32>} : memref<128x128xf32, #tpu.memory_space<vmem>>, vector<16xf32>,
        %slice3A_584 = vector.extract_strided_slice %get3A_129 {offsets = [5], sizes = [1], strides = [1]} : vector<16xi32> to vector<1xi32>
        %squeeze3A_585 = vector.extract %slice3A_584[0] : i32 from vector<1xi32>
        %shift_right_logical3A_586 = arith.constant 9 : i32
        %shift_right_logical3A_587 = arith.shrui %squeeze3A_585, %shift_right_logical3A_586 : i32
        %add3A_588 = arith.constant 1 : i32
        %add3A_589 = arith.addi %max3A_511, %add3A_588 : i32
        %add3A_590 = arith.constant 1 : i32
        %add3A_591 = arith.addi %shift_right_logical3A_587, %add3A_590 : i32
        %while3A_592 = arith.constant 0 : i32
        %while3A_593 = arith.subi %add3A_591, %add3A_589 : i32
        %while3A_594 = arith.addi %add3A_589, %while3A_593 : i32
        %while3A_595 = arith.constant 1 : i32
        %while3A_596 = arith.divsi %while3A_593, %while3A_595 : i32
        %while3A_597 = arith.muli %while3A_596, %while3A_595 : i32
        %while3A_598 = arith.addi %add3A_589, %while3A_597 : i32
        %while3A_599 = arith.constant 1 : i32
        scf.for %while3A_1574 = %add3A_589 to %while3A_598 step %while3A_599  : i32 {
          %add3A_1575 = arith.constant 2 : i32
          %add3A_1576 = arith.addi %while3A_1574, %add3A_1575 : i32
          %min3A_1577 = arith.minsi %add3A_1576, %shift_right_logical3A_10 : i32
          %rem3A_1578 = arith.constant 3 : i32
          %rem3A_1579 = arith.remsi %min3A_1577, %rem3A_1578 : i32
          %mul3A_1580 = arith.constant 512 : i32
          %mul3A_1581 = arith.muli %min3A_1577, %mul3A_1580 : i32
          %min3A_1582 = arith.constant 999552 : i32
          %min3A_1583 = arith.minsi %mul3A_1581, %min3A_1582 : i32
          %multiple_of3A_1584 = tpu.assume_multiple %min3A_1583, 128 : i32
          %dma_start3A_1585 = arith.constant 0 : i32
          %dma_start3A_1586 = arith.constant 0 : i32
          %dma_start3A_1587 = tpu.memref_slice %arg8[%rem3A_1579, %dma_start3A_1585, %dma_start3A_1586] : memref<3x64x512xf32, #tpu.memory_space<vmem>> -> memref<1x64x512xf32, #tpu.memory_space<vmem>>
          %dma_start3A_1588 = tpu.memref_squeeze %dma_start3A_1587 : memref<1x64x512xf32, #tpu.memory_space<vmem>> -> memref<64x512xf32, #tpu.memory_space<vmem>>
          %dma_start3A_1589 = arith.constant 0 : i32
          %dma_start3A_1590 = tpu.memref_slice %arg2[%dma_start3A_1589, %multiple_of3A_1584] : memref<64x1000000xf32, #tpu.memory_space<hbm>> -> memref<64x512xf32, #tpu.memory_space<hbm>>
          %dma_start3A_1591 = tpu.memref_slice %arg11[%rem3A_1579] : memref<3x!tpu.dma_semaphore, #tpu.memory_space<semaphore_mem>> -> memref<1x!tpu.dma_semaphore, #tpu.memory_space<semaphore_mem>>
          %dma_start3A_1592 = tpu.memref_squeeze %dma_start3A_1591 : memref<1x!tpu.dma_semaphore, #tpu.memory_space<semaphore_mem>> -> memref<!tpu.dma_semaphore, #tpu.memory_space<semaphore_mem>>
          %dma_start3A_1593 = arith.constant 0 : i32
          %dma_start3A_1594 = arith.constant 0 : i32
          %dma_start3A_1595 = tpu.memref_slice %arg8[%rem3A_1579, %dma_start3A_1593, %dma_start3A_1594] : memref<3x64x512xf32, #tpu.memory_space<vmem>> -> memref<1x64x512xf32, #tpu.memory_space<vmem>>
          %dma_start3A_1596 = tpu.memref_squeeze %dma_start3A_1595 : memref<1x64x512xf32, #tpu.memory_space<vmem>> -> memref<64x512xf32, #tpu.memory_space<vmem>>
          %dma_start3A_1597 = arith.constant 0 : i32
          %dma_start3A_1598 = tpu.memref_slice %arg2[%dma_start3A_1597, %multiple_of3A_1584] : memref<64x1000000xf32, #tpu.memory_space<hbm>> -> memref<64x512xf32, #tpu.memory_space<hbm>>
          tpu.enqueue_dma source(%dma_start3A_1598 : memref<64x512xf32, #tpu.memory_space<hbm>>) target(%dma_start3A_1596 : memref<64x512xf32, #tpu.memory_space<vmem>>) target_semaphore(%dma_start3A_1592 : memref<!tpu.dma_semaphore, #tpu.memory_space<semaphore_mem>>)
          %rem3A_1599 = arith.constant 3 : i32
          %rem3A_1600 = arith.remsi %while3A_1574, %rem3A_1599 : i32
          %mul3A_1601 = arith.constant 512 : i32
          %mul3A_1602 = arith.muli %while3A_1574, %mul3A_1601 : i32
          %min3A_1603 = arith.constant 999552 : i32
          %min3A_1604 = arith.minsi %mul3A_1602, %min3A_1603 : i32
          %multiple_of3A_1605 = tpu.assume_multiple %min3A_1604, 128 : i32
          %dma_wait3A_1606 = arith.constant 0 : i32
          %dma_wait3A_1607 = arith.constant 0 : i32
          %dma_wait3A_1608 = tpu.memref_slice %arg8[%rem3A_1600, %dma_wait3A_1606, %dma_wait3A_1607] : memref<3x64x512xf32, #tpu.memory_space<vmem>> -> memref<1x64x512xf32, #tpu.memory_space<vmem>>
          %dma_wait3A_1609 = tpu.memref_squeeze %dma_wait3A_1608 : memref<1x64x512xf32, #tpu.memory_space<vmem>> -> memref<64x512xf32, #tpu.memory_space<vmem>>
          %dma_wait3A_1610 = arith.constant 0 : i32
          %dma_wait3A_1611 = tpu.memref_slice %arg2[%dma_wait3A_1610, %multiple_of3A_1605] : memref<64x1000000xf32, #tpu.memory_space<hbm>> -> memref<64x512xf32, #tpu.memory_space<hbm>>
          %dma_wait3A_1612 = tpu.memref_slice %arg11[%rem3A_1600] : memref<3x!tpu.dma_semaphore, #tpu.memory_space<semaphore_mem>> -> memref<1x!tpu.dma_semaphore, #tpu.memory_space<semaphore_mem>>
          %dma_wait3A_1613 = tpu.memref_squeeze %dma_wait3A_1612 : memref<1x!tpu.dma_semaphore, #tpu.memory_space<semaphore_mem>> -> memref<!tpu.dma_semaphore, #tpu.memory_space<semaphore_mem>>
          %dma_wait3A_1614 = arith.constant 0 : i32
          %dma_wait3A_1615 = arith.constant 0 : i32
          %dma_wait3A_1616 = tpu.memref_slice %arg8[%rem3A_1600, %dma_wait3A_1614, %dma_wait3A_1615] : memref<3x64x512xf32, #tpu.memory_space<vmem>> -> memref<1x64x512xf32, #tpu.memory_space<vmem>>
          %dma_wait3A_1617 = tpu.memref_squeeze %dma_wait3A_1616 : memref<1x64x512xf32, #tpu.memory_space<vmem>> -> memref<64x512xf32, #tpu.memory_space<vmem>>
          %dma_wait3A_1618 = arith.constant 0 : i32
          %dma_wait3A_1619 = tpu.memref_slice %arg2[%dma_wait3A_1618, %multiple_of3A_1605] : memref<64x1000000xf32, #tpu.memory_space<hbm>> -> memref<64x512xf32, #tpu.memory_space<hbm>>
          tpu.wait_dma2 semaphore(%dma_wait3A_1613 : memref<!tpu.dma_semaphore, #tpu.memory_space<semaphore_mem>>) src(%dma_wait3A_1619 : memref<64x512xf32, #tpu.memory_space<hbm>>) dst(%dma_wait3A_1617 : memref<64x512xf32, #tpu.memory_space<vmem>>)
        }
        %while3A_600 = arith.constant 1 : i32
        scf.for %while3A_1574 = %while3A_598 to %while3A_594 step %while3A_600  : i32 {
          %add3A_1575 = arith.constant 2 : i32
          %add3A_1576 = arith.addi %while3A_1574, %add3A_1575 : i32
          %min3A_1577 = arith.minsi %add3A_1576, %shift_right_logical3A_10 : i32
          %rem3A_1578 = arith.constant 3 : i32
          %rem3A_1579 = arith.remsi %min3A_1577, %rem3A_1578 : i32
          %mul3A_1580 = arith.constant 512 : i32
          %mul3A_1581 = arith.muli %min3A_1577, %mul3A_1580 : i32
          %min3A_1582 = arith.constant 999552 : i32
          %min3A_1583 = arith.minsi %mul3A_1581, %min3A_1582 : i32
          %multiple_of3A_1584 = tpu.assume_multiple %min3A_1583, 128 : i32
          %dma_start3A_1585 = arith.constant 0 : i32
          %dma_start3A_1586 = arith.constant 0 : i32
          %dma_start3A_1587 = tpu.memref_slice %arg8[%rem3A_1579, %dma_start3A_1585, %dma_start3A_1586] : memref<3x64x512xf32, #tpu.memory_space<vmem>> -> memref<1x64x512xf32, #tpu.memory_space<vmem>>
          %dma_start3A_1588 = tpu.memref_squeeze %dma_start3A_1587 : memref<1x64x512xf32, #tpu.memory_space<vmem>> -> memref<64x512xf32, #tpu.memory_space<vmem>>
          %dma_start3A_1589 = arith.constant 0 : i32
          %dma_start3A_1590 = tpu.memref_slice %arg2[%dma_start3A_1589, %multiple_of3A_1584] : memref<64x1000000xf32, #tpu.memory_space<hbm>> -> memref<64x512xf32, #tpu.memory_space<hbm>>
          %dma_start3A_1591 = tpu.memref_slice %arg11[%rem3A_1579] : memref<3x!tpu.dma_semaphore, #tpu.memory_space<semaphore_mem>> -> memref<1x!tpu.dma_semaphore, #tpu.memory_space<semaphore_mem>>
          %dma_start3A_1592 = tpu.memref_squeeze %dma_start3A_1591 : memref<1x!tpu.dma_semaphore, #tpu.memory_space<semaphore_mem>> -> memref<!tpu.dma_semaphore, #tpu.memory_space<semaphore_mem>>
          %dma_start3A_1593 = arith.constant 0 : i32
          %dma_start3A_1594 = arith.constant 0 : i32
          %dma_start3A_1595 = tpu.memref_slice %arg8[%rem3A_1579, %dma_start3A_1593, %dma_start3A_1594] : memref<3x64x512xf32, #tpu.memory_space<vmem>> -> memref<1x64x512xf32, #tpu.memory_space<vmem>>
          %dma_start3A_1596 = tpu.memref_squeeze %dma_start3A_1595 : memref<1x64x512xf32, #tpu.memory_space<vmem>> -> memref<64x512xf32, #tpu.memory_space<vmem>>
          %dma_start3A_1597 = arith.constant 0 : i32
          %dma_start3A_1598 = tpu.memref_slice %arg2[%dma_start3A_1597, %multiple_of3A_1584] : memref<64x1000000xf32, #tpu.memory_space<hbm>> -> memref<64x512xf32, #tpu.memory_space<hbm>>
          tpu.enqueue_dma source(%dma_start3A_1598 : memref<64x512xf32, #tpu.memory_space<hbm>>) target(%dma_start3A_1596 : memref<64x512xf32, #tpu.memory_space<vmem>>) target_semaphore(%dma_start3A_1592 : memref<!tpu.dma_semaphore, #tpu.memory_space<semaphore_mem>>)
          %rem3A_1599 = arith.constant 3 : i32
          %rem3A_1600 = arith.remsi %while3A_1574, %rem3A_1599 : i32
          %mul3A_1601 = arith.constant 512 : i32
          %mul3A_1602 = arith.muli %while3A_1574, %mul3A_1601 : i32
          %min3A_1603 = arith.constant 999552 : i32
          %min3A_1604 = arith.minsi %mul3A_1602, %min3A_1603 : i32
          %multiple_of3A_1605 = tpu.assume_multiple %min3A_1604, 128 : i32
          %dma_wait3A_1606 = arith.constant 0 : i32
          %dma_wait3A_1607 = arith.constant 0 : i32
          %dma_wait3A_1608 = tpu.memref_slice %arg8[%rem3A_1600, %dma_wait3A_1606, %dma_wait3A_1607] : memref<3x64x512xf32, #tpu.memory_space<vmem>> -> memref<1x64x512xf32, #tpu.memory_space<vmem>>
          %dma_wait3A_1609 = tpu.memref_squeeze %dma_wait3A_1608 : memref<1x64x512xf32, #tpu.memory_space<vmem>> -> memref<64x512xf32, #tpu.memory_space<vmem>>
          %dma_wait3A_1610 = arith.constant 0 : i32
          %dma_wait3A_1611 = tpu.memref_slice %arg2[%dma_wait3A_1610, %multiple_of3A_1605] : memref<64x1000000xf32, #tpu.memory_space<hbm>> -> memref<64x512xf32, #tpu.memory_space<hbm>>
          %dma_wait3A_1612 = tpu.memref_slice %arg11[%rem3A_1600] : memref<3x!tpu.dma_semaphore, #tpu.memory_space<semaphore_mem>> -> memref<1x!tpu.dma_semaphore, #tpu.memory_space<semaphore_mem>>
          %dma_wait3A_1613 = tpu.memref_squeeze %dma_wait3A_1612 : memref<1x!tpu.dma_semaphore, #tpu.memory_space<semaphore_mem>> -> memref<!tpu.dma_semaphore, #tpu.memory_space<semaphore_mem>>
          %dma_wait3A_1614 = arith.constant 0 : i32
          %dma_wait3A_1615 = arith.constant 0 : i32
          %dma_wait3A_1616 = tpu.memref_slice %arg8[%rem3A_1600, %dma_wait3A_1614, %dma_wait3A_1615] : memref<3x64x512xf32, #tpu.memory_space<vmem>> -> memref<1x64x512xf32, #tpu.memory_space<vmem>>
          %dma_wait3A_1617 = tpu.memref_squeeze %dma_wait3A_1616 : memref<1x64x512xf32, #tpu.memory_space<vmem>> -> memref<64x512xf32, #tpu.memory_space<vmem>>
          %dma_wait3A_1618 = arith.constant 0 : i32
          %dma_wait3A_1619 = tpu.memref_slice %arg2[%dma_wait3A_1618, %multiple_of3A_1605] : memref<64x1000000xf32, #tpu.memory_space<hbm>> -> memref<64x512xf32, #tpu.memory_space<hbm>>
          tpu.wait_dma2 semaphore(%dma_wait3A_1613 : memref<!tpu.dma_semaphore, #tpu.memory_space<semaphore_mem>>) src(%dma_wait3A_1619 : memref<64x512xf32, #tpu.memory_space<hbm>>) dst(%dma_wait3A_1617 : memref<64x512xf32, #tpu.memory_space<vmem>>)
        }
        %max3A_601 = arith.maxsi %max3A_511, %shift_right_logical3A_587 : i32
        %rem3A_602 = arith.constant 3 : i32
        %rem3A_603 = arith.remsi %shift_right_logical3A_587, %rem3A_602 : i32
        %mul3A_604 = arith.constant 512 : i32
        %mul3A_605 = arith.muli %shift_right_logical3A_587, %mul3A_604 : i32
        %min3A_606 = arith.constant 999552 : i32
        %min3A_607 = arith.minsi %mul3A_605, %min3A_606 : i32
        %sub3A_608 = arith.subi %squeeze3A_585, %min3A_607 : i32
        %broadcast_in_dim3A_609 = vector.broadcast %sub3A_608 : i32 to vector<16xi32>
        %iota3A_610 = tpu.iota {dimensions = array<i32: 0>} : vector<16xi32>
        %add3A_611 = arith.constant 0 : i32
        %add3A_612 = vector.broadcast %add3A_611 : i32 to vector<16xi32>
        %add3A_613 = arith.addi %iota3A_610, %add3A_612 : vector<16xi32>
        %gather3A_614 = arith.constant 0 : i32
        %gather3A_615 = arith.constant 0 : i32
        %gather3A_616 = tpu.memref_slice %arg8[%rem3A_603, %gather3A_614, %gather3A_615] : memref<3x64x512xf32, #tpu.memory_space<vmem>> -> memref<1x64x512xf32, #tpu.memory_space<vmem>>
        %gather3A_617 = tpu.memref_squeeze %gather3A_616 : memref<1x64x512xf32, #tpu.memory_space<vmem>> -> memref<64x512xf32, #tpu.memory_space<vmem>>
        %gather3A_618 = tpu.vector_load_idx %gather3A_617[%add3A_613, %broadcast_in_dim3A_609] : memref<64x512xf32, #tpu.memory_space<vmem>>[vector<16xi32>, vector<16xi32>], vector<16xf32>,
        %mul3A_619 = arith.constant 16 : i32
        %mul3A_620 = arith.muli %scan3A_121, %mul3A_619 : i32
        %add3A_621 = arith.constant 5 : i32
        %add3A_622 = arith.addi %mul3A_620, %add3A_621 : i32
        %swap3A_623 = arith.index_cast %add3A_622 : i32 to index
        %swap3A_624 = arith.constant 0 : index
        %swap3A_625 = tpu.vector_load %arg9[%swap3A_623, %swap3A_624] {strides = array<i32>} : memref<128x128xf32, #tpu.memory_space<vmem>>, vector<16xf32>,
        tpu.vector_store %arg9[%swap3A_623, %swap3A_624], %gather3A_618 {strides = array<i32>} : memref<128x128xf32, #tpu.memory_space<vmem>>, vector<16xf32>,
        %iota3A_626 = tpu.iota {dimensions = array<i32: 0>} : vector<16xi32>
        %add3A_627 = arith.constant 16 : i32
        %add3A_628 = vector.broadcast %add3A_627 : i32 to vector<16xi32>
        %add3A_629 = arith.addi %iota3A_626, %add3A_628 : vector<16xi32>
        %gather3A_630 = arith.constant 0 : i32
        %gather3A_631 = arith.constant 0 : i32
        %gather3A_632 = tpu.memref_slice %arg8[%rem3A_603, %gather3A_630, %gather3A_631] : memref<3x64x512xf32, #tpu.memory_space<vmem>> -> memref<1x64x512xf32, #tpu.memory_space<vmem>>
        %gather3A_633 = tpu.memref_squeeze %gather3A_632 : memref<1x64x512xf32, #tpu.memory_space<vmem>> -> memref<64x512xf32, #tpu.memory_space<vmem>>
        %gather3A_634 = tpu.vector_load_idx %gather3A_633[%add3A_629, %broadcast_in_dim3A_609] : memref<64x512xf32, #tpu.memory_space<vmem>>[vector<16xi32>, vector<16xi32>], vector<16xf32>,
        %mul3A_635 = arith.constant 16 : i32
        %mul3A_636 = arith.muli %scan3A_121, %mul3A_635 : i32
        %add3A_637 = arith.constant 5 : i32
        %add3A_638 = arith.addi %mul3A_636, %add3A_637 : i32
        %swap3A_639 = arith.index_cast %add3A_638 : i32 to index
        %swap3A_640 = arith.constant 16 : index
        %swap3A_641 = tpu.vector_load %arg9[%swap3A_639, %swap3A_640] {strides = array<i32>} : memref<128x128xf32, #tpu.memory_space<vmem>>, vector<16xf32>,
        tpu.vector_store %arg9[%swap3A_639, %swap3A_640], %gather3A_634 {strides = array<i32>} : memref<128x128xf32, #tpu.memory_space<vmem>>, vector<16xf32>,
        %iota3A_642 = tpu.iota {dimensions = array<i32: 0>} : vector<16xi32>
        %add3A_643 = arith.constant 32 : i32
        %add3A_644 = vector.broadcast %add3A_643 : i32 to vector<16xi32>
        %add3A_645 = arith.addi %iota3A_642, %add3A_644 : vector<16xi32>
        %gather3A_646 = arith.constant 0 : i32
        %gather3A_647 = arith.constant 0 : i32
        %gather3A_648 = tpu.memref_slice %arg8[%rem3A_603, %gather3A_646, %gather3A_647] : memref<3x64x512xf32, #tpu.memory_space<vmem>> -> memref<1x64x512xf32, #tpu.memory_space<vmem>>
        %gather3A_649 = tpu.memref_squeeze %gather3A_648 : memref<1x64x512xf32, #tpu.memory_space<vmem>> -> memref<64x512xf32, #tpu.memory_space<vmem>>
        %gather3A_650 = tpu.vector_load_idx %gather3A_649[%add3A_645, %broadcast_in_dim3A_609] : memref<64x512xf32, #tpu.memory_space<vmem>>[vector<16xi32>, vector<16xi32>], vector<16xf32>,
        %mul3A_651 = arith.constant 16 : i32
        %mul3A_652 = arith.muli %scan3A_121, %mul3A_651 : i32
        %add3A_653 = arith.constant 5 : i32
        %add3A_654 = arith.addi %mul3A_652, %add3A_653 : i32
        %swap3A_655 = arith.index_cast %add3A_654 : i32 to index
        %swap3A_656 = arith.constant 32 : index
        %swap3A_657 = tpu.vector_load %arg9[%swap3A_655, %swap3A_656] {strides = array<i32>} : memref<128x128xf32, #tpu.memory_space<vmem>>, vector<16xf32>,
        tpu.vector_store %arg9[%swap3A_655, %swap3A_656], %gather3A_650 {strides = array<i32>} : memref<128x128xf32, #tpu.memory_space<vmem>>, vector<16xf32>,
        %iota3A_658 = tpu.iota {dimensions = array<i32: 0>} : vector<16xi32>
        %add3A_659 = arith.constant 48 : i32
        %add3A_660 = vector.broadcast %add3A_659 : i32 to vector<16xi32>
        %add3A_661 = arith.addi %iota3A_658, %add3A_660 : vector<16xi32>
        %gather3A_662 = arith.constant 0 : i32
        %gather3A_663 = arith.constant 0 : i32
        %gather3A_664 = tpu.memref_slice %arg8[%rem3A_603, %gather3A_662, %gather3A_663] : memref<3x64x512xf32, #tpu.memory_space<vmem>> -> memref<1x64x512xf32, #tpu.memory_space<vmem>>
        %gather3A_665 = tpu.memref_squeeze %gather3A_664 : memref<1x64x512xf32, #tpu.memory_space<vmem>> -> memref<64x512xf32, #tpu.memory_space<vmem>>
        %gather3A_666 = tpu.vector_load_idx %gather3A_665[%add3A_661, %broadcast_in_dim3A_609] : memref<64x512xf32, #tpu.memory_space<vmem>>[vector<16xi32>, vector<16xi32>], vector<16xf32>,
        %mul3A_667 = arith.constant 16 : i32
        %mul3A_668 = arith.muli %scan3A_121, %mul3A_667 : i32
        %add3A_669 = arith.constant 5 : i32
        %add3A_670 = arith.addi %mul3A_668, %add3A_669 : i32
        %swap3A_671 = arith.index_cast %add3A_670 : i32 to index
        %swap3A_672 = arith.constant 48 : index
        %swap3A_673 = tpu.vector_load %arg9[%swap3A_671, %swap3A_672] {strides = array<i32>} : memref<128x128xf32, #tpu.memory_space<vmem>>, vector<16xf32>,
        tpu.vector_store %arg9[%swap3A_671, %swap3A_672], %gather3A_666 {strides = array<i32>} : memref<128x128xf32, #tpu.memory_space<vmem>>, vector<16xf32>,
        %slice3A_674 = vector.extract_strided_slice %get3A_129 {offsets = [6], sizes = [1], strides = [1]} : vector<16xi32> to vector<1xi32>
        %squeeze3A_675 = vector.extract %slice3A_674[0] : i32 from vector<1xi32>
        %shift_right_logical3A_676 = arith.constant 9 : i32
        %shift_right_logical3A_677 = arith.shrui %squeeze3A_675, %shift_right_logical3A_676 : i32
        %add3A_678 = arith.constant 1 : i32
        %add3A_679 = arith.addi %max3A_601, %add3A_678 : i32
        %add3A_680 = arith.constant 1 : i32
        %add3A_681 = arith.addi %shift_right_logical3A_677, %add3A_680 : i32
        %while3A_682 = arith.constant 0 : i32
        %while3A_683 = arith.subi %add3A_681, %add3A_679 : i32
        %while3A_684 = arith.addi %add3A_679, %while3A_683 : i32
        %while3A_685 = arith.constant 1 : i32
        %while3A_686 = arith.divsi %while3A_683, %while3A_685 : i32
        %while3A_687 = arith.muli %while3A_686, %while3A_685 : i32
        %while3A_688 = arith.addi %add3A_679, %while3A_687 : i32
        %while3A_689 = arith.constant 1 : i32
        scf.for %while3A_1574 = %add3A_679 to %while3A_688 step %while3A_689  : i32 {
          %add3A_1575 = arith.constant 2 : i32
          %add3A_1576 = arith.addi %while3A_1574, %add3A_1575 : i32
          %min3A_1577 = arith.minsi %add3A_1576, %shift_right_logical3A_10 : i32
          %rem3A_1578 = arith.constant 3 : i32
          %rem3A_1579 = arith.remsi %min3A_1577, %rem3A_1578 : i32
          %mul3A_1580 = arith.constant 512 : i32
          %mul3A_1581 = arith.muli %min3A_1577, %mul3A_1580 : i32
          %min3A_1582 = arith.constant 999552 : i32
          %min3A_1583 = arith.minsi %mul3A_1581, %min3A_1582 : i32
          %multiple_of3A_1584 = tpu.assume_multiple %min3A_1583, 128 : i32
          %dma_start3A_1585 = arith.constant 0 : i32
          %dma_start3A_1586 = arith.constant 0 : i32
          %dma_start3A_1587 = tpu.memref_slice %arg8[%rem3A_1579, %dma_start3A_1585, %dma_start3A_1586] : memref<3x64x512xf32, #tpu.memory_space<vmem>> -> memref<1x64x512xf32, #tpu.memory_space<vmem>>
          %dma_start3A_1588 = tpu.memref_squeeze %dma_start3A_1587 : memref<1x64x512xf32, #tpu.memory_space<vmem>> -> memref<64x512xf32, #tpu.memory_space<vmem>>
          %dma_start3A_1589 = arith.constant 0 : i32
          %dma_start3A_1590 = tpu.memref_slice %arg2[%dma_start3A_1589, %multiple_of3A_1584] : memref<64x1000000xf32, #tpu.memory_space<hbm>> -> memref<64x512xf32, #tpu.memory_space<hbm>>
          %dma_start3A_1591 = tpu.memref_slice %arg11[%rem3A_1579] : memref<3x!tpu.dma_semaphore, #tpu.memory_space<semaphore_mem>> -> memref<1x!tpu.dma_semaphore, #tpu.memory_space<semaphore_mem>>
          %dma_start3A_1592 = tpu.memref_squeeze %dma_start3A_1591 : memref<1x!tpu.dma_semaphore, #tpu.memory_space<semaphore_mem>> -> memref<!tpu.dma_semaphore, #tpu.memory_space<semaphore_mem>>
          %dma_start3A_1593 = arith.constant 0 : i32
          %dma_start3A_1594 = arith.constant 0 : i32
          %dma_start3A_1595 = tpu.memref_slice %arg8[%rem3A_1579, %dma_start3A_1593, %dma_start3A_1594] : memref<3x64x512xf32, #tpu.memory_space<vmem>> -> memref<1x64x512xf32, #tpu.memory_space<vmem>>
          %dma_start3A_1596 = tpu.memref_squeeze %dma_start3A_1595 : memref<1x64x512xf32, #tpu.memory_space<vmem>> -> memref<64x512xf32, #tpu.memory_space<vmem>>
          %dma_start3A_1597 = arith.constant 0 : i32
          %dma_start3A_1598 = tpu.memref_slice %arg2[%dma_start3A_1597, %multiple_of3A_1584] : memref<64x1000000xf32, #tpu.memory_space<hbm>> -> memref<64x512xf32, #tpu.memory_space<hbm>>
          tpu.enqueue_dma source(%dma_start3A_1598 : memref<64x512xf32, #tpu.memory_space<hbm>>) target(%dma_start3A_1596 : memref<64x512xf32, #tpu.memory_space<vmem>>) target_semaphore(%dma_start3A_1592 : memref<!tpu.dma_semaphore, #tpu.memory_space<semaphore_mem>>)
          %rem3A_1599 = arith.constant 3 : i32
          %rem3A_1600 = arith.remsi %while3A_1574, %rem3A_1599 : i32
          %mul3A_1601 = arith.constant 512 : i32
          %mul3A_1602 = arith.muli %while3A_1574, %mul3A_1601 : i32
          %min3A_1603 = arith.constant 999552 : i32
          %min3A_1604 = arith.minsi %mul3A_1602, %min3A_1603 : i32
          %multiple_of3A_1605 = tpu.assume_multiple %min3A_1604, 128 : i32
          %dma_wait3A_1606 = arith.constant 0 : i32
          %dma_wait3A_1607 = arith.constant 0 : i32
          %dma_wait3A_1608 = tpu.memref_slice %arg8[%rem3A_1600, %dma_wait3A_1606, %dma_wait3A_1607] : memref<3x64x512xf32, #tpu.memory_space<vmem>> -> memref<1x64x512xf32, #tpu.memory_space<vmem>>
          %dma_wait3A_1609 = tpu.memref_squeeze %dma_wait3A_1608 : memref<1x64x512xf32, #tpu.memory_space<vmem>> -> memref<64x512xf32, #tpu.memory_space<vmem>>
          %dma_wait3A_1610 = arith.constant 0 : i32
          %dma_wait3A_1611 = tpu.memref_slice %arg2[%dma_wait3A_1610, %multiple_of3A_1605] : memref<64x1000000xf32, #tpu.memory_space<hbm>> -> memref<64x512xf32, #tpu.memory_space<hbm>>
          %dma_wait3A_1612 = tpu.memref_slice %arg11[%rem3A_1600] : memref<3x!tpu.dma_semaphore, #tpu.memory_space<semaphore_mem>> -> memref<1x!tpu.dma_semaphore, #tpu.memory_space<semaphore_mem>>
          %dma_wait3A_1613 = tpu.memref_squeeze %dma_wait3A_1612 : memref<1x!tpu.dma_semaphore, #tpu.memory_space<semaphore_mem>> -> memref<!tpu.dma_semaphore, #tpu.memory_space<semaphore_mem>>
          %dma_wait3A_1614 = arith.constant 0 : i32
          %dma_wait3A_1615 = arith.constant 0 : i32
          %dma_wait3A_1616 = tpu.memref_slice %arg8[%rem3A_1600, %dma_wait3A_1614, %dma_wait3A_1615] : memref<3x64x512xf32, #tpu.memory_space<vmem>> -> memref<1x64x512xf32, #tpu.memory_space<vmem>>
          %dma_wait3A_1617 = tpu.memref_squeeze %dma_wait3A_1616 : memref<1x64x512xf32, #tpu.memory_space<vmem>> -> memref<64x512xf32, #tpu.memory_space<vmem>>
          %dma_wait3A_1618 = arith.constant 0 : i32
          %dma_wait3A_1619 = tpu.memref_slice %arg2[%dma_wait3A_1618, %multiple_of3A_1605] : memref<64x1000000xf32, #tpu.memory_space<hbm>> -> memref<64x512xf32, #tpu.memory_space<hbm>>
          tpu.wait_dma2 semaphore(%dma_wait3A_1613 : memref<!tpu.dma_semaphore, #tpu.memory_space<semaphore_mem>>) src(%dma_wait3A_1619 : memref<64x512xf32, #tpu.memory_space<hbm>>) dst(%dma_wait3A_1617 : memref<64x512xf32, #tpu.memory_space<vmem>>)
        }
        %while3A_690 = arith.constant 1 : i32
        scf.for %while3A_1574 = %while3A_688 to %while3A_684 step %while3A_690  : i32 {
          %add3A_1575 = arith.constant 2 : i32
          %add3A_1576 = arith.addi %while3A_1574, %add3A_1575 : i32
          %min3A_1577 = arith.minsi %add3A_1576, %shift_right_logical3A_10 : i32
          %rem3A_1578 = arith.constant 3 : i32
          %rem3A_1579 = arith.remsi %min3A_1577, %rem3A_1578 : i32
          %mul3A_1580 = arith.constant 512 : i32
          %mul3A_1581 = arith.muli %min3A_1577, %mul3A_1580 : i32
          %min3A_1582 = arith.constant 999552 : i32
          %min3A_1583 = arith.minsi %mul3A_1581, %min3A_1582 : i32
          %multiple_of3A_1584 = tpu.assume_multiple %min3A_1583, 128 : i32
          %dma_start3A_1585 = arith.constant 0 : i32
          %dma_start3A_1586 = arith.constant 0 : i32
          %dma_start3A_1587 = tpu.memref_slice %arg8[%rem3A_1579, %dma_start3A_1585, %dma_start3A_1586] : memref<3x64x512xf32, #tpu.memory_space<vmem>> -> memref<1x64x512xf32, #tpu.memory_space<vmem>>
          %dma_start3A_1588 = tpu.memref_squeeze %dma_start3A_1587 : memref<1x64x512xf32, #tpu.memory_space<vmem>> -> memref<64x512xf32, #tpu.memory_space<vmem>>
          %dma_start3A_1589 = arith.constant 0 : i32
          %dma_start3A_1590 = tpu.memref_slice %arg2[%dma_start3A_1589, %multiple_of3A_1584] : memref<64x1000000xf32, #tpu.memory_space<hbm>> -> memref<64x512xf32, #tpu.memory_space<hbm>>
          %dma_start3A_1591 = tpu.memref_slice %arg11[%rem3A_1579] : memref<3x!tpu.dma_semaphore, #tpu.memory_space<semaphore_mem>> -> memref<1x!tpu.dma_semaphore, #tpu.memory_space<semaphore_mem>>
          %dma_start3A_1592 = tpu.memref_squeeze %dma_start3A_1591 : memref<1x!tpu.dma_semaphore, #tpu.memory_space<semaphore_mem>> -> memref<!tpu.dma_semaphore, #tpu.memory_space<semaphore_mem>>
          %dma_start3A_1593 = arith.constant 0 : i32
          %dma_start3A_1594 = arith.constant 0 : i32
          %dma_start3A_1595 = tpu.memref_slice %arg8[%rem3A_1579, %dma_start3A_1593, %dma_start3A_1594] : memref<3x64x512xf32, #tpu.memory_space<vmem>> -> memref<1x64x512xf32, #tpu.memory_space<vmem>>
          %dma_start3A_1596 = tpu.memref_squeeze %dma_start3A_1595 : memref<1x64x512xf32, #tpu.memory_space<vmem>> -> memref<64x512xf32, #tpu.memory_space<vmem>>
          %dma_start3A_1597 = arith.constant 0 : i32
          %dma_start3A_1598 = tpu.memref_slice %arg2[%dma_start3A_1597, %multiple_of3A_1584] : memref<64x1000000xf32, #tpu.memory_space<hbm>> -> memref<64x512xf32, #tpu.memory_space<hbm>>
          tpu.enqueue_dma source(%dma_start3A_1598 : memref<64x512xf32, #tpu.memory_space<hbm>>) target(%dma_start3A_1596 : memref<64x512xf32, #tpu.memory_space<vmem>>) target_semaphore(%dma_start3A_1592 : memref<!tpu.dma_semaphore, #tpu.memory_space<semaphore_mem>>)
          %rem3A_1599 = arith.constant 3 : i32
          %rem3A_1600 = arith.remsi %while3A_1574, %rem3A_1599 : i32
          %mul3A_1601 = arith.constant 512 : i32
          %mul3A_1602 = arith.muli %while3A_1574, %mul3A_1601 : i32
          %min3A_1603 = arith.constant 999552 : i32
          %min3A_1604 = arith.minsi %mul3A_1602, %min3A_1603 : i32
          %multiple_of3A_1605 = tpu.assume_multiple %min3A_1604, 128 : i32
          %dma_wait3A_1606 = arith.constant 0 : i32
          %dma_wait3A_1607 = arith.constant 0 : i32
          %dma_wait3A_1608 = tpu.memref_slice %arg8[%rem3A_1600, %dma_wait3A_1606, %dma_wait3A_1607] : memref<3x64x512xf32, #tpu.memory_space<vmem>> -> memref<1x64x512xf32, #tpu.memory_space<vmem>>
          %dma_wait3A_1609 = tpu.memref_squeeze %dma_wait3A_1608 : memref<1x64x512xf32, #tpu.memory_space<vmem>> -> memref<64x512xf32, #tpu.memory_space<vmem>>
          %dma_wait3A_1610 = arith.constant 0 : i32
          %dma_wait3A_1611 = tpu.memref_slice %arg2[%dma_wait3A_1610, %multiple_of3A_1605] : memref<64x1000000xf32, #tpu.memory_space<hbm>> -> memref<64x512xf32, #tpu.memory_space<hbm>>
          %dma_wait3A_1612 = tpu.memref_slice %arg11[%rem3A_1600] : memref<3x!tpu.dma_semaphore, #tpu.memory_space<semaphore_mem>> -> memref<1x!tpu.dma_semaphore, #tpu.memory_space<semaphore_mem>>
          %dma_wait3A_1613 = tpu.memref_squeeze %dma_wait3A_1612 : memref<1x!tpu.dma_semaphore, #tpu.memory_space<semaphore_mem>> -> memref<!tpu.dma_semaphore, #tpu.memory_space<semaphore_mem>>
          %dma_wait3A_1614 = arith.constant 0 : i32
          %dma_wait3A_1615 = arith.constant 0 : i32
          %dma_wait3A_1616 = tpu.memref_slice %arg8[%rem3A_1600, %dma_wait3A_1614, %dma_wait3A_1615] : memref<3x64x512xf32, #tpu.memory_space<vmem>> -> memref<1x64x512xf32, #tpu.memory_space<vmem>>
          %dma_wait3A_1617 = tpu.memref_squeeze %dma_wait3A_1616 : memref<1x64x512xf32, #tpu.memory_space<vmem>> -> memref<64x512xf32, #tpu.memory_space<vmem>>
          %dma_wait3A_1618 = arith.constant 0 : i32
          %dma_wait3A_1619 = tpu.memref_slice %arg2[%dma_wait3A_1618, %multiple_of3A_1605] : memref<64x1000000xf32, #tpu.memory_space<hbm>> -> memref<64x512xf32, #tpu.memory_space<hbm>>
          tpu.wait_dma2 semaphore(%dma_wait3A_1613 : memref<!tpu.dma_semaphore, #tpu.memory_space<semaphore_mem>>) src(%dma_wait3A_1619 : memref<64x512xf32, #tpu.memory_space<hbm>>) dst(%dma_wait3A_1617 : memref<64x512xf32, #tpu.memory_space<vmem>>)
        }
        %max3A_691 = arith.maxsi %max3A_601, %shift_right_logical3A_677 : i32
        %rem3A_692 = arith.constant 3 : i32
        %rem3A_693 = arith.remsi %shift_right_logical3A_677, %rem3A_692 : i32
        %mul3A_694 = arith.constant 512 : i32
        %mul3A_695 = arith.muli %shift_right_logical3A_677, %mul3A_694 : i32
        %min3A_696 = arith.constant 999552 : i32
        %min3A_697 = arith.minsi %mul3A_695, %min3A_696 : i32
        %sub3A_698 = arith.subi %squeeze3A_675, %min3A_697 : i32
        %broadcast_in_dim3A_699 = vector.broadcast %sub3A_698 : i32 to vector<16xi32>
        %iota3A_700 = tpu.iota {dimensions = array<i32: 0>} : vector<16xi32>
        %add3A_701 = arith.constant 0 : i32
        %add3A_702 = vector.broadcast %add3A_701 : i32 to vector<16xi32>
        %add3A_703 = arith.addi %iota3A_700, %add3A_702 : vector<16xi32>
        %gather3A_704 = arith.constant 0 : i32
        %gather3A_705 = arith.constant 0 : i32
        %gather3A_706 = tpu.memref_slice %arg8[%rem3A_693, %gather3A_704, %gather3A_705] : memref<3x64x512xf32, #tpu.memory_space<vmem>> -> memref<1x64x512xf32, #tpu.memory_space<vmem>>
        %gather3A_707 = tpu.memref_squeeze %gather3A_706 : memref<1x64x512xf32, #tpu.memory_space<vmem>> -> memref<64x512xf32, #tpu.memory_space<vmem>>
        %gather3A_708 = tpu.vector_load_idx %gather3A_707[%add3A_703, %broadcast_in_dim3A_699] : memref<64x512xf32, #tpu.memory_space<vmem>>[vector<16xi32>, vector<16xi32>], vector<16xf32>,
        %mul3A_709 = arith.constant 16 : i32
        %mul3A_710 = arith.muli %scan3A_121, %mul3A_709 : i32
        %add3A_711 = arith.constant 6 : i32
        %add3A_712 = arith.addi %mul3A_710, %add3A_711 : i32
        %swap3A_713 = arith.index_cast %add3A_712 : i32 to index
        %swap3A_714 = arith.constant 0 : index
        %swap3A_715 = tpu.vector_load %arg9[%swap3A_713, %swap3A_714] {strides = array<i32>} : memref<128x128xf32, #tpu.memory_space<vmem>>, vector<16xf32>,
        tpu.vector_store %arg9[%swap3A_713, %swap3A_714], %gather3A_708 {strides = array<i32>} : memref<128x128xf32, #tpu.memory_space<vmem>>, vector<16xf32>,
        %iota3A_716 = tpu.iota {dimensions = array<i32: 0>} : vector<16xi32>
        %add3A_717 = arith.constant 16 : i32
        %add3A_718 = vector.broadcast %add3A_717 : i32 to vector<16xi32>
        %add3A_719 = arith.addi %iota3A_716, %add3A_718 : vector<16xi32>
        %gather3A_720 = arith.constant 0 : i32
        %gather3A_721 = arith.constant 0 : i32
        %gather3A_722 = tpu.memref_slice %arg8[%rem3A_693, %gather3A_720, %gather3A_721] : memref<3x64x512xf32, #tpu.memory_space<vmem>> -> memref<1x64x512xf32, #tpu.memory_space<vmem>>
        %gather3A_723 = tpu.memref_squeeze %gather3A_722 : memref<1x64x512xf32, #tpu.memory_space<vmem>> -> memref<64x512xf32, #tpu.memory_space<vmem>>
        %gather3A_724 = tpu.vector_load_idx %gather3A_723[%add3A_719, %broadcast_in_dim3A_699] : memref<64x512xf32, #tpu.memory_space<vmem>>[vector<16xi32>, vector<16xi32>], vector<16xf32>,
        %mul3A_725 = arith.constant 16 : i32
        %mul3A_726 = arith.muli %scan3A_121, %mul3A_725 : i32
        %add3A_727 = arith.constant 6 : i32
        %add3A_728 = arith.addi %mul3A_726, %add3A_727 : i32
        %swap3A_729 = arith.index_cast %add3A_728 : i32 to index
        %swap3A_730 = arith.constant 16 : index
        %swap3A_731 = tpu.vector_load %arg9[%swap3A_729, %swap3A_730] {strides = array<i32>} : memref<128x128xf32, #tpu.memory_space<vmem>>, vector<16xf32>,
        tpu.vector_store %arg9[%swap3A_729, %swap3A_730], %gather3A_724 {strides = array<i32>} : memref<128x128xf32, #tpu.memory_space<vmem>>, vector<16xf32>,
        %iota3A_732 = tpu.iota {dimensions = array<i32: 0>} : vector<16xi32>
        %add3A_733 = arith.constant 32 : i32
        %add3A_734 = vector.broadcast %add3A_733 : i32 to vector<16xi32>
        %add3A_735 = arith.addi %iota3A_732, %add3A_734 : vector<16xi32>
        %gather3A_736 = arith.constant 0 : i32
        %gather3A_737 = arith.constant 0 : i32
        %gather3A_738 = tpu.memref_slice %arg8[%rem3A_693, %gather3A_736, %gather3A_737] : memref<3x64x512xf32, #tpu.memory_space<vmem>> -> memref<1x64x512xf32, #tpu.memory_space<vmem>>
        %gather3A_739 = tpu.memref_squeeze %gather3A_738 : memref<1x64x512xf32, #tpu.memory_space<vmem>> -> memref<64x512xf32, #tpu.memory_space<vmem>>
        %gather3A_740 = tpu.vector_load_idx %gather3A_739[%add3A_735, %broadcast_in_dim3A_699] : memref<64x512xf32, #tpu.memory_space<vmem>>[vector<16xi32>, vector<16xi32>], vector<16xf32>,
        %mul3A_741 = arith.constant 16 : i32
        %mul3A_742 = arith.muli %scan3A_121, %mul3A_741 : i32
        %add3A_743 = arith.constant 6 : i32
        %add3A_744 = arith.addi %mul3A_742, %add3A_743 : i32
        %swap3A_745 = arith.index_cast %add3A_744 : i32 to index
        %swap3A_746 = arith.constant 32 : index
        %swap3A_747 = tpu.vector_load %arg9[%swap3A_745, %swap3A_746] {strides = array<i32>} : memref<128x128xf32, #tpu.memory_space<vmem>>, vector<16xf32>,
        tpu.vector_store %arg9[%swap3A_745, %swap3A_746], %gather3A_740 {strides = array<i32>} : memref<128x128xf32, #tpu.memory_space<vmem>>, vector<16xf32>,
        %iota3A_748 = tpu.iota {dimensions = array<i32: 0>} : vector<16xi32>
        %add3A_749 = arith.constant 48 : i32
        %add3A_750 = vector.broadcast %add3A_749 : i32 to vector<16xi32>
        %add3A_751 = arith.addi %iota3A_748, %add3A_750 : vector<16xi32>
        %gather3A_752 = arith.constant 0 : i32
        %gather3A_753 = arith.constant 0 : i32
        %gather3A_754 = tpu.memref_slice %arg8[%rem3A_693, %gather3A_752, %gather3A_753] : memref<3x64x512xf32, #tpu.memory_space<vmem>> -> memref<1x64x512xf32, #tpu.memory_space<vmem>>
        %gather3A_755 = tpu.memref_squeeze %gather3A_754 : memref<1x64x512xf32, #tpu.memory_space<vmem>> -> memref<64x512xf32, #tpu.memory_space<vmem>>
        %gather3A_756 = tpu.vector_load_idx %gather3A_755[%add3A_751, %broadcast_in_dim3A_699] : memref<64x512xf32, #tpu.memory_space<vmem>>[vector<16xi32>, vector<16xi32>], vector<16xf32>,
        %mul3A_757 = arith.constant 16 : i32
        %mul3A_758 = arith.muli %scan3A_121, %mul3A_757 : i32
        %add3A_759 = arith.constant 6 : i32
        %add3A_760 = arith.addi %mul3A_758, %add3A_759 : i32
        %swap3A_761 = arith.index_cast %add3A_760 : i32 to index
        %swap3A_762 = arith.constant 48 : index
        %swap3A_763 = tpu.vector_load %arg9[%swap3A_761, %swap3A_762] {strides = array<i32>} : memref<128x128xf32, #tpu.memory_space<vmem>>, vector<16xf32>,
        tpu.vector_store %arg9[%swap3A_761, %swap3A_762], %gather3A_756 {strides = array<i32>} : memref<128x128xf32, #tpu.memory_space<vmem>>, vector<16xf32>,
        %slice3A_764 = vector.extract_strided_slice %get3A_129 {offsets = [7], sizes = [1], strides = [1]} : vector<16xi32> to vector<1xi32>
        %squeeze3A_765 = vector.extract %slice3A_764[0] : i32 from vector<1xi32>
        %shift_right_logical3A_766 = arith.constant 9 : i32
        %shift_right_logical3A_767 = arith.shrui %squeeze3A_765, %shift_right_logical3A_766 : i32
        %add3A_768 = arith.constant 1 : i32
        %add3A_769 = arith.addi %max3A_691, %add3A_768 : i32
        %add3A_770 = arith.constant 1 : i32
        %add3A_771 = arith.addi %shift_right_logical3A_767, %add3A_770 : i32
        %while3A_772 = arith.constant 0 : i32
        %while3A_773 = arith.subi %add3A_771, %add3A_769 : i32
        %while3A_774 = arith.addi %add3A_769, %while3A_773 : i32
        %while3A_775 = arith.constant 1 : i32
        %while3A_776 = arith.divsi %while3A_773, %while3A_775 : i32
        %while3A_777 = arith.muli %while3A_776, %while3A_775 : i32
        %while3A_778 = arith.addi %add3A_769, %while3A_777 : i32
        %while3A_779 = arith.constant 1 : i32
        scf.for %while3A_1574 = %add3A_769 to %while3A_778 step %while3A_779  : i32 {
          %add3A_1575 = arith.constant 2 : i32
          %add3A_1576 = arith.addi %while3A_1574, %add3A_1575 : i32
          %min3A_1577 = arith.minsi %add3A_1576, %shift_right_logical3A_10 : i32
          %rem3A_1578 = arith.constant 3 : i32
          %rem3A_1579 = arith.remsi %min3A_1577, %rem3A_1578 : i32
          %mul3A_1580 = arith.constant 512 : i32
          %mul3A_1581 = arith.muli %min3A_1577, %mul3A_1580 : i32
          %min3A_1582 = arith.constant 999552 : i32
          %min3A_1583 = arith.minsi %mul3A_1581, %min3A_1582 : i32
          %multiple_of3A_1584 = tpu.assume_multiple %min3A_1583, 128 : i32
          %dma_start3A_1585 = arith.constant 0 : i32
          %dma_start3A_1586 = arith.constant 0 : i32
          %dma_start3A_1587 = tpu.memref_slice %arg8[%rem3A_1579, %dma_start3A_1585, %dma_start3A_1586] : memref<3x64x512xf32, #tpu.memory_space<vmem>> -> memref<1x64x512xf32, #tpu.memory_space<vmem>>
          %dma_start3A_1588 = tpu.memref_squeeze %dma_start3A_1587 : memref<1x64x512xf32, #tpu.memory_space<vmem>> -> memref<64x512xf32, #tpu.memory_space<vmem>>
          %dma_start3A_1589 = arith.constant 0 : i32
          %dma_start3A_1590 = tpu.memref_slice %arg2[%dma_start3A_1589, %multiple_of3A_1584] : memref<64x1000000xf32, #tpu.memory_space<hbm>> -> memref<64x512xf32, #tpu.memory_space<hbm>>
          %dma_start3A_1591 = tpu.memref_slice %arg11[%rem3A_1579] : memref<3x!tpu.dma_semaphore, #tpu.memory_space<semaphore_mem>> -> memref<1x!tpu.dma_semaphore, #tpu.memory_space<semaphore_mem>>
          %dma_start3A_1592 = tpu.memref_squeeze %dma_start3A_1591 : memref<1x!tpu.dma_semaphore, #tpu.memory_space<semaphore_mem>> -> memref<!tpu.dma_semaphore, #tpu.memory_space<semaphore_mem>>
          %dma_start3A_1593 = arith.constant 0 : i32
          %dma_start3A_1594 = arith.constant 0 : i32
          %dma_start3A_1595 = tpu.memref_slice %arg8[%rem3A_1579, %dma_start3A_1593, %dma_start3A_1594] : memref<3x64x512xf32, #tpu.memory_space<vmem>> -> memref<1x64x512xf32, #tpu.memory_space<vmem>>
          %dma_start3A_1596 = tpu.memref_squeeze %dma_start3A_1595 : memref<1x64x512xf32, #tpu.memory_space<vmem>> -> memref<64x512xf32, #tpu.memory_space<vmem>>
          %dma_start3A_1597 = arith.constant 0 : i32
          %dma_start3A_1598 = tpu.memref_slice %arg2[%dma_start3A_1597, %multiple_of3A_1584] : memref<64x1000000xf32, #tpu.memory_space<hbm>> -> memref<64x512xf32, #tpu.memory_space<hbm>>
          tpu.enqueue_dma source(%dma_start3A_1598 : memref<64x512xf32, #tpu.memory_space<hbm>>) target(%dma_start3A_1596 : memref<64x512xf32, #tpu.memory_space<vmem>>) target_semaphore(%dma_start3A_1592 : memref<!tpu.dma_semaphore, #tpu.memory_space<semaphore_mem>>)
          %rem3A_1599 = arith.constant 3 : i32
          %rem3A_1600 = arith.remsi %while3A_1574, %rem3A_1599 : i32
          %mul3A_1601 = arith.constant 512 : i32
          %mul3A_1602 = arith.muli %while3A_1574, %mul3A_1601 : i32
          %min3A_1603 = arith.constant 999552 : i32
          %min3A_1604 = arith.minsi %mul3A_1602, %min3A_1603 : i32
          %multiple_of3A_1605 = tpu.assume_multiple %min3A_1604, 128 : i32
          %dma_wait3A_1606 = arith.constant 0 : i32
          %dma_wait3A_1607 = arith.constant 0 : i32
          %dma_wait3A_1608 = tpu.memref_slice %arg8[%rem3A_1600, %dma_wait3A_1606, %dma_wait3A_1607] : memref<3x64x512xf32, #tpu.memory_space<vmem>> -> memref<1x64x512xf32, #tpu.memory_space<vmem>>
          %dma_wait3A_1609 = tpu.memref_squeeze %dma_wait3A_1608 : memref<1x64x512xf32, #tpu.memory_space<vmem>> -> memref<64x512xf32, #tpu.memory_space<vmem>>
          %dma_wait3A_1610 = arith.constant 0 : i32
          %dma_wait3A_1611 = tpu.memref_slice %arg2[%dma_wait3A_1610, %multiple_of3A_1605] : memref<64x1000000xf32, #tpu.memory_space<hbm>> -> memref<64x512xf32, #tpu.memory_space<hbm>>
          %dma_wait3A_1612 = tpu.memref_slice %arg11[%rem3A_1600] : memref<3x!tpu.dma_semaphore, #tpu.memory_space<semaphore_mem>> -> memref<1x!tpu.dma_semaphore, #tpu.memory_space<semaphore_mem>>
          %dma_wait3A_1613 = tpu.memref_squeeze %dma_wait3A_1612 : memref<1x!tpu.dma_semaphore, #tpu.memory_space<semaphore_mem>> -> memref<!tpu.dma_semaphore, #tpu.memory_space<semaphore_mem>>
          %dma_wait3A_1614 = arith.constant 0 : i32
          %dma_wait3A_1615 = arith.constant 0 : i32
          %dma_wait3A_1616 = tpu.memref_slice %arg8[%rem3A_1600, %dma_wait3A_1614, %dma_wait3A_1615] : memref<3x64x512xf32, #tpu.memory_space<vmem>> -> memref<1x64x512xf32, #tpu.memory_space<vmem>>
          %dma_wait3A_1617 = tpu.memref_squeeze %dma_wait3A_1616 : memref<1x64x512xf32, #tpu.memory_space<vmem>> -> memref<64x512xf32, #tpu.memory_space<vmem>>
          %dma_wait3A_1618 = arith.constant 0 : i32
          %dma_wait3A_1619 = tpu.memref_slice %arg2[%dma_wait3A_1618, %multiple_of3A_1605] : memref<64x1000000xf32, #tpu.memory_space<hbm>> -> memref<64x512xf32, #tpu.memory_space<hbm>>
          tpu.wait_dma2 semaphore(%dma_wait3A_1613 : memref<!tpu.dma_semaphore, #tpu.memory_space<semaphore_mem>>) src(%dma_wait3A_1619 : memref<64x512xf32, #tpu.memory_space<hbm>>) dst(%dma_wait3A_1617 : memref<64x512xf32, #tpu.memory_space<vmem>>)
        }
        %while3A_780 = arith.constant 1 : i32
        scf.for %while3A_1574 = %while3A_778 to %while3A_774 step %while3A_780  : i32 {
          %add3A_1575 = arith.constant 2 : i32
          %add3A_1576 = arith.addi %while3A_1574, %add3A_1575 : i32
          %min3A_1577 = arith.minsi %add3A_1576, %shift_right_logical3A_10 : i32
          %rem3A_1578 = arith.constant 3 : i32
          %rem3A_1579 = arith.remsi %min3A_1577, %rem3A_1578 : i32
          %mul3A_1580 = arith.constant 512 : i32
          %mul3A_1581 = arith.muli %min3A_1577, %mul3A_1580 : i32
          %min3A_1582 = arith.constant 999552 : i32
          %min3A_1583 = arith.minsi %mul3A_1581, %min3A_1582 : i32
          %multiple_of3A_1584 = tpu.assume_multiple %min3A_1583, 128 : i32
          %dma_start3A_1585 = arith.constant 0 : i32
          %dma_start3A_1586 = arith.constant 0 : i32
          %dma_start3A_1587 = tpu.memref_slice %arg8[%rem3A_1579, %dma_start3A_1585, %dma_start3A_1586] : memref<3x64x512xf32, #tpu.memory_space<vmem>> -> memref<1x64x512xf32, #tpu.memory_space<vmem>>
          %dma_start3A_1588 = tpu.memref_squeeze %dma_start3A_1587 : memref<1x64x512xf32, #tpu.memory_space<vmem>> -> memref<64x512xf32, #tpu.memory_space<vmem>>
          %dma_start3A_1589 = arith.constant 0 : i32
          %dma_start3A_1590 = tpu.memref_slice %arg2[%dma_start3A_1589, %multiple_of3A_1584] : memref<64x1000000xf32, #tpu.memory_space<hbm>> -> memref<64x512xf32, #tpu.memory_space<hbm>>
          %dma_start3A_1591 = tpu.memref_slice %arg11[%rem3A_1579] : memref<3x!tpu.dma_semaphore, #tpu.memory_space<semaphore_mem>> -> memref<1x!tpu.dma_semaphore, #tpu.memory_space<semaphore_mem>>
          %dma_start3A_1592 = tpu.memref_squeeze %dma_start3A_1591 : memref<1x!tpu.dma_semaphore, #tpu.memory_space<semaphore_mem>> -> memref<!tpu.dma_semaphore, #tpu.memory_space<semaphore_mem>>
          %dma_start3A_1593 = arith.constant 0 : i32
          %dma_start3A_1594 = arith.constant 0 : i32
          %dma_start3A_1595 = tpu.memref_slice %arg8[%rem3A_1579, %dma_start3A_1593, %dma_start3A_1594] : memref<3x64x512xf32, #tpu.memory_space<vmem>> -> memref<1x64x512xf32, #tpu.memory_space<vmem>>
          %dma_start3A_1596 = tpu.memref_squeeze %dma_start3A_1595 : memref<1x64x512xf32, #tpu.memory_space<vmem>> -> memref<64x512xf32, #tpu.memory_space<vmem>>
          %dma_start3A_1597 = arith.constant 0 : i32
          %dma_start3A_1598 = tpu.memref_slice %arg2[%dma_start3A_1597, %multiple_of3A_1584] : memref<64x1000000xf32, #tpu.memory_space<hbm>> -> memref<64x512xf32, #tpu.memory_space<hbm>>
          tpu.enqueue_dma source(%dma_start3A_1598 : memref<64x512xf32, #tpu.memory_space<hbm>>) target(%dma_start3A_1596 : memref<64x512xf32, #tpu.memory_space<vmem>>) target_semaphore(%dma_start3A_1592 : memref<!tpu.dma_semaphore, #tpu.memory_space<semaphore_mem>>)
          %rem3A_1599 = arith.constant 3 : i32
          %rem3A_1600 = arith.remsi %while3A_1574, %rem3A_1599 : i32
          %mul3A_1601 = arith.constant 512 : i32
          %mul3A_1602 = arith.muli %while3A_1574, %mul3A_1601 : i32
          %min3A_1603 = arith.constant 999552 : i32
          %min3A_1604 = arith.minsi %mul3A_1602, %min3A_1603 : i32
          %multiple_of3A_1605 = tpu.assume_multiple %min3A_1604, 128 : i32
          %dma_wait3A_1606 = arith.constant 0 : i32
          %dma_wait3A_1607 = arith.constant 0 : i32
          %dma_wait3A_1608 = tpu.memref_slice %arg8[%rem3A_1600, %dma_wait3A_1606, %dma_wait3A_1607] : memref<3x64x512xf32, #tpu.memory_space<vmem>> -> memref<1x64x512xf32, #tpu.memory_space<vmem>>
          %dma_wait3A_1609 = tpu.memref_squeeze %dma_wait3A_1608 : memref<1x64x512xf32, #tpu.memory_space<vmem>> -> memref<64x512xf32, #tpu.memory_space<vmem>>
          %dma_wait3A_1610 = arith.constant 0 : i32
          %dma_wait3A_1611 = tpu.memref_slice %arg2[%dma_wait3A_1610, %multiple_of3A_1605] : memref<64x1000000xf32, #tpu.memory_space<hbm>> -> memref<64x512xf32, #tpu.memory_space<hbm>>
          %dma_wait3A_1612 = tpu.memref_slice %arg11[%rem3A_1600] : memref<3x!tpu.dma_semaphore, #tpu.memory_space<semaphore_mem>> -> memref<1x!tpu.dma_semaphore, #tpu.memory_space<semaphore_mem>>
          %dma_wait3A_1613 = tpu.memref_squeeze %dma_wait3A_1612 : memref<1x!tpu.dma_semaphore, #tpu.memory_space<semaphore_mem>> -> memref<!tpu.dma_semaphore, #tpu.memory_space<semaphore_mem>>
          %dma_wait3A_1614 = arith.constant 0 : i32
          %dma_wait3A_1615 = arith.constant 0 : i32
          %dma_wait3A_1616 = tpu.memref_slice %arg8[%rem3A_1600, %dma_wait3A_1614, %dma_wait3A_1615] : memref<3x64x512xf32, #tpu.memory_space<vmem>> -> memref<1x64x512xf32, #tpu.memory_space<vmem>>
          %dma_wait3A_1617 = tpu.memref_squeeze %dma_wait3A_1616 : memref<1x64x512xf32, #tpu.memory_space<vmem>> -> memref<64x512xf32, #tpu.memory_space<vmem>>
          %dma_wait3A_1618 = arith.constant 0 : i32
          %dma_wait3A_1619 = tpu.memref_slice %arg2[%dma_wait3A_1618, %multiple_of3A_1605] : memref<64x1000000xf32, #tpu.memory_space<hbm>> -> memref<64x512xf32, #tpu.memory_space<hbm>>
          tpu.wait_dma2 semaphore(%dma_wait3A_1613 : memref<!tpu.dma_semaphore, #tpu.memory_space<semaphore_mem>>) src(%dma_wait3A_1619 : memref<64x512xf32, #tpu.memory_space<hbm>>) dst(%dma_wait3A_1617 : memref<64x512xf32, #tpu.memory_space<vmem>>)
        }
        %max3A_781 = arith.maxsi %max3A_691, %shift_right_logical3A_767 : i32
        %rem3A_782 = arith.constant 3 : i32
        %rem3A_783 = arith.remsi %shift_right_logical3A_767, %rem3A_782 : i32
        %mul3A_784 = arith.constant 512 : i32
        %mul3A_785 = arith.muli %shift_right_logical3A_767, %mul3A_784 : i32
        %min3A_786 = arith.constant 999552 : i32
        %min3A_787 = arith.minsi %mul3A_785, %min3A_786 : i32
        %sub3A_788 = arith.subi %squeeze3A_765, %min3A_787 : i32
        %broadcast_in_dim3A_789 = vector.broadcast %sub3A_788 : i32 to vector<16xi32>
        %iota3A_790 = tpu.iota {dimensions = array<i32: 0>} : vector<16xi32>
        %add3A_791 = arith.constant 0 : i32
        %add3A_792 = vector.broadcast %add3A_791 : i32 to vector<16xi32>
        %add3A_793 = arith.addi %iota3A_790, %add3A_792 : vector<16xi32>
        %gather3A_794 = arith.constant 0 : i32
        %gather3A_795 = arith.constant 0 : i32
        %gather3A_796 = tpu.memref_slice %arg8[%rem3A_783, %gather3A_794, %gather3A_795] : memref<3x64x512xf32, #tpu.memory_space<vmem>> -> memref<1x64x512xf32, #tpu.memory_space<vmem>>
        %gather3A_797 = tpu.memref_squeeze %gather3A_796 : memref<1x64x512xf32, #tpu.memory_space<vmem>> -> memref<64x512xf32, #tpu.memory_space<vmem>>
        %gather3A_798 = tpu.vector_load_idx %gather3A_797[%add3A_793, %broadcast_in_dim3A_789] : memref<64x512xf32, #tpu.memory_space<vmem>>[vector<16xi32>, vector<16xi32>], vector<16xf32>,
        %mul3A_799 = arith.constant 16 : i32
        %mul3A_800 = arith.muli %scan3A_121, %mul3A_799 : i32
        %add3A_801 = arith.constant 7 : i32
        %add3A_802 = arith.addi %mul3A_800, %add3A_801 : i32
        %swap3A_803 = arith.index_cast %add3A_802 : i32 to index
        %swap3A_804 = arith.constant 0 : index
        %swap3A_805 = tpu.vector_load %arg9[%swap3A_803, %swap3A_804] {strides = array<i32>} : memref<128x128xf32, #tpu.memory_space<vmem>>, vector<16xf32>,
        tpu.vector_store %arg9[%swap3A_803, %swap3A_804], %gather3A_798 {strides = array<i32>} : memref<128x128xf32, #tpu.memory_space<vmem>>, vector<16xf32>,
        %iota3A_806 = tpu.iota {dimensions = array<i32: 0>} : vector<16xi32>
        %add3A_807 = arith.constant 16 : i32
        %add3A_808 = vector.broadcast %add3A_807 : i32 to vector<16xi32>
        %add3A_809 = arith.addi %iota3A_806, %add3A_808 : vector<16xi32>
        %gather3A_810 = arith.constant 0 : i32
        %gather3A_811 = arith.constant 0 : i32
        %gather3A_812 = tpu.memref_slice %arg8[%rem3A_783, %gather3A_810, %gather3A_811] : memref<3x64x512xf32, #tpu.memory_space<vmem>> -> memref<1x64x512xf32, #tpu.memory_space<vmem>>
        %gather3A_813 = tpu.memref_squeeze %gather3A_812 : memref<1x64x512xf32, #tpu.memory_space<vmem>> -> memref<64x512xf32, #tpu.memory_space<vmem>>
        %gather3A_814 = tpu.vector_load_idx %gather3A_813[%add3A_809, %broadcast_in_dim3A_789] : memref<64x512xf32, #tpu.memory_space<vmem>>[vector<16xi32>, vector<16xi32>], vector<16xf32>,
        %mul3A_815 = arith.constant 16 : i32
        %mul3A_816 = arith.muli %scan3A_121, %mul3A_815 : i32
        %add3A_817 = arith.constant 7 : i32
        %add3A_818 = arith.addi %mul3A_816, %add3A_817 : i32
        %swap3A_819 = arith.index_cast %add3A_818 : i32 to index
        %swap3A_820 = arith.constant 16 : index
        %swap3A_821 = tpu.vector_load %arg9[%swap3A_819, %swap3A_820] {strides = array<i32>} : memref<128x128xf32, #tpu.memory_space<vmem>>, vector<16xf32>,
        tpu.vector_store %arg9[%swap3A_819, %swap3A_820], %gather3A_814 {strides = array<i32>} : memref<128x128xf32, #tpu.memory_space<vmem>>, vector<16xf32>,
        %iota3A_822 = tpu.iota {dimensions = array<i32: 0>} : vector<16xi32>
        %add3A_823 = arith.constant 32 : i32
        %add3A_824 = vector.broadcast %add3A_823 : i32 to vector<16xi32>
        %add3A_825 = arith.addi %iota3A_822, %add3A_824 : vector<16xi32>
        %gather3A_826 = arith.constant 0 : i32
        %gather3A_827 = arith.constant 0 : i32
        %gather3A_828 = tpu.memref_slice %arg8[%rem3A_783, %gather3A_826, %gather3A_827] : memref<3x64x512xf32, #tpu.memory_space<vmem>> -> memref<1x64x512xf32, #tpu.memory_space<vmem>>
        %gather3A_829 = tpu.memref_squeeze %gather3A_828 : memref<1x64x512xf32, #tpu.memory_space<vmem>> -> memref<64x512xf32, #tpu.memory_space<vmem>>
        %gather3A_830 = tpu.vector_load_idx %gather3A_829[%add3A_825, %broadcast_in_dim3A_789] : memref<64x512xf32, #tpu.memory_space<vmem>>[vector<16xi32>, vector<16xi32>], vector<16xf32>,
        %mul3A_831 = arith.constant 16 : i32
        %mul3A_832 = arith.muli %scan3A_121, %mul3A_831 : i32
        %add3A_833 = arith.constant 7 : i32
        %add3A_834 = arith.addi %mul3A_832, %add3A_833 : i32
        %swap3A_835 = arith.index_cast %add3A_834 : i32 to index
        %swap3A_836 = arith.constant 32 : index
        %swap3A_837 = tpu.vector_load %arg9[%swap3A_835, %swap3A_836] {strides = array<i32>} : memref<128x128xf32, #tpu.memory_space<vmem>>, vector<16xf32>,
        tpu.vector_store %arg9[%swap3A_835, %swap3A_836], %gather3A_830 {strides = array<i32>} : memref<128x128xf32, #tpu.memory_space<vmem>>, vector<16xf32>,
        %iota3A_838 = tpu.iota {dimensions = array<i32: 0>} : vector<16xi32>
        %add3A_839 = arith.constant 48 : i32
        %add3A_840 = vector.broadcast %add3A_839 : i32 to vector<16xi32>
        %add3A_841 = arith.addi %iota3A_838, %add3A_840 : vector<16xi32>
        %gather3A_842 = arith.constant 0 : i32
        %gather3A_843 = arith.constant 0 : i32
        %gather3A_844 = tpu.memref_slice %arg8[%rem3A_783, %gather3A_842, %gather3A_843] : memref<3x64x512xf32, #tpu.memory_space<vmem>> -> memref<1x64x512xf32, #tpu.memory_space<vmem>>
        %gather3A_845 = tpu.memref_squeeze %gather3A_844 : memref<1x64x512xf32, #tpu.memory_space<vmem>> -> memref<64x512xf32, #tpu.memory_space<vmem>>
        %gather3A_846 = tpu.vector_load_idx %gather3A_845[%add3A_841, %broadcast_in_dim3A_789] : memref<64x512xf32, #tpu.memory_space<vmem>>[vector<16xi32>, vector<16xi32>], vector<16xf32>,
        %mul3A_847 = arith.constant 16 : i32
        %mul3A_848 = arith.muli %scan3A_121, %mul3A_847 : i32
        %add3A_849 = arith.constant 7 : i32
        %add3A_850 = arith.addi %mul3A_848, %add3A_849 : i32
        %swap3A_851 = arith.index_cast %add3A_850 : i32 to index
        %swap3A_852 = arith.constant 48 : index
        %swap3A_853 = tpu.vector_load %arg9[%swap3A_851, %swap3A_852] {strides = array<i32>} : memref<128x128xf32, #tpu.memory_space<vmem>>, vector<16xf32>,
        tpu.vector_store %arg9[%swap3A_851, %swap3A_852], %gather3A_846 {strides = array<i32>} : memref<128x128xf32, #tpu.memory_space<vmem>>, vector<16xf32>,
        %slice3A_854 = vector.extract_strided_slice %get3A_129 {offsets = [8], sizes = [1], strides = [1]} : vector<16xi32> to vector<1xi32>
        %squeeze3A_855 = vector.extract %slice3A_854[0] : i32 from vector<1xi32>
        %shift_right_logical3A_856 = arith.constant 9 : i32
        %shift_right_logical3A_857 = arith.shrui %squeeze3A_855, %shift_right_logical3A_856 : i32
        %add3A_858 = arith.constant 1 : i32
        %add3A_859 = arith.addi %max3A_781, %add3A_858 : i32
        %add3A_860 = arith.constant 1 : i32
        %add3A_861 = arith.addi %shift_right_logical3A_857, %add3A_860 : i32
        %while3A_862 = arith.constant 0 : i32
        %while3A_863 = arith.subi %add3A_861, %add3A_859 : i32
        %while3A_864 = arith.addi %add3A_859, %while3A_863 : i32
        %while3A_865 = arith.constant 1 : i32
        %while3A_866 = arith.divsi %while3A_863, %while3A_865 : i32
        %while3A_867 = arith.muli %while3A_866, %while3A_865 : i32
        %while3A_868 = arith.addi %add3A_859, %while3A_867 : i32
        %while3A_869 = arith.constant 1 : i32
        scf.for %while3A_1574 = %add3A_859 to %while3A_868 step %while3A_869  : i32 {
          %add3A_1575 = arith.constant 2 : i32
          %add3A_1576 = arith.addi %while3A_1574, %add3A_1575 : i32
          %min3A_1577 = arith.minsi %add3A_1576, %shift_right_logical3A_10 : i32
          %rem3A_1578 = arith.constant 3 : i32
          %rem3A_1579 = arith.remsi %min3A_1577, %rem3A_1578 : i32
          %mul3A_1580 = arith.constant 512 : i32
          %mul3A_1581 = arith.muli %min3A_1577, %mul3A_1580 : i32
          %min3A_1582 = arith.constant 999552 : i32
          %min3A_1583 = arith.minsi %mul3A_1581, %min3A_1582 : i32
          %multiple_of3A_1584 = tpu.assume_multiple %min3A_1583, 128 : i32
          %dma_start3A_1585 = arith.constant 0 : i32
          %dma_start3A_1586 = arith.constant 0 : i32
          %dma_start3A_1587 = tpu.memref_slice %arg8[%rem3A_1579, %dma_start3A_1585, %dma_start3A_1586] : memref<3x64x512xf32, #tpu.memory_space<vmem>> -> memref<1x64x512xf32, #tpu.memory_space<vmem>>
          %dma_start3A_1588 = tpu.memref_squeeze %dma_start3A_1587 : memref<1x64x512xf32, #tpu.memory_space<vmem>> -> memref<64x512xf32, #tpu.memory_space<vmem>>
          %dma_start3A_1589 = arith.constant 0 : i32
          %dma_start3A_1590 = tpu.memref_slice %arg2[%dma_start3A_1589, %multiple_of3A_1584] : memref<64x1000000xf32, #tpu.memory_space<hbm>> -> memref<64x512xf32, #tpu.memory_space<hbm>>
          %dma_start3A_1591 = tpu.memref_slice %arg11[%rem3A_1579] : memref<3x!tpu.dma_semaphore, #tpu.memory_space<semaphore_mem>> -> memref<1x!tpu.dma_semaphore, #tpu.memory_space<semaphore_mem>>
          %dma_start3A_1592 = tpu.memref_squeeze %dma_start3A_1591 : memref<1x!tpu.dma_semaphore, #tpu.memory_space<semaphore_mem>> -> memref<!tpu.dma_semaphore, #tpu.memory_space<semaphore_mem>>
          %dma_start3A_1593 = arith.constant 0 : i32
          %dma_start3A_1594 = arith.constant 0 : i32
          %dma_start3A_1595 = tpu.memref_slice %arg8[%rem3A_1579, %dma_start3A_1593, %dma_start3A_1594] : memref<3x64x512xf32, #tpu.memory_space<vmem>> -> memref<1x64x512xf32, #tpu.memory_space<vmem>>
          %dma_start3A_1596 = tpu.memref_squeeze %dma_start3A_1595 : memref<1x64x512xf32, #tpu.memory_space<vmem>> -> memref<64x512xf32, #tpu.memory_space<vmem>>
          %dma_start3A_1597 = arith.constant 0 : i32
          %dma_start3A_1598 = tpu.memref_slice %arg2[%dma_start3A_1597, %multiple_of3A_1584] : memref<64x1000000xf32, #tpu.memory_space<hbm>> -> memref<64x512xf32, #tpu.memory_space<hbm>>
          tpu.enqueue_dma source(%dma_start3A_1598 : memref<64x512xf32, #tpu.memory_space<hbm>>) target(%dma_start3A_1596 : memref<64x512xf32, #tpu.memory_space<vmem>>) target_semaphore(%dma_start3A_1592 : memref<!tpu.dma_semaphore, #tpu.memory_space<semaphore_mem>>)
          %rem3A_1599 = arith.constant 3 : i32
          %rem3A_1600 = arith.remsi %while3A_1574, %rem3A_1599 : i32
          %mul3A_1601 = arith.constant 512 : i32
          %mul3A_1602 = arith.muli %while3A_1574, %mul3A_1601 : i32
          %min3A_1603 = arith.constant 999552 : i32
          %min3A_1604 = arith.minsi %mul3A_1602, %min3A_1603 : i32
          %multiple_of3A_1605 = tpu.assume_multiple %min3A_1604, 128 : i32
          %dma_wait3A_1606 = arith.constant 0 : i32
          %dma_wait3A_1607 = arith.constant 0 : i32
          %dma_wait3A_1608 = tpu.memref_slice %arg8[%rem3A_1600, %dma_wait3A_1606, %dma_wait3A_1607] : memref<3x64x512xf32, #tpu.memory_space<vmem>> -> memref<1x64x512xf32, #tpu.memory_space<vmem>>
          %dma_wait3A_1609 = tpu.memref_squeeze %dma_wait3A_1608 : memref<1x64x512xf32, #tpu.memory_space<vmem>> -> memref<64x512xf32, #tpu.memory_space<vmem>>
          %dma_wait3A_1610 = arith.constant 0 : i32
          %dma_wait3A_1611 = tpu.memref_slice %arg2[%dma_wait3A_1610, %multiple_of3A_1605] : memref<64x1000000xf32, #tpu.memory_space<hbm>> -> memref<64x512xf32, #tpu.memory_space<hbm>>
          %dma_wait3A_1612 = tpu.memref_slice %arg11[%rem3A_1600] : memref<3x!tpu.dma_semaphore, #tpu.memory_space<semaphore_mem>> -> memref<1x!tpu.dma_semaphore, #tpu.memory_space<semaphore_mem>>
          %dma_wait3A_1613 = tpu.memref_squeeze %dma_wait3A_1612 : memref<1x!tpu.dma_semaphore, #tpu.memory_space<semaphore_mem>> -> memref<!tpu.dma_semaphore, #tpu.memory_space<semaphore_mem>>
          %dma_wait3A_1614 = arith.constant 0 : i32
          %dma_wait3A_1615 = arith.constant 0 : i32
          %dma_wait3A_1616 = tpu.memref_slice %arg8[%rem3A_1600, %dma_wait3A_1614, %dma_wait3A_1615] : memref<3x64x512xf32, #tpu.memory_space<vmem>> -> memref<1x64x512xf32, #tpu.memory_space<vmem>>
          %dma_wait3A_1617 = tpu.memref_squeeze %dma_wait3A_1616 : memref<1x64x512xf32, #tpu.memory_space<vmem>> -> memref<64x512xf32, #tpu.memory_space<vmem>>
          %dma_wait3A_1618 = arith.constant 0 : i32
          %dma_wait3A_1619 = tpu.memref_slice %arg2[%dma_wait3A_1618, %multiple_of3A_1605] : memref<64x1000000xf32, #tpu.memory_space<hbm>> -> memref<64x512xf32, #tpu.memory_space<hbm>>
          tpu.wait_dma2 semaphore(%dma_wait3A_1613 : memref<!tpu.dma_semaphore, #tpu.memory_space<semaphore_mem>>) src(%dma_wait3A_1619 : memref<64x512xf32, #tpu.memory_space<hbm>>) dst(%dma_wait3A_1617 : memref<64x512xf32, #tpu.memory_space<vmem>>)
        }
        %while3A_870 = arith.constant 1 : i32
        scf.for %while3A_1574 = %while3A_868 to %while3A_864 step %while3A_870  : i32 {
          %add3A_1575 = arith.constant 2 : i32
          %add3A_1576 = arith.addi %while3A_1574, %add3A_1575 : i32
          %min3A_1577 = arith.minsi %add3A_1576, %shift_right_logical3A_10 : i32
          %rem3A_1578 = arith.constant 3 : i32
          %rem3A_1579 = arith.remsi %min3A_1577, %rem3A_1578 : i32
          %mul3A_1580 = arith.constant 512 : i32
          %mul3A_1581 = arith.muli %min3A_1577, %mul3A_1580 : i32
          %min3A_1582 = arith.constant 999552 : i32
          %min3A_1583 = arith.minsi %mul3A_1581, %min3A_1582 : i32
          %multiple_of3A_1584 = tpu.assume_multiple %min3A_1583, 128 : i32
          %dma_start3A_1585 = arith.constant 0 : i32
          %dma_start3A_1586 = arith.constant 0 : i32
          %dma_start3A_1587 = tpu.memref_slice %arg8[%rem3A_1579, %dma_start3A_1585, %dma_start3A_1586] : memref<3x64x512xf32, #tpu.memory_space<vmem>> -> memref<1x64x512xf32, #tpu.memory_space<vmem>>
          %dma_start3A_1588 = tpu.memref_squeeze %dma_start3A_1587 : memref<1x64x512xf32, #tpu.memory_space<vmem>> -> memref<64x512xf32, #tpu.memory_space<vmem>>
          %dma_start3A_1589 = arith.constant 0 : i32
          %dma_start3A_1590 = tpu.memref_slice %arg2[%dma_start3A_1589, %multiple_of3A_1584] : memref<64x1000000xf32, #tpu.memory_space<hbm>> -> memref<64x512xf32, #tpu.memory_space<hbm>>
          %dma_start3A_1591 = tpu.memref_slice %arg11[%rem3A_1579] : memref<3x!tpu.dma_semaphore, #tpu.memory_space<semaphore_mem>> -> memref<1x!tpu.dma_semaphore, #tpu.memory_space<semaphore_mem>>
          %dma_start3A_1592 = tpu.memref_squeeze %dma_start3A_1591 : memref<1x!tpu.dma_semaphore, #tpu.memory_space<semaphore_mem>> -> memref<!tpu.dma_semaphore, #tpu.memory_space<semaphore_mem>>
          %dma_start3A_1593 = arith.constant 0 : i32
          %dma_start3A_1594 = arith.constant 0 : i32
          %dma_start3A_1595 = tpu.memref_slice %arg8[%rem3A_1579, %dma_start3A_1593, %dma_start3A_1594] : memref<3x64x512xf32, #tpu.memory_space<vmem>> -> memref<1x64x512xf32, #tpu.memory_space<vmem>>
          %dma_start3A_1596 = tpu.memref_squeeze %dma_start3A_1595 : memref<1x64x512xf32, #tpu.memory_space<vmem>> -> memref<64x512xf32, #tpu.memory_space<vmem>>
          %dma_start3A_1597 = arith.constant 0 : i32
          %dma_start3A_1598 = tpu.memref_slice %arg2[%dma_start3A_1597, %multiple_of3A_1584] : memref<64x1000000xf32, #tpu.memory_space<hbm>> -> memref<64x512xf32, #tpu.memory_space<hbm>>
          tpu.enqueue_dma source(%dma_start3A_1598 : memref<64x512xf32, #tpu.memory_space<hbm>>) target(%dma_start3A_1596 : memref<64x512xf32, #tpu.memory_space<vmem>>) target_semaphore(%dma_start3A_1592 : memref<!tpu.dma_semaphore, #tpu.memory_space<semaphore_mem>>)
          %rem3A_1599 = arith.constant 3 : i32
          %rem3A_1600 = arith.remsi %while3A_1574, %rem3A_1599 : i32
          %mul3A_1601 = arith.constant 512 : i32
          %mul3A_1602 = arith.muli %while3A_1574, %mul3A_1601 : i32
          %min3A_1603 = arith.constant 999552 : i32
          %min3A_1604 = arith.minsi %mul3A_1602, %min3A_1603 : i32
          %multiple_of3A_1605 = tpu.assume_multiple %min3A_1604, 128 : i32
          %dma_wait3A_1606 = arith.constant 0 : i32
          %dma_wait3A_1607 = arith.constant 0 : i32
          %dma_wait3A_1608 = tpu.memref_slice %arg8[%rem3A_1600, %dma_wait3A_1606, %dma_wait3A_1607] : memref<3x64x512xf32, #tpu.memory_space<vmem>> -> memref<1x64x512xf32, #tpu.memory_space<vmem>>
          %dma_wait3A_1609 = tpu.memref_squeeze %dma_wait3A_1608 : memref<1x64x512xf32, #tpu.memory_space<vmem>> -> memref<64x512xf32, #tpu.memory_space<vmem>>
          %dma_wait3A_1610 = arith.constant 0 : i32
          %dma_wait3A_1611 = tpu.memref_slice %arg2[%dma_wait3A_1610, %multiple_of3A_1605] : memref<64x1000000xf32, #tpu.memory_space<hbm>> -> memref<64x512xf32, #tpu.memory_space<hbm>>
          %dma_wait3A_1612 = tpu.memref_slice %arg11[%rem3A_1600] : memref<3x!tpu.dma_semaphore, #tpu.memory_space<semaphore_mem>> -> memref<1x!tpu.dma_semaphore, #tpu.memory_space<semaphore_mem>>
          %dma_wait3A_1613 = tpu.memref_squeeze %dma_wait3A_1612 : memref<1x!tpu.dma_semaphore, #tpu.memory_space<semaphore_mem>> -> memref<!tpu.dma_semaphore, #tpu.memory_space<semaphore_mem>>
          %dma_wait3A_1614 = arith.constant 0 : i32
          %dma_wait3A_1615 = arith.constant 0 : i32
          %dma_wait3A_1616 = tpu.memref_slice %arg8[%rem3A_1600, %dma_wait3A_1614, %dma_wait3A_1615] : memref<3x64x512xf32, #tpu.memory_space<vmem>> -> memref<1x64x512xf32, #tpu.memory_space<vmem>>
          %dma_wait3A_1617 = tpu.memref_squeeze %dma_wait3A_1616 : memref<1x64x512xf32, #tpu.memory_space<vmem>> -> memref<64x512xf32, #tpu.memory_space<vmem>>
          %dma_wait3A_1618 = arith.constant 0 : i32
          %dma_wait3A_1619 = tpu.memref_slice %arg2[%dma_wait3A_1618, %multiple_of3A_1605] : memref<64x1000000xf32, #tpu.memory_space<hbm>> -> memref<64x512xf32, #tpu.memory_space<hbm>>
          tpu.wait_dma2 semaphore(%dma_wait3A_1613 : memref<!tpu.dma_semaphore, #tpu.memory_space<semaphore_mem>>) src(%dma_wait3A_1619 : memref<64x512xf32, #tpu.memory_space<hbm>>) dst(%dma_wait3A_1617 : memref<64x512xf32, #tpu.memory_space<vmem>>)
        }
        %max3A_871 = arith.maxsi %max3A_781, %shift_right_logical3A_857 : i32
        %rem3A_872 = arith.constant 3 : i32
        %rem3A_873 = arith.remsi %shift_right_logical3A_857, %rem3A_872 : i32
        %mul3A_874 = arith.constant 512 : i32
        %mul3A_875 = arith.muli %shift_right_logical3A_857, %mul3A_874 : i32
        %min3A_876 = arith.constant 999552 : i32
        %min3A_877 = arith.minsi %mul3A_875, %min3A_876 : i32
        %sub3A_878 = arith.subi %squeeze3A_855, %min3A_877 : i32
        %broadcast_in_dim3A_879 = vector.broadcast %sub3A_878 : i32 to vector<16xi32>
        %iota3A_880 = tpu.iota {dimensions = array<i32: 0>} : vector<16xi32>
        %add3A_881 = arith.constant 0 : i32
        %add3A_882 = vector.broadcast %add3A_881 : i32 to vector<16xi32>
        %add3A_883 = arith.addi %iota3A_880, %add3A_882 : vector<16xi32>
        %gather3A_884 = arith.constant 0 : i32
        %gather3A_885 = arith.constant 0 : i32
        %gather3A_886 = tpu.memref_slice %arg8[%rem3A_873, %gather3A_884, %gather3A_885] : memref<3x64x512xf32, #tpu.memory_space<vmem>> -> memref<1x64x512xf32, #tpu.memory_space<vmem>>
        %gather3A_887 = tpu.memref_squeeze %gather3A_886 : memref<1x64x512xf32, #tpu.memory_space<vmem>> -> memref<64x512xf32, #tpu.memory_space<vmem>>
        %gather3A_888 = tpu.vector_load_idx %gather3A_887[%add3A_883, %broadcast_in_dim3A_879] : memref<64x512xf32, #tpu.memory_space<vmem>>[vector<16xi32>, vector<16xi32>], vector<16xf32>,
        %mul3A_889 = arith.constant 16 : i32
        %mul3A_890 = arith.muli %scan3A_121, %mul3A_889 : i32
        %add3A_891 = arith.constant 8 : i32
        %add3A_892 = arith.addi %mul3A_890, %add3A_891 : i32
        %swap3A_893 = arith.index_cast %add3A_892 : i32 to index
        %swap3A_894 = arith.constant 0 : index
        %swap3A_895 = tpu.vector_load %arg9[%swap3A_893, %swap3A_894] {strides = array<i32>} : memref<128x128xf32, #tpu.memory_space<vmem>>, vector<16xf32>,
        tpu.vector_store %arg9[%swap3A_893, %swap3A_894], %gather3A_888 {strides = array<i32>} : memref<128x128xf32, #tpu.memory_space<vmem>>, vector<16xf32>,
        %iota3A_896 = tpu.iota {dimensions = array<i32: 0>} : vector<16xi32>
        %add3A_897 = arith.constant 16 : i32
        %add3A_898 = vector.broadcast %add3A_897 : i32 to vector<16xi32>
        %add3A_899 = arith.addi %iota3A_896, %add3A_898 : vector<16xi32>
        %gather3A_900 = arith.constant 0 : i32
        %gather3A_901 = arith.constant 0 : i32
        %gather3A_902 = tpu.memref_slice %arg8[%rem3A_873, %gather3A_900, %gather3A_901] : memref<3x64x512xf32, #tpu.memory_space<vmem>> -> memref<1x64x512xf32, #tpu.memory_space<vmem>>
        %gather3A_903 = tpu.memref_squeeze %gather3A_902 : memref<1x64x512xf32, #tpu.memory_space<vmem>> -> memref<64x512xf32, #tpu.memory_space<vmem>>
        %gather3A_904 = tpu.vector_load_idx %gather3A_903[%add3A_899, %broadcast_in_dim3A_879] : memref<64x512xf32, #tpu.memory_space<vmem>>[vector<16xi32>, vector<16xi32>], vector<16xf32>,
        %mul3A_905 = arith.constant 16 : i32
        %mul3A_906 = arith.muli %scan3A_121, %mul3A_905 : i32
        %add3A_907 = arith.constant 8 : i32
        %add3A_908 = arith.addi %mul3A_906, %add3A_907 : i32
        %swap3A_909 = arith.index_cast %add3A_908 : i32 to index
        %swap3A_910 = arith.constant 16 : index
        %swap3A_911 = tpu.vector_load %arg9[%swap3A_909, %swap3A_910] {strides = array<i32>} : memref<128x128xf32, #tpu.memory_space<vmem>>, vector<16xf32>,
        tpu.vector_store %arg9[%swap3A_909, %swap3A_910], %gather3A_904 {strides = array<i32>} : memref<128x128xf32, #tpu.memory_space<vmem>>, vector<16xf32>,
        %iota3A_912 = tpu.iota {dimensions = array<i32: 0>} : vector<16xi32>
        %add3A_913 = arith.constant 32 : i32
        %add3A_914 = vector.broadcast %add3A_913 : i32 to vector<16xi32>
        %add3A_915 = arith.addi %iota3A_912, %add3A_914 : vector<16xi32>
        %gather3A_916 = arith.constant 0 : i32
        %gather3A_917 = arith.constant 0 : i32
        %gather3A_918 = tpu.memref_slice %arg8[%rem3A_873, %gather3A_916, %gather3A_917] : memref<3x64x512xf32, #tpu.memory_space<vmem>> -> memref<1x64x512xf32, #tpu.memory_space<vmem>>
        %gather3A_919 = tpu.memref_squeeze %gather3A_918 : memref<1x64x512xf32, #tpu.memory_space<vmem>> -> memref<64x512xf32, #tpu.memory_space<vmem>>
        %gather3A_920 = tpu.vector_load_idx %gather3A_919[%add3A_915, %broadcast_in_dim3A_879] : memref<64x512xf32, #tpu.memory_space<vmem>>[vector<16xi32>, vector<16xi32>], vector<16xf32>,
        %mul3A_921 = arith.constant 16 : i32
        %mul3A_922 = arith.muli %scan3A_121, %mul3A_921 : i32
        %add3A_923 = arith.constant 8 : i32
        %add3A_924 = arith.addi %mul3A_922, %add3A_923 : i32
        %swap3A_925 = arith.index_cast %add3A_924 : i32 to index
        %swap3A_926 = arith.constant 32 : index
        %swap3A_927 = tpu.vector_load %arg9[%swap3A_925, %swap3A_926] {strides = array<i32>} : memref<128x128xf32, #tpu.memory_space<vmem>>, vector<16xf32>,
        tpu.vector_store %arg9[%swap3A_925, %swap3A_926], %gather3A_920 {strides = array<i32>} : memref<128x128xf32, #tpu.memory_space<vmem>>, vector<16xf32>,
        %iota3A_928 = tpu.iota {dimensions = array<i32: 0>} : vector<16xi32>
        %add3A_929 = arith.constant 48 : i32
        %add3A_930 = vector.broadcast %add3A_929 : i32 to vector<16xi32>
        %add3A_931 = arith.addi %iota3A_928, %add3A_930 : vector<16xi32>
        %gather3A_932 = arith.constant 0 : i32
        %gather3A_933 = arith.constant 0 : i32
        %gather3A_934 = tpu.memref_slice %arg8[%rem3A_873, %gather3A_932, %gather3A_933] : memref<3x64x512xf32, #tpu.memory_space<vmem>> -> memref<1x64x512xf32, #tpu.memory_space<vmem>>
        %gather3A_935 = tpu.memref_squeeze %gather3A_934 : memref<1x64x512xf32, #tpu.memory_space<vmem>> -> memref<64x512xf32, #tpu.memory_space<vmem>>
        %gather3A_936 = tpu.vector_load_idx %gather3A_935[%add3A_931, %broadcast_in_dim3A_879] : memref<64x512xf32, #tpu.memory_space<vmem>>[vector<16xi32>, vector<16xi32>], vector<16xf32>,
        %mul3A_937 = arith.constant 16 : i32
        %mul3A_938 = arith.muli %scan3A_121, %mul3A_937 : i32
        %add3A_939 = arith.constant 8 : i32
        %add3A_940 = arith.addi %mul3A_938, %add3A_939 : i32
        %swap3A_941 = arith.index_cast %add3A_940 : i32 to index
        %swap3A_942 = arith.constant 48 : index
        %swap3A_943 = tpu.vector_load %arg9[%swap3A_941, %swap3A_942] {strides = array<i32>} : memref<128x128xf32, #tpu.memory_space<vmem>>, vector<16xf32>,
        tpu.vector_store %arg9[%swap3A_941, %swap3A_942], %gather3A_936 {strides = array<i32>} : memref<128x128xf32, #tpu.memory_space<vmem>>, vector<16xf32>,
        %slice3A_944 = vector.extract_strided_slice %get3A_129 {offsets = [9], sizes = [1], strides = [1]} : vector<16xi32> to vector<1xi32>
        %squeeze3A_945 = vector.extract %slice3A_944[0] : i32 from vector<1xi32>
        %shift_right_logical3A_946 = arith.constant 9 : i32
        %shift_right_logical3A_947 = arith.shrui %squeeze3A_945, %shift_right_logical3A_946 : i32
        %add3A_948 = arith.constant 1 : i32
        %add3A_949 = arith.addi %max3A_871, %add3A_948 : i32
        %add3A_950 = arith.constant 1 : i32
        %add3A_951 = arith.addi %shift_right_logical3A_947, %add3A_950 : i32
        %while3A_952 = arith.constant 0 : i32
        %while3A_953 = arith.subi %add3A_951, %add3A_949 : i32
        %while3A_954 = arith.addi %add3A_949, %while3A_953 : i32
        %while3A_955 = arith.constant 1 : i32
        %while3A_956 = arith.divsi %while3A_953, %while3A_955 : i32
        %while3A_957 = arith.muli %while3A_956, %while3A_955 : i32
        %while3A_958 = arith.addi %add3A_949, %while3A_957 : i32
        %while3A_959 = arith.constant 1 : i32
        scf.for %while3A_1574 = %add3A_949 to %while3A_958 step %while3A_959  : i32 {
          %add3A_1575 = arith.constant 2 : i32
          %add3A_1576 = arith.addi %while3A_1574, %add3A_1575 : i32
          %min3A_1577 = arith.minsi %add3A_1576, %shift_right_logical3A_10 : i32
          %rem3A_1578 = arith.constant 3 : i32
          %rem3A_1579 = arith.remsi %min3A_1577, %rem3A_1578 : i32
          %mul3A_1580 = arith.constant 512 : i32
          %mul3A_1581 = arith.muli %min3A_1577, %mul3A_1580 : i32
          %min3A_1582 = arith.constant 999552 : i32
          %min3A_1583 = arith.minsi %mul3A_1581, %min3A_1582 : i32
          %multiple_of3A_1584 = tpu.assume_multiple %min3A_1583, 128 : i32
          %dma_start3A_1585 = arith.constant 0 : i32
          %dma_start3A_1586 = arith.constant 0 : i32
          %dma_start3A_1587 = tpu.memref_slice %arg8[%rem3A_1579, %dma_start3A_1585, %dma_start3A_1586] : memref<3x64x512xf32, #tpu.memory_space<vmem>> -> memref<1x64x512xf32, #tpu.memory_space<vmem>>
          %dma_start3A_1588 = tpu.memref_squeeze %dma_start3A_1587 : memref<1x64x512xf32, #tpu.memory_space<vmem>> -> memref<64x512xf32, #tpu.memory_space<vmem>>
          %dma_start3A_1589 = arith.constant 0 : i32
          %dma_start3A_1590 = tpu.memref_slice %arg2[%dma_start3A_1589, %multiple_of3A_1584] : memref<64x1000000xf32, #tpu.memory_space<hbm>> -> memref<64x512xf32, #tpu.memory_space<hbm>>
          %dma_start3A_1591 = tpu.memref_slice %arg11[%rem3A_1579] : memref<3x!tpu.dma_semaphore, #tpu.memory_space<semaphore_mem>> -> memref<1x!tpu.dma_semaphore, #tpu.memory_space<semaphore_mem>>
          %dma_start3A_1592 = tpu.memref_squeeze %dma_start3A_1591 : memref<1x!tpu.dma_semaphore, #tpu.memory_space<semaphore_mem>> -> memref<!tpu.dma_semaphore, #tpu.memory_space<semaphore_mem>>
          %dma_start3A_1593 = arith.constant 0 : i32
          %dma_start3A_1594 = arith.constant 0 : i32
          %dma_start3A_1595 = tpu.memref_slice %arg8[%rem3A_1579, %dma_start3A_1593, %dma_start3A_1594] : memref<3x64x512xf32, #tpu.memory_space<vmem>> -> memref<1x64x512xf32, #tpu.memory_space<vmem>>
          %dma_start3A_1596 = tpu.memref_squeeze %dma_start3A_1595 : memref<1x64x512xf32, #tpu.memory_space<vmem>> -> memref<64x512xf32, #tpu.memory_space<vmem>>
          %dma_start3A_1597 = arith.constant 0 : i32
          %dma_start3A_1598 = tpu.memref_slice %arg2[%dma_start3A_1597, %multiple_of3A_1584] : memref<64x1000000xf32, #tpu.memory_space<hbm>> -> memref<64x512xf32, #tpu.memory_space<hbm>>
          tpu.enqueue_dma source(%dma_start3A_1598 : memref<64x512xf32, #tpu.memory_space<hbm>>) target(%dma_start3A_1596 : memref<64x512xf32, #tpu.memory_space<vmem>>) target_semaphore(%dma_start3A_1592 : memref<!tpu.dma_semaphore, #tpu.memory_space<semaphore_mem>>)
          %rem3A_1599 = arith.constant 3 : i32
          %rem3A_1600 = arith.remsi %while3A_1574, %rem3A_1599 : i32
          %mul3A_1601 = arith.constant 512 : i32
          %mul3A_1602 = arith.muli %while3A_1574, %mul3A_1601 : i32
          %min3A_1603 = arith.constant 999552 : i32
          %min3A_1604 = arith.minsi %mul3A_1602, %min3A_1603 : i32
          %multiple_of3A_1605 = tpu.assume_multiple %min3A_1604, 128 : i32
          %dma_wait3A_1606 = arith.constant 0 : i32
          %dma_wait3A_1607 = arith.constant 0 : i32
          %dma_wait3A_1608 = tpu.memref_slice %arg8[%rem3A_1600, %dma_wait3A_1606, %dma_wait3A_1607] : memref<3x64x512xf32, #tpu.memory_space<vmem>> -> memref<1x64x512xf32, #tpu.memory_space<vmem>>
          %dma_wait3A_1609 = tpu.memref_squeeze %dma_wait3A_1608 : memref<1x64x512xf32, #tpu.memory_space<vmem>> -> memref<64x512xf32, #tpu.memory_space<vmem>>
          %dma_wait3A_1610 = arith.constant 0 : i32
          %dma_wait3A_1611 = tpu.memref_slice %arg2[%dma_wait3A_1610, %multiple_of3A_1605] : memref<64x1000000xf32, #tpu.memory_space<hbm>> -> memref<64x512xf32, #tpu.memory_space<hbm>>
          %dma_wait3A_1612 = tpu.memref_slice %arg11[%rem3A_1600] : memref<3x!tpu.dma_semaphore, #tpu.memory_space<semaphore_mem>> -> memref<1x!tpu.dma_semaphore, #tpu.memory_space<semaphore_mem>>
          %dma_wait3A_1613 = tpu.memref_squeeze %dma_wait3A_1612 : memref<1x!tpu.dma_semaphore, #tpu.memory_space<semaphore_mem>> -> memref<!tpu.dma_semaphore, #tpu.memory_space<semaphore_mem>>
          %dma_wait3A_1614 = arith.constant 0 : i32
          %dma_wait3A_1615 = arith.constant 0 : i32
          %dma_wait3A_1616 = tpu.memref_slice %arg8[%rem3A_1600, %dma_wait3A_1614, %dma_wait3A_1615] : memref<3x64x512xf32, #tpu.memory_space<vmem>> -> memref<1x64x512xf32, #tpu.memory_space<vmem>>
          %dma_wait3A_1617 = tpu.memref_squeeze %dma_wait3A_1616 : memref<1x64x512xf32, #tpu.memory_space<vmem>> -> memref<64x512xf32, #tpu.memory_space<vmem>>
          %dma_wait3A_1618 = arith.constant 0 : i32
          %dma_wait3A_1619 = tpu.memref_slice %arg2[%dma_wait3A_1618, %multiple_of3A_1605] : memref<64x1000000xf32, #tpu.memory_space<hbm>> -> memref<64x512xf32, #tpu.memory_space<hbm>>
          tpu.wait_dma2 semaphore(%dma_wait3A_1613 : memref<!tpu.dma_semaphore, #tpu.memory_space<semaphore_mem>>) src(%dma_wait3A_1619 : memref<64x512xf32, #tpu.memory_space<hbm>>) dst(%dma_wait3A_1617 : memref<64x512xf32, #tpu.memory_space<vmem>>)
        }
        %while3A_960 = arith.constant 1 : i32
        scf.for %while3A_1574 = %while3A_958 to %while3A_954 step %while3A_960  : i32 {
          %add3A_1575 = arith.constant 2 : i32
          %add3A_1576 = arith.addi %while3A_1574, %add3A_1575 : i32
          %min3A_1577 = arith.minsi %add3A_1576, %shift_right_logical3A_10 : i32
          %rem3A_1578 = arith.constant 3 : i32
          %rem3A_1579 = arith.remsi %min3A_1577, %rem3A_1578 : i32
          %mul3A_1580 = arith.constant 512 : i32
          %mul3A_1581 = arith.muli %min3A_1577, %mul3A_1580 : i32
          %min3A_1582 = arith.constant 999552 : i32
          %min3A_1583 = arith.minsi %mul3A_1581, %min3A_1582 : i32
          %multiple_of3A_1584 = tpu.assume_multiple %min3A_1583, 128 : i32
          %dma_start3A_1585 = arith.constant 0 : i32
          %dma_start3A_1586 = arith.constant 0 : i32
          %dma_start3A_1587 = tpu.memref_slice %arg8[%rem3A_1579, %dma_start3A_1585, %dma_start3A_1586] : memref<3x64x512xf32, #tpu.memory_space<vmem>> -> memref<1x64x512xf32, #tpu.memory_space<vmem>>
          %dma_start3A_1588 = tpu.memref_squeeze %dma_start3A_1587 : memref<1x64x512xf32, #tpu.memory_space<vmem>> -> memref<64x512xf32, #tpu.memory_space<vmem>>
          %dma_start3A_1589 = arith.constant 0 : i32
          %dma_start3A_1590 = tpu.memref_slice %arg2[%dma_start3A_1589, %multiple_of3A_1584] : memref<64x1000000xf32, #tpu.memory_space<hbm>> -> memref<64x512xf32, #tpu.memory_space<hbm>>
          %dma_start3A_1591 = tpu.memref_slice %arg11[%rem3A_1579] : memref<3x!tpu.dma_semaphore, #tpu.memory_space<semaphore_mem>> -> memref<1x!tpu.dma_semaphore, #tpu.memory_space<semaphore_mem>>
          %dma_start3A_1592 = tpu.memref_squeeze %dma_start3A_1591 : memref<1x!tpu.dma_semaphore, #tpu.memory_space<semaphore_mem>> -> memref<!tpu.dma_semaphore, #tpu.memory_space<semaphore_mem>>
          %dma_start3A_1593 = arith.constant 0 : i32
          %dma_start3A_1594 = arith.constant 0 : i32
          %dma_start3A_1595 = tpu.memref_slice %arg8[%rem3A_1579, %dma_start3A_1593, %dma_start3A_1594] : memref<3x64x512xf32, #tpu.memory_space<vmem>> -> memref<1x64x512xf32, #tpu.memory_space<vmem>>
          %dma_start3A_1596 = tpu.memref_squeeze %dma_start3A_1595 : memref<1x64x512xf32, #tpu.memory_space<vmem>> -> memref<64x512xf32, #tpu.memory_space<vmem>>
          %dma_start3A_1597 = arith.constant 0 : i32
          %dma_start3A_1598 = tpu.memref_slice %arg2[%dma_start3A_1597, %multiple_of3A_1584] : memref<64x1000000xf32, #tpu.memory_space<hbm>> -> memref<64x512xf32, #tpu.memory_space<hbm>>
          tpu.enqueue_dma source(%dma_start3A_1598 : memref<64x512xf32, #tpu.memory_space<hbm>>) target(%dma_start3A_1596 : memref<64x512xf32, #tpu.memory_space<vmem>>) target_semaphore(%dma_start3A_1592 : memref<!tpu.dma_semaphore, #tpu.memory_space<semaphore_mem>>)
          %rem3A_1599 = arith.constant 3 : i32
          %rem3A_1600 = arith.remsi %while3A_1574, %rem3A_1599 : i32
          %mul3A_1601 = arith.constant 512 : i32
          %mul3A_1602 = arith.muli %while3A_1574, %mul3A_1601 : i32
          %min3A_1603 = arith.constant 999552 : i32
          %min3A_1604 = arith.minsi %mul3A_1602, %min3A_1603 : i32
          %multiple_of3A_1605 = tpu.assume_multiple %min3A_1604, 128 : i32
          %dma_wait3A_1606 = arith.constant 0 : i32
          %dma_wait3A_1607 = arith.constant 0 : i32
          %dma_wait3A_1608 = tpu.memref_slice %arg8[%rem3A_1600, %dma_wait3A_1606, %dma_wait3A_1607] : memref<3x64x512xf32, #tpu.memory_space<vmem>> -> memref<1x64x512xf32, #tpu.memory_space<vmem>>
          %dma_wait3A_1609 = tpu.memref_squeeze %dma_wait3A_1608 : memref<1x64x512xf32, #tpu.memory_space<vmem>> -> memref<64x512xf32, #tpu.memory_space<vmem>>
          %dma_wait3A_1610 = arith.constant 0 : i32
          %dma_wait3A_1611 = tpu.memref_slice %arg2[%dma_wait3A_1610, %multiple_of3A_1605] : memref<64x1000000xf32, #tpu.memory_space<hbm>> -> memref<64x512xf32, #tpu.memory_space<hbm>>
          %dma_wait3A_1612 = tpu.memref_slice %arg11[%rem3A_1600] : memref<3x!tpu.dma_semaphore, #tpu.memory_space<semaphore_mem>> -> memref<1x!tpu.dma_semaphore, #tpu.memory_space<semaphore_mem>>
          %dma_wait3A_1613 = tpu.memref_squeeze %dma_wait3A_1612 : memref<1x!tpu.dma_semaphore, #tpu.memory_space<semaphore_mem>> -> memref<!tpu.dma_semaphore, #tpu.memory_space<semaphore_mem>>
          %dma_wait3A_1614 = arith.constant 0 : i32
          %dma_wait3A_1615 = arith.constant 0 : i32
          %dma_wait3A_1616 = tpu.memref_slice %arg8[%rem3A_1600, %dma_wait3A_1614, %dma_wait3A_1615] : memref<3x64x512xf32, #tpu.memory_space<vmem>> -> memref<1x64x512xf32, #tpu.memory_space<vmem>>
          %dma_wait3A_1617 = tpu.memref_squeeze %dma_wait3A_1616 : memref<1x64x512xf32, #tpu.memory_space<vmem>> -> memref<64x512xf32, #tpu.memory_space<vmem>>
          %dma_wait3A_1618 = arith.constant 0 : i32
          %dma_wait3A_1619 = tpu.memref_slice %arg2[%dma_wait3A_1618, %multiple_of3A_1605] : memref<64x1000000xf32, #tpu.memory_space<hbm>> -> memref<64x512xf32, #tpu.memory_space<hbm>>
          tpu.wait_dma2 semaphore(%dma_wait3A_1613 : memref<!tpu.dma_semaphore, #tpu.memory_space<semaphore_mem>>) src(%dma_wait3A_1619 : memref<64x512xf32, #tpu.memory_space<hbm>>) dst(%dma_wait3A_1617 : memref<64x512xf32, #tpu.memory_space<vmem>>)
        }
        %max3A_961 = arith.maxsi %max3A_871, %shift_right_logical3A_947 : i32
        %rem3A_962 = arith.constant 3 : i32
        %rem3A_963 = arith.remsi %shift_right_logical3A_947, %rem3A_962 : i32
        %mul3A_964 = arith.constant 512 : i32
        %mul3A_965 = arith.muli %shift_right_logical3A_947, %mul3A_964 : i32
        %min3A_966 = arith.constant 999552 : i32
        %min3A_967 = arith.minsi %mul3A_965, %min3A_966 : i32
        %sub3A_968 = arith.subi %squeeze3A_945, %min3A_967 : i32
        %broadcast_in_dim3A_969 = vector.broadcast %sub3A_968 : i32 to vector<16xi32>
        %iota3A_970 = tpu.iota {dimensions = array<i32: 0>} : vector<16xi32>
        %add3A_971 = arith.constant 0 : i32
        %add3A_972 = vector.broadcast %add3A_971 : i32 to vector<16xi32>
        %add3A_973 = arith.addi %iota3A_970, %add3A_972 : vector<16xi32>
        %gather3A_974 = arith.constant 0 : i32
        %gather3A_975 = arith.constant 0 : i32
        %gather3A_976 = tpu.memref_slice %arg8[%rem3A_963, %gather3A_974, %gather3A_975] : memref<3x64x512xf32, #tpu.memory_space<vmem>> -> memref<1x64x512xf32, #tpu.memory_space<vmem>>
        %gather3A_977 = tpu.memref_squeeze %gather3A_976 : memref<1x64x512xf32, #tpu.memory_space<vmem>> -> memref<64x512xf32, #tpu.memory_space<vmem>>
        %gather3A_978 = tpu.vector_load_idx %gather3A_977[%add3A_973, %broadcast_in_dim3A_969] : memref<64x512xf32, #tpu.memory_space<vmem>>[vector<16xi32>, vector<16xi32>], vector<16xf32>,
        %mul3A_979 = arith.constant 16 : i32
        %mul3A_980 = arith.muli %scan3A_121, %mul3A_979 : i32
        %add3A_981 = arith.constant 9 : i32
        %add3A_982 = arith.addi %mul3A_980, %add3A_981 : i32
        %swap3A_983 = arith.index_cast %add3A_982 : i32 to index
        %swap3A_984 = arith.constant 0 : index
        %swap3A_985 = tpu.vector_load %arg9[%swap3A_983, %swap3A_984] {strides = array<i32>} : memref<128x128xf32, #tpu.memory_space<vmem>>, vector<16xf32>,
        tpu.vector_store %arg9[%swap3A_983, %swap3A_984], %gather3A_978 {strides = array<i32>} : memref<128x128xf32, #tpu.memory_space<vmem>>, vector<16xf32>,
        %iota3A_986 = tpu.iota {dimensions = array<i32: 0>} : vector<16xi32>
        %add3A_987 = arith.constant 16 : i32
        %add3A_988 = vector.broadcast %add3A_987 : i32 to vector<16xi32>
        %add3A_989 = arith.addi %iota3A_986, %add3A_988 : vector<16xi32>
        %gather3A_990 = arith.constant 0 : i32
        %gather3A_991 = arith.constant 0 : i32
        %gather3A_992 = tpu.memref_slice %arg8[%rem3A_963, %gather3A_990, %gather3A_991] : memref<3x64x512xf32, #tpu.memory_space<vmem>> -> memref<1x64x512xf32, #tpu.memory_space<vmem>>
        %gather3A_993 = tpu.memref_squeeze %gather3A_992 : memref<1x64x512xf32, #tpu.memory_space<vmem>> -> memref<64x512xf32, #tpu.memory_space<vmem>>
        %gather3A_994 = tpu.vector_load_idx %gather3A_993[%add3A_989, %broadcast_in_dim3A_969] : memref<64x512xf32, #tpu.memory_space<vmem>>[vector<16xi32>, vector<16xi32>], vector<16xf32>,
        %mul3A_995 = arith.constant 16 : i32
        %mul3A_996 = arith.muli %scan3A_121, %mul3A_995 : i32
        %add3A_997 = arith.constant 9 : i32
        %add3A_998 = arith.addi %mul3A_996, %add3A_997 : i32
        %swap3A_999 = arith.index_cast %add3A_998 : i32 to index
        %swap3A_1000 = arith.constant 16 : index
        %swap3A_1001 = tpu.vector_load %arg9[%swap3A_999, %swap3A_1000] {strides = array<i32>} : memref<128x128xf32, #tpu.memory_space<vmem>>, vector<16xf32>,
        tpu.vector_store %arg9[%swap3A_999, %swap3A_1000], %gather3A_994 {strides = array<i32>} : memref<128x128xf32, #tpu.memory_space<vmem>>, vector<16xf32>,
        %iota3A_1002 = tpu.iota {dimensions = array<i32: 0>} : vector<16xi32>
        %add3A_1003 = arith.constant 32 : i32
        %add3A_1004 = vector.broadcast %add3A_1003 : i32 to vector<16xi32>
        %add3A_1005 = arith.addi %iota3A_1002, %add3A_1004 : vector<16xi32>
        %gather3A_1006 = arith.constant 0 : i32
        %gather3A_1007 = arith.constant 0 : i32
        %gather3A_1008 = tpu.memref_slice %arg8[%rem3A_963, %gather3A_1006, %gather3A_1007] : memref<3x64x512xf32, #tpu.memory_space<vmem>> -> memref<1x64x512xf32, #tpu.memory_space<vmem>>
        %gather3A_1009 = tpu.memref_squeeze %gather3A_1008 : memref<1x64x512xf32, #tpu.memory_space<vmem>> -> memref<64x512xf32, #tpu.memory_space<vmem>>
        %gather3A_1010 = tpu.vector_load_idx %gather3A_1009[%add3A_1005, %broadcast_in_dim3A_969] : memref<64x512xf32, #tpu.memory_space<vmem>>[vector<16xi32>, vector<16xi32>], vector<16xf32>,
        %mul3A_1011 = arith.constant 16 : i32
        %mul3A_1012 = arith.muli %scan3A_121, %mul3A_1011 : i32
        %add3A_1013 = arith.constant 9 : i32
        %add3A_1014 = arith.addi %mul3A_1012, %add3A_1013 : i32
        %swap3A_1015 = arith.index_cast %add3A_1014 : i32 to index
        %swap3A_1016 = arith.constant 32 : index
        %swap3A_1017 = tpu.vector_load %arg9[%swap3A_1015, %swap3A_1016] {strides = array<i32>} : memref<128x128xf32, #tpu.memory_space<vmem>>, vector<16xf32>,
        tpu.vector_store %arg9[%swap3A_1015, %swap3A_1016], %gather3A_1010 {strides = array<i32>} : memref<128x128xf32, #tpu.memory_space<vmem>>, vector<16xf32>,
        %iota3A_1018 = tpu.iota {dimensions = array<i32: 0>} : vector<16xi32>
        %add3A_1019 = arith.constant 48 : i32
        %add3A_1020 = vector.broadcast %add3A_1019 : i32 to vector<16xi32>
        %add3A_1021 = arith.addi %iota3A_1018, %add3A_1020 : vector<16xi32>
        %gather3A_1022 = arith.constant 0 : i32
        %gather3A_1023 = arith.constant 0 : i32
        %gather3A_1024 = tpu.memref_slice %arg8[%rem3A_963, %gather3A_1022, %gather3A_1023] : memref<3x64x512xf32, #tpu.memory_space<vmem>> -> memref<1x64x512xf32, #tpu.memory_space<vmem>>
        %gather3A_1025 = tpu.memref_squeeze %gather3A_1024 : memref<1x64x512xf32, #tpu.memory_space<vmem>> -> memref<64x512xf32, #tpu.memory_space<vmem>>
        %gather3A_1026 = tpu.vector_load_idx %gather3A_1025[%add3A_1021, %broadcast_in_dim3A_969] : memref<64x512xf32, #tpu.memory_space<vmem>>[vector<16xi32>, vector<16xi32>], vector<16xf32>,
        %mul3A_1027 = arith.constant 16 : i32
        %mul3A_1028 = arith.muli %scan3A_121, %mul3A_1027 : i32
        %add3A_1029 = arith.constant 9 : i32
        %add3A_1030 = arith.addi %mul3A_1028, %add3A_1029 : i32
        %swap3A_1031 = arith.index_cast %add3A_1030 : i32 to index
        %swap3A_1032 = arith.constant 48 : index
        %swap3A_1033 = tpu.vector_load %arg9[%swap3A_1031, %swap3A_1032] {strides = array<i32>} : memref<128x128xf32, #tpu.memory_space<vmem>>, vector<16xf32>,
        tpu.vector_store %arg9[%swap3A_1031, %swap3A_1032], %gather3A_1026 {strides = array<i32>} : memref<128x128xf32, #tpu.memory_space<vmem>>, vector<16xf32>,
        %slice3A_1034 = vector.extract_strided_slice %get3A_129 {offsets = [10], sizes = [1], strides = [1]} : vector<16xi32> to vector<1xi32>
        %squeeze3A_1035 = vector.extract %slice3A_1034[0] : i32 from vector<1xi32>
        %shift_right_logical3A_1036 = arith.constant 9 : i32
        %shift_right_logical3A_1037 = arith.shrui %squeeze3A_1035, %shift_right_logical3A_1036 : i32
        %add3A_1038 = arith.constant 1 : i32
        %add3A_1039 = arith.addi %max3A_961, %add3A_1038 : i32
        %add3A_1040 = arith.constant 1 : i32
        %add3A_1041 = arith.addi %shift_right_logical3A_1037, %add3A_1040 : i32
        %while3A_1042 = arith.constant 0 : i32
        %while3A_1043 = arith.subi %add3A_1041, %add3A_1039 : i32
        %while3A_1044 = arith.addi %add3A_1039, %while3A_1043 : i32
        %while3A_1045 = arith.constant 1 : i32
        %while3A_1046 = arith.divsi %while3A_1043, %while3A_1045 : i32
        %while3A_1047 = arith.muli %while3A_1046, %while3A_1045 : i32
        %while3A_1048 = arith.addi %add3A_1039, %while3A_1047 : i32
        %while3A_1049 = arith.constant 1 : i32
        scf.for %while3A_1574 = %add3A_1039 to %while3A_1048 step %while3A_1049  : i32 {
          %add3A_1575 = arith.constant 2 : i32
          %add3A_1576 = arith.addi %while3A_1574, %add3A_1575 : i32
          %min3A_1577 = arith.minsi %add3A_1576, %shift_right_logical3A_10 : i32
          %rem3A_1578 = arith.constant 3 : i32
          %rem3A_1579 = arith.remsi %min3A_1577, %rem3A_1578 : i32
          %mul3A_1580 = arith.constant 512 : i32
          %mul3A_1581 = arith.muli %min3A_1577, %mul3A_1580 : i32
          %min3A_1582 = arith.constant 999552 : i32
          %min3A_1583 = arith.minsi %mul3A_1581, %min3A_1582 : i32
          %multiple_of3A_1584 = tpu.assume_multiple %min3A_1583, 128 : i32
          %dma_start3A_1585 = arith.constant 0 : i32
          %dma_start3A_1586 = arith.constant 0 : i32
          %dma_start3A_1587 = tpu.memref_slice %arg8[%rem3A_1579, %dma_start3A_1585, %dma_start3A_1586] : memref<3x64x512xf32, #tpu.memory_space<vmem>> -> memref<1x64x512xf32, #tpu.memory_space<vmem>>
          %dma_start3A_1588 = tpu.memref_squeeze %dma_start3A_1587 : memref<1x64x512xf32, #tpu.memory_space<vmem>> -> memref<64x512xf32, #tpu.memory_space<vmem>>
          %dma_start3A_1589 = arith.constant 0 : i32
          %dma_start3A_1590 = tpu.memref_slice %arg2[%dma_start3A_1589, %multiple_of3A_1584] : memref<64x1000000xf32, #tpu.memory_space<hbm>> -> memref<64x512xf32, #tpu.memory_space<hbm>>
          %dma_start3A_1591 = tpu.memref_slice %arg11[%rem3A_1579] : memref<3x!tpu.dma_semaphore, #tpu.memory_space<semaphore_mem>> -> memref<1x!tpu.dma_semaphore, #tpu.memory_space<semaphore_mem>>
          %dma_start3A_1592 = tpu.memref_squeeze %dma_start3A_1591 : memref<1x!tpu.dma_semaphore, #tpu.memory_space<semaphore_mem>> -> memref<!tpu.dma_semaphore, #tpu.memory_space<semaphore_mem>>
          %dma_start3A_1593 = arith.constant 0 : i32
          %dma_start3A_1594 = arith.constant 0 : i32
          %dma_start3A_1595 = tpu.memref_slice %arg8[%rem3A_1579, %dma_start3A_1593, %dma_start3A_1594] : memref<3x64x512xf32, #tpu.memory_space<vmem>> -> memref<1x64x512xf32, #tpu.memory_space<vmem>>
          %dma_start3A_1596 = tpu.memref_squeeze %dma_start3A_1595 : memref<1x64x512xf32, #tpu.memory_space<vmem>> -> memref<64x512xf32, #tpu.memory_space<vmem>>
          %dma_start3A_1597 = arith.constant 0 : i32
          %dma_start3A_1598 = tpu.memref_slice %arg2[%dma_start3A_1597, %multiple_of3A_1584] : memref<64x1000000xf32, #tpu.memory_space<hbm>> -> memref<64x512xf32, #tpu.memory_space<hbm>>
          tpu.enqueue_dma source(%dma_start3A_1598 : memref<64x512xf32, #tpu.memory_space<hbm>>) target(%dma_start3A_1596 : memref<64x512xf32, #tpu.memory_space<vmem>>) target_semaphore(%dma_start3A_1592 : memref<!tpu.dma_semaphore, #tpu.memory_space<semaphore_mem>>)
          %rem3A_1599 = arith.constant 3 : i32
          %rem3A_1600 = arith.remsi %while3A_1574, %rem3A_1599 : i32
          %mul3A_1601 = arith.constant 512 : i32
          %mul3A_1602 = arith.muli %while3A_1574, %mul3A_1601 : i32
          %min3A_1603 = arith.constant 999552 : i32
          %min3A_1604 = arith.minsi %mul3A_1602, %min3A_1603 : i32
          %multiple_of3A_1605 = tpu.assume_multiple %min3A_1604, 128 : i32
          %dma_wait3A_1606 = arith.constant 0 : i32
          %dma_wait3A_1607 = arith.constant 0 : i32
          %dma_wait3A_1608 = tpu.memref_slice %arg8[%rem3A_1600, %dma_wait3A_1606, %dma_wait3A_1607] : memref<3x64x512xf32, #tpu.memory_space<vmem>> -> memref<1x64x512xf32, #tpu.memory_space<vmem>>
          %dma_wait3A_1609 = tpu.memref_squeeze %dma_wait3A_1608 : memref<1x64x512xf32, #tpu.memory_space<vmem>> -> memref<64x512xf32, #tpu.memory_space<vmem>>
          %dma_wait3A_1610 = arith.constant 0 : i32
          %dma_wait3A_1611 = tpu.memref_slice %arg2[%dma_wait3A_1610, %multiple_of3A_1605] : memref<64x1000000xf32, #tpu.memory_space<hbm>> -> memref<64x512xf32, #tpu.memory_space<hbm>>
          %dma_wait3A_1612 = tpu.memref_slice %arg11[%rem3A_1600] : memref<3x!tpu.dma_semaphore, #tpu.memory_space<semaphore_mem>> -> memref<1x!tpu.dma_semaphore, #tpu.memory_space<semaphore_mem>>
          %dma_wait3A_1613 = tpu.memref_squeeze %dma_wait3A_1612 : memref<1x!tpu.dma_semaphore, #tpu.memory_space<semaphore_mem>> -> memref<!tpu.dma_semaphore, #tpu.memory_space<semaphore_mem>>
          %dma_wait3A_1614 = arith.constant 0 : i32
          %dma_wait3A_1615 = arith.constant 0 : i32
          %dma_wait3A_1616 = tpu.memref_slice %arg8[%rem3A_1600, %dma_wait3A_1614, %dma_wait3A_1615] : memref<3x64x512xf32, #tpu.memory_space<vmem>> -> memref<1x64x512xf32, #tpu.memory_space<vmem>>
          %dma_wait3A_1617 = tpu.memref_squeeze %dma_wait3A_1616 : memref<1x64x512xf32, #tpu.memory_space<vmem>> -> memref<64x512xf32, #tpu.memory_space<vmem>>
          %dma_wait3A_1618 = arith.constant 0 : i32
          %dma_wait3A_1619 = tpu.memref_slice %arg2[%dma_wait3A_1618, %multiple_of3A_1605] : memref<64x1000000xf32, #tpu.memory_space<hbm>> -> memref<64x512xf32, #tpu.memory_space<hbm>>
          tpu.wait_dma2 semaphore(%dma_wait3A_1613 : memref<!tpu.dma_semaphore, #tpu.memory_space<semaphore_mem>>) src(%dma_wait3A_1619 : memref<64x512xf32, #tpu.memory_space<hbm>>) dst(%dma_wait3A_1617 : memref<64x512xf32, #tpu.memory_space<vmem>>)
        }
        %while3A_1050 = arith.constant 1 : i32
        scf.for %while3A_1574 = %while3A_1048 to %while3A_1044 step %while3A_1050  : i32 {
          %add3A_1575 = arith.constant 2 : i32
          %add3A_1576 = arith.addi %while3A_1574, %add3A_1575 : i32
          %min3A_1577 = arith.minsi %add3A_1576, %shift_right_logical3A_10 : i32
          %rem3A_1578 = arith.constant 3 : i32
          %rem3A_1579 = arith.remsi %min3A_1577, %rem3A_1578 : i32
          %mul3A_1580 = arith.constant 512 : i32
          %mul3A_1581 = arith.muli %min3A_1577, %mul3A_1580 : i32
          %min3A_1582 = arith.constant 999552 : i32
          %min3A_1583 = arith.minsi %mul3A_1581, %min3A_1582 : i32
          %multiple_of3A_1584 = tpu.assume_multiple %min3A_1583, 128 : i32
          %dma_start3A_1585 = arith.constant 0 : i32
          %dma_start3A_1586 = arith.constant 0 : i32
          %dma_start3A_1587 = tpu.memref_slice %arg8[%rem3A_1579, %dma_start3A_1585, %dma_start3A_1586] : memref<3x64x512xf32, #tpu.memory_space<vmem>> -> memref<1x64x512xf32, #tpu.memory_space<vmem>>
          %dma_start3A_1588 = tpu.memref_squeeze %dma_start3A_1587 : memref<1x64x512xf32, #tpu.memory_space<vmem>> -> memref<64x512xf32, #tpu.memory_space<vmem>>
          %dma_start3A_1589 = arith.constant 0 : i32
          %dma_start3A_1590 = tpu.memref_slice %arg2[%dma_start3A_1589, %multiple_of3A_1584] : memref<64x1000000xf32, #tpu.memory_space<hbm>> -> memref<64x512xf32, #tpu.memory_space<hbm>>
          %dma_start3A_1591 = tpu.memref_slice %arg11[%rem3A_1579] : memref<3x!tpu.dma_semaphore, #tpu.memory_space<semaphore_mem>> -> memref<1x!tpu.dma_semaphore, #tpu.memory_space<semaphore_mem>>
          %dma_start3A_1592 = tpu.memref_squeeze %dma_start3A_1591 : memref<1x!tpu.dma_semaphore, #tpu.memory_space<semaphore_mem>> -> memref<!tpu.dma_semaphore, #tpu.memory_space<semaphore_mem>>
          %dma_start3A_1593 = arith.constant 0 : i32
          %dma_start3A_1594 = arith.constant 0 : i32
          %dma_start3A_1595 = tpu.memref_slice %arg8[%rem3A_1579, %dma_start3A_1593, %dma_start3A_1594] : memref<3x64x512xf32, #tpu.memory_space<vmem>> -> memref<1x64x512xf32, #tpu.memory_space<vmem>>
          %dma_start3A_1596 = tpu.memref_squeeze %dma_start3A_1595 : memref<1x64x512xf32, #tpu.memory_space<vmem>> -> memref<64x512xf32, #tpu.memory_space<vmem>>
          %dma_start3A_1597 = arith.constant 0 : i32
          %dma_start3A_1598 = tpu.memref_slice %arg2[%dma_start3A_1597, %multiple_of3A_1584] : memref<64x1000000xf32, #tpu.memory_space<hbm>> -> memref<64x512xf32, #tpu.memory_space<hbm>>
          tpu.enqueue_dma source(%dma_start3A_1598 : memref<64x512xf32, #tpu.memory_space<hbm>>) target(%dma_start3A_1596 : memref<64x512xf32, #tpu.memory_space<vmem>>) target_semaphore(%dma_start3A_1592 : memref<!tpu.dma_semaphore, #tpu.memory_space<semaphore_mem>>)
          %rem3A_1599 = arith.constant 3 : i32
          %rem3A_1600 = arith.remsi %while3A_1574, %rem3A_1599 : i32
          %mul3A_1601 = arith.constant 512 : i32
          %mul3A_1602 = arith.muli %while3A_1574, %mul3A_1601 : i32
          %min3A_1603 = arith.constant 999552 : i32
          %min3A_1604 = arith.minsi %mul3A_1602, %min3A_1603 : i32
          %multiple_of3A_1605 = tpu.assume_multiple %min3A_1604, 128 : i32
          %dma_wait3A_1606 = arith.constant 0 : i32
          %dma_wait3A_1607 = arith.constant 0 : i32
          %dma_wait3A_1608 = tpu.memref_slice %arg8[%rem3A_1600, %dma_wait3A_1606, %dma_wait3A_1607] : memref<3x64x512xf32, #tpu.memory_space<vmem>> -> memref<1x64x512xf32, #tpu.memory_space<vmem>>
          %dma_wait3A_1609 = tpu.memref_squeeze %dma_wait3A_1608 : memref<1x64x512xf32, #tpu.memory_space<vmem>> -> memref<64x512xf32, #tpu.memory_space<vmem>>
          %dma_wait3A_1610 = arith.constant 0 : i32
          %dma_wait3A_1611 = tpu.memref_slice %arg2[%dma_wait3A_1610, %multiple_of3A_1605] : memref<64x1000000xf32, #tpu.memory_space<hbm>> -> memref<64x512xf32, #tpu.memory_space<hbm>>
          %dma_wait3A_1612 = tpu.memref_slice %arg11[%rem3A_1600] : memref<3x!tpu.dma_semaphore, #tpu.memory_space<semaphore_mem>> -> memref<1x!tpu.dma_semaphore, #tpu.memory_space<semaphore_mem>>
          %dma_wait3A_1613 = tpu.memref_squeeze %dma_wait3A_1612 : memref<1x!tpu.dma_semaphore, #tpu.memory_space<semaphore_mem>> -> memref<!tpu.dma_semaphore, #tpu.memory_space<semaphore_mem>>
          %dma_wait3A_1614 = arith.constant 0 : i32
          %dma_wait3A_1615 = arith.constant 0 : i32
          %dma_wait3A_1616 = tpu.memref_slice %arg8[%rem3A_1600, %dma_wait3A_1614, %dma_wait3A_1615] : memref<3x64x512xf32, #tpu.memory_space<vmem>> -> memref<1x64x512xf32, #tpu.memory_space<vmem>>
          %dma_wait3A_1617 = tpu.memref_squeeze %dma_wait3A_1616 : memref<1x64x512xf32, #tpu.memory_space<vmem>> -> memref<64x512xf32, #tpu.memory_space<vmem>>
          %dma_wait3A_1618 = arith.constant 0 : i32
          %dma_wait3A_1619 = tpu.memref_slice %arg2[%dma_wait3A_1618, %multiple_of3A_1605] : memref<64x1000000xf32, #tpu.memory_space<hbm>> -> memref<64x512xf32, #tpu.memory_space<hbm>>
          tpu.wait_dma2 semaphore(%dma_wait3A_1613 : memref<!tpu.dma_semaphore, #tpu.memory_space<semaphore_mem>>) src(%dma_wait3A_1619 : memref<64x512xf32, #tpu.memory_space<hbm>>) dst(%dma_wait3A_1617 : memref<64x512xf32, #tpu.memory_space<vmem>>)
        }
        %max3A_1051 = arith.maxsi %max3A_961, %shift_right_logical3A_1037 : i32
        %rem3A_1052 = arith.constant 3 : i32
        %rem3A_1053 = arith.remsi %shift_right_logical3A_1037, %rem3A_1052 : i32
        %mul3A_1054 = arith.constant 512 : i32
        %mul3A_1055 = arith.muli %shift_right_logical3A_1037, %mul3A_1054 : i32
        %min3A_1056 = arith.constant 999552 : i32
        %min3A_1057 = arith.minsi %mul3A_1055, %min3A_1056 : i32
        %sub3A_1058 = arith.subi %squeeze3A_1035, %min3A_1057 : i32
        %broadcast_in_dim3A_1059 = vector.broadcast %sub3A_1058 : i32 to vector<16xi32>
        %iota3A_1060 = tpu.iota {dimensions = array<i32: 0>} : vector<16xi32>
        %add3A_1061 = arith.constant 0 : i32
        %add3A_1062 = vector.broadcast %add3A_1061 : i32 to vector<16xi32>
        %add3A_1063 = arith.addi %iota3A_1060, %add3A_1062 : vector<16xi32>
        %gather3A_1064 = arith.constant 0 : i32
        %gather3A_1065 = arith.constant 0 : i32
        %gather3A_1066 = tpu.memref_slice %arg8[%rem3A_1053, %gather3A_1064, %gather3A_1065] : memref<3x64x512xf32, #tpu.memory_space<vmem>> -> memref<1x64x512xf32, #tpu.memory_space<vmem>>
        %gather3A_1067 = tpu.memref_squeeze %gather3A_1066 : memref<1x64x512xf32, #tpu.memory_space<vmem>> -> memref<64x512xf32, #tpu.memory_space<vmem>>
        %gather3A_1068 = tpu.vector_load_idx %gather3A_1067[%add3A_1063, %broadcast_in_dim3A_1059] : memref<64x512xf32, #tpu.memory_space<vmem>>[vector<16xi32>, vector<16xi32>], vector<16xf32>,
        %mul3A_1069 = arith.constant 16 : i32
        %mul3A_1070 = arith.muli %scan3A_121, %mul3A_1069 : i32
        %add3A_1071 = arith.constant 10 : i32
        %add3A_1072 = arith.addi %mul3A_1070, %add3A_1071 : i32
        %swap3A_1073 = arith.index_cast %add3A_1072 : i32 to index
        %swap3A_1074 = arith.constant 0 : index
        %swap3A_1075 = tpu.vector_load %arg9[%swap3A_1073, %swap3A_1074] {strides = array<i32>} : memref<128x128xf32, #tpu.memory_space<vmem>>, vector<16xf32>,
        tpu.vector_store %arg9[%swap3A_1073, %swap3A_1074], %gather3A_1068 {strides = array<i32>} : memref<128x128xf32, #tpu.memory_space<vmem>>, vector<16xf32>,
        %iota3A_1076 = tpu.iota {dimensions = array<i32: 0>} : vector<16xi32>
        %add3A_1077 = arith.constant 16 : i32
        %add3A_1078 = vector.broadcast %add3A_1077 : i32 to vector<16xi32>
        %add3A_1079 = arith.addi %iota3A_1076, %add3A_1078 : vector<16xi32>
        %gather3A_1080 = arith.constant 0 : i32
        %gather3A_1081 = arith.constant 0 : i32
        %gather3A_1082 = tpu.memref_slice %arg8[%rem3A_1053, %gather3A_1080, %gather3A_1081] : memref<3x64x512xf32, #tpu.memory_space<vmem>> -> memref<1x64x512xf32, #tpu.memory_space<vmem>>
        %gather3A_1083 = tpu.memref_squeeze %gather3A_1082 : memref<1x64x512xf32, #tpu.memory_space<vmem>> -> memref<64x512xf32, #tpu.memory_space<vmem>>
        %gather3A_1084 = tpu.vector_load_idx %gather3A_1083[%add3A_1079, %broadcast_in_dim3A_1059] : memref<64x512xf32, #tpu.memory_space<vmem>>[vector<16xi32>, vector<16xi32>], vector<16xf32>,
        %mul3A_1085 = arith.constant 16 : i32
        %mul3A_1086 = arith.muli %scan3A_121, %mul3A_1085 : i32
        %add3A_1087 = arith.constant 10 : i32
        %add3A_1088 = arith.addi %mul3A_1086, %add3A_1087 : i32
        %swap3A_1089 = arith.index_cast %add3A_1088 : i32 to index
        %swap3A_1090 = arith.constant 16 : index
        %swap3A_1091 = tpu.vector_load %arg9[%swap3A_1089, %swap3A_1090] {strides = array<i32>} : memref<128x128xf32, #tpu.memory_space<vmem>>, vector<16xf32>,
        tpu.vector_store %arg9[%swap3A_1089, %swap3A_1090], %gather3A_1084 {strides = array<i32>} : memref<128x128xf32, #tpu.memory_space<vmem>>, vector<16xf32>,
        %iota3A_1092 = tpu.iota {dimensions = array<i32: 0>} : vector<16xi32>
        %add3A_1093 = arith.constant 32 : i32
        %add3A_1094 = vector.broadcast %add3A_1093 : i32 to vector<16xi32>
        %add3A_1095 = arith.addi %iota3A_1092, %add3A_1094 : vector<16xi32>
        %gather3A_1096 = arith.constant 0 : i32
        %gather3A_1097 = arith.constant 0 : i32
        %gather3A_1098 = tpu.memref_slice %arg8[%rem3A_1053, %gather3A_1096, %gather3A_1097] : memref<3x64x512xf32, #tpu.memory_space<vmem>> -> memref<1x64x512xf32, #tpu.memory_space<vmem>>
        %gather3A_1099 = tpu.memref_squeeze %gather3A_1098 : memref<1x64x512xf32, #tpu.memory_space<vmem>> -> memref<64x512xf32, #tpu.memory_space<vmem>>
        %gather3A_1100 = tpu.vector_load_idx %gather3A_1099[%add3A_1095, %broadcast_in_dim3A_1059] : memref<64x512xf32, #tpu.memory_space<vmem>>[vector<16xi32>, vector<16xi32>], vector<16xf32>,
        %mul3A_1101 = arith.constant 16 : i32
        %mul3A_1102 = arith.muli %scan3A_121, %mul3A_1101 : i32
        %add3A_1103 = arith.constant 10 : i32
        %add3A_1104 = arith.addi %mul3A_1102, %add3A_1103 : i32
        %swap3A_1105 = arith.index_cast %add3A_1104 : i32 to index
        %swap3A_1106 = arith.constant 32 : index
        %swap3A_1107 = tpu.vector_load %arg9[%swap3A_1105, %swap3A_1106] {strides = array<i32>} : memref<128x128xf32, #tpu.memory_space<vmem>>, vector<16xf32>,
        tpu.vector_store %arg9[%swap3A_1105, %swap3A_1106], %gather3A_1100 {strides = array<i32>} : memref<128x128xf32, #tpu.memory_space<vmem>>, vector<16xf32>,
        %iota3A_1108 = tpu.iota {dimensions = array<i32: 0>} : vector<16xi32>
        %add3A_1109 = arith.constant 48 : i32
        %add3A_1110 = vector.broadcast %add3A_1109 : i32 to vector<16xi32>
        %add3A_1111 = arith.addi %iota3A_1108, %add3A_1110 : vector<16xi32>
        %gather3A_1112 = arith.constant 0 : i32
        %gather3A_1113 = arith.constant 0 : i32
        %gather3A_1114 = tpu.memref_slice %arg8[%rem3A_1053, %gather3A_1112, %gather3A_1113] : memref<3x64x512xf32, #tpu.memory_space<vmem>> -> memref<1x64x512xf32, #tpu.memory_space<vmem>>
        %gather3A_1115 = tpu.memref_squeeze %gather3A_1114 : memref<1x64x512xf32, #tpu.memory_space<vmem>> -> memref<64x512xf32, #tpu.memory_space<vmem>>
        %gather3A_1116 = tpu.vector_load_idx %gather3A_1115[%add3A_1111, %broadcast_in_dim3A_1059] : memref<64x512xf32, #tpu.memory_space<vmem>>[vector<16xi32>, vector<16xi32>], vector<16xf32>,
        %mul3A_1117 = arith.constant 16 : i32
        %mul3A_1118 = arith.muli %scan3A_121, %mul3A_1117 : i32
        %add3A_1119 = arith.constant 10 : i32
        %add3A_1120 = arith.addi %mul3A_1118, %add3A_1119 : i32
        %swap3A_1121 = arith.index_cast %add3A_1120 : i32 to index
        %swap3A_1122 = arith.constant 48 : index
        %swap3A_1123 = tpu.vector_load %arg9[%swap3A_1121, %swap3A_1122] {strides = array<i32>} : memref<128x128xf32, #tpu.memory_space<vmem>>, vector<16xf32>,
        tpu.vector_store %arg9[%swap3A_1121, %swap3A_1122], %gather3A_1116 {strides = array<i32>} : memref<128x128xf32, #tpu.memory_space<vmem>>, vector<16xf32>,
        %slice3A_1124 = vector.extract_strided_slice %get3A_129 {offsets = [11], sizes = [1], strides = [1]} : vector<16xi32> to vector<1xi32>
        %squeeze3A_1125 = vector.extract %slice3A_1124[0] : i32 from vector<1xi32>
        %shift_right_logical3A_1126 = arith.constant 9 : i32
        %shift_right_logical3A_1127 = arith.shrui %squeeze3A_1125, %shift_right_logical3A_1126 : i32
        %add3A_1128 = arith.constant 1 : i32
        %add3A_1129 = arith.addi %max3A_1051, %add3A_1128 : i32
        %add3A_1130 = arith.constant 1 : i32
        %add3A_1131 = arith.addi %shift_right_logical3A_1127, %add3A_1130 : i32
        %while3A_1132 = arith.constant 0 : i32
        %while3A_1133 = arith.subi %add3A_1131, %add3A_1129 : i32
        %while3A_1134 = arith.addi %add3A_1129, %while3A_1133 : i32
        %while3A_1135 = arith.constant 1 : i32
        %while3A_1136 = arith.divsi %while3A_1133, %while3A_1135 : i32
        %while3A_1137 = arith.muli %while3A_1136, %while3A_1135 : i32
        %while3A_1138 = arith.addi %add3A_1129, %while3A_1137 : i32
        %while3A_1139 = arith.constant 1 : i32
        scf.for %while3A_1574 = %add3A_1129 to %while3A_1138 step %while3A_1139  : i32 {
          %add3A_1575 = arith.constant 2 : i32
          %add3A_1576 = arith.addi %while3A_1574, %add3A_1575 : i32
          %min3A_1577 = arith.minsi %add3A_1576, %shift_right_logical3A_10 : i32
          %rem3A_1578 = arith.constant 3 : i32
          %rem3A_1579 = arith.remsi %min3A_1577, %rem3A_1578 : i32
          %mul3A_1580 = arith.constant 512 : i32
          %mul3A_1581 = arith.muli %min3A_1577, %mul3A_1580 : i32
          %min3A_1582 = arith.constant 999552 : i32
          %min3A_1583 = arith.minsi %mul3A_1581, %min3A_1582 : i32
          %multiple_of3A_1584 = tpu.assume_multiple %min3A_1583, 128 : i32
          %dma_start3A_1585 = arith.constant 0 : i32
          %dma_start3A_1586 = arith.constant 0 : i32
          %dma_start3A_1587 = tpu.memref_slice %arg8[%rem3A_1579, %dma_start3A_1585, %dma_start3A_1586] : memref<3x64x512xf32, #tpu.memory_space<vmem>> -> memref<1x64x512xf32, #tpu.memory_space<vmem>>
          %dma_start3A_1588 = tpu.memref_squeeze %dma_start3A_1587 : memref<1x64x512xf32, #tpu.memory_space<vmem>> -> memref<64x512xf32, #tpu.memory_space<vmem>>
          %dma_start3A_1589 = arith.constant 0 : i32
          %dma_start3A_1590 = tpu.memref_slice %arg2[%dma_start3A_1589, %multiple_of3A_1584] : memref<64x1000000xf32, #tpu.memory_space<hbm>> -> memref<64x512xf32, #tpu.memory_space<hbm>>
          %dma_start3A_1591 = tpu.memref_slice %arg11[%rem3A_1579] : memref<3x!tpu.dma_semaphore, #tpu.memory_space<semaphore_mem>> -> memref<1x!tpu.dma_semaphore, #tpu.memory_space<semaphore_mem>>
          %dma_start3A_1592 = tpu.memref_squeeze %dma_start3A_1591 : memref<1x!tpu.dma_semaphore, #tpu.memory_space<semaphore_mem>> -> memref<!tpu.dma_semaphore, #tpu.memory_space<semaphore_mem>>
          %dma_start3A_1593 = arith.constant 0 : i32
          %dma_start3A_1594 = arith.constant 0 : i32
          %dma_start3A_1595 = tpu.memref_slice %arg8[%rem3A_1579, %dma_start3A_1593, %dma_start3A_1594] : memref<3x64x512xf32, #tpu.memory_space<vmem>> -> memref<1x64x512xf32, #tpu.memory_space<vmem>>
          %dma_start3A_1596 = tpu.memref_squeeze %dma_start3A_1595 : memref<1x64x512xf32, #tpu.memory_space<vmem>> -> memref<64x512xf32, #tpu.memory_space<vmem>>
          %dma_start3A_1597 = arith.constant 0 : i32
          %dma_start3A_1598 = tpu.memref_slice %arg2[%dma_start3A_1597, %multiple_of3A_1584] : memref<64x1000000xf32, #tpu.memory_space<hbm>> -> memref<64x512xf32, #tpu.memory_space<hbm>>
          tpu.enqueue_dma source(%dma_start3A_1598 : memref<64x512xf32, #tpu.memory_space<hbm>>) target(%dma_start3A_1596 : memref<64x512xf32, #tpu.memory_space<vmem>>) target_semaphore(%dma_start3A_1592 : memref<!tpu.dma_semaphore, #tpu.memory_space<semaphore_mem>>)
          %rem3A_1599 = arith.constant 3 : i32
          %rem3A_1600 = arith.remsi %while3A_1574, %rem3A_1599 : i32
          %mul3A_1601 = arith.constant 512 : i32
          %mul3A_1602 = arith.muli %while3A_1574, %mul3A_1601 : i32
          %min3A_1603 = arith.constant 999552 : i32
          %min3A_1604 = arith.minsi %mul3A_1602, %min3A_1603 : i32
          %multiple_of3A_1605 = tpu.assume_multiple %min3A_1604, 128 : i32
          %dma_wait3A_1606 = arith.constant 0 : i32
          %dma_wait3A_1607 = arith.constant 0 : i32
          %dma_wait3A_1608 = tpu.memref_slice %arg8[%rem3A_1600, %dma_wait3A_1606, %dma_wait3A_1607] : memref<3x64x512xf32, #tpu.memory_space<vmem>> -> memref<1x64x512xf32, #tpu.memory_space<vmem>>
          %dma_wait3A_1609 = tpu.memref_squeeze %dma_wait3A_1608 : memref<1x64x512xf32, #tpu.memory_space<vmem>> -> memref<64x512xf32, #tpu.memory_space<vmem>>
          %dma_wait3A_1610 = arith.constant 0 : i32
          %dma_wait3A_1611 = tpu.memref_slice %arg2[%dma_wait3A_1610, %multiple_of3A_1605] : memref<64x1000000xf32, #tpu.memory_space<hbm>> -> memref<64x512xf32, #tpu.memory_space<hbm>>
          %dma_wait3A_1612 = tpu.memref_slice %arg11[%rem3A_1600] : memref<3x!tpu.dma_semaphore, #tpu.memory_space<semaphore_mem>> -> memref<1x!tpu.dma_semaphore, #tpu.memory_space<semaphore_mem>>
          %dma_wait3A_1613 = tpu.memref_squeeze %dma_wait3A_1612 : memref<1x!tpu.dma_semaphore, #tpu.memory_space<semaphore_mem>> -> memref<!tpu.dma_semaphore, #tpu.memory_space<semaphore_mem>>
          %dma_wait3A_1614 = arith.constant 0 : i32
          %dma_wait3A_1615 = arith.constant 0 : i32
          %dma_wait3A_1616 = tpu.memref_slice %arg8[%rem3A_1600, %dma_wait3A_1614, %dma_wait3A_1615] : memref<3x64x512xf32, #tpu.memory_space<vmem>> -> memref<1x64x512xf32, #tpu.memory_space<vmem>>
          %dma_wait3A_1617 = tpu.memref_squeeze %dma_wait3A_1616 : memref<1x64x512xf32, #tpu.memory_space<vmem>> -> memref<64x512xf32, #tpu.memory_space<vmem>>
          %dma_wait3A_1618 = arith.constant 0 : i32
          %dma_wait3A_1619 = tpu.memref_slice %arg2[%dma_wait3A_1618, %multiple_of3A_1605] : memref<64x1000000xf32, #tpu.memory_space<hbm>> -> memref<64x512xf32, #tpu.memory_space<hbm>>
          tpu.wait_dma2 semaphore(%dma_wait3A_1613 : memref<!tpu.dma_semaphore, #tpu.memory_space<semaphore_mem>>) src(%dma_wait3A_1619 : memref<64x512xf32, #tpu.memory_space<hbm>>) dst(%dma_wait3A_1617 : memref<64x512xf32, #tpu.memory_space<vmem>>)
        }
        %while3A_1140 = arith.constant 1 : i32
        scf.for %while3A_1574 = %while3A_1138 to %while3A_1134 step %while3A_1140  : i32 {
          %add3A_1575 = arith.constant 2 : i32
          %add3A_1576 = arith.addi %while3A_1574, %add3A_1575 : i32
          %min3A_1577 = arith.minsi %add3A_1576, %shift_right_logical3A_10 : i32
          %rem3A_1578 = arith.constant 3 : i32
          %rem3A_1579 = arith.remsi %min3A_1577, %rem3A_1578 : i32
          %mul3A_1580 = arith.constant 512 : i32
          %mul3A_1581 = arith.muli %min3A_1577, %mul3A_1580 : i32
          %min3A_1582 = arith.constant 999552 : i32
          %min3A_1583 = arith.minsi %mul3A_1581, %min3A_1582 : i32
          %multiple_of3A_1584 = tpu.assume_multiple %min3A_1583, 128 : i32
          %dma_start3A_1585 = arith.constant 0 : i32
          %dma_start3A_1586 = arith.constant 0 : i32
          %dma_start3A_1587 = tpu.memref_slice %arg8[%rem3A_1579, %dma_start3A_1585, %dma_start3A_1586] : memref<3x64x512xf32, #tpu.memory_space<vmem>> -> memref<1x64x512xf32, #tpu.memory_space<vmem>>
          %dma_start3A_1588 = tpu.memref_squeeze %dma_start3A_1587 : memref<1x64x512xf32, #tpu.memory_space<vmem>> -> memref<64x512xf32, #tpu.memory_space<vmem>>
          %dma_start3A_1589 = arith.constant 0 : i32
          %dma_start3A_1590 = tpu.memref_slice %arg2[%dma_start3A_1589, %multiple_of3A_1584] : memref<64x1000000xf32, #tpu.memory_space<hbm>> -> memref<64x512xf32, #tpu.memory_space<hbm>>
          %dma_start3A_1591 = tpu.memref_slice %arg11[%rem3A_1579] : memref<3x!tpu.dma_semaphore, #tpu.memory_space<semaphore_mem>> -> memref<1x!tpu.dma_semaphore, #tpu.memory_space<semaphore_mem>>
          %dma_start3A_1592 = tpu.memref_squeeze %dma_start3A_1591 : memref<1x!tpu.dma_semaphore, #tpu.memory_space<semaphore_mem>> -> memref<!tpu.dma_semaphore, #tpu.memory_space<semaphore_mem>>
          %dma_start3A_1593 = arith.constant 0 : i32
          %dma_start3A_1594 = arith.constant 0 : i32
          %dma_start3A_1595 = tpu.memref_slice %arg8[%rem3A_1579, %dma_start3A_1593, %dma_start3A_1594] : memref<3x64x512xf32, #tpu.memory_space<vmem>> -> memref<1x64x512xf32, #tpu.memory_space<vmem>>
          %dma_start3A_1596 = tpu.memref_squeeze %dma_start3A_1595 : memref<1x64x512xf32, #tpu.memory_space<vmem>> -> memref<64x512xf32, #tpu.memory_space<vmem>>
          %dma_start3A_1597 = arith.constant 0 : i32
          %dma_start3A_1598 = tpu.memref_slice %arg2[%dma_start3A_1597, %multiple_of3A_1584] : memref<64x1000000xf32, #tpu.memory_space<hbm>> -> memref<64x512xf32, #tpu.memory_space<hbm>>
          tpu.enqueue_dma source(%dma_start3A_1598 : memref<64x512xf32, #tpu.memory_space<hbm>>) target(%dma_start3A_1596 : memref<64x512xf32, #tpu.memory_space<vmem>>) target_semaphore(%dma_start3A_1592 : memref<!tpu.dma_semaphore, #tpu.memory_space<semaphore_mem>>)
          %rem3A_1599 = arith.constant 3 : i32
          %rem3A_1600 = arith.remsi %while3A_1574, %rem3A_1599 : i32
          %mul3A_1601 = arith.constant 512 : i32
          %mul3A_1602 = arith.muli %while3A_1574, %mul3A_1601 : i32
          %min3A_1603 = arith.constant 999552 : i32
          %min3A_1604 = arith.minsi %mul3A_1602, %min3A_1603 : i32
          %multiple_of3A_1605 = tpu.assume_multiple %min3A_1604, 128 : i32
          %dma_wait3A_1606 = arith.constant 0 : i32
          %dma_wait3A_1607 = arith.constant 0 : i32
          %dma_wait3A_1608 = tpu.memref_slice %arg8[%rem3A_1600, %dma_wait3A_1606, %dma_wait3A_1607] : memref<3x64x512xf32, #tpu.memory_space<vmem>> -> memref<1x64x512xf32, #tpu.memory_space<vmem>>
          %dma_wait3A_1609 = tpu.memref_squeeze %dma_wait3A_1608 : memref<1x64x512xf32, #tpu.memory_space<vmem>> -> memref<64x512xf32, #tpu.memory_space<vmem>>
          %dma_wait3A_1610 = arith.constant 0 : i32
          %dma_wait3A_1611 = tpu.memref_slice %arg2[%dma_wait3A_1610, %multiple_of3A_1605] : memref<64x1000000xf32, #tpu.memory_space<hbm>> -> memref<64x512xf32, #tpu.memory_space<hbm>>
          %dma_wait3A_1612 = tpu.memref_slice %arg11[%rem3A_1600] : memref<3x!tpu.dma_semaphore, #tpu.memory_space<semaphore_mem>> -> memref<1x!tpu.dma_semaphore, #tpu.memory_space<semaphore_mem>>
          %dma_wait3A_1613 = tpu.memref_squeeze %dma_wait3A_1612 : memref<1x!tpu.dma_semaphore, #tpu.memory_space<semaphore_mem>> -> memref<!tpu.dma_semaphore, #tpu.memory_space<semaphore_mem>>
          %dma_wait3A_1614 = arith.constant 0 : i32
          %dma_wait3A_1615 = arith.constant 0 : i32
          %dma_wait3A_1616 = tpu.memref_slice %arg8[%rem3A_1600, %dma_wait3A_1614, %dma_wait3A_1615] : memref<3x64x512xf32, #tpu.memory_space<vmem>> -> memref<1x64x512xf32, #tpu.memory_space<vmem>>
          %dma_wait3A_1617 = tpu.memref_squeeze %dma_wait3A_1616 : memref<1x64x512xf32, #tpu.memory_space<vmem>> -> memref<64x512xf32, #tpu.memory_space<vmem>>
          %dma_wait3A_1618 = arith.constant 0 : i32
          %dma_wait3A_1619 = tpu.memref_slice %arg2[%dma_wait3A_1618, %multiple_of3A_1605] : memref<64x1000000xf32, #tpu.memory_space<hbm>> -> memref<64x512xf32, #tpu.memory_space<hbm>>
          tpu.wait_dma2 semaphore(%dma_wait3A_1613 : memref<!tpu.dma_semaphore, #tpu.memory_space<semaphore_mem>>) src(%dma_wait3A_1619 : memref<64x512xf32, #tpu.memory_space<hbm>>) dst(%dma_wait3A_1617 : memref<64x512xf32, #tpu.memory_space<vmem>>)
        }
        %max3A_1141 = arith.maxsi %max3A_1051, %shift_right_logical3A_1127 : i32
        %rem3A_1142 = arith.constant 3 : i32
        %rem3A_1143 = arith.remsi %shift_right_logical3A_1127, %rem3A_1142 : i32
        %mul3A_1144 = arith.constant 512 : i32
        %mul3A_1145 = arith.muli %shift_right_logical3A_1127, %mul3A_1144 : i32
        %min3A_1146 = arith.constant 999552 : i32
        %min3A_1147 = arith.minsi %mul3A_1145, %min3A_1146 : i32
        %sub3A_1148 = arith.subi %squeeze3A_1125, %min3A_1147 : i32
        %broadcast_in_dim3A_1149 = vector.broadcast %sub3A_1148 : i32 to vector<16xi32>
        %iota3A_1150 = tpu.iota {dimensions = array<i32: 0>} : vector<16xi32>
        %add3A_1151 = arith.constant 0 : i32
        %add3A_1152 = vector.broadcast %add3A_1151 : i32 to vector<16xi32>
        %add3A_1153 = arith.addi %iota3A_1150, %add3A_1152 : vector<16xi32>
        %gather3A_1154 = arith.constant 0 : i32
        %gather3A_1155 = arith.constant 0 : i32
        %gather3A_1156 = tpu.memref_slice %arg8[%rem3A_1143, %gather3A_1154, %gather3A_1155] : memref<3x64x512xf32, #tpu.memory_space<vmem>> -> memref<1x64x512xf32, #tpu.memory_space<vmem>>
        %gather3A_1157 = tpu.memref_squeeze %gather3A_1156 : memref<1x64x512xf32, #tpu.memory_space<vmem>> -> memref<64x512xf32, #tpu.memory_space<vmem>>
        %gather3A_1158 = tpu.vector_load_idx %gather3A_1157[%add3A_1153, %broadcast_in_dim3A_1149] : memref<64x512xf32, #tpu.memory_space<vmem>>[vector<16xi32>, vector<16xi32>], vector<16xf32>,
        %mul3A_1159 = arith.constant 16 : i32
        %mul3A_1160 = arith.muli %scan3A_121, %mul3A_1159 : i32
        %add3A_1161 = arith.constant 11 : i32
        %add3A_1162 = arith.addi %mul3A_1160, %add3A_1161 : i32
        %swap3A_1163 = arith.index_cast %add3A_1162 : i32 to index
        %swap3A_1164 = arith.constant 0 : index
        %swap3A_1165 = tpu.vector_load %arg9[%swap3A_1163, %swap3A_1164] {strides = array<i32>} : memref<128x128xf32, #tpu.memory_space<vmem>>, vector<16xf32>,
        tpu.vector_store %arg9[%swap3A_1163, %swap3A_1164], %gather3A_1158 {strides = array<i32>} : memref<128x128xf32, #tpu.memory_space<vmem>>, vector<16xf32>,
        %iota3A_1166 = tpu.iota {dimensions = array<i32: 0>} : vector<16xi32>
        %add3A_1167 = arith.constant 16 : i32
        %add3A_1168 = vector.broadcast %add3A_1167 : i32 to vector<16xi32>
        %add3A_1169 = arith.addi %iota3A_1166, %add3A_1168 : vector<16xi32>
        %gather3A_1170 = arith.constant 0 : i32
        %gather3A_1171 = arith.constant 0 : i32
        %gather3A_1172 = tpu.memref_slice %arg8[%rem3A_1143, %gather3A_1170, %gather3A_1171] : memref<3x64x512xf32, #tpu.memory_space<vmem>> -> memref<1x64x512xf32, #tpu.memory_space<vmem>>
        %gather3A_1173 = tpu.memref_squeeze %gather3A_1172 : memref<1x64x512xf32, #tpu.memory_space<vmem>> -> memref<64x512xf32, #tpu.memory_space<vmem>>
        %gather3A_1174 = tpu.vector_load_idx %gather3A_1173[%add3A_1169, %broadcast_in_dim3A_1149] : memref<64x512xf32, #tpu.memory_space<vmem>>[vector<16xi32>, vector<16xi32>], vector<16xf32>,
        %mul3A_1175 = arith.constant 16 : i32
        %mul3A_1176 = arith.muli %scan3A_121, %mul3A_1175 : i32
        %add3A_1177 = arith.constant 11 : i32
        %add3A_1178 = arith.addi %mul3A_1176, %add3A_1177 : i32
        %swap3A_1179 = arith.index_cast %add3A_1178 : i32 to index
        %swap3A_1180 = arith.constant 16 : index
        %swap3A_1181 = tpu.vector_load %arg9[%swap3A_1179, %swap3A_1180] {strides = array<i32>} : memref<128x128xf32, #tpu.memory_space<vmem>>, vector<16xf32>,
        tpu.vector_store %arg9[%swap3A_1179, %swap3A_1180], %gather3A_1174 {strides = array<i32>} : memref<128x128xf32, #tpu.memory_space<vmem>>, vector<16xf32>,
        %iota3A_1182 = tpu.iota {dimensions = array<i32: 0>} : vector<16xi32>
        %add3A_1183 = arith.constant 32 : i32
        %add3A_1184 = vector.broadcast %add3A_1183 : i32 to vector<16xi32>
        %add3A_1185 = arith.addi %iota3A_1182, %add3A_1184 : vector<16xi32>
        %gather3A_1186 = arith.constant 0 : i32
        %gather3A_1187 = arith.constant 0 : i32
        %gather3A_1188 = tpu.memref_slice %arg8[%rem3A_1143, %gather3A_1186, %gather3A_1187] : memref<3x64x512xf32, #tpu.memory_space<vmem>> -> memref<1x64x512xf32, #tpu.memory_space<vmem>>
        %gather3A_1189 = tpu.memref_squeeze %gather3A_1188 : memref<1x64x512xf32, #tpu.memory_space<vmem>> -> memref<64x512xf32, #tpu.memory_space<vmem>>
        %gather3A_1190 = tpu.vector_load_idx %gather3A_1189[%add3A_1185, %broadcast_in_dim3A_1149] : memref<64x512xf32, #tpu.memory_space<vmem>>[vector<16xi32>, vector<16xi32>], vector<16xf32>,
        %mul3A_1191 = arith.constant 16 : i32
        %mul3A_1192 = arith.muli %scan3A_121, %mul3A_1191 : i32
        %add3A_1193 = arith.constant 11 : i32
        %add3A_1194 = arith.addi %mul3A_1192, %add3A_1193 : i32
        %swap3A_1195 = arith.index_cast %add3A_1194 : i32 to index
        %swap3A_1196 = arith.constant 32 : index
        %swap3A_1197 = tpu.vector_load %arg9[%swap3A_1195, %swap3A_1196] {strides = array<i32>} : memref<128x128xf32, #tpu.memory_space<vmem>>, vector<16xf32>,
        tpu.vector_store %arg9[%swap3A_1195, %swap3A_1196], %gather3A_1190 {strides = array<i32>} : memref<128x128xf32, #tpu.memory_space<vmem>>, vector<16xf32>,
        %iota3A_1198 = tpu.iota {dimensions = array<i32: 0>} : vector<16xi32>
        %add3A_1199 = arith.constant 48 : i32
        %add3A_1200 = vector.broadcast %add3A_1199 : i32 to vector<16xi32>
        %add3A_1201 = arith.addi %iota3A_1198, %add3A_1200 : vector<16xi32>
        %gather3A_1202 = arith.constant 0 : i32
        %gather3A_1203 = arith.constant 0 : i32
        %gather3A_1204 = tpu.memref_slice %arg8[%rem3A_1143, %gather3A_1202, %gather3A_1203] : memref<3x64x512xf32, #tpu.memory_space<vmem>> -> memref<1x64x512xf32, #tpu.memory_space<vmem>>
        %gather3A_1205 = tpu.memref_squeeze %gather3A_1204 : memref<1x64x512xf32, #tpu.memory_space<vmem>> -> memref<64x512xf32, #tpu.memory_space<vmem>>
        %gather3A_1206 = tpu.vector_load_idx %gather3A_1205[%add3A_1201, %broadcast_in_dim3A_1149] : memref<64x512xf32, #tpu.memory_space<vmem>>[vector<16xi32>, vector<16xi32>], vector<16xf32>,
        %mul3A_1207 = arith.constant 16 : i32
        %mul3A_1208 = arith.muli %scan3A_121, %mul3A_1207 : i32
        %add3A_1209 = arith.constant 11 : i32
        %add3A_1210 = arith.addi %mul3A_1208, %add3A_1209 : i32
        %swap3A_1211 = arith.index_cast %add3A_1210 : i32 to index
        %swap3A_1212 = arith.constant 48 : index
        %swap3A_1213 = tpu.vector_load %arg9[%swap3A_1211, %swap3A_1212] {strides = array<i32>} : memref<128x128xf32, #tpu.memory_space<vmem>>, vector<16xf32>,
        tpu.vector_store %arg9[%swap3A_1211, %swap3A_1212], %gather3A_1206 {strides = array<i32>} : memref<128x128xf32, #tpu.memory_space<vmem>>, vector<16xf32>,
        %slice3A_1214 = vector.extract_strided_slice %get3A_129 {offsets = [12], sizes = [1], strides = [1]} : vector<16xi32> to vector<1xi32>
        %squeeze3A_1215 = vector.extract %slice3A_1214[0] : i32 from vector<1xi32>
        %shift_right_logical3A_1216 = arith.constant 9 : i32
        %shift_right_logical3A_1217 = arith.shrui %squeeze3A_1215, %shift_right_logical3A_1216 : i32
        %add3A_1218 = arith.constant 1 : i32
        %add3A_1219 = arith.addi %max3A_1141, %add3A_1218 : i32
        %add3A_1220 = arith.constant 1 : i32
        %add3A_1221 = arith.addi %shift_right_logical3A_1217, %add3A_1220 : i32
        %while3A_1222 = arith.constant 0 : i32
        %while3A_1223 = arith.subi %add3A_1221, %add3A_1219 : i32
        %while3A_1224 = arith.addi %add3A_1219, %while3A_1223 : i32
        %while3A_1225 = arith.constant 1 : i32
        %while3A_1226 = arith.divsi %while3A_1223, %while3A_1225 : i32
        %while3A_1227 = arith.muli %while3A_1226, %while3A_1225 : i32
        %while3A_1228 = arith.addi %add3A_1219, %while3A_1227 : i32
        %while3A_1229 = arith.constant 1 : i32
        scf.for %while3A_1574 = %add3A_1219 to %while3A_1228 step %while3A_1229  : i32 {
          %add3A_1575 = arith.constant 2 : i32
          %add3A_1576 = arith.addi %while3A_1574, %add3A_1575 : i32
          %min3A_1577 = arith.minsi %add3A_1576, %shift_right_logical3A_10 : i32
          %rem3A_1578 = arith.constant 3 : i32
          %rem3A_1579 = arith.remsi %min3A_1577, %rem3A_1578 : i32
          %mul3A_1580 = arith.constant 512 : i32
          %mul3A_1581 = arith.muli %min3A_1577, %mul3A_1580 : i32
          %min3A_1582 = arith.constant 999552 : i32
          %min3A_1583 = arith.minsi %mul3A_1581, %min3A_1582 : i32
          %multiple_of3A_1584 = tpu.assume_multiple %min3A_1583, 128 : i32
          %dma_start3A_1585 = arith.constant 0 : i32
          %dma_start3A_1586 = arith.constant 0 : i32
          %dma_start3A_1587 = tpu.memref_slice %arg8[%rem3A_1579, %dma_start3A_1585, %dma_start3A_1586] : memref<3x64x512xf32, #tpu.memory_space<vmem>> -> memref<1x64x512xf32, #tpu.memory_space<vmem>>
          %dma_start3A_1588 = tpu.memref_squeeze %dma_start3A_1587 : memref<1x64x512xf32, #tpu.memory_space<vmem>> -> memref<64x512xf32, #tpu.memory_space<vmem>>
          %dma_start3A_1589 = arith.constant 0 : i32
          %dma_start3A_1590 = tpu.memref_slice %arg2[%dma_start3A_1589, %multiple_of3A_1584] : memref<64x1000000xf32, #tpu.memory_space<hbm>> -> memref<64x512xf32, #tpu.memory_space<hbm>>
          %dma_start3A_1591 = tpu.memref_slice %arg11[%rem3A_1579] : memref<3x!tpu.dma_semaphore, #tpu.memory_space<semaphore_mem>> -> memref<1x!tpu.dma_semaphore, #tpu.memory_space<semaphore_mem>>
          %dma_start3A_1592 = tpu.memref_squeeze %dma_start3A_1591 : memref<1x!tpu.dma_semaphore, #tpu.memory_space<semaphore_mem>> -> memref<!tpu.dma_semaphore, #tpu.memory_space<semaphore_mem>>
          %dma_start3A_1593 = arith.constant 0 : i32
          %dma_start3A_1594 = arith.constant 0 : i32
          %dma_start3A_1595 = tpu.memref_slice %arg8[%rem3A_1579, %dma_start3A_1593, %dma_start3A_1594] : memref<3x64x512xf32, #tpu.memory_space<vmem>> -> memref<1x64x512xf32, #tpu.memory_space<vmem>>
          %dma_start3A_1596 = tpu.memref_squeeze %dma_start3A_1595 : memref<1x64x512xf32, #tpu.memory_space<vmem>> -> memref<64x512xf32, #tpu.memory_space<vmem>>
          %dma_start3A_1597 = arith.constant 0 : i32
          %dma_start3A_1598 = tpu.memref_slice %arg2[%dma_start3A_1597, %multiple_of3A_1584] : memref<64x1000000xf32, #tpu.memory_space<hbm>> -> memref<64x512xf32, #tpu.memory_space<hbm>>
          tpu.enqueue_dma source(%dma_start3A_1598 : memref<64x512xf32, #tpu.memory_space<hbm>>) target(%dma_start3A_1596 : memref<64x512xf32, #tpu.memory_space<vmem>>) target_semaphore(%dma_start3A_1592 : memref<!tpu.dma_semaphore, #tpu.memory_space<semaphore_mem>>)
          %rem3A_1599 = arith.constant 3 : i32
          %rem3A_1600 = arith.remsi %while3A_1574, %rem3A_1599 : i32
          %mul3A_1601 = arith.constant 512 : i32
          %mul3A_1602 = arith.muli %while3A_1574, %mul3A_1601 : i32
          %min3A_1603 = arith.constant 999552 : i32
          %min3A_1604 = arith.minsi %mul3A_1602, %min3A_1603 : i32
          %multiple_of3A_1605 = tpu.assume_multiple %min3A_1604, 128 : i32
          %dma_wait3A_1606 = arith.constant 0 : i32
          %dma_wait3A_1607 = arith.constant 0 : i32
          %dma_wait3A_1608 = tpu.memref_slice %arg8[%rem3A_1600, %dma_wait3A_1606, %dma_wait3A_1607] : memref<3x64x512xf32, #tpu.memory_space<vmem>> -> memref<1x64x512xf32, #tpu.memory_space<vmem>>
          %dma_wait3A_1609 = tpu.memref_squeeze %dma_wait3A_1608 : memref<1x64x512xf32, #tpu.memory_space<vmem>> -> memref<64x512xf32, #tpu.memory_space<vmem>>
          %dma_wait3A_1610 = arith.constant 0 : i32
          %dma_wait3A_1611 = tpu.memref_slice %arg2[%dma_wait3A_1610, %multiple_of3A_1605] : memref<64x1000000xf32, #tpu.memory_space<hbm>> -> memref<64x512xf32, #tpu.memory_space<hbm>>
          %dma_wait3A_1612 = tpu.memref_slice %arg11[%rem3A_1600] : memref<3x!tpu.dma_semaphore, #tpu.memory_space<semaphore_mem>> -> memref<1x!tpu.dma_semaphore, #tpu.memory_space<semaphore_mem>>
          %dma_wait3A_1613 = tpu.memref_squeeze %dma_wait3A_1612 : memref<1x!tpu.dma_semaphore, #tpu.memory_space<semaphore_mem>> -> memref<!tpu.dma_semaphore, #tpu.memory_space<semaphore_mem>>
          %dma_wait3A_1614 = arith.constant 0 : i32
          %dma_wait3A_1615 = arith.constant 0 : i32
          %dma_wait3A_1616 = tpu.memref_slice %arg8[%rem3A_1600, %dma_wait3A_1614, %dma_wait3A_1615] : memref<3x64x512xf32, #tpu.memory_space<vmem>> -> memref<1x64x512xf32, #tpu.memory_space<vmem>>
          %dma_wait3A_1617 = tpu.memref_squeeze %dma_wait3A_1616 : memref<1x64x512xf32, #tpu.memory_space<vmem>> -> memref<64x512xf32, #tpu.memory_space<vmem>>
          %dma_wait3A_1618 = arith.constant 0 : i32
          %dma_wait3A_1619 = tpu.memref_slice %arg2[%dma_wait3A_1618, %multiple_of3A_1605] : memref<64x1000000xf32, #tpu.memory_space<hbm>> -> memref<64x512xf32, #tpu.memory_space<hbm>>
          tpu.wait_dma2 semaphore(%dma_wait3A_1613 : memref<!tpu.dma_semaphore, #tpu.memory_space<semaphore_mem>>) src(%dma_wait3A_1619 : memref<64x512xf32, #tpu.memory_space<hbm>>) dst(%dma_wait3A_1617 : memref<64x512xf32, #tpu.memory_space<vmem>>)
        }
        %while3A_1230 = arith.constant 1 : i32
        scf.for %while3A_1574 = %while3A_1228 to %while3A_1224 step %while3A_1230  : i32 {
          %add3A_1575 = arith.constant 2 : i32
          %add3A_1576 = arith.addi %while3A_1574, %add3A_1575 : i32
          %min3A_1577 = arith.minsi %add3A_1576, %shift_right_logical3A_10 : i32
          %rem3A_1578 = arith.constant 3 : i32
          %rem3A_1579 = arith.remsi %min3A_1577, %rem3A_1578 : i32
          %mul3A_1580 = arith.constant 512 : i32
          %mul3A_1581 = arith.muli %min3A_1577, %mul3A_1580 : i32
          %min3A_1582 = arith.constant 999552 : i32
          %min3A_1583 = arith.minsi %mul3A_1581, %min3A_1582 : i32
          %multiple_of3A_1584 = tpu.assume_multiple %min3A_1583, 128 : i32
          %dma_start3A_1585 = arith.constant 0 : i32
          %dma_start3A_1586 = arith.constant 0 : i32
          %dma_start3A_1587 = tpu.memref_slice %arg8[%rem3A_1579, %dma_start3A_1585, %dma_start3A_1586] : memref<3x64x512xf32, #tpu.memory_space<vmem>> -> memref<1x64x512xf32, #tpu.memory_space<vmem>>
          %dma_start3A_1588 = tpu.memref_squeeze %dma_start3A_1587 : memref<1x64x512xf32, #tpu.memory_space<vmem>> -> memref<64x512xf32, #tpu.memory_space<vmem>>
          %dma_start3A_1589 = arith.constant 0 : i32
          %dma_start3A_1590 = tpu.memref_slice %arg2[%dma_start3A_1589, %multiple_of3A_1584] : memref<64x1000000xf32, #tpu.memory_space<hbm>> -> memref<64x512xf32, #tpu.memory_space<hbm>>
          %dma_start3A_1591 = tpu.memref_slice %arg11[%rem3A_1579] : memref<3x!tpu.dma_semaphore, #tpu.memory_space<semaphore_mem>> -> memref<1x!tpu.dma_semaphore, #tpu.memory_space<semaphore_mem>>
          %dma_start3A_1592 = tpu.memref_squeeze %dma_start3A_1591 : memref<1x!tpu.dma_semaphore, #tpu.memory_space<semaphore_mem>> -> memref<!tpu.dma_semaphore, #tpu.memory_space<semaphore_mem>>
          %dma_start3A_1593 = arith.constant 0 : i32
          %dma_start3A_1594 = arith.constant 0 : i32
          %dma_start3A_1595 = tpu.memref_slice %arg8[%rem3A_1579, %dma_start3A_1593, %dma_start3A_1594] : memref<3x64x512xf32, #tpu.memory_space<vmem>> -> memref<1x64x512xf32, #tpu.memory_space<vmem>>
          %dma_start3A_1596 = tpu.memref_squeeze %dma_start3A_1595 : memref<1x64x512xf32, #tpu.memory_space<vmem>> -> memref<64x512xf32, #tpu.memory_space<vmem>>
          %dma_start3A_1597 = arith.constant 0 : i32
          %dma_start3A_1598 = tpu.memref_slice %arg2[%dma_start3A_1597, %multiple_of3A_1584] : memref<64x1000000xf32, #tpu.memory_space<hbm>> -> memref<64x512xf32, #tpu.memory_space<hbm>>
          tpu.enqueue_dma source(%dma_start3A_1598 : memref<64x512xf32, #tpu.memory_space<hbm>>) target(%dma_start3A_1596 : memref<64x512xf32, #tpu.memory_space<vmem>>) target_semaphore(%dma_start3A_1592 : memref<!tpu.dma_semaphore, #tpu.memory_space<semaphore_mem>>)
          %rem3A_1599 = arith.constant 3 : i32
          %rem3A_1600 = arith.remsi %while3A_1574, %rem3A_1599 : i32
          %mul3A_1601 = arith.constant 512 : i32
          %mul3A_1602 = arith.muli %while3A_1574, %mul3A_1601 : i32
          %min3A_1603 = arith.constant 999552 : i32
          %min3A_1604 = arith.minsi %mul3A_1602, %min3A_1603 : i32
          %multiple_of3A_1605 = tpu.assume_multiple %min3A_1604, 128 : i32
          %dma_wait3A_1606 = arith.constant 0 : i32
          %dma_wait3A_1607 = arith.constant 0 : i32
          %dma_wait3A_1608 = tpu.memref_slice %arg8[%rem3A_1600, %dma_wait3A_1606, %dma_wait3A_1607] : memref<3x64x512xf32, #tpu.memory_space<vmem>> -> memref<1x64x512xf32, #tpu.memory_space<vmem>>
          %dma_wait3A_1609 = tpu.memref_squeeze %dma_wait3A_1608 : memref<1x64x512xf32, #tpu.memory_space<vmem>> -> memref<64x512xf32, #tpu.memory_space<vmem>>
          %dma_wait3A_1610 = arith.constant 0 : i32
          %dma_wait3A_1611 = tpu.memref_slice %arg2[%dma_wait3A_1610, %multiple_of3A_1605] : memref<64x1000000xf32, #tpu.memory_space<hbm>> -> memref<64x512xf32, #tpu.memory_space<hbm>>
          %dma_wait3A_1612 = tpu.memref_slice %arg11[%rem3A_1600] : memref<3x!tpu.dma_semaphore, #tpu.memory_space<semaphore_mem>> -> memref<1x!tpu.dma_semaphore, #tpu.memory_space<semaphore_mem>>
          %dma_wait3A_1613 = tpu.memref_squeeze %dma_wait3A_1612 : memref<1x!tpu.dma_semaphore, #tpu.memory_space<semaphore_mem>> -> memref<!tpu.dma_semaphore, #tpu.memory_space<semaphore_mem>>
          %dma_wait3A_1614 = arith.constant 0 : i32
          %dma_wait3A_1615 = arith.constant 0 : i32
          %dma_wait3A_1616 = tpu.memref_slice %arg8[%rem3A_1600, %dma_wait3A_1614, %dma_wait3A_1615] : memref<3x64x512xf32, #tpu.memory_space<vmem>> -> memref<1x64x512xf32, #tpu.memory_space<vmem>>
          %dma_wait3A_1617 = tpu.memref_squeeze %dma_wait3A_1616 : memref<1x64x512xf32, #tpu.memory_space<vmem>> -> memref<64x512xf32, #tpu.memory_space<vmem>>
          %dma_wait3A_1618 = arith.constant 0 : i32
          %dma_wait3A_1619 = tpu.memref_slice %arg2[%dma_wait3A_1618, %multiple_of3A_1605] : memref<64x1000000xf32, #tpu.memory_space<hbm>> -> memref<64x512xf32, #tpu.memory_space<hbm>>
          tpu.wait_dma2 semaphore(%dma_wait3A_1613 : memref<!tpu.dma_semaphore, #tpu.memory_space<semaphore_mem>>) src(%dma_wait3A_1619 : memref<64x512xf32, #tpu.memory_space<hbm>>) dst(%dma_wait3A_1617 : memref<64x512xf32, #tpu.memory_space<vmem>>)
        }
        %max3A_1231 = arith.maxsi %max3A_1141, %shift_right_logical3A_1217 : i32
        %rem3A_1232 = arith.constant 3 : i32
        %rem3A_1233 = arith.remsi %shift_right_logical3A_1217, %rem3A_1232 : i32
        %mul3A_1234 = arith.constant 512 : i32
        %mul3A_1235 = arith.muli %shift_right_logical3A_1217, %mul3A_1234 : i32
        %min3A_1236 = arith.constant 999552 : i32
        %min3A_1237 = arith.minsi %mul3A_1235, %min3A_1236 : i32
        %sub3A_1238 = arith.subi %squeeze3A_1215, %min3A_1237 : i32
        %broadcast_in_dim3A_1239 = vector.broadcast %sub3A_1238 : i32 to vector<16xi32>
        %iota3A_1240 = tpu.iota {dimensions = array<i32: 0>} : vector<16xi32>
        %add3A_1241 = arith.constant 0 : i32
        %add3A_1242 = vector.broadcast %add3A_1241 : i32 to vector<16xi32>
        %add3A_1243 = arith.addi %iota3A_1240, %add3A_1242 : vector<16xi32>
        %gather3A_1244 = arith.constant 0 : i32
        %gather3A_1245 = arith.constant 0 : i32
        %gather3A_1246 = tpu.memref_slice %arg8[%rem3A_1233, %gather3A_1244, %gather3A_1245] : memref<3x64x512xf32, #tpu.memory_space<vmem>> -> memref<1x64x512xf32, #tpu.memory_space<vmem>>
        %gather3A_1247 = tpu.memref_squeeze %gather3A_1246 : memref<1x64x512xf32, #tpu.memory_space<vmem>> -> memref<64x512xf32, #tpu.memory_space<vmem>>
        %gather3A_1248 = tpu.vector_load_idx %gather3A_1247[%add3A_1243, %broadcast_in_dim3A_1239] : memref<64x512xf32, #tpu.memory_space<vmem>>[vector<16xi32>, vector<16xi32>], vector<16xf32>,
        %mul3A_1249 = arith.constant 16 : i32
        %mul3A_1250 = arith.muli %scan3A_121, %mul3A_1249 : i32
        %add3A_1251 = arith.constant 12 : i32
        %add3A_1252 = arith.addi %mul3A_1250, %add3A_1251 : i32
        %swap3A_1253 = arith.index_cast %add3A_1252 : i32 to index
        %swap3A_1254 = arith.constant 0 : index
        %swap3A_1255 = tpu.vector_load %arg9[%swap3A_1253, %swap3A_1254] {strides = array<i32>} : memref<128x128xf32, #tpu.memory_space<vmem>>, vector<16xf32>,
        tpu.vector_store %arg9[%swap3A_1253, %swap3A_1254], %gather3A_1248 {strides = array<i32>} : memref<128x128xf32, #tpu.memory_space<vmem>>, vector<16xf32>,
        %iota3A_1256 = tpu.iota {dimensions = array<i32: 0>} : vector<16xi32>
        %add3A_1257 = arith.constant 16 : i32
        %add3A_1258 = vector.broadcast %add3A_1257 : i32 to vector<16xi32>
        %add3A_1259 = arith.addi %iota3A_1256, %add3A_1258 : vector<16xi32>
        %gather3A_1260 = arith.constant 0 : i32
        %gather3A_1261 = arith.constant 0 : i32
        %gather3A_1262 = tpu.memref_slice %arg8[%rem3A_1233, %gather3A_1260, %gather3A_1261] : memref<3x64x512xf32, #tpu.memory_space<vmem>> -> memref<1x64x512xf32, #tpu.memory_space<vmem>>
        %gather3A_1263 = tpu.memref_squeeze %gather3A_1262 : memref<1x64x512xf32, #tpu.memory_space<vmem>> -> memref<64x512xf32, #tpu.memory_space<vmem>>
        %gather3A_1264 = tpu.vector_load_idx %gather3A_1263[%add3A_1259, %broadcast_in_dim3A_1239] : memref<64x512xf32, #tpu.memory_space<vmem>>[vector<16xi32>, vector<16xi32>], vector<16xf32>,
        %mul3A_1265 = arith.constant 16 : i32
        %mul3A_1266 = arith.muli %scan3A_121, %mul3A_1265 : i32
        %add3A_1267 = arith.constant 12 : i32
        %add3A_1268 = arith.addi %mul3A_1266, %add3A_1267 : i32
        %swap3A_1269 = arith.index_cast %add3A_1268 : i32 to index
        %swap3A_1270 = arith.constant 16 : index
        %swap3A_1271 = tpu.vector_load %arg9[%swap3A_1269, %swap3A_1270] {strides = array<i32>} : memref<128x128xf32, #tpu.memory_space<vmem>>, vector<16xf32>,
        tpu.vector_store %arg9[%swap3A_1269, %swap3A_1270], %gather3A_1264 {strides = array<i32>} : memref<128x128xf32, #tpu.memory_space<vmem>>, vector<16xf32>,
        %iota3A_1272 = tpu.iota {dimensions = array<i32: 0>} : vector<16xi32>
        %add3A_1273 = arith.constant 32 : i32
        %add3A_1274 = vector.broadcast %add3A_1273 : i32 to vector<16xi32>
        %add3A_1275 = arith.addi %iota3A_1272, %add3A_1274 : vector<16xi32>
        %gather3A_1276 = arith.constant 0 : i32
        %gather3A_1277 = arith.constant 0 : i32
        %gather3A_1278 = tpu.memref_slice %arg8[%rem3A_1233, %gather3A_1276, %gather3A_1277] : memref<3x64x512xf32, #tpu.memory_space<vmem>> -> memref<1x64x512xf32, #tpu.memory_space<vmem>>
        %gather3A_1279 = tpu.memref_squeeze %gather3A_1278 : memref<1x64x512xf32, #tpu.memory_space<vmem>> -> memref<64x512xf32, #tpu.memory_space<vmem>>
        %gather3A_1280 = tpu.vector_load_idx %gather3A_1279[%add3A_1275, %broadcast_in_dim3A_1239] : memref<64x512xf32, #tpu.memory_space<vmem>>[vector<16xi32>, vector<16xi32>], vector<16xf32>,
        %mul3A_1281 = arith.constant 16 : i32
        %mul3A_1282 = arith.muli %scan3A_121, %mul3A_1281 : i32
        %add3A_1283 = arith.constant 12 : i32
        %add3A_1284 = arith.addi %mul3A_1282, %add3A_1283 : i32
        %swap3A_1285 = arith.index_cast %add3A_1284 : i32 to index
        %swap3A_1286 = arith.constant 32 : index
        %swap3A_1287 = tpu.vector_load %arg9[%swap3A_1285, %swap3A_1286] {strides = array<i32>} : memref<128x128xf32, #tpu.memory_space<vmem>>, vector<16xf32>,
        tpu.vector_store %arg9[%swap3A_1285, %swap3A_1286], %gather3A_1280 {strides = array<i32>} : memref<128x128xf32, #tpu.memory_space<vmem>>, vector<16xf32>,
        %iota3A_1288 = tpu.iota {dimensions = array<i32: 0>} : vector<16xi32>
        %add3A_1289 = arith.constant 48 : i32
        %add3A_1290 = vector.broadcast %add3A_1289 : i32 to vector<16xi32>
        %add3A_1291 = arith.addi %iota3A_1288, %add3A_1290 : vector<16xi32>
        %gather3A_1292 = arith.constant 0 : i32
        %gather3A_1293 = arith.constant 0 : i32
        %gather3A_1294 = tpu.memref_slice %arg8[%rem3A_1233, %gather3A_1292, %gather3A_1293] : memref<3x64x512xf32, #tpu.memory_space<vmem>> -> memref<1x64x512xf32, #tpu.memory_space<vmem>>
        %gather3A_1295 = tpu.memref_squeeze %gather3A_1294 : memref<1x64x512xf32, #tpu.memory_space<vmem>> -> memref<64x512xf32, #tpu.memory_space<vmem>>
        %gather3A_1296 = tpu.vector_load_idx %gather3A_1295[%add3A_1291, %broadcast_in_dim3A_1239] : memref<64x512xf32, #tpu.memory_space<vmem>>[vector<16xi32>, vector<16xi32>], vector<16xf32>,
        %mul3A_1297 = arith.constant 16 : i32
        %mul3A_1298 = arith.muli %scan3A_121, %mul3A_1297 : i32
        %add3A_1299 = arith.constant 12 : i32
        %add3A_1300 = arith.addi %mul3A_1298, %add3A_1299 : i32
        %swap3A_1301 = arith.index_cast %add3A_1300 : i32 to index
        %swap3A_1302 = arith.constant 48 : index
        %swap3A_1303 = tpu.vector_load %arg9[%swap3A_1301, %swap3A_1302] {strides = array<i32>} : memref<128x128xf32, #tpu.memory_space<vmem>>, vector<16xf32>,
        tpu.vector_store %arg9[%swap3A_1301, %swap3A_1302], %gather3A_1296 {strides = array<i32>} : memref<128x128xf32, #tpu.memory_space<vmem>>, vector<16xf32>,
        %slice3A_1304 = vector.extract_strided_slice %get3A_129 {offsets = [13], sizes = [1], strides = [1]} : vector<16xi32> to vector<1xi32>
        %squeeze3A_1305 = vector.extract %slice3A_1304[0] : i32 from vector<1xi32>
        %shift_right_logical3A_1306 = arith.constant 9 : i32
        %shift_right_logical3A_1307 = arith.shrui %squeeze3A_1305, %shift_right_logical3A_1306 : i32
        %add3A_1308 = arith.constant 1 : i32
        %add3A_1309 = arith.addi %max3A_1231, %add3A_1308 : i32
        %add3A_1310 = arith.constant 1 : i32
        %add3A_1311 = arith.addi %shift_right_logical3A_1307, %add3A_1310 : i32
        %while3A_1312 = arith.constant 0 : i32
        %while3A_1313 = arith.subi %add3A_1311, %add3A_1309 : i32
        %while3A_1314 = arith.addi %add3A_1309, %while3A_1313 : i32
        %while3A_1315 = arith.constant 1 : i32
        %while3A_1316 = arith.divsi %while3A_1313, %while3A_1315 : i32
        %while3A_1317 = arith.muli %while3A_1316, %while3A_1315 : i32
        %while3A_1318 = arith.addi %add3A_1309, %while3A_1317 : i32
        %while3A_1319 = arith.constant 1 : i32
        scf.for %while3A_1574 = %add3A_1309 to %while3A_1318 step %while3A_1319  : i32 {
          %add3A_1575 = arith.constant 2 : i32
          %add3A_1576 = arith.addi %while3A_1574, %add3A_1575 : i32
          %min3A_1577 = arith.minsi %add3A_1576, %shift_right_logical3A_10 : i32
          %rem3A_1578 = arith.constant 3 : i32
          %rem3A_1579 = arith.remsi %min3A_1577, %rem3A_1578 : i32
          %mul3A_1580 = arith.constant 512 : i32
          %mul3A_1581 = arith.muli %min3A_1577, %mul3A_1580 : i32
          %min3A_1582 = arith.constant 999552 : i32
          %min3A_1583 = arith.minsi %mul3A_1581, %min3A_1582 : i32
          %multiple_of3A_1584 = tpu.assume_multiple %min3A_1583, 128 : i32
          %dma_start3A_1585 = arith.constant 0 : i32
          %dma_start3A_1586 = arith.constant 0 : i32
          %dma_start3A_1587 = tpu.memref_slice %arg8[%rem3A_1579, %dma_start3A_1585, %dma_start3A_1586] : memref<3x64x512xf32, #tpu.memory_space<vmem>> -> memref<1x64x512xf32, #tpu.memory_space<vmem>>
          %dma_start3A_1588 = tpu.memref_squeeze %dma_start3A_1587 : memref<1x64x512xf32, #tpu.memory_space<vmem>> -> memref<64x512xf32, #tpu.memory_space<vmem>>
          %dma_start3A_1589 = arith.constant 0 : i32
          %dma_start3A_1590 = tpu.memref_slice %arg2[%dma_start3A_1589, %multiple_of3A_1584] : memref<64x1000000xf32, #tpu.memory_space<hbm>> -> memref<64x512xf32, #tpu.memory_space<hbm>>
          %dma_start3A_1591 = tpu.memref_slice %arg11[%rem3A_1579] : memref<3x!tpu.dma_semaphore, #tpu.memory_space<semaphore_mem>> -> memref<1x!tpu.dma_semaphore, #tpu.memory_space<semaphore_mem>>
          %dma_start3A_1592 = tpu.memref_squeeze %dma_start3A_1591 : memref<1x!tpu.dma_semaphore, #tpu.memory_space<semaphore_mem>> -> memref<!tpu.dma_semaphore, #tpu.memory_space<semaphore_mem>>
          %dma_start3A_1593 = arith.constant 0 : i32
          %dma_start3A_1594 = arith.constant 0 : i32
          %dma_start3A_1595 = tpu.memref_slice %arg8[%rem3A_1579, %dma_start3A_1593, %dma_start3A_1594] : memref<3x64x512xf32, #tpu.memory_space<vmem>> -> memref<1x64x512xf32, #tpu.memory_space<vmem>>
          %dma_start3A_1596 = tpu.memref_squeeze %dma_start3A_1595 : memref<1x64x512xf32, #tpu.memory_space<vmem>> -> memref<64x512xf32, #tpu.memory_space<vmem>>
          %dma_start3A_1597 = arith.constant 0 : i32
          %dma_start3A_1598 = tpu.memref_slice %arg2[%dma_start3A_1597, %multiple_of3A_1584] : memref<64x1000000xf32, #tpu.memory_space<hbm>> -> memref<64x512xf32, #tpu.memory_space<hbm>>
          tpu.enqueue_dma source(%dma_start3A_1598 : memref<64x512xf32, #tpu.memory_space<hbm>>) target(%dma_start3A_1596 : memref<64x512xf32, #tpu.memory_space<vmem>>) target_semaphore(%dma_start3A_1592 : memref<!tpu.dma_semaphore, #tpu.memory_space<semaphore_mem>>)
          %rem3A_1599 = arith.constant 3 : i32
          %rem3A_1600 = arith.remsi %while3A_1574, %rem3A_1599 : i32
          %mul3A_1601 = arith.constant 512 : i32
          %mul3A_1602 = arith.muli %while3A_1574, %mul3A_1601 : i32
          %min3A_1603 = arith.constant 999552 : i32
          %min3A_1604 = arith.minsi %mul3A_1602, %min3A_1603 : i32
          %multiple_of3A_1605 = tpu.assume_multiple %min3A_1604, 128 : i32
          %dma_wait3A_1606 = arith.constant 0 : i32
          %dma_wait3A_1607 = arith.constant 0 : i32
          %dma_wait3A_1608 = tpu.memref_slice %arg8[%rem3A_1600, %dma_wait3A_1606, %dma_wait3A_1607] : memref<3x64x512xf32, #tpu.memory_space<vmem>> -> memref<1x64x512xf32, #tpu.memory_space<vmem>>
          %dma_wait3A_1609 = tpu.memref_squeeze %dma_wait3A_1608 : memref<1x64x512xf32, #tpu.memory_space<vmem>> -> memref<64x512xf32, #tpu.memory_space<vmem>>
          %dma_wait3A_1610 = arith.constant 0 : i32
          %dma_wait3A_1611 = tpu.memref_slice %arg2[%dma_wait3A_1610, %multiple_of3A_1605] : memref<64x1000000xf32, #tpu.memory_space<hbm>> -> memref<64x512xf32, #tpu.memory_space<hbm>>
          %dma_wait3A_1612 = tpu.memref_slice %arg11[%rem3A_1600] : memref<3x!tpu.dma_semaphore, #tpu.memory_space<semaphore_mem>> -> memref<1x!tpu.dma_semaphore, #tpu.memory_space<semaphore_mem>>
          %dma_wait3A_1613 = tpu.memref_squeeze %dma_wait3A_1612 : memref<1x!tpu.dma_semaphore, #tpu.memory_space<semaphore_mem>> -> memref<!tpu.dma_semaphore, #tpu.memory_space<semaphore_mem>>
          %dma_wait3A_1614 = arith.constant 0 : i32
          %dma_wait3A_1615 = arith.constant 0 : i32
          %dma_wait3A_1616 = tpu.memref_slice %arg8[%rem3A_1600, %dma_wait3A_1614, %dma_wait3A_1615] : memref<3x64x512xf32, #tpu.memory_space<vmem>> -> memref<1x64x512xf32, #tpu.memory_space<vmem>>
          %dma_wait3A_1617 = tpu.memref_squeeze %dma_wait3A_1616 : memref<1x64x512xf32, #tpu.memory_space<vmem>> -> memref<64x512xf32, #tpu.memory_space<vmem>>
          %dma_wait3A_1618 = arith.constant 0 : i32
          %dma_wait3A_1619 = tpu.memref_slice %arg2[%dma_wait3A_1618, %multiple_of3A_1605] : memref<64x1000000xf32, #tpu.memory_space<hbm>> -> memref<64x512xf32, #tpu.memory_space<hbm>>
          tpu.wait_dma2 semaphore(%dma_wait3A_1613 : memref<!tpu.dma_semaphore, #tpu.memory_space<semaphore_mem>>) src(%dma_wait3A_1619 : memref<64x512xf32, #tpu.memory_space<hbm>>) dst(%dma_wait3A_1617 : memref<64x512xf32, #tpu.memory_space<vmem>>)
        }
        %while3A_1320 = arith.constant 1 : i32
        scf.for %while3A_1574 = %while3A_1318 to %while3A_1314 step %while3A_1320  : i32 {
          %add3A_1575 = arith.constant 2 : i32
          %add3A_1576 = arith.addi %while3A_1574, %add3A_1575 : i32
          %min3A_1577 = arith.minsi %add3A_1576, %shift_right_logical3A_10 : i32
          %rem3A_1578 = arith.constant 3 : i32
          %rem3A_1579 = arith.remsi %min3A_1577, %rem3A_1578 : i32
          %mul3A_1580 = arith.constant 512 : i32
          %mul3A_1581 = arith.muli %min3A_1577, %mul3A_1580 : i32
          %min3A_1582 = arith.constant 999552 : i32
          %min3A_1583 = arith.minsi %mul3A_1581, %min3A_1582 : i32
          %multiple_of3A_1584 = tpu.assume_multiple %min3A_1583, 128 : i32
          %dma_start3A_1585 = arith.constant 0 : i32
          %dma_start3A_1586 = arith.constant 0 : i32
          %dma_start3A_1587 = tpu.memref_slice %arg8[%rem3A_1579, %dma_start3A_1585, %dma_start3A_1586] : memref<3x64x512xf32, #tpu.memory_space<vmem>> -> memref<1x64x512xf32, #tpu.memory_space<vmem>>
          %dma_start3A_1588 = tpu.memref_squeeze %dma_start3A_1587 : memref<1x64x512xf32, #tpu.memory_space<vmem>> -> memref<64x512xf32, #tpu.memory_space<vmem>>
          %dma_start3A_1589 = arith.constant 0 : i32
          %dma_start3A_1590 = tpu.memref_slice %arg2[%dma_start3A_1589, %multiple_of3A_1584] : memref<64x1000000xf32, #tpu.memory_space<hbm>> -> memref<64x512xf32, #tpu.memory_space<hbm>>
          %dma_start3A_1591 = tpu.memref_slice %arg11[%rem3A_1579] : memref<3x!tpu.dma_semaphore, #tpu.memory_space<semaphore_mem>> -> memref<1x!tpu.dma_semaphore, #tpu.memory_space<semaphore_mem>>
          %dma_start3A_1592 = tpu.memref_squeeze %dma_start3A_1591 : memref<1x!tpu.dma_semaphore, #tpu.memory_space<semaphore_mem>> -> memref<!tpu.dma_semaphore, #tpu.memory_space<semaphore_mem>>
          %dma_start3A_1593 = arith.constant 0 : i32
          %dma_start3A_1594 = arith.constant 0 : i32
          %dma_start3A_1595 = tpu.memref_slice %arg8[%rem3A_1579, %dma_start3A_1593, %dma_start3A_1594] : memref<3x64x512xf32, #tpu.memory_space<vmem>> -> memref<1x64x512xf32, #tpu.memory_space<vmem>>
          %dma_start3A_1596 = tpu.memref_squeeze %dma_start3A_1595 : memref<1x64x512xf32, #tpu.memory_space<vmem>> -> memref<64x512xf32, #tpu.memory_space<vmem>>
          %dma_start3A_1597 = arith.constant 0 : i32
          %dma_start3A_1598 = tpu.memref_slice %arg2[%dma_start3A_1597, %multiple_of3A_1584] : memref<64x1000000xf32, #tpu.memory_space<hbm>> -> memref<64x512xf32, #tpu.memory_space<hbm>>
          tpu.enqueue_dma source(%dma_start3A_1598 : memref<64x512xf32, #tpu.memory_space<hbm>>) target(%dma_start3A_1596 : memref<64x512xf32, #tpu.memory_space<vmem>>) target_semaphore(%dma_start3A_1592 : memref<!tpu.dma_semaphore, #tpu.memory_space<semaphore_mem>>)
          %rem3A_1599 = arith.constant 3 : i32
          %rem3A_1600 = arith.remsi %while3A_1574, %rem3A_1599 : i32
          %mul3A_1601 = arith.constant 512 : i32
          %mul3A_1602 = arith.muli %while3A_1574, %mul3A_1601 : i32
          %min3A_1603 = arith.constant 999552 : i32
          %min3A_1604 = arith.minsi %mul3A_1602, %min3A_1603 : i32
          %multiple_of3A_1605 = tpu.assume_multiple %min3A_1604, 128 : i32
          %dma_wait3A_1606 = arith.constant 0 : i32
          %dma_wait3A_1607 = arith.constant 0 : i32
          %dma_wait3A_1608 = tpu.memref_slice %arg8[%rem3A_1600, %dma_wait3A_1606, %dma_wait3A_1607] : memref<3x64x512xf32, #tpu.memory_space<vmem>> -> memref<1x64x512xf32, #tpu.memory_space<vmem>>
          %dma_wait3A_1609 = tpu.memref_squeeze %dma_wait3A_1608 : memref<1x64x512xf32, #tpu.memory_space<vmem>> -> memref<64x512xf32, #tpu.memory_space<vmem>>
          %dma_wait3A_1610 = arith.constant 0 : i32
          %dma_wait3A_1611 = tpu.memref_slice %arg2[%dma_wait3A_1610, %multiple_of3A_1605] : memref<64x1000000xf32, #tpu.memory_space<hbm>> -> memref<64x512xf32, #tpu.memory_space<hbm>>
          %dma_wait3A_1612 = tpu.memref_slice %arg11[%rem3A_1600] : memref<3x!tpu.dma_semaphore, #tpu.memory_space<semaphore_mem>> -> memref<1x!tpu.dma_semaphore, #tpu.memory_space<semaphore_mem>>
          %dma_wait3A_1613 = tpu.memref_squeeze %dma_wait3A_1612 : memref<1x!tpu.dma_semaphore, #tpu.memory_space<semaphore_mem>> -> memref<!tpu.dma_semaphore, #tpu.memory_space<semaphore_mem>>
          %dma_wait3A_1614 = arith.constant 0 : i32
          %dma_wait3A_1615 = arith.constant 0 : i32
          %dma_wait3A_1616 = tpu.memref_slice %arg8[%rem3A_1600, %dma_wait3A_1614, %dma_wait3A_1615] : memref<3x64x512xf32, #tpu.memory_space<vmem>> -> memref<1x64x512xf32, #tpu.memory_space<vmem>>
          %dma_wait3A_1617 = tpu.memref_squeeze %dma_wait3A_1616 : memref<1x64x512xf32, #tpu.memory_space<vmem>> -> memref<64x512xf32, #tpu.memory_space<vmem>>
          %dma_wait3A_1618 = arith.constant 0 : i32
          %dma_wait3A_1619 = tpu.memref_slice %arg2[%dma_wait3A_1618, %multiple_of3A_1605] : memref<64x1000000xf32, #tpu.memory_space<hbm>> -> memref<64x512xf32, #tpu.memory_space<hbm>>
          tpu.wait_dma2 semaphore(%dma_wait3A_1613 : memref<!tpu.dma_semaphore, #tpu.memory_space<semaphore_mem>>) src(%dma_wait3A_1619 : memref<64x512xf32, #tpu.memory_space<hbm>>) dst(%dma_wait3A_1617 : memref<64x512xf32, #tpu.memory_space<vmem>>)
        }
        %max3A_1321 = arith.maxsi %max3A_1231, %shift_right_logical3A_1307 : i32
        %rem3A_1322 = arith.constant 3 : i32
        %rem3A_1323 = arith.remsi %shift_right_logical3A_1307, %rem3A_1322 : i32
        %mul3A_1324 = arith.constant 512 : i32
        %mul3A_1325 = arith.muli %shift_right_logical3A_1307, %mul3A_1324 : i32
        %min3A_1326 = arith.constant 999552 : i32
        %min3A_1327 = arith.minsi %mul3A_1325, %min3A_1326 : i32
        %sub3A_1328 = arith.subi %squeeze3A_1305, %min3A_1327 : i32
        %broadcast_in_dim3A_1329 = vector.broadcast %sub3A_1328 : i32 to vector<16xi32>
        %iota3A_1330 = tpu.iota {dimensions = array<i32: 0>} : vector<16xi32>
        %add3A_1331 = arith.constant 0 : i32
        %add3A_1332 = vector.broadcast %add3A_1331 : i32 to vector<16xi32>
        %add3A_1333 = arith.addi %iota3A_1330, %add3A_1332 : vector<16xi32>
        %gather3A_1334 = arith.constant 0 : i32
        %gather3A_1335 = arith.constant 0 : i32
        %gather3A_1336 = tpu.memref_slice %arg8[%rem3A_1323, %gather3A_1334, %gather3A_1335] : memref<3x64x512xf32, #tpu.memory_space<vmem>> -> memref<1x64x512xf32, #tpu.memory_space<vmem>>
        %gather3A_1337 = tpu.memref_squeeze %gather3A_1336 : memref<1x64x512xf32, #tpu.memory_space<vmem>> -> memref<64x512xf32, #tpu.memory_space<vmem>>
        %gather3A_1338 = tpu.vector_load_idx %gather3A_1337[%add3A_1333, %broadcast_in_dim3A_1329] : memref<64x512xf32, #tpu.memory_space<vmem>>[vector<16xi32>, vector<16xi32>], vector<16xf32>,
        %mul3A_1339 = arith.constant 16 : i32
        %mul3A_1340 = arith.muli %scan3A_121, %mul3A_1339 : i32
        %add3A_1341 = arith.constant 13 : i32
        %add3A_1342 = arith.addi %mul3A_1340, %add3A_1341 : i32
        %swap3A_1343 = arith.index_cast %add3A_1342 : i32 to index
        %swap3A_1344 = arith.constant 0 : index
        %swap3A_1345 = tpu.vector_load %arg9[%swap3A_1343, %swap3A_1344] {strides = array<i32>} : memref<128x128xf32, #tpu.memory_space<vmem>>, vector<16xf32>,
        tpu.vector_store %arg9[%swap3A_1343, %swap3A_1344], %gather3A_1338 {strides = array<i32>} : memref<128x128xf32, #tpu.memory_space<vmem>>, vector<16xf32>,
        %iota3A_1346 = tpu.iota {dimensions = array<i32: 0>} : vector<16xi32>
        %add3A_1347 = arith.constant 16 : i32
        %add3A_1348 = vector.broadcast %add3A_1347 : i32 to vector<16xi32>
        %add3A_1349 = arith.addi %iota3A_1346, %add3A_1348 : vector<16xi32>
        %gather3A_1350 = arith.constant 0 : i32
        %gather3A_1351 = arith.constant 0 : i32
        %gather3A_1352 = tpu.memref_slice %arg8[%rem3A_1323, %gather3A_1350, %gather3A_1351] : memref<3x64x512xf32, #tpu.memory_space<vmem>> -> memref<1x64x512xf32, #tpu.memory_space<vmem>>
        %gather3A_1353 = tpu.memref_squeeze %gather3A_1352 : memref<1x64x512xf32, #tpu.memory_space<vmem>> -> memref<64x512xf32, #tpu.memory_space<vmem>>
        %gather3A_1354 = tpu.vector_load_idx %gather3A_1353[%add3A_1349, %broadcast_in_dim3A_1329] : memref<64x512xf32, #tpu.memory_space<vmem>>[vector<16xi32>, vector<16xi32>], vector<16xf32>,
        %mul3A_1355 = arith.constant 16 : i32
        %mul3A_1356 = arith.muli %scan3A_121, %mul3A_1355 : i32
        %add3A_1357 = arith.constant 13 : i32
        %add3A_1358 = arith.addi %mul3A_1356, %add3A_1357 : i32
        %swap3A_1359 = arith.index_cast %add3A_1358 : i32 to index
        %swap3A_1360 = arith.constant 16 : index
        %swap3A_1361 = tpu.vector_load %arg9[%swap3A_1359, %swap3A_1360] {strides = array<i32>} : memref<128x128xf32, #tpu.memory_space<vmem>>, vector<16xf32>,
        tpu.vector_store %arg9[%swap3A_1359, %swap3A_1360], %gather3A_1354 {strides = array<i32>} : memref<128x128xf32, #tpu.memory_space<vmem>>, vector<16xf32>,
        %iota3A_1362 = tpu.iota {dimensions = array<i32: 0>} : vector<16xi32>
        %add3A_1363 = arith.constant 32 : i32
        %add3A_1364 = vector.broadcast %add3A_1363 : i32 to vector<16xi32>
        %add3A_1365 = arith.addi %iota3A_1362, %add3A_1364 : vector<16xi32>
        %gather3A_1366 = arith.constant 0 : i32
        %gather3A_1367 = arith.constant 0 : i32
        %gather3A_1368 = tpu.memref_slice %arg8[%rem3A_1323, %gather3A_1366, %gather3A_1367] : memref<3x64x512xf32, #tpu.memory_space<vmem>> -> memref<1x64x512xf32, #tpu.memory_space<vmem>>
        %gather3A_1369 = tpu.memref_squeeze %gather3A_1368 : memref<1x64x512xf32, #tpu.memory_space<vmem>> -> memref<64x512xf32, #tpu.memory_space<vmem>>
        %gather3A_1370 = tpu.vector_load_idx %gather3A_1369[%add3A_1365, %broadcast_in_dim3A_1329] : memref<64x512xf32, #tpu.memory_space<vmem>>[vector<16xi32>, vector<16xi32>], vector<16xf32>,
        %mul3A_1371 = arith.constant 16 : i32
        %mul3A_1372 = arith.muli %scan3A_121, %mul3A_1371 : i32
        %add3A_1373 = arith.constant 13 : i32
        %add3A_1374 = arith.addi %mul3A_1372, %add3A_1373 : i32
        %swap3A_1375 = arith.index_cast %add3A_1374 : i32 to index
        %swap3A_1376 = arith.constant 32 : index
        %swap3A_1377 = tpu.vector_load %arg9[%swap3A_1375, %swap3A_1376] {strides = array<i32>} : memref<128x128xf32, #tpu.memory_space<vmem>>, vector<16xf32>,
        tpu.vector_store %arg9[%swap3A_1375, %swap3A_1376], %gather3A_1370 {strides = array<i32>} : memref<128x128xf32, #tpu.memory_space<vmem>>, vector<16xf32>,
        %iota3A_1378 = tpu.iota {dimensions = array<i32: 0>} : vector<16xi32>
        %add3A_1379 = arith.constant 48 : i32
        %add3A_1380 = vector.broadcast %add3A_1379 : i32 to vector<16xi32>
        %add3A_1381 = arith.addi %iota3A_1378, %add3A_1380 : vector<16xi32>
        %gather3A_1382 = arith.constant 0 : i32
        %gather3A_1383 = arith.constant 0 : i32
        %gather3A_1384 = tpu.memref_slice %arg8[%rem3A_1323, %gather3A_1382, %gather3A_1383] : memref<3x64x512xf32, #tpu.memory_space<vmem>> -> memref<1x64x512xf32, #tpu.memory_space<vmem>>
        %gather3A_1385 = tpu.memref_squeeze %gather3A_1384 : memref<1x64x512xf32, #tpu.memory_space<vmem>> -> memref<64x512xf32, #tpu.memory_space<vmem>>
        %gather3A_1386 = tpu.vector_load_idx %gather3A_1385[%add3A_1381, %broadcast_in_dim3A_1329] : memref<64x512xf32, #tpu.memory_space<vmem>>[vector<16xi32>, vector<16xi32>], vector<16xf32>,
        %mul3A_1387 = arith.constant 16 : i32
        %mul3A_1388 = arith.muli %scan3A_121, %mul3A_1387 : i32
        %add3A_1389 = arith.constant 13 : i32
        %add3A_1390 = arith.addi %mul3A_1388, %add3A_1389 : i32
        %swap3A_1391 = arith.index_cast %add3A_1390 : i32 to index
        %swap3A_1392 = arith.constant 48 : index
        %swap3A_1393 = tpu.vector_load %arg9[%swap3A_1391, %swap3A_1392] {strides = array<i32>} : memref<128x128xf32, #tpu.memory_space<vmem>>, vector<16xf32>,
        tpu.vector_store %arg9[%swap3A_1391, %swap3A_1392], %gather3A_1386 {strides = array<i32>} : memref<128x128xf32, #tpu.memory_space<vmem>>, vector<16xf32>,
        %slice3A_1394 = vector.extract_strided_slice %get3A_129 {offsets = [14], sizes = [1], strides = [1]} : vector<16xi32> to vector<1xi32>
        %squeeze3A_1395 = vector.extract %slice3A_1394[0] : i32 from vector<1xi32>
        %shift_right_logical3A_1396 = arith.constant 9 : i32
        %shift_right_logical3A_1397 = arith.shrui %squeeze3A_1395, %shift_right_logical3A_1396 : i32
        %add3A_1398 = arith.constant 1 : i32
        %add3A_1399 = arith.addi %max3A_1321, %add3A_1398 : i32
        %add3A_1400 = arith.constant 1 : i32
        %add3A_1401 = arith.addi %shift_right_logical3A_1397, %add3A_1400 : i32
        %while3A_1402 = arith.constant 0 : i32
        %while3A_1403 = arith.subi %add3A_1401, %add3A_1399 : i32
        %while3A_1404 = arith.addi %add3A_1399, %while3A_1403 : i32
        %while3A_1405 = arith.constant 1 : i32
        %while3A_1406 = arith.divsi %while3A_1403, %while3A_1405 : i32
        %while3A_1407 = arith.muli %while3A_1406, %while3A_1405 : i32
        %while3A_1408 = arith.addi %add3A_1399, %while3A_1407 : i32
        %while3A_1409 = arith.constant 1 : i32
        scf.for %while3A_1574 = %add3A_1399 to %while3A_1408 step %while3A_1409  : i32 {
          %add3A_1575 = arith.constant 2 : i32
          %add3A_1576 = arith.addi %while3A_1574, %add3A_1575 : i32
          %min3A_1577 = arith.minsi %add3A_1576, %shift_right_logical3A_10 : i32
          %rem3A_1578 = arith.constant 3 : i32
          %rem3A_1579 = arith.remsi %min3A_1577, %rem3A_1578 : i32
          %mul3A_1580 = arith.constant 512 : i32
          %mul3A_1581 = arith.muli %min3A_1577, %mul3A_1580 : i32
          %min3A_1582 = arith.constant 999552 : i32
          %min3A_1583 = arith.minsi %mul3A_1581, %min3A_1582 : i32
          %multiple_of3A_1584 = tpu.assume_multiple %min3A_1583, 128 : i32
          %dma_start3A_1585 = arith.constant 0 : i32
          %dma_start3A_1586 = arith.constant 0 : i32
          %dma_start3A_1587 = tpu.memref_slice %arg8[%rem3A_1579, %dma_start3A_1585, %dma_start3A_1586] : memref<3x64x512xf32, #tpu.memory_space<vmem>> -> memref<1x64x512xf32, #tpu.memory_space<vmem>>
          %dma_start3A_1588 = tpu.memref_squeeze %dma_start3A_1587 : memref<1x64x512xf32, #tpu.memory_space<vmem>> -> memref<64x512xf32, #tpu.memory_space<vmem>>
          %dma_start3A_1589 = arith.constant 0 : i32
          %dma_start3A_1590 = tpu.memref_slice %arg2[%dma_start3A_1589, %multiple_of3A_1584] : memref<64x1000000xf32, #tpu.memory_space<hbm>> -> memref<64x512xf32, #tpu.memory_space<hbm>>
          %dma_start3A_1591 = tpu.memref_slice %arg11[%rem3A_1579] : memref<3x!tpu.dma_semaphore, #tpu.memory_space<semaphore_mem>> -> memref<1x!tpu.dma_semaphore, #tpu.memory_space<semaphore_mem>>
          %dma_start3A_1592 = tpu.memref_squeeze %dma_start3A_1591 : memref<1x!tpu.dma_semaphore, #tpu.memory_space<semaphore_mem>> -> memref<!tpu.dma_semaphore, #tpu.memory_space<semaphore_mem>>
          %dma_start3A_1593 = arith.constant 0 : i32
          %dma_start3A_1594 = arith.constant 0 : i32
          %dma_start3A_1595 = tpu.memref_slice %arg8[%rem3A_1579, %dma_start3A_1593, %dma_start3A_1594] : memref<3x64x512xf32, #tpu.memory_space<vmem>> -> memref<1x64x512xf32, #tpu.memory_space<vmem>>
          %dma_start3A_1596 = tpu.memref_squeeze %dma_start3A_1595 : memref<1x64x512xf32, #tpu.memory_space<vmem>> -> memref<64x512xf32, #tpu.memory_space<vmem>>
          %dma_start3A_1597 = arith.constant 0 : i32
          %dma_start3A_1598 = tpu.memref_slice %arg2[%dma_start3A_1597, %multiple_of3A_1584] : memref<64x1000000xf32, #tpu.memory_space<hbm>> -> memref<64x512xf32, #tpu.memory_space<hbm>>
          tpu.enqueue_dma source(%dma_start3A_1598 : memref<64x512xf32, #tpu.memory_space<hbm>>) target(%dma_start3A_1596 : memref<64x512xf32, #tpu.memory_space<vmem>>) target_semaphore(%dma_start3A_1592 : memref<!tpu.dma_semaphore, #tpu.memory_space<semaphore_mem>>)
          %rem3A_1599 = arith.constant 3 : i32
          %rem3A_1600 = arith.remsi %while3A_1574, %rem3A_1599 : i32
          %mul3A_1601 = arith.constant 512 : i32
          %mul3A_1602 = arith.muli %while3A_1574, %mul3A_1601 : i32
          %min3A_1603 = arith.constant 999552 : i32
          %min3A_1604 = arith.minsi %mul3A_1602, %min3A_1603 : i32
          %multiple_of3A_1605 = tpu.assume_multiple %min3A_1604, 128 : i32
          %dma_wait3A_1606 = arith.constant 0 : i32
          %dma_wait3A_1607 = arith.constant 0 : i32
          %dma_wait3A_1608 = tpu.memref_slice %arg8[%rem3A_1600, %dma_wait3A_1606, %dma_wait3A_1607] : memref<3x64x512xf32, #tpu.memory_space<vmem>> -> memref<1x64x512xf32, #tpu.memory_space<vmem>>
          %dma_wait3A_1609 = tpu.memref_squeeze %dma_wait3A_1608 : memref<1x64x512xf32, #tpu.memory_space<vmem>> -> memref<64x512xf32, #tpu.memory_space<vmem>>
          %dma_wait3A_1610 = arith.constant 0 : i32
          %dma_wait3A_1611 = tpu.memref_slice %arg2[%dma_wait3A_1610, %multiple_of3A_1605] : memref<64x1000000xf32, #tpu.memory_space<hbm>> -> memref<64x512xf32, #tpu.memory_space<hbm>>
          %dma_wait3A_1612 = tpu.memref_slice %arg11[%rem3A_1600] : memref<3x!tpu.dma_semaphore, #tpu.memory_space<semaphore_mem>> -> memref<1x!tpu.dma_semaphore, #tpu.memory_space<semaphore_mem>>
          %dma_wait3A_1613 = tpu.memref_squeeze %dma_wait3A_1612 : memref<1x!tpu.dma_semaphore, #tpu.memory_space<semaphore_mem>> -> memref<!tpu.dma_semaphore, #tpu.memory_space<semaphore_mem>>
          %dma_wait3A_1614 = arith.constant 0 : i32
          %dma_wait3A_1615 = arith.constant 0 : i32
          %dma_wait3A_1616 = tpu.memref_slice %arg8[%rem3A_1600, %dma_wait3A_1614, %dma_wait3A_1615] : memref<3x64x512xf32, #tpu.memory_space<vmem>> -> memref<1x64x512xf32, #tpu.memory_space<vmem>>
          %dma_wait3A_1617 = tpu.memref_squeeze %dma_wait3A_1616 : memref<1x64x512xf32, #tpu.memory_space<vmem>> -> memref<64x512xf32, #tpu.memory_space<vmem>>
          %dma_wait3A_1618 = arith.constant 0 : i32
          %dma_wait3A_1619 = tpu.memref_slice %arg2[%dma_wait3A_1618, %multiple_of3A_1605] : memref<64x1000000xf32, #tpu.memory_space<hbm>> -> memref<64x512xf32, #tpu.memory_space<hbm>>
          tpu.wait_dma2 semaphore(%dma_wait3A_1613 : memref<!tpu.dma_semaphore, #tpu.memory_space<semaphore_mem>>) src(%dma_wait3A_1619 : memref<64x512xf32, #tpu.memory_space<hbm>>) dst(%dma_wait3A_1617 : memref<64x512xf32, #tpu.memory_space<vmem>>)
        }
        %while3A_1410 = arith.constant 1 : i32
        scf.for %while3A_1574 = %while3A_1408 to %while3A_1404 step %while3A_1410  : i32 {
          %add3A_1575 = arith.constant 2 : i32
          %add3A_1576 = arith.addi %while3A_1574, %add3A_1575 : i32
          %min3A_1577 = arith.minsi %add3A_1576, %shift_right_logical3A_10 : i32
          %rem3A_1578 = arith.constant 3 : i32
          %rem3A_1579 = arith.remsi %min3A_1577, %rem3A_1578 : i32
          %mul3A_1580 = arith.constant 512 : i32
          %mul3A_1581 = arith.muli %min3A_1577, %mul3A_1580 : i32
          %min3A_1582 = arith.constant 999552 : i32
          %min3A_1583 = arith.minsi %mul3A_1581, %min3A_1582 : i32
          %multiple_of3A_1584 = tpu.assume_multiple %min3A_1583, 128 : i32
          %dma_start3A_1585 = arith.constant 0 : i32
          %dma_start3A_1586 = arith.constant 0 : i32
          %dma_start3A_1587 = tpu.memref_slice %arg8[%rem3A_1579, %dma_start3A_1585, %dma_start3A_1586] : memref<3x64x512xf32, #tpu.memory_space<vmem>> -> memref<1x64x512xf32, #tpu.memory_space<vmem>>
          %dma_start3A_1588 = tpu.memref_squeeze %dma_start3A_1587 : memref<1x64x512xf32, #tpu.memory_space<vmem>> -> memref<64x512xf32, #tpu.memory_space<vmem>>
          %dma_start3A_1589 = arith.constant 0 : i32
          %dma_start3A_1590 = tpu.memref_slice %arg2[%dma_start3A_1589, %multiple_of3A_1584] : memref<64x1000000xf32, #tpu.memory_space<hbm>> -> memref<64x512xf32, #tpu.memory_space<hbm>>
          %dma_start3A_1591 = tpu.memref_slice %arg11[%rem3A_1579] : memref<3x!tpu.dma_semaphore, #tpu.memory_space<semaphore_mem>> -> memref<1x!tpu.dma_semaphore, #tpu.memory_space<semaphore_mem>>
          %dma_start3A_1592 = tpu.memref_squeeze %dma_start3A_1591 : memref<1x!tpu.dma_semaphore, #tpu.memory_space<semaphore_mem>> -> memref<!tpu.dma_semaphore, #tpu.memory_space<semaphore_mem>>
          %dma_start3A_1593 = arith.constant 0 : i32
          %dma_start3A_1594 = arith.constant 0 : i32
          %dma_start3A_1595 = tpu.memref_slice %arg8[%rem3A_1579, %dma_start3A_1593, %dma_start3A_1594] : memref<3x64x512xf32, #tpu.memory_space<vmem>> -> memref<1x64x512xf32, #tpu.memory_space<vmem>>
          %dma_start3A_1596 = tpu.memref_squeeze %dma_start3A_1595 : memref<1x64x512xf32, #tpu.memory_space<vmem>> -> memref<64x512xf32, #tpu.memory_space<vmem>>
          %dma_start3A_1597 = arith.constant 0 : i32
          %dma_start3A_1598 = tpu.memref_slice %arg2[%dma_start3A_1597, %multiple_of3A_1584] : memref<64x1000000xf32, #tpu.memory_space<hbm>> -> memref<64x512xf32, #tpu.memory_space<hbm>>
          tpu.enqueue_dma source(%dma_start3A_1598 : memref<64x512xf32, #tpu.memory_space<hbm>>) target(%dma_start3A_1596 : memref<64x512xf32, #tpu.memory_space<vmem>>) target_semaphore(%dma_start3A_1592 : memref<!tpu.dma_semaphore, #tpu.memory_space<semaphore_mem>>)
          %rem3A_1599 = arith.constant 3 : i32
          %rem3A_1600 = arith.remsi %while3A_1574, %rem3A_1599 : i32
          %mul3A_1601 = arith.constant 512 : i32
          %mul3A_1602 = arith.muli %while3A_1574, %mul3A_1601 : i32
          %min3A_1603 = arith.constant 999552 : i32
          %min3A_1604 = arith.minsi %mul3A_1602, %min3A_1603 : i32
          %multiple_of3A_1605 = tpu.assume_multiple %min3A_1604, 128 : i32
          %dma_wait3A_1606 = arith.constant 0 : i32
          %dma_wait3A_1607 = arith.constant 0 : i32
          %dma_wait3A_1608 = tpu.memref_slice %arg8[%rem3A_1600, %dma_wait3A_1606, %dma_wait3A_1607] : memref<3x64x512xf32, #tpu.memory_space<vmem>> -> memref<1x64x512xf32, #tpu.memory_space<vmem>>
          %dma_wait3A_1609 = tpu.memref_squeeze %dma_wait3A_1608 : memref<1x64x512xf32, #tpu.memory_space<vmem>> -> memref<64x512xf32, #tpu.memory_space<vmem>>
          %dma_wait3A_1610 = arith.constant 0 : i32
          %dma_wait3A_1611 = tpu.memref_slice %arg2[%dma_wait3A_1610, %multiple_of3A_1605] : memref<64x1000000xf32, #tpu.memory_space<hbm>> -> memref<64x512xf32, #tpu.memory_space<hbm>>
          %dma_wait3A_1612 = tpu.memref_slice %arg11[%rem3A_1600] : memref<3x!tpu.dma_semaphore, #tpu.memory_space<semaphore_mem>> -> memref<1x!tpu.dma_semaphore, #tpu.memory_space<semaphore_mem>>
          %dma_wait3A_1613 = tpu.memref_squeeze %dma_wait3A_1612 : memref<1x!tpu.dma_semaphore, #tpu.memory_space<semaphore_mem>> -> memref<!tpu.dma_semaphore, #tpu.memory_space<semaphore_mem>>
          %dma_wait3A_1614 = arith.constant 0 : i32
          %dma_wait3A_1615 = arith.constant 0 : i32
          %dma_wait3A_1616 = tpu.memref_slice %arg8[%rem3A_1600, %dma_wait3A_1614, %dma_wait3A_1615] : memref<3x64x512xf32, #tpu.memory_space<vmem>> -> memref<1x64x512xf32, #tpu.memory_space<vmem>>
          %dma_wait3A_1617 = tpu.memref_squeeze %dma_wait3A_1616 : memref<1x64x512xf32, #tpu.memory_space<vmem>> -> memref<64x512xf32, #tpu.memory_space<vmem>>
          %dma_wait3A_1618 = arith.constant 0 : i32
          %dma_wait3A_1619 = tpu.memref_slice %arg2[%dma_wait3A_1618, %multiple_of3A_1605] : memref<64x1000000xf32, #tpu.memory_space<hbm>> -> memref<64x512xf32, #tpu.memory_space<hbm>>
          tpu.wait_dma2 semaphore(%dma_wait3A_1613 : memref<!tpu.dma_semaphore, #tpu.memory_space<semaphore_mem>>) src(%dma_wait3A_1619 : memref<64x512xf32, #tpu.memory_space<hbm>>) dst(%dma_wait3A_1617 : memref<64x512xf32, #tpu.memory_space<vmem>>)
        }
        %max3A_1411 = arith.maxsi %max3A_1321, %shift_right_logical3A_1397 : i32
        %rem3A_1412 = arith.constant 3 : i32
        %rem3A_1413 = arith.remsi %shift_right_logical3A_1397, %rem3A_1412 : i32
        %mul3A_1414 = arith.constant 512 : i32
        %mul3A_1415 = arith.muli %shift_right_logical3A_1397, %mul3A_1414 : i32
        %min3A_1416 = arith.constant 999552 : i32
        %min3A_1417 = arith.minsi %mul3A_1415, %min3A_1416 : i32
        %sub3A_1418 = arith.subi %squeeze3A_1395, %min3A_1417 : i32
        %broadcast_in_dim3A_1419 = vector.broadcast %sub3A_1418 : i32 to vector<16xi32>
        %iota3A_1420 = tpu.iota {dimensions = array<i32: 0>} : vector<16xi32>
        %add3A_1421 = arith.constant 0 : i32
        %add3A_1422 = vector.broadcast %add3A_1421 : i32 to vector<16xi32>
        %add3A_1423 = arith.addi %iota3A_1420, %add3A_1422 : vector<16xi32>
        %gather3A_1424 = arith.constant 0 : i32
        %gather3A_1425 = arith.constant 0 : i32
        %gather3A_1426 = tpu.memref_slice %arg8[%rem3A_1413, %gather3A_1424, %gather3A_1425] : memref<3x64x512xf32, #tpu.memory_space<vmem>> -> memref<1x64x512xf32, #tpu.memory_space<vmem>>
        %gather3A_1427 = tpu.memref_squeeze %gather3A_1426 : memref<1x64x512xf32, #tpu.memory_space<vmem>> -> memref<64x512xf32, #tpu.memory_space<vmem>>
        %gather3A_1428 = tpu.vector_load_idx %gather3A_1427[%add3A_1423, %broadcast_in_dim3A_1419] : memref<64x512xf32, #tpu.memory_space<vmem>>[vector<16xi32>, vector<16xi32>], vector<16xf32>,
        %mul3A_1429 = arith.constant 16 : i32
        %mul3A_1430 = arith.muli %scan3A_121, %mul3A_1429 : i32
        %add3A_1431 = arith.constant 14 : i32
        %add3A_1432 = arith.addi %mul3A_1430, %add3A_1431 : i32
        %swap3A_1433 = arith.index_cast %add3A_1432 : i32 to index
        %swap3A_1434 = arith.constant 0 : index
        %swap3A_1435 = tpu.vector_load %arg9[%swap3A_1433, %swap3A_1434] {strides = array<i32>} : memref<128x128xf32, #tpu.memory_space<vmem>>, vector<16xf32>,
        tpu.vector_store %arg9[%swap3A_1433, %swap3A_1434], %gather3A_1428 {strides = array<i32>} : memref<128x128xf32, #tpu.memory_space<vmem>>, vector<16xf32>,
        %iota3A_1436 = tpu.iota {dimensions = array<i32: 0>} : vector<16xi32>
        %add3A_1437 = arith.constant 16 : i32
        %add3A_1438 = vector.broadcast %add3A_1437 : i32 to vector<16xi32>
        %add3A_1439 = arith.addi %iota3A_1436, %add3A_1438 : vector<16xi32>
        %gather3A_1440 = arith.constant 0 : i32
        %gather3A_1441 = arith.constant 0 : i32
        %gather3A_1442 = tpu.memref_slice %arg8[%rem3A_1413, %gather3A_1440, %gather3A_1441] : memref<3x64x512xf32, #tpu.memory_space<vmem>> -> memref<1x64x512xf32, #tpu.memory_space<vmem>>
        %gather3A_1443 = tpu.memref_squeeze %gather3A_1442 : memref<1x64x512xf32, #tpu.memory_space<vmem>> -> memref<64x512xf32, #tpu.memory_space<vmem>>
        %gather3A_1444 = tpu.vector_load_idx %gather3A_1443[%add3A_1439, %broadcast_in_dim3A_1419] : memref<64x512xf32, #tpu.memory_space<vmem>>[vector<16xi32>, vector<16xi32>], vector<16xf32>,
        %mul3A_1445 = arith.constant 16 : i32
        %mul3A_1446 = arith.muli %scan3A_121, %mul3A_1445 : i32
        %add3A_1447 = arith.constant 14 : i32
        %add3A_1448 = arith.addi %mul3A_1446, %add3A_1447 : i32
        %swap3A_1449 = arith.index_cast %add3A_1448 : i32 to index
        %swap3A_1450 = arith.constant 16 : index
        %swap3A_1451 = tpu.vector_load %arg9[%swap3A_1449, %swap3A_1450] {strides = array<i32>} : memref<128x128xf32, #tpu.memory_space<vmem>>, vector<16xf32>,
        tpu.vector_store %arg9[%swap3A_1449, %swap3A_1450], %gather3A_1444 {strides = array<i32>} : memref<128x128xf32, #tpu.memory_space<vmem>>, vector<16xf32>,
        %iota3A_1452 = tpu.iota {dimensions = array<i32: 0>} : vector<16xi32>
        %add3A_1453 = arith.constant 32 : i32
        %add3A_1454 = vector.broadcast %add3A_1453 : i32 to vector<16xi32>
        %add3A_1455 = arith.addi %iota3A_1452, %add3A_1454 : vector<16xi32>
        %gather3A_1456 = arith.constant 0 : i32
        %gather3A_1457 = arith.constant 0 : i32
        %gather3A_1458 = tpu.memref_slice %arg8[%rem3A_1413, %gather3A_1456, %gather3A_1457] : memref<3x64x512xf32, #tpu.memory_space<vmem>> -> memref<1x64x512xf32, #tpu.memory_space<vmem>>
        %gather3A_1459 = tpu.memref_squeeze %gather3A_1458 : memref<1x64x512xf32, #tpu.memory_space<vmem>> -> memref<64x512xf32, #tpu.memory_space<vmem>>
        %gather3A_1460 = tpu.vector_load_idx %gather3A_1459[%add3A_1455, %broadcast_in_dim3A_1419] : memref<64x512xf32, #tpu.memory_space<vmem>>[vector<16xi32>, vector<16xi32>], vector<16xf32>,
        %mul3A_1461 = arith.constant 16 : i32
        %mul3A_1462 = arith.muli %scan3A_121, %mul3A_1461 : i32
        %add3A_1463 = arith.constant 14 : i32
        %add3A_1464 = arith.addi %mul3A_1462, %add3A_1463 : i32
        %swap3A_1465 = arith.index_cast %add3A_1464 : i32 to index
        %swap3A_1466 = arith.constant 32 : index
        %swap3A_1467 = tpu.vector_load %arg9[%swap3A_1465, %swap3A_1466] {strides = array<i32>} : memref<128x128xf32, #tpu.memory_space<vmem>>, vector<16xf32>,
        tpu.vector_store %arg9[%swap3A_1465, %swap3A_1466], %gather3A_1460 {strides = array<i32>} : memref<128x128xf32, #tpu.memory_space<vmem>>, vector<16xf32>,
        %iota3A_1468 = tpu.iota {dimensions = array<i32: 0>} : vector<16xi32>
        %add3A_1469 = arith.constant 48 : i32
        %add3A_1470 = vector.broadcast %add3A_1469 : i32 to vector<16xi32>
        %add3A_1471 = arith.addi %iota3A_1468, %add3A_1470 : vector<16xi32>
        %gather3A_1472 = arith.constant 0 : i32
        %gather3A_1473 = arith.constant 0 : i32
        %gather3A_1474 = tpu.memref_slice %arg8[%rem3A_1413, %gather3A_1472, %gather3A_1473] : memref<3x64x512xf32, #tpu.memory_space<vmem>> -> memref<1x64x512xf32, #tpu.memory_space<vmem>>
        %gather3A_1475 = tpu.memref_squeeze %gather3A_1474 : memref<1x64x512xf32, #tpu.memory_space<vmem>> -> memref<64x512xf32, #tpu.memory_space<vmem>>
        %gather3A_1476 = tpu.vector_load_idx %gather3A_1475[%add3A_1471, %broadcast_in_dim3A_1419] : memref<64x512xf32, #tpu.memory_space<vmem>>[vector<16xi32>, vector<16xi32>], vector<16xf32>,
        %mul3A_1477 = arith.constant 16 : i32
        %mul3A_1478 = arith.muli %scan3A_121, %mul3A_1477 : i32
        %add3A_1479 = arith.constant 14 : i32
        %add3A_1480 = arith.addi %mul3A_1478, %add3A_1479 : i32
        %swap3A_1481 = arith.index_cast %add3A_1480 : i32 to index
        %swap3A_1482 = arith.constant 48 : index
        %swap3A_1483 = tpu.vector_load %arg9[%swap3A_1481, %swap3A_1482] {strides = array<i32>} : memref<128x128xf32, #tpu.memory_space<vmem>>, vector<16xf32>,
        tpu.vector_store %arg9[%swap3A_1481, %swap3A_1482], %gather3A_1476 {strides = array<i32>} : memref<128x128xf32, #tpu.memory_space<vmem>>, vector<16xf32>,
        %slice3A_1484 = vector.extract_strided_slice %get3A_129 {offsets = [15], sizes = [1], strides = [1]} : vector<16xi32> to vector<1xi32>
        %squeeze3A_1485 = vector.extract %slice3A_1484[0] : i32 from vector<1xi32>
        %shift_right_logical3A_1486 = arith.constant 9 : i32
        %shift_right_logical3A_1487 = arith.shrui %squeeze3A_1485, %shift_right_logical3A_1486 : i32
        %add3A_1488 = arith.constant 1 : i32
        %add3A_1489 = arith.addi %max3A_1411, %add3A_1488 : i32
        %add3A_1490 = arith.constant 1 : i32
        %add3A_1491 = arith.addi %shift_right_logical3A_1487, %add3A_1490 : i32
        %while3A_1492 = arith.constant 0 : i32
        %while3A_1493 = arith.subi %add3A_1491, %add3A_1489 : i32
        %while3A_1494 = arith.addi %add3A_1489, %while3A_1493 : i32
        %while3A_1495 = arith.constant 1 : i32
        %while3A_1496 = arith.divsi %while3A_1493, %while3A_1495 : i32
        %while3A_1497 = arith.muli %while3A_1496, %while3A_1495 : i32
        %while3A_1498 = arith.addi %add3A_1489, %while3A_1497 : i32
        %while3A_1499 = arith.constant 1 : i32
        scf.for %while3A_1574 = %add3A_1489 to %while3A_1498 step %while3A_1499  : i32 {
          %add3A_1575 = arith.constant 2 : i32
          %add3A_1576 = arith.addi %while3A_1574, %add3A_1575 : i32
          %min3A_1577 = arith.minsi %add3A_1576, %shift_right_logical3A_10 : i32
          %rem3A_1578 = arith.constant 3 : i32
          %rem3A_1579 = arith.remsi %min3A_1577, %rem3A_1578 : i32
          %mul3A_1580 = arith.constant 512 : i32
          %mul3A_1581 = arith.muli %min3A_1577, %mul3A_1580 : i32
          %min3A_1582 = arith.constant 999552 : i32
          %min3A_1583 = arith.minsi %mul3A_1581, %min3A_1582 : i32
          %multiple_of3A_1584 = tpu.assume_multiple %min3A_1583, 128 : i32
          %dma_start3A_1585 = arith.constant 0 : i32
          %dma_start3A_1586 = arith.constant 0 : i32
          %dma_start3A_1587 = tpu.memref_slice %arg8[%rem3A_1579, %dma_start3A_1585, %dma_start3A_1586] : memref<3x64x512xf32, #tpu.memory_space<vmem>> -> memref<1x64x512xf32, #tpu.memory_space<vmem>>
          %dma_start3A_1588 = tpu.memref_squeeze %dma_start3A_1587 : memref<1x64x512xf32, #tpu.memory_space<vmem>> -> memref<64x512xf32, #tpu.memory_space<vmem>>
          %dma_start3A_1589 = arith.constant 0 : i32
          %dma_start3A_1590 = tpu.memref_slice %arg2[%dma_start3A_1589, %multiple_of3A_1584] : memref<64x1000000xf32, #tpu.memory_space<hbm>> -> memref<64x512xf32, #tpu.memory_space<hbm>>
          %dma_start3A_1591 = tpu.memref_slice %arg11[%rem3A_1579] : memref<3x!tpu.dma_semaphore, #tpu.memory_space<semaphore_mem>> -> memref<1x!tpu.dma_semaphore, #tpu.memory_space<semaphore_mem>>
          %dma_start3A_1592 = tpu.memref_squeeze %dma_start3A_1591 : memref<1x!tpu.dma_semaphore, #tpu.memory_space<semaphore_mem>> -> memref<!tpu.dma_semaphore, #tpu.memory_space<semaphore_mem>>
          %dma_start3A_1593 = arith.constant 0 : i32
          %dma_start3A_1594 = arith.constant 0 : i32
          %dma_start3A_1595 = tpu.memref_slice %arg8[%rem3A_1579, %dma_start3A_1593, %dma_start3A_1594] : memref<3x64x512xf32, #tpu.memory_space<vmem>> -> memref<1x64x512xf32, #tpu.memory_space<vmem>>
          %dma_start3A_1596 = tpu.memref_squeeze %dma_start3A_1595 : memref<1x64x512xf32, #tpu.memory_space<vmem>> -> memref<64x512xf32, #tpu.memory_space<vmem>>
          %dma_start3A_1597 = arith.constant 0 : i32
          %dma_start3A_1598 = tpu.memref_slice %arg2[%dma_start3A_1597, %multiple_of3A_1584] : memref<64x1000000xf32, #tpu.memory_space<hbm>> -> memref<64x512xf32, #tpu.memory_space<hbm>>
          tpu.enqueue_dma source(%dma_start3A_1598 : memref<64x512xf32, #tpu.memory_space<hbm>>) target(%dma_start3A_1596 : memref<64x512xf32, #tpu.memory_space<vmem>>) target_semaphore(%dma_start3A_1592 : memref<!tpu.dma_semaphore, #tpu.memory_space<semaphore_mem>>)
          %rem3A_1599 = arith.constant 3 : i32
          %rem3A_1600 = arith.remsi %while3A_1574, %rem3A_1599 : i32
          %mul3A_1601 = arith.constant 512 : i32
          %mul3A_1602 = arith.muli %while3A_1574, %mul3A_1601 : i32
          %min3A_1603 = arith.constant 999552 : i32
          %min3A_1604 = arith.minsi %mul3A_1602, %min3A_1603 : i32
          %multiple_of3A_1605 = tpu.assume_multiple %min3A_1604, 128 : i32
          %dma_wait3A_1606 = arith.constant 0 : i32
          %dma_wait3A_1607 = arith.constant 0 : i32
          %dma_wait3A_1608 = tpu.memref_slice %arg8[%rem3A_1600, %dma_wait3A_1606, %dma_wait3A_1607] : memref<3x64x512xf32, #tpu.memory_space<vmem>> -> memref<1x64x512xf32, #tpu.memory_space<vmem>>
          %dma_wait3A_1609 = tpu.memref_squeeze %dma_wait3A_1608 : memref<1x64x512xf32, #tpu.memory_space<vmem>> -> memref<64x512xf32, #tpu.memory_space<vmem>>
          %dma_wait3A_1610 = arith.constant 0 : i32
          %dma_wait3A_1611 = tpu.memref_slice %arg2[%dma_wait3A_1610, %multiple_of3A_1605] : memref<64x1000000xf32, #tpu.memory_space<hbm>> -> memref<64x512xf32, #tpu.memory_space<hbm>>
          %dma_wait3A_1612 = tpu.memref_slice %arg11[%rem3A_1600] : memref<3x!tpu.dma_semaphore, #tpu.memory_space<semaphore_mem>> -> memref<1x!tpu.dma_semaphore, #tpu.memory_space<semaphore_mem>>
          %dma_wait3A_1613 = tpu.memref_squeeze %dma_wait3A_1612 : memref<1x!tpu.dma_semaphore, #tpu.memory_space<semaphore_mem>> -> memref<!tpu.dma_semaphore, #tpu.memory_space<semaphore_mem>>
          %dma_wait3A_1614 = arith.constant 0 : i32
          %dma_wait3A_1615 = arith.constant 0 : i32
          %dma_wait3A_1616 = tpu.memref_slice %arg8[%rem3A_1600, %dma_wait3A_1614, %dma_wait3A_1615] : memref<3x64x512xf32, #tpu.memory_space<vmem>> -> memref<1x64x512xf32, #tpu.memory_space<vmem>>
          %dma_wait3A_1617 = tpu.memref_squeeze %dma_wait3A_1616 : memref<1x64x512xf32, #tpu.memory_space<vmem>> -> memref<64x512xf32, #tpu.memory_space<vmem>>
          %dma_wait3A_1618 = arith.constant 0 : i32
          %dma_wait3A_1619 = tpu.memref_slice %arg2[%dma_wait3A_1618, %multiple_of3A_1605] : memref<64x1000000xf32, #tpu.memory_space<hbm>> -> memref<64x512xf32, #tpu.memory_space<hbm>>
          tpu.wait_dma2 semaphore(%dma_wait3A_1613 : memref<!tpu.dma_semaphore, #tpu.memory_space<semaphore_mem>>) src(%dma_wait3A_1619 : memref<64x512xf32, #tpu.memory_space<hbm>>) dst(%dma_wait3A_1617 : memref<64x512xf32, #tpu.memory_space<vmem>>)
        }
        %while3A_1500 = arith.constant 1 : i32
        scf.for %while3A_1574 = %while3A_1498 to %while3A_1494 step %while3A_1500  : i32 {
          %add3A_1575 = arith.constant 2 : i32
          %add3A_1576 = arith.addi %while3A_1574, %add3A_1575 : i32
          %min3A_1577 = arith.minsi %add3A_1576, %shift_right_logical3A_10 : i32
          %rem3A_1578 = arith.constant 3 : i32
          %rem3A_1579 = arith.remsi %min3A_1577, %rem3A_1578 : i32
          %mul3A_1580 = arith.constant 512 : i32
          %mul3A_1581 = arith.muli %min3A_1577, %mul3A_1580 : i32
          %min3A_1582 = arith.constant 999552 : i32
          %min3A_1583 = arith.minsi %mul3A_1581, %min3A_1582 : i32
          %multiple_of3A_1584 = tpu.assume_multiple %min3A_1583, 128 : i32
          %dma_start3A_1585 = arith.constant 0 : i32
          %dma_start3A_1586 = arith.constant 0 : i32
          %dma_start3A_1587 = tpu.memref_slice %arg8[%rem3A_1579, %dma_start3A_1585, %dma_start3A_1586] : memref<3x64x512xf32, #tpu.memory_space<vmem>> -> memref<1x64x512xf32, #tpu.memory_space<vmem>>
          %dma_start3A_1588 = tpu.memref_squeeze %dma_start3A_1587 : memref<1x64x512xf32, #tpu.memory_space<vmem>> -> memref<64x512xf32, #tpu.memory_space<vmem>>
          %dma_start3A_1589 = arith.constant 0 : i32
          %dma_start3A_1590 = tpu.memref_slice %arg2[%dma_start3A_1589, %multiple_of3A_1584] : memref<64x1000000xf32, #tpu.memory_space<hbm>> -> memref<64x512xf32, #tpu.memory_space<hbm>>
          %dma_start3A_1591 = tpu.memref_slice %arg11[%rem3A_1579] : memref<3x!tpu.dma_semaphore, #tpu.memory_space<semaphore_mem>> -> memref<1x!tpu.dma_semaphore, #tpu.memory_space<semaphore_mem>>
          %dma_start3A_1592 = tpu.memref_squeeze %dma_start3A_1591 : memref<1x!tpu.dma_semaphore, #tpu.memory_space<semaphore_mem>> -> memref<!tpu.dma_semaphore, #tpu.memory_space<semaphore_mem>>
          %dma_start3A_1593 = arith.constant 0 : i32
          %dma_start3A_1594 = arith.constant 0 : i32
          %dma_start3A_1595 = tpu.memref_slice %arg8[%rem3A_1579, %dma_start3A_1593, %dma_start3A_1594] : memref<3x64x512xf32, #tpu.memory_space<vmem>> -> memref<1x64x512xf32, #tpu.memory_space<vmem>>
          %dma_start3A_1596 = tpu.memref_squeeze %dma_start3A_1595 : memref<1x64x512xf32, #tpu.memory_space<vmem>> -> memref<64x512xf32, #tpu.memory_space<vmem>>
          %dma_start3A_1597 = arith.constant 0 : i32
          %dma_start3A_1598 = tpu.memref_slice %arg2[%dma_start3A_1597, %multiple_of3A_1584] : memref<64x1000000xf32, #tpu.memory_space<hbm>> -> memref<64x512xf32, #tpu.memory_space<hbm>>
          tpu.enqueue_dma source(%dma_start3A_1598 : memref<64x512xf32, #tpu.memory_space<hbm>>) target(%dma_start3A_1596 : memref<64x512xf32, #tpu.memory_space<vmem>>) target_semaphore(%dma_start3A_1592 : memref<!tpu.dma_semaphore, #tpu.memory_space<semaphore_mem>>)
          %rem3A_1599 = arith.constant 3 : i32
          %rem3A_1600 = arith.remsi %while3A_1574, %rem3A_1599 : i32
          %mul3A_1601 = arith.constant 512 : i32
          %mul3A_1602 = arith.muli %while3A_1574, %mul3A_1601 : i32
          %min3A_1603 = arith.constant 999552 : i32
          %min3A_1604 = arith.minsi %mul3A_1602, %min3A_1603 : i32
          %multiple_of3A_1605 = tpu.assume_multiple %min3A_1604, 128 : i32
          %dma_wait3A_1606 = arith.constant 0 : i32
          %dma_wait3A_1607 = arith.constant 0 : i32
          %dma_wait3A_1608 = tpu.memref_slice %arg8[%rem3A_1600, %dma_wait3A_1606, %dma_wait3A_1607] : memref<3x64x512xf32, #tpu.memory_space<vmem>> -> memref<1x64x512xf32, #tpu.memory_space<vmem>>
          %dma_wait3A_1609 = tpu.memref_squeeze %dma_wait3A_1608 : memref<1x64x512xf32, #tpu.memory_space<vmem>> -> memref<64x512xf32, #tpu.memory_space<vmem>>
          %dma_wait3A_1610 = arith.constant 0 : i32
          %dma_wait3A_1611 = tpu.memref_slice %arg2[%dma_wait3A_1610, %multiple_of3A_1605] : memref<64x1000000xf32, #tpu.memory_space<hbm>> -> memref<64x512xf32, #tpu.memory_space<hbm>>
          %dma_wait3A_1612 = tpu.memref_slice %arg11[%rem3A_1600] : memref<3x!tpu.dma_semaphore, #tpu.memory_space<semaphore_mem>> -> memref<1x!tpu.dma_semaphore, #tpu.memory_space<semaphore_mem>>
          %dma_wait3A_1613 = tpu.memref_squeeze %dma_wait3A_1612 : memref<1x!tpu.dma_semaphore, #tpu.memory_space<semaphore_mem>> -> memref<!tpu.dma_semaphore, #tpu.memory_space<semaphore_mem>>
          %dma_wait3A_1614 = arith.constant 0 : i32
          %dma_wait3A_1615 = arith.constant 0 : i32
          %dma_wait3A_1616 = tpu.memref_slice %arg8[%rem3A_1600, %dma_wait3A_1614, %dma_wait3A_1615] : memref<3x64x512xf32, #tpu.memory_space<vmem>> -> memref<1x64x512xf32, #tpu.memory_space<vmem>>
          %dma_wait3A_1617 = tpu.memref_squeeze %dma_wait3A_1616 : memref<1x64x512xf32, #tpu.memory_space<vmem>> -> memref<64x512xf32, #tpu.memory_space<vmem>>
          %dma_wait3A_1618 = arith.constant 0 : i32
          %dma_wait3A_1619 = tpu.memref_slice %arg2[%dma_wait3A_1618, %multiple_of3A_1605] : memref<64x1000000xf32, #tpu.memory_space<hbm>> -> memref<64x512xf32, #tpu.memory_space<hbm>>
          tpu.wait_dma2 semaphore(%dma_wait3A_1613 : memref<!tpu.dma_semaphore, #tpu.memory_space<semaphore_mem>>) src(%dma_wait3A_1619 : memref<64x512xf32, #tpu.memory_space<hbm>>) dst(%dma_wait3A_1617 : memref<64x512xf32, #tpu.memory_space<vmem>>)
        }
        %max3A_1501 = arith.maxsi %max3A_1411, %shift_right_logical3A_1487 : i32
        %rem3A_1502 = arith.constant 3 : i32
        %rem3A_1503 = arith.remsi %shift_right_logical3A_1487, %rem3A_1502 : i32
        %mul3A_1504 = arith.constant 512 : i32
        %mul3A_1505 = arith.muli %shift_right_logical3A_1487, %mul3A_1504 : i32
        %min3A_1506 = arith.constant 999552 : i32
        %min3A_1507 = arith.minsi %mul3A_1505, %min3A_1506 : i32
        %sub3A_1508 = arith.subi %squeeze3A_1485, %min3A_1507 : i32
        %broadcast_in_dim3A_1509 = vector.broadcast %sub3A_1508 : i32 to vector<16xi32>
        %iota3A_1510 = tpu.iota {dimensions = array<i32: 0>} : vector<16xi32>
        %add3A_1511 = arith.constant 0 : i32
        %add3A_1512 = vector.broadcast %add3A_1511 : i32 to vector<16xi32>
        %add3A_1513 = arith.addi %iota3A_1510, %add3A_1512 : vector<16xi32>
        %gather3A_1514 = arith.constant 0 : i32
        %gather3A_1515 = arith.constant 0 : i32
        %gather3A_1516 = tpu.memref_slice %arg8[%rem3A_1503, %gather3A_1514, %gather3A_1515] : memref<3x64x512xf32, #tpu.memory_space<vmem>> -> memref<1x64x512xf32, #tpu.memory_space<vmem>>
        %gather3A_1517 = tpu.memref_squeeze %gather3A_1516 : memref<1x64x512xf32, #tpu.memory_space<vmem>> -> memref<64x512xf32, #tpu.memory_space<vmem>>
        %gather3A_1518 = tpu.vector_load_idx %gather3A_1517[%add3A_1513, %broadcast_in_dim3A_1509] : memref<64x512xf32, #tpu.memory_space<vmem>>[vector<16xi32>, vector<16xi32>], vector<16xf32>,
        %mul3A_1519 = arith.constant 16 : i32
        %mul3A_1520 = arith.muli %scan3A_121, %mul3A_1519 : i32
        %add3A_1521 = arith.constant 15 : i32
        %add3A_1522 = arith.addi %mul3A_1520, %add3A_1521 : i32
        %swap3A_1523 = arith.index_cast %add3A_1522 : i32 to index
        %swap3A_1524 = arith.constant 0 : index
        %swap3A_1525 = tpu.vector_load %arg9[%swap3A_1523, %swap3A_1524] {strides = array<i32>} : memref<128x128xf32, #tpu.memory_space<vmem>>, vector<16xf32>,
        tpu.vector_store %arg9[%swap3A_1523, %swap3A_1524], %gather3A_1518 {strides = array<i32>} : memref<128x128xf32, #tpu.memory_space<vmem>>, vector<16xf32>,
        %iota3A_1526 = tpu.iota {dimensions = array<i32: 0>} : vector<16xi32>
        %add3A_1527 = arith.constant 16 : i32
        %add3A_1528 = vector.broadcast %add3A_1527 : i32 to vector<16xi32>
        %add3A_1529 = arith.addi %iota3A_1526, %add3A_1528 : vector<16xi32>
        %gather3A_1530 = arith.constant 0 : i32
        %gather3A_1531 = arith.constant 0 : i32
        %gather3A_1532 = tpu.memref_slice %arg8[%rem3A_1503, %gather3A_1530, %gather3A_1531] : memref<3x64x512xf32, #tpu.memory_space<vmem>> -> memref<1x64x512xf32, #tpu.memory_space<vmem>>
        %gather3A_1533 = tpu.memref_squeeze %gather3A_1532 : memref<1x64x512xf32, #tpu.memory_space<vmem>> -> memref<64x512xf32, #tpu.memory_space<vmem>>
        %gather3A_1534 = tpu.vector_load_idx %gather3A_1533[%add3A_1529, %broadcast_in_dim3A_1509] : memref<64x512xf32, #tpu.memory_space<vmem>>[vector<16xi32>, vector<16xi32>], vector<16xf32>,
        %mul3A_1535 = arith.constant 16 : i32
        %mul3A_1536 = arith.muli %scan3A_121, %mul3A_1535 : i32
        %add3A_1537 = arith.constant 15 : i32
        %add3A_1538 = arith.addi %mul3A_1536, %add3A_1537 : i32
        %swap3A_1539 = arith.index_cast %add3A_1538 : i32 to index
        %swap3A_1540 = arith.constant 16 : index
        %swap3A_1541 = tpu.vector_load %arg9[%swap3A_1539, %swap3A_1540] {strides = array<i32>} : memref<128x128xf32, #tpu.memory_space<vmem>>, vector<16xf32>,
        tpu.vector_store %arg9[%swap3A_1539, %swap3A_1540], %gather3A_1534 {strides = array<i32>} : memref<128x128xf32, #tpu.memory_space<vmem>>, vector<16xf32>,
        %iota3A_1542 = tpu.iota {dimensions = array<i32: 0>} : vector<16xi32>
        %add3A_1543 = arith.constant 32 : i32
        %add3A_1544 = vector.broadcast %add3A_1543 : i32 to vector<16xi32>
        %add3A_1545 = arith.addi %iota3A_1542, %add3A_1544 : vector<16xi32>
        %gather3A_1546 = arith.constant 0 : i32
        %gather3A_1547 = arith.constant 0 : i32
        %gather3A_1548 = tpu.memref_slice %arg8[%rem3A_1503, %gather3A_1546, %gather3A_1547] : memref<3x64x512xf32, #tpu.memory_space<vmem>> -> memref<1x64x512xf32, #tpu.memory_space<vmem>>
        %gather3A_1549 = tpu.memref_squeeze %gather3A_1548 : memref<1x64x512xf32, #tpu.memory_space<vmem>> -> memref<64x512xf32, #tpu.memory_space<vmem>>
        %gather3A_1550 = tpu.vector_load_idx %gather3A_1549[%add3A_1545, %broadcast_in_dim3A_1509] : memref<64x512xf32, #tpu.memory_space<vmem>>[vector<16xi32>, vector<16xi32>], vector<16xf32>,
        %mul3A_1551 = arith.constant 16 : i32
        %mul3A_1552 = arith.muli %scan3A_121, %mul3A_1551 : i32
        %add3A_1553 = arith.constant 15 : i32
        %add3A_1554 = arith.addi %mul3A_1552, %add3A_1553 : i32
        %swap3A_1555 = arith.index_cast %add3A_1554 : i32 to index
        %swap3A_1556 = arith.constant 32 : index
        %swap3A_1557 = tpu.vector_load %arg9[%swap3A_1555, %swap3A_1556] {strides = array<i32>} : memref<128x128xf32, #tpu.memory_space<vmem>>, vector<16xf32>,
        tpu.vector_store %arg9[%swap3A_1555, %swap3A_1556], %gather3A_1550 {strides = array<i32>} : memref<128x128xf32, #tpu.memory_space<vmem>>, vector<16xf32>,
        %iota3A_1558 = tpu.iota {dimensions = array<i32: 0>} : vector<16xi32>
        %add3A_1559 = arith.constant 48 : i32
        %add3A_1560 = vector.broadcast %add3A_1559 : i32 to vector<16xi32>
        %add3A_1561 = arith.addi %iota3A_1558, %add3A_1560 : vector<16xi32>
        %gather3A_1562 = arith.constant 0 : i32
        %gather3A_1563 = arith.constant 0 : i32
        %gather3A_1564 = tpu.memref_slice %arg8[%rem3A_1503, %gather3A_1562, %gather3A_1563] : memref<3x64x512xf32, #tpu.memory_space<vmem>> -> memref<1x64x512xf32, #tpu.memory_space<vmem>>
        %gather3A_1565 = tpu.memref_squeeze %gather3A_1564 : memref<1x64x512xf32, #tpu.memory_space<vmem>> -> memref<64x512xf32, #tpu.memory_space<vmem>>
        %gather3A_1566 = tpu.vector_load_idx %gather3A_1565[%add3A_1561, %broadcast_in_dim3A_1509] : memref<64x512xf32, #tpu.memory_space<vmem>>[vector<16xi32>, vector<16xi32>], vector<16xf32>,
        %mul3A_1567 = arith.constant 16 : i32
        %mul3A_1568 = arith.muli %scan3A_121, %mul3A_1567 : i32
        %add3A_1569 = arith.constant 15 : i32
        %add3A_1570 = arith.addi %mul3A_1568, %add3A_1569 : i32
        %swap3A_1571 = arith.index_cast %add3A_1570 : i32 to index
        %swap3A_1572 = arith.constant 48 : index
        %swap3A_1573 = tpu.vector_load %arg9[%swap3A_1571, %swap3A_1572] {strides = array<i32>} : memref<128x128xf32, #tpu.memory_space<vmem>>, vector<16xf32>,
        tpu.vector_store %arg9[%swap3A_1571, %swap3A_1572], %gather3A_1566 {strides = array<i32>} : memref<128x128xf32, #tpu.memory_space<vmem>>, vector<16xf32>,
        scf.yield %max3A_1501 : i32
      }
      %scan3A_106 = arith.constant 8 : i32
      %dma_start3A_107 = arith.constant 0 : i32
      %dma_start3A_108 = arith.constant 0 : i32
      %dma_start3A_109 = tpu.memref_slice %arg10[%dma_start3A_107, %dma_start3A_108] : memref<1x128xi32, #tpu.memory_space<vmem>> -> memref<1x128xi32, #tpu.memory_space<vmem>>
      %dma_start3A_110 = tpu.memref_squeeze %dma_start3A_109 : memref<1x128xi32, #tpu.memory_space<vmem>> -> memref<128xi32, #tpu.memory_space<vmem>>
      %dma_start3A_111 = arith.constant 0 : i32
      %dma_start3A_112 = arith.constant 0 : i32
      %dma_start3A_113 = tpu.memref_slice %arg5[%dma_start3A_111, %dma_start3A_112] : memref<16384x128xf32, #tpu.memory_space<hbm>> -> memref<16384x128xf32, #tpu.memory_space<hbm>>
      tpu.enqueue_indirect_dma source(%arg9 : memref<128x128xf32, #tpu.memory_space<vmem>>) target(%dma_start3A_113 : memref<16384x128xf32, #tpu.memory_space<hbm>>) offsets(%dma_start3A_110 : memref<128xi32, #tpu.memory_space<vmem>>) semaphore(%arg12 : memref<!tpu.dma_semaphore, #tpu.memory_space<semaphore_mem>>)
      %dma_wait3A_114 = arith.constant 0 : i32
      %dma_wait3A_115 = arith.constant 0 : i32
      %dma_wait3A_116 = tpu.memref_slice %arg10[%dma_wait3A_114, %dma_wait3A_115] : memref<1x128xi32, #tpu.memory_space<vmem>> -> memref<1x128xi32, #tpu.memory_space<vmem>>
      %dma_wait3A_117 = tpu.memref_squeeze %dma_wait3A_116 : memref<1x128xi32, #tpu.memory_space<vmem>> -> memref<128xi32, #tpu.memory_space<vmem>>
      %dma_wait3A_118 = arith.constant 0 : i32
      %dma_wait3A_119 = arith.constant 0 : i32
      %dma_wait3A_120 = tpu.memref_slice %arg5[%dma_wait3A_118, %dma_wait3A_119] : memref<16384x128xf32, #tpu.memory_space<hbm>> -> memref<16384x128xf32, #tpu.memory_space<hbm>>
      tpu.wait_indirect_dma semaphore(%arg12 : memref<!tpu.dma_semaphore, #tpu.memory_space<semaphore_mem>>) src(%arg9 : memref<128x128xf32, #tpu.memory_space<vmem>>) dst(%dma_wait3A_120 : memref<16384x128xf32, #tpu.memory_space<hbm>>)
      scf.yield %scan3A_105 : i32
    }
    %scan3A_57 = arith.constant 4 : i32
    %rem3A_58 = arith.constant 3 : i32
    %rem3A_59 = arith.remsi %shift_right_logical3A_10, %rem3A_58 : i32
    %mul3A_60 = arith.constant 512 : i32
    %mul3A_61 = arith.muli %shift_right_logical3A_10, %mul3A_60 : i32
    %min3A_62 = arith.constant 999552 : i32
    %min3A_63 = arith.minsi %mul3A_61, %min3A_62 : i32
    %multiple_of3A_64 = tpu.assume_multiple %min3A_63, 128 : i32
    %dma_wait3A = arith.constant 0 : i32
    %dma_wait3A_65 = arith.constant 0 : i32
    %dma_wait3A_66 = tpu.memref_slice %arg8[%rem3A_59, %dma_wait3A, %dma_wait3A_65] : memref<3x64x512xf32, #tpu.memory_space<vmem>> -> memref<1x64x512xf32, #tpu.memory_space<vmem>>
    %dma_wait3A_67 = tpu.memref_squeeze %dma_wait3A_66 : memref<1x64x512xf32, #tpu.memory_space<vmem>> -> memref<64x512xf32, #tpu.memory_space<vmem>>
    %dma_wait3A_68 = arith.constant 0 : i32
    %dma_wait3A_69 = tpu.memref_slice %arg2[%dma_wait3A_68, %multiple_of3A_64] : memref<64x1000000xf32, #tpu.memory_space<hbm>> -> memref<64x512xf32, #tpu.memory_space<hbm>>
    %dma_wait3A_70 = tpu.memref_slice %arg11[%rem3A_59] : memref<3x!tpu.dma_semaphore, #tpu.memory_space<semaphore_mem>> -> memref<1x!tpu.dma_semaphore, #tpu.memory_space<semaphore_mem>>
    %dma_wait3A_71 = tpu.memref_squeeze %dma_wait3A_70 : memref<1x!tpu.dma_semaphore, #tpu.memory_space<semaphore_mem>> -> memref<!tpu.dma_semaphore, #tpu.memory_space<semaphore_mem>>
    %dma_wait3A_72 = arith.constant 0 : i32
    %dma_wait3A_73 = arith.constant 0 : i32
    %dma_wait3A_74 = tpu.memref_slice %arg8[%rem3A_59, %dma_wait3A_72, %dma_wait3A_73] : memref<3x64x512xf32, #tpu.memory_space<vmem>> -> memref<1x64x512xf32, #tpu.memory_space<vmem>>
    %dma_wait3A_75 = tpu.memref_squeeze %dma_wait3A_74 : memref<1x64x512xf32, #tpu.memory_space<vmem>> -> memref<64x512xf32, #tpu.memory_space<vmem>>
    %dma_wait3A_76 = arith.constant 0 : i32
    %dma_wait3A_77 = tpu.memref_slice %arg2[%dma_wait3A_76, %multiple_of3A_64] : memref<64x1000000xf32, #tpu.memory_space<hbm>> -> memref<64x512xf32, #tpu.memory_space<hbm>>
    tpu.wait_dma2 semaphore(%dma_wait3A_71 : memref<!tpu.dma_semaphore, #tpu.memory_space<semaphore_mem>>) src(%dma_wait3A_77 : memref<64x512xf32, #tpu.memory_space<hbm>>) dst(%dma_wait3A_75 : memref<64x512xf32, #tpu.memory_space<vmem>>)
    %rem3A_78 = arith.constant 3 : i32
    %rem3A_79 = arith.remsi %shift_right_logical3A_10, %rem3A_78 : i32
    %mul3A_80 = arith.constant 512 : i32
    %mul3A_81 = arith.muli %shift_right_logical3A_10, %mul3A_80 : i32
    %min3A_82 = arith.constant 999552 : i32
    %min3A_83 = arith.minsi %mul3A_81, %min3A_82 : i32
    %multiple_of3A_84 = tpu.assume_multiple %min3A_83, 128 : i32
    %dma_wait3A_85 = arith.constant 0 : i32
    %dma_wait3A_86 = arith.constant 0 : i32
    %dma_wait3A_87 = tpu.memref_slice %arg8[%rem3A_79, %dma_wait3A_85, %dma_wait3A_86] : memref<3x64x512xf32, #tpu.memory_space<vmem>> -> memref<1x64x512xf32, #tpu.memory_space<vmem>>
    %dma_wait3A_88 = tpu.memref_squeeze %dma_wait3A_87 : memref<1x64x512xf32, #tpu.memory_space<vmem>> -> memref<64x512xf32, #tpu.memory_space<vmem>>
    %dma_wait3A_89 = arith.constant 0 : i32
    %dma_wait3A_90 = tpu.memref_slice %arg2[%dma_wait3A_89, %multiple_of3A_84] : memref<64x1000000xf32, #tpu.memory_space<hbm>> -> memref<64x512xf32, #tpu.memory_space<hbm>>
    %dma_wait3A_91 = tpu.memref_slice %arg11[%rem3A_79] : memref<3x!tpu.dma_semaphore, #tpu.memory_space<semaphore_mem>> -> memref<1x!tpu.dma_semaphore, #tpu.memory_space<semaphore_mem>>
    %dma_wait3A_92 = tpu.memref_squeeze %dma_wait3A_91 : memref<1x!tpu.dma_semaphore, #tpu.memory_space<semaphore_mem>> -> memref<!tpu.dma_semaphore, #tpu.memory_space<semaphore_mem>>
    %dma_wait3A_93 = arith.constant 0 : i32
    %dma_wait3A_94 = arith.constant 0 : i32
    %dma_wait3A_95 = tpu.memref_slice %arg8[%rem3A_79, %dma_wait3A_93, %dma_wait3A_94] : memref<3x64x512xf32, #tpu.memory_space<vmem>> -> memref<1x64x512xf32, #tpu.memory_space<vmem>>
    %dma_wait3A_96 = tpu.memref_squeeze %dma_wait3A_95 : memref<1x64x512xf32, #tpu.memory_space<vmem>> -> memref<64x512xf32, #tpu.memory_space<vmem>>
    %dma_wait3A_97 = arith.constant 0 : i32
    %dma_wait3A_98 = tpu.memref_slice %arg2[%dma_wait3A_97, %multiple_of3A_84] : memref<64x1000000xf32, #tpu.memory_space<hbm>> -> memref<64x512xf32, #tpu.memory_space<hbm>>
    tpu.wait_dma2 semaphore(%dma_wait3A_92 : memref<!tpu.dma_semaphore, #tpu.memory_space<semaphore_mem>>) src(%dma_wait3A_98 : memref<64x512xf32, #tpu.memory_space<hbm>>) dst(%dma_wait3A_96 : memref<64x512xf32, #tpu.memory_space<vmem>>)
    return
  }
}

module attributes {stable_mosaic.version = 14 : i64} {
  func.func @_gru_body(%arg0: i32, %arg1: memref<2048x128xf32, #tpu.memory_space<vmem>>, %arg2: memref<64x64xf32, #tpu.memory_space<vmem>>, %arg3: memref<64x64xf32, #tpu.memory_space<vmem>>, %arg4: memref<64x64xf32, #tpu.memory_space<vmem>>, %arg5: memref<1x64xf32, #tpu.memory_space<vmem>>, %arg6: memref<1x64xf32, #tpu.memory_space<vmem>>, %arg7: memref<1x64xf32, #tpu.memory_space<vmem>>, %arg8: memref<1x64xf32, #tpu.memory_space<vmem>>, %arg9: memref<2048x64xf32, #tpu.memory_space<vmem>>) attributes {dimension_semantics = [#tpu.dimension_semantics<arbitrary>], iteration_bounds = array<i64: 8>, scalar_prefetch = 0 : i64, scratch_operands = 0 : i64, tpu.core_type = #tpu.core_type<tc>, window_params = [{transform_indices = @transform_0, window_bounds = array<i64: 2048, 128>}, {pipeline_mode = #tpu.pipeline_mode<synchronous>, transform_indices = @transform_1, window_bounds = array<i64: 64, 64>}, {pipeline_mode = #tpu.pipeline_mode<synchronous>, transform_indices = @transform_2, window_bounds = array<i64: 64, 64>}, {pipeline_mode = #tpu.pipeline_mode<synchronous>, transform_indices = @transform_3, window_bounds = array<i64: 64, 64>}, {pipeline_mode = #tpu.pipeline_mode<synchronous>, transform_indices = @transform_4, window_bounds = array<i64: 1, 64>}, {pipeline_mode = #tpu.pipeline_mode<synchronous>, transform_indices = @transform_5, window_bounds = array<i64: 1, 64>}, {pipeline_mode = #tpu.pipeline_mode<synchronous>, transform_indices = @transform_6, window_bounds = array<i64: 1, 64>}, {pipeline_mode = #tpu.pipeline_mode<synchronous>, transform_indices = @transform_7, window_bounds = array<i64: 1, 64>}, {transform_indices = @transform_8, window_bounds = array<i64: 2048, 64>}]} {
    %get3A = arith.constant 0 : index
    %get3A_0 = arith.constant 0 : index
    %get3A_1 = vector.load %arg1[%get3A, %get3A_0] : memref<2048x128xf32, #tpu.memory_space<vmem>>, vector<2048x128xf32>
    %slice3A = vector.extract_strided_slice %get3A_1 {offsets = [0, 0], sizes = [2048, 64], strides = [1, 1]} : vector<2048x128xf32> to vector<2048x64xf32>
    %get3A_2 = arith.constant 0 : index
    %get3A_3 = arith.constant 0 : index
    %get3A_4 = vector.load %arg2[%get3A_2, %get3A_3] : memref<64x64xf32, #tpu.memory_space<vmem>>, vector<64x64xf32>
    %dot_general3A = arith.constant dense<0.000000e+00> : vector<2048x64xf32>
    %dot_general3A_5 = tpu.matmul %slice3A, %get3A_4, %dot_general3A {dimension_numbers = #tpu.dot_dimension_numbers<[1], [0], [0], [1], [0, 0, 1, 1], [], []>, transpose_lhs_hint = false} : vector<2048x64xf32>, vector<64x64xf32>, vector<2048x64xf32> -> vector<2048x64xf32>
    %get3A_6 = arith.constant 0 : index
    %get3A_7 = arith.constant 0 : index
    %get3A_8 = vector.load %arg3[%get3A_6, %get3A_7] : memref<64x64xf32, #tpu.memory_space<vmem>>, vector<64x64xf32>
    %dot_general3A_9 = arith.constant dense<0.000000e+00> : vector<2048x64xf32>
    %dot_general3A_10 = tpu.matmul %slice3A, %get3A_8, %dot_general3A_9 {dimension_numbers = #tpu.dot_dimension_numbers<[1], [0], [0], [1], [0, 0, 1, 1], [], []>, transpose_lhs_hint = false} : vector<2048x64xf32>, vector<64x64xf32>, vector<2048x64xf32> -> vector<2048x64xf32>
    %get3A_11 = arith.constant 0 : index
    %get3A_12 = arith.constant 0 : index
    %get3A_13 = vector.load %arg4[%get3A_11, %get3A_12] : memref<64x64xf32, #tpu.memory_space<vmem>>, vector<64x64xf32>
    %dot_general3A_14 = arith.constant dense<0.000000e+00> : vector<2048x64xf32>
    %dot_general3A_15 = tpu.matmul %slice3A, %get3A_13, %dot_general3A_14 {dimension_numbers = #tpu.dot_dimension_numbers<[1], [0], [0], [1], [0, 0, 1, 1], [], []>, transpose_lhs_hint = false} : vector<2048x64xf32>, vector<64x64xf32>, vector<2048x64xf32> -> vector<2048x64xf32>
    %get3A_16 = arith.constant 0 : index
    %get3A_17 = arith.constant 0 : index
    %get3A_18 = vector.load %arg5[%get3A_16, %get3A_17] : memref<1x64xf32, #tpu.memory_space<vmem>>, vector<1x64xf32>
    %add3A = vector.broadcast %get3A_18 : vector<1x64xf32> to vector<2048x64xf32>
    %add3A_19 = arith.addf %dot_general3A_5, %add3A : vector<2048x64xf32>
    %logistic3A = arith.negf %add3A_19 : vector<2048x64xf32>
    %logistic3A_20 = math.exp %logistic3A : vector<2048x64xf32>
    %logistic3A_21 = arith.constant 1.000000e+00 : f32
    %logistic3A_22 = vector.broadcast %logistic3A_21 : f32 to vector<2048x64xf32>
    %logistic3A_23 = arith.addf %logistic3A_22, %logistic3A_20 : vector<2048x64xf32>
    %logistic3A_24 = arith.divf %logistic3A_22, %logistic3A_23 : vector<2048x64xf32>
    %get3A_25 = arith.constant 0 : index
    %get3A_26 = arith.constant 0 : index
    %get3A_27 = vector.load %arg6[%get3A_25, %get3A_26] : memref<1x64xf32, #tpu.memory_space<vmem>>, vector<1x64xf32>
    %add3A_28 = vector.broadcast %get3A_27 : vector<1x64xf32> to vector<2048x64xf32>
    %add3A_29 = arith.addf %dot_general3A_10, %add3A_28 : vector<2048x64xf32>
    %logistic3A_30 = arith.negf %add3A_29 : vector<2048x64xf32>
    %logistic3A_31 = math.exp %logistic3A_30 : vector<2048x64xf32>
    %logistic3A_32 = arith.constant 1.000000e+00 : f32
    %logistic3A_33 = vector.broadcast %logistic3A_32 : f32 to vector<2048x64xf32>
    %logistic3A_34 = arith.addf %logistic3A_33, %logistic3A_31 : vector<2048x64xf32>
    %logistic3A_35 = arith.divf %logistic3A_33, %logistic3A_34 : vector<2048x64xf32>
    %get3A_36 = arith.constant 0 : index
    %get3A_37 = arith.constant 0 : index
    %get3A_38 = vector.load %arg7[%get3A_36, %get3A_37] : memref<1x64xf32, #tpu.memory_space<vmem>>, vector<1x64xf32>
    %get3A_39 = arith.constant 0 : index
    %get3A_40 = arith.constant 0 : index
    %get3A_41 = vector.load %arg8[%get3A_39, %get3A_40] : memref<1x64xf32, #tpu.memory_space<vmem>>, vector<1x64xf32>
    %add3A_42 = vector.broadcast %get3A_41 : vector<1x64xf32> to vector<2048x64xf32>
    %add3A_43 = arith.addf %dot_general3A_15, %add3A_42 : vector<2048x64xf32>
    %mul3A = arith.mulf %logistic3A_24, %add3A_43 : vector<2048x64xf32>
    %add3A_44 = vector.broadcast %get3A_38 : vector<1x64xf32> to vector<2048x64xf32>
    %add3A_45 = arith.addf %add3A_44, %mul3A : vector<2048x64xf32>
    %tanh3A = math.tanh %add3A_45 : vector<2048x64xf32>
    %sub3A = arith.constant 1.000000e+00 : f32
    %sub3A_46 = vector.broadcast %sub3A : f32 to vector<2048x64xf32>
    %sub3A_47 = arith.subf %sub3A_46, %logistic3A_35 : vector<2048x64xf32>
    %mul3A_48 = arith.mulf %sub3A_47, %tanh3A : vector<2048x64xf32>
    %mul3A_49 = arith.mulf %logistic3A_35, %slice3A : vector<2048x64xf32>
    %add3A_50 = arith.addf %mul3A_48, %mul3A_49 : vector<2048x64xf32>
    %swap3A = arith.constant 0 : index
    %swap3A_51 = arith.constant 0 : index
    %swap3A_52 = vector.load %arg9[%swap3A, %swap3A_51] : memref<2048x64xf32, #tpu.memory_space<vmem>>, vector<2048x64xf32>
    tpu.vector_store %arg9[%swap3A, %swap3A_51], %add3A_50 {strides = array<i32>} : memref<2048x64xf32, #tpu.memory_space<vmem>>, vector<2048x64xf32>,
    return
  }
  func.func @transform_0(%arg0: i32) -> (i32, i32) {
    %c0_i32 = arith.constant 0 : i32
    %c0_i32_0 = arith.constant 0 : i32
    return %arg0, %c0_i32 : i32, i32
  }
  func.func @transform_1(%arg0: i32) -> (i32, i32) {
    %c0_i32 = arith.constant 0 : i32
    %c0_i32_0 = arith.constant 0 : i32
    %c0_i32_1 = arith.constant 0 : i32
    return %c0_i32, %c0_i32_0 : i32, i32
  }
  func.func @transform_2(%arg0: i32) -> (i32, i32) {
    %c0_i32 = arith.constant 0 : i32
    %c0_i32_0 = arith.constant 0 : i32
    %c0_i32_1 = arith.constant 0 : i32
    return %c0_i32, %c0_i32_0 : i32, i32
  }
  func.func @transform_3(%arg0: i32) -> (i32, i32) {
    %c0_i32 = arith.constant 0 : i32
    %c0_i32_0 = arith.constant 0 : i32
    %c0_i32_1 = arith.constant 0 : i32
    return %c0_i32, %c0_i32_0 : i32, i32
  }
  func.func @transform_4(%arg0: i32) -> (i32, i32) {
    %c0_i32 = arith.constant 0 : i32
    %c0_i32_0 = arith.constant 0 : i32
    %c0_i32_1 = arith.constant 0 : i32
    return %c0_i32, %c0_i32_0 : i32, i32
  }
  func.func @transform_5(%arg0: i32) -> (i32, i32) {
    %c0_i32 = arith.constant 0 : i32
    %c0_i32_0 = arith.constant 0 : i32
    %c0_i32_1 = arith.constant 0 : i32
    return %c0_i32, %c0_i32_0 : i32, i32
  }
  func.func @transform_6(%arg0: i32) -> (i32, i32) {
    %c0_i32 = arith.constant 0 : i32
    %c0_i32_0 = arith.constant 0 : i32
    %c0_i32_1 = arith.constant 0 : i32
    return %c0_i32, %c0_i32_0 : i32, i32
  }
  func.func @transform_7(%arg0: i32) -> (i32, i32) {
    %c0_i32 = arith.constant 0 : i32
    %c0_i32_0 = arith.constant 0 : i32
    %c0_i32_1 = arith.constant 0 : i32
    return %c0_i32, %c0_i32_0 : i32, i32
  }
  func.func @transform_8(%arg0: i32) -> (i32, i32) {
    %c0_i32 = arith.constant 0 : i32
    %c0_i32_0 = arith.constant 0 : i32
    return %arg0, %c0_i32 : i32, i32
  }
}

</mosaic_0001>

<sc_bundles>
// kernel: kernel.4.cloned.1.call-start
scs
__scs_entry_jumppad:
0x0: {  	(pc) =	sbr.rel $0x88, $3  }
0x1: {  	(tag) =	ssettag $0x0;
	lr =	simm.s32 $0x1  }
0x2: {  	[smem:$0x3F9C] =	sst lr;
	_ =	strace $0xD0000000  }
0x3: {  	_ = 	snop  }
0x4: {  	_ = 	snop  }
0x5: {  	_ = 	snop  }
0x6: {  	_ = 	snop  }
0x7: {  	_ = 	snop  }
__scs_overlays_trampoline_lowered:
0x8: {  	[smem:$0x3FAB] =	sst s0  }
0x9: {  	[smem:$0x3FAC] =	sst s1  }
0xa: {  	[smem:$0x3FAD] =	sst s2  }
0xb: {  	[smem:$0x3FAE] =	sst s3  }
0xc: {  	[smem:$0x3FAF] =	sst s4  }
0xd: {  	[smem:$0x3FB0] =	sst s5  }
0xe: {  	[smem:$0x3FB1] =	sst s6  }
0xf: {  	[smem:$0x3FB2] =	sst s7  }
0x10: {  	[smem:$0x3FB3] =	sst s8  }
0x11: {  	[smem:$0x3FB4] =	sst s9;
	s0 =	simm.s32 @!p0 $0x0  }
0x12: {  	s1 =	sld [smem:$0x3F9A];
	s0 =	simm.s32 @p0 $0x1  }
0x13: {  	[smem:$0x3FB5] =	sst s0;
	s0 =	simm.s32 @!p1 $0x0  }
0x14: {  	s2 =	sld [smem:$0x3F99];
	s0 =	simm.s32 @p1 $0x1  }
0x15: {  	[smem:$0x3FB6] =	sst s0;
	s0 =	simm.s32 @!p2 $0x0  }
0x16: {  	s3 =	sld [smem:$0x3FDB];
	s0 =	simm.s32 @p2 $0x1  }
0x17: {  	s4 =	simm.s32 $0x1BF5;
	[smem:$0x3FB8] =	sst s0  }
0x18: {  	s0 =	sld [smem:$0x3F9B];
	_ =	swait.ge [sflag:s4], $0x0  }
0x19: {  	s7 =	sld [smem:$0x3F9C]  }
0x1a: {  	s8 =	sadd.s32 $0xFFFFE003, lr  }
0x1b: {  	s9 =	sadd.s32 $0xFFFFFEF7, lr;
	s5 =	simm.s32 $0xFFFFFFFF;
	p2 =	slt.u32 s8, $0xFFFFF086  }
0x1c: {  	p1 =	slt.u32 s9, $0xF7A;
	s5 =	simm.s32 @!p2 $0x0  }
0x1d: {  	s5 =	simm.s32 @p1 $0x1;
	p0 =	seq.s32 s7, s2  }
0x1e: {  	s7 =	smul.u32 @!p0 $0xF7A, s2;
	p2 =	seq.s32 @!p0 s5, $0x0  }
0x1f: {  	s9 =	smul.u32 $0xF7A, s1;
	s8 =	simm.s32 @!p0 $0x1BF5;
	p2 =	por !p2, p0  }
0x20: {  	[sflag:s8] =	ssyncset.s32 @!p0 $0xFFFFF086;
	s6 =	sadd.s32 @!p0 s3, s7;
	s7 =	simm.s32 @!p0 $0x108  }
0x21: {  	s3 =	sadd.s32 s3, s9;
	s6 =	sadd.s32 @!p0 $0x88, s6;
	s7 =	simm.s32 @p2 $0x1082  }
0x22: {  	[simem:s7], [sflag:s8] =	dma.local @!p0 [hbm:s6], $0xF7A  }
0x23: {  	s9 =	sor.u32 $0xD0000000, s2;
	s6 =	simm.s32 $0x108;
	_ =	swait.ge @!p0 [sflag:s8], $0x0  }
0x24: {  	s3 =	sadd.s32 $0x88, s3;
	s6 =	simm.s32 @!p1 $0x1082;
	[sflag:s4] =	ssyncset.s32 $0xFFFFF086  }
0x25: {  	[simem:s6], [sflag:s4] =	dma.local [hbm:s3], $0xF7A  }
0x26: {  	[smem:$0x3F9C] =	sst s1;
	(tag) =	ssettag s2;
	_ =	strace s9  }
0x27: {  	s1 =	sld [smem:$0x3FAC]  }
0x28: {  	s2 =	sld [smem:$0x3FAD]  }
0x29: {  	s4 =	sld [smem:$0x3FAF]  }
0x2a: {  	p0 =	seq.s32 s5, $0x0;
	s5 =	sld [smem:$0x3FB0]  }
0x2b: {  	s6 =	sld [smem:$0x3FB1]  }
0x2c: {  	s7 =	sld [smem:$0x3FB2]  }
0x2d: {  	s3 =	simm.s32 $0x108;
	s8 =	sld [smem:$0x3FB3]  }
0x2e: {  	s3 =	simm.s32 @!p0 $0x1082;
	s9 =	sld [smem:$0x3FB4]  }
0x2f: {  	lr =	sadd.s32 s0, s3;
	s0 =	sld [smem:$0x3FAB]  }
0x30: {  	s3 =	sld [smem:$0x3FAE]  }
0x31: {  	[smem:$0x3FB7] =	sst s10  }
0x32: {  	s10 =	sld [smem:$0x3FB5];
	_ =	sdelay $0x3  }
0x33: {  	p0 =	seq.s32 s10, $0x1;
	s10 =	sld [smem:$0x3FB7];
	_ =	sdelay $0x3  }
0x34: {  	[smem:$0x3FB7] =	sst s10  }
0x35: {  	s10 =	sld [smem:$0x3FB6];
	_ =	sdelay $0x3  }
0x36: {  	p1 =	seq.s32 s10, $0x1;
	s10 =	sld [smem:$0x3FB7];
	_ =	sdelay $0x3  }
0x37: {  	[smem:$0x3FB7] =	sst s10  }
0x38: {  	s10 =	sld [smem:$0x3FB8]  }
0x39: {  	_ = 	snop;
	(pc) =	sbr.ind lr, $3  }
0x3a: {  	_ = 	snop  }
0x3b: {  	_ = 	snop  }
0x3c: {  	p2 =	seq.s32 s10, $0x1;
	s10 =	sld [smem:$0x3FB7]  }
0x3d: {  	_ =	shalt  }
0x3e: {  	_ =	shalt  }
0x3f: {  	_ =	shalt  }
0x40: {  	_ =	shalt  }
0x41: {  	_ =	shalt  }
0x42: {  	_ =	shalt  }
0x43: {  	_ =	shalt  }
0x44: {  	_ =	shalt  }
0x45: {  	_ =	shalt  }
0x46: {  	_ =	shalt  }
0x47: {  	_ =	shalt  }
0x48: {  	_ =	shalt  }
0x49: {  	_ =	shalt  }
0x4a: {  	_ =	shalt  }
0x4b: {  	_ =	shalt  }
0x4c: {  	_ =	shalt  }
0x4d: {  	_ =	shalt  }
0x4e: {  	_ =	shalt  }
0x4f: {  	_ =	shalt  }
0x50: {  	_ =	shalt  }
0x51: {  	_ =	shalt  }
0x52: {  	_ =	shalt  }
0x53: {  	_ =	shalt  }
0x54: {  	_ =	shalt  }
0x55: {  	_ =	shalt  }
0x56: {  	_ =	shalt  }
0x57: {  	_ =	shalt  }
0x58: {  	_ =	shalt  }
0x59: {  	_ =	shalt  }
0x5a: {  	_ =	shalt  }
0x5b: {  	_ =	shalt  }
0x5c: {  	_ =	shalt  }
0x5d: {  	_ =	shalt  }
0x5e: {  	_ =	shalt  }
0x5f: {  	_ =	shalt  }
0x60: {  	_ =	shalt  }
0x61: {  	_ =	shalt  }
0x62: {  	_ =	shalt  }
0x63: {  	_ =	shalt  }
0x64: {  	_ =	shalt  }
0x65: {  	_ =	shalt  }
0x66: {  	_ =	shalt  }
0x67: {  	_ =	shalt  }
0x68: {  	_ =	shalt  }
0x69: {  	_ =	shalt  }
0x6a: {  	_ =	shalt  }
0x6b: {  	_ =	shalt  }
0x6c: {  	_ =	shalt  }
0x6d: {  	_ =	shalt  }
0x6e: {  	_ =	shalt  }
0x6f: {  	_ =	shalt  }
0x70: {  	_ =	shalt  }
0x71: {  	_ =	shalt  }
0x72: {  	_ =	shalt  }
0x73: {  	_ =	shalt  }
0x74: {  	_ =	shalt  }
0x75: {  	_ =	shalt  }
0x76: {  	_ =	shalt  }
0x77: {  	_ =	shalt  }
0x78: {  	_ =	shalt  }
0x79: {  	_ =	shalt  }
0x7a: {  	_ =	shalt  }
0x7b: {  	_ =	shalt  }
0x7c: {  	_ =	shalt  }
0x7d: {  	_ =	shalt  }
0x7e: {  	_ =	shalt  }
0x7f: {  	_ =	shalt  }
0x80: {  	_ =	shalt  }
0x81: {  	_ =	shalt  }
0x82: {  	_ =	shalt  }
0x83: {  	_ =	shalt  }
0x84: {  	_ =	shalt  }
0x85: {  	_ =	shalt  }
0x86: {  	_ =	shalt  }
0x87: {  	_ =	shalt  }
.Lfunc_end0:
.L_simem_size_0:
called_computation_lowered:
.L_overlay_start_0:
0x88: {  	s2 =	sld [smem:$0x3FD9]  }
0x89: {  	s3 =	sld [smem:$0x3FFE];
	_ =	sdelay $0x1  }
0x8a: {  	s1 =	srdreg.scid  }
0x8b: {  	s0 =	sand.u32 $0x1, s1  }
0x8c: {  	s14 =	sshll.u32 s0, $0xA;
	s2 =	sadd.s32 s3, s2  }
0x8d: {  	s2 =	sadd.s32 s2, s14  }
0x8e: {  	[smem:$0x3FC3] =	sst s2  }
0x8f: {  	_ = 	snop  }
0x90: {  	s2 =	sld [smem:$0x3FD0];
	_ =	sdelay $0x2  }
0x91: {  	s4 =	simm.s32 $0xA;
	s5 =	simm.s32 $0x10;
	s15 =	sld [smem:$0x3FC8]  }
0x92: {  	[smem:s5], [sflag:s4] =	dma.local [hbm:s2], $0x1  }
0x93: {  	_ =	swait.eq [sflag:s4], $0x1  }
0x94: {  	[sflag:s4] =	ssyncset.done $0x0  }
0x95: {  	s16 =	sld [smem:$0x10];
	[sflag:s4] =	ssyncadd.s32 $0xFFFFFFFF  }
0x96: {  	s17 =	sld [smem:$0x11];
	(tm) =	ssettm $0x1  }
0x97: {  	s18 =	sld [smem:$0x3FFB];
	_ =	sdelay $0x3  }
0x98: {  	_ =	strace s18  }
0x99: {  	s5 =	sld [smem:$0x3FFC];
	_ =	sdelay $0x3  }
0x9a: {  	_ =	strace s5  }
0x9b: {  	s5 =	sld [smem:$0x3FFD];
	_ =	sdelay $0x3  }
0x9c: {  	_ =	strace s5  }
0x9d: {  	_ =	strace $0x8FFFFFFF  }
0x9e: {  	s19 =	sld [smem:$0x3FDB];
	_ =	sdelay $0x1  }
0x9f: {  	s6 =	simm.s32 $_scs_section_size  }
0xa0: {  	s7 =	simm.s32 $_size__tile_overlayer_lowered;
	s8 =	simm.s32 $_tile_overlayer_lowered  }
0xa1: {  	s22 =	simm.s32 $0x1BFF;
	s21 =	sshll.u32 s8, $0x1;
	s5 =	sadd.s32 s6, s19  }
0xa2: {  	s9 =	simm.s32 $0x0;
	s20 =	sshll.u32 s7, $0x1;
	s7 =	sadd.s32 s21, s5  }
0xa3: {  	[timem:s9], [sflag:s22] =	dma.local [hbm:s7], s20  }
0xa4: {  	_ =	swait.ge [sflag:s22], s20  }
0xa5: {  	s6 =	ssub.s32 $0x0, s20;
	[sflag:s22] =	ssyncset.done $0x0  }
0xa6: {  	[sflag:s22] =	ssyncadd.s32 s6;
	_ =	sdelay $0x1  }
0xa7: {  	s23 =	simm.s32 $0x1B8B  }
0xa8: {  	_ =	swait.ge [sflag:s23], $0x1  }
0xa9: {  	[sflag:s23] =	ssyncset.done $0x0  }
0xaa: {  	s25 =	simm.s32 $0x1B8E;
	s24 =	sld [smem:$0x3FFE];
	[sflag:s23] =	ssyncadd.s32 $0xFFFFFFFF  }
0xab: {  	s26 =	simm.s32 $execute0_lowered;
	[smem:$0x3FD2] =	sst s25  }
0xac: {  	s7 =	sshll.u32 s26, $0x1;
	_ =	strace $0x80000046;
	[dreg:$0x1] =	wrdreg $0xFFFFFFFF  }
0xad: {  	s28 =	simm.s32 $_size_execute0_lowered;
	s5 =	sadd.s32 s5, s7;
	[dreg:$0x0] =	wrdreg $0x0  }
0xae: {  	s7 =	sshll.u32 s28, $0x1;
	[dreg:$0x2] =	wrdreg s5  }
0xaf: {  	[dreg:$0x3] =	wrdreg s7  }
0xb0: {  	[dreg:$0x4] =	wrdreg $0xC0  }
0xb1: {  	_ =	task [dreg:s9], $0x5FFFF  }
0xb2: {  	[dreg:$0x1] =	wrdreg $0xFFFFFFFF  }
0xb3: {  	[dreg:$0x0] =	wrdreg $0x60  }
0xb4: {  	[dreg:$0x2] =	wrdreg s15  }
0xb5: {  	[dreg:$0x3] =	wrdreg s17  }
0xb6: {  	[dreg:$0x4] =	wrdreg s16  }
0xb7: {  	[dreg:$0x5] =	wrdreg s24  }
0xb8: {  	[dreg:$0x6] =	wrdreg $0x9  }
0xb9: {  	_ =	task.clear_ibuf [dreg:s9], $0x7FFFF;
	_ =	strace $0x90000046  }
0xba: {  	s29 =	simm.s32 $0x9;
	_ =	strace $0x80000048  }
0xbb: {  	_ =	swait.ge [sflag:s29], $0x1  }
0xbc: {  	[sflag:s29] =	ssyncadd.s32 $0xFFFFFFFF  }
0xbd: {  	_ =	strace $0x90000048  }
0xbe: {  	_ =	sfence  }
0xbf: {  	s30 =	sld [smem:$0x0];
	_ =	sdelay $0x2  }
0xc0: {  	s31 =	sshll.u32 s1, $0xD;
	s1 =	sshrl.u32 s1, $0x2  }
0xc1: {  	s3 =	sand.u32 $0x4000, s31;
	s1 =	sadd.s32 s1, s30  }
0xc2: {  	s0 =	sor.u32 s3, s0;
	s1 =	sshll.u32 s1, $0x11  }
0xc3: {  	s0 =	sor.u32 s1, s0  }
0xc4: {  	s0 =	sadd.s32 $0x8F2B, s0  }
0xc5: {  	[sflag:s0] =	ssyncadd.remote.s32 $0x1  }
0xc6: {  	_ =	sfence.sel $0xFFFF  }
0xc7: {  	[dreg:$0x0] =	wrdreg $0xFFFFFFFF;
	(pc) =	sbr.abs _section_cstart, $3  }
0xc8: {  	[dreg:$0x1] =	wrdreg $0xFFFFFFFF  }
0xc9: {  	_ =	task.clear_ibuf [dreg:s9], $0x2FFFF;
	_ =	strace $0x9FFFFFFF  }
0xca: {  	(tm) =	ssettm $0x7FFFFFFF  }
0xcb: {  	_ =	shalt  }
tec
execute0_lowered:
.L_overlay_start_1:
0x0: {  	(tag) =	ssettag $0x1  }
0x1: {  	v0 =	vimm.s32 $0x1380  }
0x2: {  	vm14 =	vcmask $0x300;
	vm13 =	vcmask $0x704;
	vm12 =	vcmask $0xB08  }
0x3: {  	vm11 =	vcmask $0xF0C;
	vm10 =	vcmask $0x1310;
	vm9 =	vcmask $0x1714  }
0x4: {  	vm8 =	vcmask $0x1B18;
	vm7 =	vcmask $0x1F1C;
	vm6 =	vcmask $0x2320  }
0x5: {  	vm5 =	vcmask $0x2724;
	vm4 =	vcmask $0x2B28;
	vm3 =	vcmask $0x2F2C  }
0x6: {  	vm2 =	vcmask $0x3330;
	vm1 =	vcmask $0x3734;
	vm0 =	vcmask $0x3B38  }
0x7: {  	v1 =	vimm.s32 $0x3380;
	v2 =	vimm.s32 $0x5380;
	v3 =	vimm.s32 $0x7380  }
0x8: {  	v0 =	vsel vm14, $0x0, v0;
	v1 =	vsel vm14, $0x2000, v1;
	v2 =	vsel vm14, $0x4000, v2  }
0x9: {  	v3 =	vsel vm14, $0x6000, v3;
	v0 =	vsel vm13, $0x80, v0;
	v1 =	vsel vm13, $0x2080, v1  }
0xa: {  	v2 =	vsel vm13, $0x4080, v2;
	v3 =	vsel vm13, $0x6080, v3;
	v0 =	vsel vm12, $0x100, v0  }
0xb: {  	v1 =	vsel vm12, $0x2100, v1;
	v2 =	vsel vm12, $0x4100, v2;
	v3 =	vsel vm12, $0x6100, v3  }
0xc: {  	v0 =	vsel vm11, $0x180, v0;
	v1 =	vsel vm11, $0x2180, v1;
	v2 =	vsel vm11, $0x4180, v2  }
0xd: {  	v3 =	vsel vm11, $0x6180, v3;
	v0 =	vsel vm10, $0x200, v0;
	v1 =	vsel vm10, $0x2200, v1  }
0xe: {  	v2 =	vsel vm10, $0x4200, v2;
	v3 =	vsel vm10, $0x6200, v3;
	v0 =	vsel vm9, $0x280, v0  }
0xf: {  	v1 =	vsel vm9, $0x2280, v1;
	v2 =	vsel vm9, $0x4280, v2;
	v3 =	vsel vm9, $0x6280, v3  }
0x10: {  	s0 =	rddreg [dreg:$0x0];
	v0 =	vsel vm8, $0x300, v0;
	v1 =	vsel vm8, $0x2300, v1;
	v2 =	vsel vm8, $0x4300, v2  }
0x11: {  	s1 =	rddreg [dreg:$0x1];
	v3 =	vsel vm8, $0x6300, v3;
	v0 =	vsel vm7, $0x380, v0;
	v1 =	vsel vm7, $0x2380, v1  }
0x12: {  	s3 =	rddreg [dreg:$0x2];
	v2 =	vsel vm7, $0x4380, v2;
	v3 =	vsel vm7, $0x6380, v3;
	v0 =	vsel vm6, $0x1000, v0  }
0x13: {  	s4 =	rddreg [dreg:$0x3];
	s2 =	simm.s32 $0x0;
	v1 =	vsel vm6, $0x3000, v1;
	v2 =	vsel vm6, $0x5000, v2;
	v3 =	vsel vm6, $0x7000, v3  }
0x14: {  	s5 =	srdreg.scid;
	s8 =	stileid.u32;
	s10 =	simm.s32 $0x1000;
	v0 =	vsel vm5, $0x1080, v0;
	v1 =	vsel vm5, $0x3080, v1;
	v2 =	vsel vm5, $0x5080, v2  }
0x15: {  	s11 =	simm.s32 $0x7A1400;
	s12 =	simm.s32 $0x80;
	s13 =	simm.s32 $0x1C400;
	v3 =	vsel vm5, $0x7080, v3;
	v0 =	vsel vm4, $0x1100, v0;
	v1 =	vsel vm4, $0x3100, v1  }
0x16: {  	s14 =	simm.s32 $0x18400;
	s15 =	simm.s32 $0x4;
	s16 =	simm.s32 $0x0;
	v2 =	vsel vm4, $0x5100, v2;
	v3 =	vsel vm4, $0x7100, v3;
	v0 =	vsel vm3, $0x1180, v0  }
.Ltmp0:
0x17: {  	[smem:$0x7FF] =	sst s2;
	s5 =	sand.u32 $0x1, s5;
	v1 =	vsel vm3, $0x3180, v1;
	v2 =	vsel vm3, $0x5180, v2;
	v3 =	vsel vm3, $0x7180, v3;
	(pc) =	sbr.rel .LBB2_1-.Ltmp0, $4  }
0x18: {  	s8 =	sshll.u32 s8, $0x7;
	s4 =	sadd.s32 $0x200, s4;
	s6 =	ssub.s32 $0x2, s5;
	v0 =	vsel vm2, $0x1200, v0;
	v1 =	vsel vm2, $0x3200, v1;
	v2 =	vsel vm2, $0x5200, v2  }
0x19: {  	_ =	strace $0x80000047;
	s5 =	sshll.u32 s5, $0x6;
	s7 =	sshrl.u32 s6, $0x1;
	v3 =	vsel vm2, $0x7200, v3;
	v0 =	vsel vm1, $0x1280, v0;
	v1 =	vsel vm1, $0x3280, v1  }
0x1a: {  	s31 =	sor.u32 s5, s8;
	s8 =	simm.s32 $0x5;
	s7 =	ssub.s32 s6, s7;
	v2 =	vsel vm1, $0x5280, v2;
	v3 =	vsel vm1, $0x7280, v3;
	v0 =	vsel vm0, $0x1300, v0  }
0x1b: {  	s5 =	sadd.s32 s1, s31;
	s6 =	sadd.s32 s3, s31;
	s7 =	smax.u32 s7, $0x1;
	v1 =	vsel vm0, $0x3300, v1;
	v2 =	vsel vm0, $0x5300, v2;
	v3 =	vsel vm0, $0x7300, v3  }
.LBB2_101:
0x1c: {  	s1 =	smulhi.u32 $0x55555556, s17;
	_ =	sdelay $0x1  }
0x1d: {  	s1 =	smul.u32 $0x3, s1;
	_ =	sdelay $0x1  }
0x1e: {  	s1 =	ssub.s32 s17, s1  }
0x1f: {  	s16 =	sadd.s32 $0x1, s16;
	s1 =	sadd.s32 $0x1, s1  }
0x20: {  	p0 =	sne.s32 s16, s7;
	_ =	swait.ge [sflag:s1], $0x8000  }
.Ltmp1:
0x21: {  	[sflag:s1] =	ssyncset.done $0x0;
	(pc) =	sbr.rel @!p0 .LBB2_102-.Ltmp1, $4  }
0x22: {  	[sflag:s1] =	ssyncadd.s32 $0xFFFF8000  }
0x23: {  	_ =	swait.ge [sflag:s1], $0x8000  }
0x24: {  	[sflag:s1] =	ssyncset.done $0x0  }
0x25: {  	[sflag:s1] =	ssyncadd.s32 $0xFFFF8000  }
.LBB2_1:
0x26: {  	[tilespmem:s2], [sflag:$0x5] =	stream.linear.gather [hbm4b:s5+s2], $0x200, $0x38;
	[tilespmem:$0x1C480] =	vst v63  }
0x27: {  	_ =	swait.ge [sflag:s8], $0x200  }
0x28: {  	[sflag:s8] =	ssyncset.done $0x0  }
0x29: {  	s1 =	simm.s32 $0x200;
	[sflag:s8] =	ssyncadd.s32 $0xFFFFFE00  }
0x2a: {  	[tilespmem:s1], [sflag:$0x5] =	stream.linear.gather [hbm4b:s6+s2], $0x200, $0x38;
	[tilespmem:$0x1C480] =	vst v63  }
0x2b: {  	_ =	swait.ge [sflag:s8], $0x200  }
0x2c: {  	[sflag:s8] =	ssyncset.done $0x0  }
0x2d: {  	[sflag:s8] =	ssyncadd.s32 $0xFFFFFE00  }
0x2e: {  	v4 =	vld [tilespmem:$0x0];
	_ =	sdelay $0x2  }
0x2f: {  	v5 =	vld [tilespmem:$0x1F0];
	_ =	sdelay $0x1  }
0x30: {  	(v2sf) =	vpush v4, $0x0;
	_ =	sdelay $0x2  }
0x31: {  	(v2sf) =	vpush v5, $0xF;
	_ =	sdelay $0xb  }
0x32: {  	s29 =	spop (v2sf)  }
0x33: {  	s3 =	sshrl.u32 s29, $0x9  }
0x34: {  	s9 =	smulhi.u32 $0x55555556, s3  }
0x35: {  	s17 =	spop (v2sf);
	s1 =	sand.u32 $0xFFFFFE00, s29  }
0x36: {  	s17 =	sshrl.u32 s17, $0x9;
	s19 =	sadd.s32 $0x1, s3;
	s9 =	smul.u32 $0x3, s9  }
0x37: {  	p0 =	slt.s32 s1, $0xF4080;
	s19 =	smin.u32 s19, s17  }
0x38: {  	s1 =	simm.s32 @!p0 $0xF4080;
	s20 =	smulhi.u32 $0x55555556, s19;
	s9 =	ssub.s32 s3, s9  }
0x39: {  	s1 =	sadd.s32 s0, s1;
	s18 =	sshll.u32 s9, $0xF  }
0x3a: {  	s30 =	smul.u32 $0x3, s20;
	s9 =	sadd.s32 $0x1, s9;
	s18 =	sor.u32 $0x400, s18  }
0x3b: {  	[tilespmem:s18], [sflag:s9] =	stream.strided.gather [hbm4b:s1+s10], $0x8000, s11, s10, $0x38;
	[tilespmem:$0x1C480] =	vst v63  }
0x3c: {  	s9 =	sshll.u32 s19, $0x9  }
.Ltmp2:
0x3d: {  	s1 =	ssub.s32 s19, s30;
	p0 =	slt.s32 s9, $0xF4080;
	(pc) =	sbr.rel .LBB2_2-.Ltmp2, $4  }
0x3e: {  	s31 =	sshll.u32 s1, $0xF;
	s9 =	simm.s32 @!p0 $0xF4080  }
0x3f: {  	s1 =	sadd.s32 $0x1, s1;
	s18 =	sor.u32 $0x400, s31;
	s9 =	sadd.s32 s0, s9  }
0x40: {  	[tilespmem:s18], [sflag:s1] =	stream.strided.gather [hbm4b:s9+s10], $0x8000, s11, s10, $0x38;
	[tilespmem:$0x1C480] =	vst v63  }
0x41: {  	s21 =	sadd.s32 $0xFFFFFFFF, s3;
	s18 =	simm.s32 $0x0  }
.LBB2_100:
0x42: {  	s18 =	sadd.s32 $0x1, s18  }
0x43: {  	p0 =	sne.s32 s18, $0x4  }
.Ltmp3:
0x44: {  	_ = 	snop;
	(pc) =	sbr.rel @!p0 .LBB2_101-.Ltmp3, $4  }
0x45: {  	[hbm4b:s4+s12] =	stream.indirect.scatter [tilespmem:s14], [sflag:$0x4], $0x80, s13, s12, $0xb8;
	[tilespmem:$0x1C480] =	vst v63  }
0x46: {  	_ =	swait.ge [sflag:s15], $0x4000  }
0x47: {  	[sflag:s15] =	ssyncset.done $0x0  }
0x48: {  	[sflag:s15] =	ssyncadd.s32 $0xFFFFC000  }
.LBB2_2:
.Ltmp4:
0x49: {  	(pc) =	sbr.rel .LBB2_3-.Ltmp4, $3  }
0x4a: {  	_ =	sdelay $0x1  }
0x4b: {  	s1 =	sshll.u32 s18, $0x7  }
0x4c: {  	s19 =	simm.s32 $0x0;
	v4 =	vmov s1  }
.LBB2_95:
0x4d: {  	_ = 	snop  }
.LBB2_98:
0x4e: {  	[tilespmem:s1], [sflag:s31] =	stream.strided.gather @p0 [hbm4b:s9+s10], $0x8000, s11, s10, $0x38;
	[tilespmem:$0x1C480] =	vst v63  }
0x4f: {  	s29 =	smulhi.u32 $0xAAAAAAAB, s26;
	s3 =	sshrl.u32 s3, $0x1  }
0x50: {  	s3 =	smul.u32 $0x3, s3  }
0x51: {  	_ =	swait.ge @p0 [sflag:s30], $0x8000;
	s1 =	sshrl.u32 s29, $0x1  }
0x52: {  	[sflag:s30] =	ssyncset.done @p0 $0x0;
	s1 =	smul.u32 $0xFFFFFFF4, s1;
	s3 =	ssub.s32 s28, s3  }
0x53: {  	[sflag:s30] =	ssyncadd.s32 @p0 $0xFFFF8000;
	p0 =	slt.s32 s25, $0xF4080;
	s30 =	sshll.u32 s3, $0xF  }
0x54: {  	s3 =	sadd.s32 $0x1, s3;
	s25 =	simm.s32 @!p0 $0xF4080;
	s1 =	sshra.s32 s1, $0x2  }
0x55: {  	s9 =	sor.u32 $0x400, s30;
	s31 =	sadd.s32 s0, s25;
	s1 =	sadd.s32 s1, s24  }
0x56: {  	[tilespmem:s9], [sflag:s3] =	stream.strided.gather [hbm4b:s31+s10], $0x8000, s11, s10, $0x38;
	[tilespmem:$0x1C480] =	vst v63  }
0x57: {  	_ =	swait.ge [sflag:s1], $0x8000  }
0x58: {  	[sflag:s1] =	ssyncset.done $0x0  }
0x59: {  	[sflag:s1] =	ssyncadd.s32 $0xFFFF8000  }
.LBB2_99:
0x5a: {  	s1 =	sand.u32 $0xFFFFFE00, s23  }
0x5b: {  	p0 =	slt.s32 s1, $0xF4080  }
0x5c: {  	s1 =	simm.s32 @!p0 $0xF4080  }
0x5d: {  	s1 =	ssub.s32 s23, s1  }
0x5e: {  	v5 =	vmov s1  }
0x5f: {  	v6 =	vshll.u32 v5, $0x3  }
0x60: {  	s31 =	smulhi.u32 $0x55555556, s22;
	v5 =	vand.u32 $0x7F, v5;
	v6 =	vand.u32 $0xFFFFFC00, v6  }
0x61: {  	v5 =	vor.u32 v5, v6  }
0x62: {  	s1 =	smul.u32 $0x3, s31;
	v6 =	vadd.s32 v0, v5;
	_ =	sdelay $0x1  }
0x63: {  	s1 =	ssub.s32 s22, s1  }
0x64: {  	s1 =	sshll.u32 s1, $0xF  }
0x65: {  	s1 =	sor.u32 $0x400, s1  }
0x66: {  	v6 =	vld.idx.msk [tilespmem:v6+s1+$0x0], $0xffff  }
0x67: {  	v7 =	vadd.s32 v1, v5;
	_ =	sdelay $0x3  }
0x68: {  	[tilespmem:s20+$0x18B80] =	vst v6  }
0x69: {  	v6 =	vld.idx.msk [tilespmem:v7+s1+$0x0], $0xffff  }
0x6a: {  	v7 =	vadd.s32 v2, v5;
	_ =	sdelay $0x3  }
0x6b: {  	[tilespmem:s20+$0x18B90] =	vst v6  }
0x6c: {  	v6 =	vld.idx.msk [tilespmem:v7+s1+$0x0], $0xffff  }
0x6d: {  	v5 =	vadd.s32 v3, v5;
	_ =	sdelay $0x3  }
0x6e: {  	s19 =	sadd.s32 $0x1, s19;
	[tilespmem:s20+$0x18BA0] =	vst v6  }
0x6f: {  	p0 =	sne.s32 s19, $0x8;
	v5 =	vld.idx.msk [tilespmem:v5+s1+$0x0], $0xffff  }
.Ltmp5:
0x70: {  	_ = 	snop;
	(pc) =	sbr.rel @!p0 .LBB2_100-.Ltmp5, $2  }
0x71: {  	_ =	sdelay $0x2  }
0x72: {  	s21 =	smax.u32 s21, s22;
	[tilespmem:s20+$0x18BB0] =	vst v5  }
.LBB2_3:
0x73: {  	_ =	sdelay $0x2  }
0x74: {  	s1 =	sshll.u32 s19, $0x4  }
0x75: {  	v5 =	vld.idx.msk [tilespmem:v4+s1+$0x0 ss:$0x1], $0xffff;
	_ =	sdelay $0x4  }
0x76: {  	(v2sf) =	vpush v5, $0x0;
	_ =	sdelay $0xe  }
0x77: {  	s20 =	spop (v2sf)  }
0x78: {  	s22 =	sshrl.u32 s20, $0x9  }
0x79: {  	v6 =	vld.idx.msk [tilespmem:v4+s1+$0x200 ss:$0x1], $0xffff;
	p0 =	sge.s32 s21, s22  }
.Ltmp6:
0x7a: {  	_ = 	snop;
	(pc) =	sbr.rel @p0 .LBB2_9-.Ltmp6, $3  }
0x7b: {  	_ =	sdelay $0x1  }
0x7c: {  	s1 =	sand.u32 $0x3FFFFFF0, s1  }
0x7d: {  	[tilespmem:s1+$0x1C400] =	vst v6  }
0x7e: {  	s3 =	sadd.s32 $0x1, s21  }
0x7f: {  	p1 =	sne.s32 s22, s3  }
.Ltmp7:
0x80: {  	_ = 	snop;
	(pc) =	sbr.rel @!p1 .LBB2_5-.Ltmp7, $4  }
0x81: {  	s1 =	sshll.u32 s21, $0x2;
	s9 =	sadd.s32 $0x3, s21  }
0x82: {  	s26 =	smov.u32 s17;
	s1 =	sshra.s32 s1, $0x2;
	p0 =	slt.s32 s9, s17  }
0x83: {  	s25 =	sadd.s32 $0x1, s21;
	s23 =	sadd.s32 $0x2, s1;
	s26 =	smov.u32 @p0 s9  }
0x84: {  	p0 =	por $0x0, $0x0;
	s1 =	smulhi.u32 $0xAAAAAAAB, s26;
	s24 =	sshll.u32 s26, $0x9  }
0x85: {  	_ = 	snop  }
0x86: {  	s9 =	smulhi.u32 $0xAAAAAAAB, s25;
	s1 =	sshrl.u32 s1, $0x1  }
0x87: {  	s28 =	sadd.s32 $0x1, s3;
	p0 =	slt.s32 s24, $0xF4080;
	s1 =	smul.u32 $0x3, s1  }
0x88: {  	s25 =	sadd.s32 $0x1, s25;
	p1 =	sne.s32 s22, s28;
	s9 =	sshrl.u32 s9, $0x1  }
0x89: {  	s24 =	simm.s32 @!p0 $0xF4080;
	s9 =	smul.u32 $0xFFFFFFF4, s9;
	s1 =	ssub.s32 s26, s1  }
.Ltmp8:
0x8a: {  	p0 =	por $0x1, $0x1;
	s26 =	sshll.u32 s1, $0xF;
	(pc) =	sbr.rel @!p1 .LBB2_8-.Ltmp8, $4  }
0x8b: {  	s30 =	sadd.s32 $0x1, s1;
	s1 =	sadd.s32 $0x3, s3;
	s9 =	sshra.s32 s9, $0x2  }
0x8c: {  	s31 =	sor.u32 $0x400, s26;
	p2 =	slt.s32 s1, s17;
	s26 =	smov.u32 s17  }
0x8d: {  	s3 =	sadd.s32 s0, s24;
	s29 =	sadd.s32 s9, s23;
	s26 =	smov.u32 @p2 s1  }
0x8e: {  	s23 =	sadd.s32 $0x1, s23;
	s1 =	smulhi.u32 $0xAAAAAAAB, s26;
	s24 =	sshll.u32 s26, $0x9  }
.LBB2_7:
0x8f: {  	[tilespmem:s31], [sflag:s30] =	stream.strided.gather [hbm4b:s3+s10], $0x8000, s11, s10, $0x38;
	[tilespmem:$0x1C480] =	vst v63  }
0x90: {  	s3 =	smov.u32 s28;
	s9 =	smulhi.u32 $0xAAAAAAAB, s25  }
0x91: {  	s28 =	sadd.s32 $0x1, s28;
	s1 =	sshrl.u32 s1, $0x1;
	_ =	swait.ge [sflag:s29], $0x8000  }
0x92: {  	p2 =	slt.s32 s24, $0xF4080;
	s1 =	smul.u32 $0x3, s1;
	[sflag:s29] =	ssyncset.done $0x0  }
0x93: {  	p1 =	sne.s32 s22, s28;
	s9 =	sshrl.u32 s9, $0x1;
	[sflag:s29] =	ssyncadd.s32 $0xFFFF8000  }
0x94: {  	s24 =	simm.s32 @!p2 $0xF4080;
	s9 =	smul.u32 $0xFFFFFFF4, s9;
	s1 =	ssub.s32 s26, s1  }
.Ltmp9:
0x95: {  	s26 =	sshll.u32 s1, $0xF;
	s30 =	sadd.s32 $0x1, s1;
	(pc) =	sbr.rel @p1 .LBB2_7-.Ltmp9, $4  }
0x96: {  	s1 =	sadd.s32 $0x3, s3;
	s3 =	sshra.s32 s9, $0x2;
	s31 =	sor.u32 $0x400, s26  }
0x97: {  	p3 =	slt.s32 s1, s17;
	s29 =	sadd.s32 s3, s23;
	s26 =	smov.u32 s17  }
0x98: {  	s25 =	sadd.s32 $0x1, s25;
	s3 =	sadd.s32 s0, s24;
	s26 =	smov.u32 @p3 s1  }
0x99: {  	s23 =	sadd.s32 $0x1, s23;
	s1 =	smulhi.u32 $0xAAAAAAAB, s26;
	s24 =	sshll.u32 s26, $0x9  }
.LBB2_8:
0x9a: {  	[tilespmem:s31], [sflag:s30] =	stream.strided.gather @p0 [hbm4b:s3+s10], $0x8000, s11, s10, $0x38;
	[tilespmem:$0x1C480] =	vst v63  }
0x9b: {  	s30 =	smulhi.u32 $0xAAAAAAAB, s25  }
0x9c: {  	s1 =	sshrl.u32 s1, $0x1;
	_ =	swait.ge @p0 [sflag:s29], $0x8000  }
0x9d: {  	s1 =	smul.u32 $0x3, s1;
	s3 =	sshrl.u32 s30, $0x1;
	[sflag:s29] =	ssyncset.done @p0 $0x0  }
0x9e: {  	s3 =	smul.u32 $0xFFFFFFF4, s3;
	[sflag:s29] =	ssyncadd.s32 @p0 $0xFFFF8000;
	p0 =	slt.s32 s24, $0xF4080  }
0x9f: {  	s1 =	ssub.s32 s26, s1;
	s24 =	simm.s32 @!p0 $0xF4080  }
0xa0: {  	s9 =	sshll.u32 s1, $0xF;
	s1 =	sadd.s32 $0x1, s1;
	s3 =	sshra.s32 s3, $0x2  }
0xa1: {  	s31 =	sadd.s32 s0, s24;
	s9 =	sor.u32 $0x400, s9;
	s3 =	sadd.s32 s3, s23  }
0xa2: {  	[tilespmem:s9], [sflag:s1] =	stream.strided.gather [hbm4b:s31+s10], $0x8000, s11, s10, $0x38;
	[tilespmem:$0x1C480] =	vst v63  }
0xa3: {  	_ =	swait.ge [sflag:s3], $0x8000  }
0xa4: {  	[sflag:s3] =	ssyncset.done $0x0  }
0xa5: {  	[sflag:s3] =	ssyncadd.s32 $0xFFFF8000  }
.LBB2_9:
0xa6: {  	s1 =	sand.u32 $0xFFFFFE00, s20  }
0xa7: {  	p0 =	slt.s32 s1, $0xF4080  }
0xa8: {  	s1 =	simm.s32 @!p0 $0xF4080  }
0xa9: {  	s1 =	ssub.s32 s20, s1  }
0xaa: {  	v6 =	vmov s1  }
0xab: {  	v7 =	vshll.u32 v6, $0x3  }
0xac: {  	s31 =	smulhi.u32 $0x55555556, s22;
	v6 =	vand.u32 $0x7F, v6;
	v7 =	vand.u32 $0xFFFFFC00, v7  }
0xad: {  	v6 =	vor.u32 v6, v7  }
0xae: {  	s1 =	smul.u32 $0x3, s31;
	v7 =	vadd.s32 v0, v6;
	_ =	sdelay $0x1  }
0xaf: {  	s1 =	ssub.s32 s22, s1  }
0xb0: {  	s1 =	sshll.u32 s1, $0xF  }
0xb1: {  	s1 =	sor.u32 $0x400, s1  }
0xb2: {  	v7 =	vld.idx.msk [tilespmem:v7+s1+$0x0], $0xffff  }
0xb3: {  	(v2sf) =	vpush v5, $0x1;
	v8 =	vadd.s32 v1, v6;
	_ =	sdelay $0x1  }
0xb4: {  	s3 =	sshll.u32 s19, $0xB  }
0xb5: {  	s20 =	sand.u32 $0x3FFFF800, s3  }
0xb6: {  	[tilespmem:s20+$0x18400] =	vst v7  }
0xb7: {  	v7 =	vld.idx.msk [tilespmem:v8+s1+$0x0], $0xffff  }
0xb8: {  	v63 =	vadd.s32 v2, v6;
	_ =	sdelay $0x3  }
0xb9: {  	[tilespmem:s20+$0x18410] =	vst v7  }
0xba: {  	v7 =	vld.idx.msk [tilespmem:v63+s1+$0x0], $0xffff  }
0xbb: {  	v6 =	vadd.s32 v3, v6;
	_ =	sdelay $0x2  }
0xbc: {  	p0 =	sgt.s32 s21, s22;
	s23 =	spop (v2sf)  }
0xbd: {  	s22 =	smov.u32 @p0 s21;
	s21 =	sshrl.u32 s23, $0x9;
	[tilespmem:s20+$0x18420] =	vst v7  }
0xbe: {  	p0 =	sge.u32 s22, s21;
	v6 =	vld.idx.msk [tilespmem:v6+s1+$0x0], $0xffff  }
.Ltmp10:
0xbf: {  	_ = 	snop;
	(pc) =	sbr.rel @p0 .LBB2_15-.Ltmp10, $2  }
0xc0: {  	_ =	sdelay $0x2  }
0xc1: {  	[tilespmem:s20+$0x18430] =	vst v6  }
0xc2: {  	s1 =	sshll.u32 s22, $0x2  }
0xc3: {  	s1 =	sshra.s32 s1, $0x2  }
0xc4: {  	s24 =	sadd.s32 $0x2, s1;
	s1 =	sadd.s32 $0x1, s22  }
0xc5: {  	p1 =	sne.s32 s21, s1  }
.Ltmp11:
0xc6: {  	_ = 	snop;
	(pc) =	sbr.rel @!p1 .LBB2_11-.Ltmp11, $4  }
0xc7: {  	s3 =	sadd.s32 $0x3, s22  }
0xc8: {  	s28 =	smov.u32 s17;
	p0 =	slt.s32 s3, s17  }
0xc9: {  	s26 =	sadd.s32 $0x1, s22;
	s28 =	smov.u32 @p0 s3  }
0xca: {  	p0 =	por $0x0, $0x0;
	s3 =	smulhi.u32 $0xAAAAAAAB, s28;
	s25 =	sshll.u32 s28, $0x9  }
0xcb: {  	_ = 	snop  }
0xcc: {  	s9 =	smulhi.u32 $0xAAAAAAAB, s26;
	s3 =	sshrl.u32 s3, $0x1  }
0xcd: {  	s29 =	sadd.s32 $0x1, s1;
	p0 =	slt.s32 s25, $0xF4080;
	s3 =	smul.u32 $0x3, s3  }
0xce: {  	s26 =	sadd.s32 $0x1, s26;
	p1 =	sne.s32 s21, s29;
	s9 =	sshrl.u32 s9, $0x1  }
0xcf: {  	s25 =	simm.s32 @!p0 $0xF4080;
	s9 =	smul.u32 $0xFFFFFFF4, s9;
	s3 =	ssub.s32 s28, s3  }
.Ltmp12:
0xd0: {  	p0 =	por $0x1, $0x1;
	s28 =	sshll.u32 s3, $0xF;
	(pc) =	sbr.rel @!p1 .LBB2_14-.Ltmp12, $4  }
0xd1: {  	s31 =	sadd.s32 $0x1, s3;
	s3 =	sadd.s32 $0x3, s1;
	s9 =	sshra.s32 s9, $0x2  }
0xd2: {  	s1 =	sor.u32 $0x400, s28;
	p2 =	slt.s32 s3, s17;
	s28 =	smov.u32 s17  }
0xd3: {  	s30 =	sadd.s32 s9, s24;
	s9 =	sadd.s32 s0, s25;
	s28 =	smov.u32 @p2 s3  }
0xd4: {  	s24 =	sadd.s32 $0x1, s24;
	s3 =	smulhi.u32 $0xAAAAAAAB, s28;
	s25 =	sshll.u32 s28, $0x9  }
.LBB2_13:
0xd5: {  	[tilespmem:s1], [sflag:s31] =	stream.strided.gather [hbm4b:s9+s10], $0x8000, s11, s10, $0x38;
	[tilespmem:$0x1C480] =	vst v63  }
0xd6: {  	s1 =	smov.u32 s29;
	s9 =	smulhi.u32 $0xAAAAAAAB, s26  }
0xd7: {  	s29 =	sadd.s32 $0x1, s29;
	s3 =	sshrl.u32 s3, $0x1;
	_ =	swait.ge [sflag:s30], $0x8000  }
0xd8: {  	p2 =	slt.s32 s25, $0xF4080;
	s3 =	smul.u32 $0x3, s3;
	[sflag:s30] =	ssyncset.done $0x0  }
0xd9: {  	p1 =	sne.s32 s21, s29;
	s9 =	sshrl.u32 s9, $0x1;
	[sflag:s30] =	ssyncadd.s32 $0xFFFF8000  }
0xda: {  	s25 =	simm.s32 @!p2 $0xF4080;
	s9 =	smul.u32 $0xFFFFFFF4, s9;
	s3 =	ssub.s32 s28, s3  }
.Ltmp13:
0xdb: {  	s28 =	sshll.u32 s3, $0xF;
	s31 =	sadd.s32 $0x1, s3;
	(pc) =	sbr.rel @p1 .LBB2_13-.Ltmp13, $4  }
0xdc: {  	s3 =	sadd.s32 $0x3, s1;
	s9 =	sshra.s32 s9, $0x2;
	s1 =	sor.u32 $0x400, s28  }
0xdd: {  	p3 =	slt.s32 s3, s17;
	s30 =	sadd.s32 s9, s24;
	s28 =	smov.u32 s17  }
0xde: {  	s26 =	sadd.s32 $0x1, s26;
	s9 =	sadd.s32 s0, s25;
	s28 =	smov.u32 @p3 s3  }
0xdf: {  	s24 =	sadd.s32 $0x1, s24;
	s3 =	smulhi.u32 $0xAAAAAAAB, s28;
	s25 =	sshll.u32 s28, $0x9  }
.LBB2_14:
0xe0: {  	[tilespmem:s1], [sflag:s31] =	stream.strided.gather @p0 [hbm4b:s9+s10], $0x8000, s11, s10, $0x38;
	[tilespmem:$0x1C480] =	vst v63  }
0xe1: {  	s29 =	smulhi.u32 $0xAAAAAAAB, s26  }
0xe2: {  	s3 =	sshrl.u32 s3, $0x1;
	_ =	swait.ge @p0 [sflag:s30], $0x8000  }
0xe3: {  	s3 =	smul.u32 $0x3, s3;
	s1 =	sshrl.u32 s29, $0x1;
	[sflag:s30] =	ssyncset.done @p0 $0x0  }
0xe4: {  	s1 =	smul.u32 $0xFFFFFFF4, s1;
	[sflag:s30] =	ssyncadd.s32 @p0 $0xFFFF8000;
	p0 =	slt.s32 s25, $0xF4080  }
0xe5: {  	s3 =	ssub.s32 s28, s3;
	s25 =	simm.s32 @!p0 $0xF4080  }
0xe6: {  	s30 =	sshll.u32 s3, $0xF;
	s3 =	sadd.s32 $0x1, s3;
	s1 =	sshra.s32 s1, $0x2  }
0xe7: {  	s31 =	sadd.s32 s0, s25;
	s9 =	sor.u32 $0x400, s30;
	s1 =	sadd.s32 s1, s24  }
0xe8: {  	[tilespmem:s9], [sflag:s3] =	stream.strided.gather [hbm4b:s31+s10], $0x8000, s11, s10, $0x38;
	[tilespmem:$0x1C480] =	vst v63  }
0xe9: {  	_ =	swait.ge [sflag:s1], $0x8000  }
0xea: {  	[sflag:s1] =	ssyncset.done $0x0  }
0xeb: {  	[sflag:s1] =	ssyncadd.s32 $0xFFFF8000  }
.LBB2_15:
0xec: {  	s1 =	sand.u32 $0xFFFFFE00, s23  }
0xed: {  	p0 =	slt.s32 s1, $0xF4080  }
0xee: {  	s1 =	simm.s32 @!p0 $0xF4080  }
0xef: {  	s1 =	ssub.s32 s23, s1  }
0xf0: {  	v6 =	vmov s1  }
0xf1: {  	v7 =	vshll.u32 v6, $0x3  }
0xf2: {  	s31 =	smulhi.u32 $0x55555556, s21;
	v6 =	vand.u32 $0x7F, v6;
	v7 =	vand.u32 $0xFFFFFC00, v7  }
0xf3: {  	v6 =	vor.u32 v6, v7  }
0xf4: {  	s1 =	smul.u32 $0x3, s31;
	v7 =	vadd.s32 v0, v6;
	_ =	sdelay $0x1  }
0xf5: {  	s1 =	ssub.s32 s21, s1  }
0xf6: {  	s1 =	sshll.u32 s1, $0xF  }
0xf7: {  	s1 =	sor.u32 $0x400, s1  }
0xf8: {  	v7 =	vld.idx.msk [tilespmem:v7+s1+$0x0], $0xffff  }
0xf9: {  	(v2sf) =	vpush v5, $0x2;
	v8 =	vadd.s32 v1, v6;
	_ =	sdelay $0x3  }
0xfa: {  	[tilespmem:s20+$0x18480] =	vst v7  }
0xfb: {  	v7 =	vld.idx.msk [tilespmem:v8+s1+$0x0], $0xffff  }
0xfc: {  	v63 =	vadd.s32 v2, v6;
	_ =	sdelay $0x3  }
0xfd: {  	[tilespmem:s20+$0x18490] =	vst v7  }
0xfe: {  	v7 =	vld.idx.msk [tilespmem:v63+s1+$0x0], $0xffff  }
0xff: {  	v6 =	vadd.s32 v3, v6;
	_ =	sdelay $0x2  }
0x100: {  	s23 =	spop (v2sf)  }
0x101: {  	s21 =	smax.u32 s22, s21;
	s22 =	sshrl.u32 s23, $0x9;
	[tilespmem:s20+$0x184A0] =	vst v7  }
0x102: {  	p0 =	sge.u32 s21, s22;
	v6 =	vld.idx.msk [tilespmem:v6+s1+$0x0], $0xffff  }
.Ltmp14:
0x103: {  	_ = 	snop;
	(pc) =	sbr.rel @p0 .LBB2_21-.Ltmp14, $2  }
0x104: {  	_ =	sdelay $0x2  }
0x105: {  	[tilespmem:s20+$0x184B0] =	vst v6  }
0x106: {  	s1 =	sshll.u32 s21, $0x2  }
0x107: {  	s1 =	sshra.s32 s1, $0x2  }
0x108: {  	s24 =	sadd.s32 $0x2, s1;
	s1 =	sadd.s32 $0x1, s21  }
0x109: {  	p1 =	sne.s32 s22, s1  }
.Ltmp15:
0x10a: {  	_ = 	snop;
	(pc) =	sbr.rel @!p1 .LBB2_17-.Ltmp15, $4  }
0x10b: {  	s3 =	sadd.s32 $0x3, s21  }
0x10c: {  	s28 =	smov.u32 s17;
	p0 =	slt.s32 s3, s17  }
0x10d: {  	s26 =	sadd.s32 $0x1, s21;
	s28 =	smov.u32 @p0 s3  }
0x10e: {  	p0 =	por $0x0, $0x0;
	s3 =	smulhi.u32 $0xAAAAAAAB, s28;
	s25 =	sshll.u32 s28, $0x9  }
0x10f: {  	_ = 	snop  }
0x110: {  	s9 =	smulhi.u32 $0xAAAAAAAB, s26;
	s3 =	sshrl.u32 s3, $0x1  }
0x111: {  	s29 =	sadd.s32 $0x1, s1;
	p0 =	slt.s32 s25, $0xF4080;
	s3 =	smul.u32 $0x3, s3  }
0x112: {  	s26 =	sadd.s32 $0x1, s26;
	p1 =	sne.s32 s22, s29;
	s9 =	sshrl.u32 s9, $0x1  }
0x113: {  	s25 =	simm.s32 @!p0 $0xF4080;
	s9 =	smul.u32 $0xFFFFFFF4, s9;
	s3 =	ssub.s32 s28, s3  }
.Ltmp16:
0x114: {  	p0 =	por $0x1, $0x1;
	s28 =	sshll.u32 s3, $0xF;
	(pc) =	sbr.rel @!p1 .LBB2_20-.Ltmp16, $4  }
0x115: {  	s31 =	sadd.s32 $0x1, s3;
	s3 =	sadd.s32 $0x3, s1;
	s9 =	sshra.s32 s9, $0x2  }
0x116: {  	s1 =	sor.u32 $0x400, s28;
	p2 =	slt.s32 s3, s17;
	s28 =	smov.u32 s17  }
0x117: {  	s30 =	sadd.s32 s9, s24;
	s9 =	sadd.s32 s0, s25;
	s28 =	smov.u32 @p2 s3  }
0x118: {  	s24 =	sadd.s32 $0x1, s24;
	s3 =	smulhi.u32 $0xAAAAAAAB, s28;
	s25 =	sshll.u32 s28, $0x9  }
.LBB2_19:
0x119: {  	[tilespmem:s1], [sflag:s31] =	stream.strided.gather [hbm4b:s9+s10], $0x8000, s11, s10, $0x38;
	[tilespmem:$0x1C480] =	vst v63  }
0x11a: {  	s1 =	smov.u32 s29;
	s9 =	smulhi.u32 $0xAAAAAAAB, s26  }
0x11b: {  	s29 =	sadd.s32 $0x1, s29;
	s3 =	sshrl.u32 s3, $0x1;
	_ =	swait.ge [sflag:s30], $0x8000  }
0x11c: {  	p2 =	slt.s32 s25, $0xF4080;
	s3 =	smul.u32 $0x3, s3;
	[sflag:s30] =	ssyncset.done $0x0  }
0x11d: {  	p1 =	sne.s32 s22, s29;
	s9 =	sshrl.u32 s9, $0x1;
	[sflag:s30] =	ssyncadd.s32 $0xFFFF8000  }
0x11e: {  	s25 =	simm.s32 @!p2 $0xF4080;
	s9 =	smul.u32 $0xFFFFFFF4, s9;
	s3 =	ssub.s32 s28, s3  }
.Ltmp17:
0x11f: {  	s28 =	sshll.u32 s3, $0xF;
	s31 =	sadd.s32 $0x1, s3;
	(pc) =	sbr.rel @p1 .LBB2_19-.Ltmp17, $4  }
0x120: {  	s3 =	sadd.s32 $0x3, s1;
	s9 =	sshra.s32 s9, $0x2;
	s1 =	sor.u32 $0x400, s28  }
0x121: {  	p3 =	slt.s32 s3, s17;
	s30 =	sadd.s32 s9, s24;
	s28 =	smov.u32 s17  }
0x122: {  	s26 =	sadd.s32 $0x1, s26;
	s9 =	sadd.s32 s0, s25;
	s28 =	smov.u32 @p3 s3  }
0x123: {  	s24 =	sadd.s32 $0x1, s24;
	s3 =	smulhi.u32 $0xAAAAAAAB, s28;
	s25 =	sshll.u32 s28, $0x9  }
.LBB2_20:
0x124: {  	[tilespmem:s1], [sflag:s31] =	stream.strided.gather @p0 [hbm4b:s9+s10], $0x8000, s11, s10, $0x38;
	[tilespmem:$0x1C480] =	vst v63  }
0x125: {  	s29 =	smulhi.u32 $0xAAAAAAAB, s26  }
0x126: {  	s3 =	sshrl.u32 s3, $0x1;
	_ =	swait.ge @p0 [sflag:s30], $0x8000  }
0x127: {  	s3 =	smul.u32 $0x3, s3;
	s1 =	sshrl.u32 s29, $0x1;
	[sflag:s30] =	ssyncset.done @p0 $0x0  }
0x128: {  	s1 =	smul.u32 $0xFFFFFFF4, s1;
	[sflag:s30] =	ssyncadd.s32 @p0 $0xFFFF8000;
	p0 =	slt.s32 s25, $0xF4080  }
0x129: {  	s3 =	ssub.s32 s28, s3;
	s25 =	simm.s32 @!p0 $0xF4080  }
0x12a: {  	s30 =	sshll.u32 s3, $0xF;
	s3 =	sadd.s32 $0x1, s3;
	s1 =	sshra.s32 s1, $0x2  }
0x12b: {  	s31 =	sadd.s32 s0, s25;
	s9 =	sor.u32 $0x400, s30;
	s1 =	sadd.s32 s1, s24  }
0x12c: {  	[tilespmem:s9], [sflag:s3] =	stream.strided.gather [hbm4b:s31+s10], $0x8000, s11, s10, $0x38;
	[tilespmem:$0x1C480] =	vst v63  }
0x12d: {  	_ =	swait.ge [sflag:s1], $0x8000  }
0x12e: {  	[sflag:s1] =	ssyncset.done $0x0  }
0x12f: {  	[sflag:s1] =	ssyncadd.s32 $0xFFFF8000  }
.LBB2_21:
0x130: {  	s1 =	sand.u32 $0xFFFFFE00, s23  }
0x131: {  	p0 =	slt.s32 s1, $0xF4080  }
0x132: {  	s1 =	simm.s32 @!p0 $0xF4080  }
0x133: {  	s1 =	ssub.s32 s23, s1  }
0x134: {  	v6 =	vmov s1  }
0x135: {  	v7 =	vshll.u32 v6, $0x3  }
0x136: {  	s31 =	smulhi.u32 $0x55555556, s22;
	v6 =	vand.u32 $0x7F, v6;
	v7 =	vand.u32 $0xFFFFFC00, v7  }
0x137: {  	v6 =	vor.u32 v6, v7  }
0x138: {  	s1 =	smul.u32 $0x3, s31;
	v7 =	vadd.s32 v0, v6;
	_ =	sdelay $0x1  }
0x139: {  	s1 =	ssub.s32 s22, s1  }
0x13a: {  	s1 =	sshll.u32 s1, $0xF  }
0x13b: {  	s1 =	sor.u32 $0x400, s1  }
0x13c: {  	v7 =	vld.idx.msk [tilespmem:v7+s1+$0x0], $0xffff  }
0x13d: {  	(v2sf) =	vpush v5, $0x3;
	v8 =	vadd.s32 v1, v6;
	_ =	sdelay $0x3  }
0x13e: {  	[tilespmem:s20+$0x18500] =	vst v7  }
0x13f: {  	v7 =	vld.idx.msk [tilespmem:v8+s1+$0x0], $0xffff  }
0x140: {  	v63 =	vadd.s32 v2, v6;
	_ =	sdelay $0x3  }
0x141: {  	[tilespmem:s20+$0x18510] =	vst v7  }
0x142: {  	v7 =	vld.idx.msk [tilespmem:v63+s1+$0x0], $0xffff  }
0x143: {  	v6 =	vadd.s32 v3, v6;
	_ =	sdelay $0x2  }
0x144: {  	s23 =	spop (v2sf)  }
0x145: {  	s21 =	smax.u32 s21, s22;
	s22 =	sshrl.u32 s23, $0x9;
	[tilespmem:s20+$0x18520] =	vst v7  }
0x146: {  	p0 =	sge.u32 s21, s22;
	v6 =	vld.idx.msk [tilespmem:v6+s1+$0x0], $0xffff  }
.Ltmp18:
0x147: {  	_ = 	snop;
	(pc) =	sbr.rel @p0 .LBB2_27-.Ltmp18, $2  }
0x148: {  	_ =	sdelay $0x2  }
0x149: {  	[tilespmem:s20+$0x18530] =	vst v6  }
0x14a: {  	s1 =	sshll.u32 s21, $0x2  }
0x14b: {  	s1 =	sshra.s32 s1, $0x2  }
0x14c: {  	s24 =	sadd.s32 $0x2, s1;
	s1 =	sadd.s32 $0x1, s21  }
0x14d: {  	p1 =	sne.s32 s22, s1  }
.Ltmp19:
0x14e: {  	_ = 	snop;
	(pc) =	sbr.rel @!p1 .LBB2_23-.Ltmp19, $4  }
0x14f: {  	s3 =	sadd.s32 $0x3, s21  }
0x150: {  	s28 =	smov.u32 s17;
	p0 =	slt.s32 s3, s17  }
0x151: {  	s26 =	sadd.s32 $0x1, s21;
	s28 =	smov.u32 @p0 s3  }
0x152: {  	p0 =	por $0x0, $0x0;
	s3 =	smulhi.u32 $0xAAAAAAAB, s28;
	s25 =	sshll.u32 s28, $0x9  }
0x153: {  	_ = 	snop  }
0x154: {  	s9 =	smulhi.u32 $0xAAAAAAAB, s26;
	s3 =	sshrl.u32 s3, $0x1  }
0x155: {  	s29 =	sadd.s32 $0x1, s1;
	p0 =	slt.s32 s25, $0xF4080;
	s3 =	smul.u32 $0x3, s3  }
0x156: {  	s26 =	sadd.s32 $0x1, s26;
	p1 =	sne.s32 s22, s29;
	s9 =	sshrl.u32 s9, $0x1  }
0x157: {  	s25 =	simm.s32 @!p0 $0xF4080;
	s9 =	smul.u32 $0xFFFFFFF4, s9;
	s3 =	ssub.s32 s28, s3  }
.Ltmp20:
0x158: {  	p0 =	por $0x1, $0x1;
	s28 =	sshll.u32 s3, $0xF;
	(pc) =	sbr.rel @!p1 .LBB2_26-.Ltmp20, $4  }
0x159: {  	s31 =	sadd.s32 $0x1, s3;
	s3 =	sadd.s32 $0x3, s1;
	s9 =	sshra.s32 s9, $0x2  }
0x15a: {  	s1 =	sor.u32 $0x400, s28;
	p2 =	slt.s32 s3, s17;
	s28 =	smov.u32 s17  }
0x15b: {  	s30 =	sadd.s32 s9, s24;
	s9 =	sadd.s32 s0, s25;
	s28 =	smov.u32 @p2 s3  }
0x15c: {  	s24 =	sadd.s32 $0x1, s24;
	s3 =	smulhi.u32 $0xAAAAAAAB, s28;
	s25 =	sshll.u32 s28, $0x9  }
.LBB2_25:
0x15d: {  	[tilespmem:s1], [sflag:s31] =	stream.strided.gather [hbm4b:s9+s10], $0x8000, s11, s10, $0x38;
	[tilespmem:$0x1C480] =	vst v63  }
0x15e: {  	s1 =	smov.u32 s29;
	s9 =	smulhi.u32 $0xAAAAAAAB, s26  }
0x15f: {  	s29 =	sadd.s32 $0x1, s29;
	s3 =	sshrl.u32 s3, $0x1;
	_ =	swait.ge [sflag:s30], $0x8000  }
0x160: {  	p2 =	slt.s32 s25, $0xF4080;
	s3 =	smul.u32 $0x3, s3;
	[sflag:s30] =	ssyncset.done $0x0  }
0x161: {  	p1 =	sne.s32 s22, s29;
	s9 =	sshrl.u32 s9, $0x1;
	[sflag:s30] =	ssyncadd.s32 $0xFFFF8000  }
0x162: {  	s25 =	simm.s32 @!p2 $0xF4080;
	s9 =	smul.u32 $0xFFFFFFF4, s9;
	s3 =	ssub.s32 s28, s3  }
.Ltmp21:
0x163: {  	s28 =	sshll.u32 s3, $0xF;
	s31 =	sadd.s32 $0x1, s3;
	(pc) =	sbr.rel @p1 .LBB2_25-.Ltmp21, $4  }
0x164: {  	s3 =	sadd.s32 $0x3, s1;
	s9 =	sshra.s32 s9, $0x2;
	s1 =	sor.u32 $0x400, s28  }
0x165: {  	p3 =	slt.s32 s3, s17;
	s30 =	sadd.s32 s9, s24;
	s28 =	smov.u32 s17  }
0x166: {  	s26 =	sadd.s32 $0x1, s26;
	s9 =	sadd.s32 s0, s25;
	s28 =	smov.u32 @p3 s3  }
0x167: {  	s24 =	sadd.s32 $0x1, s24;
	s3 =	smulhi.u32 $0xAAAAAAAB, s28;
	s25 =	sshll.u32 s28, $0x9  }
.LBB2_26:
0x168: {  	[tilespmem:s1], [sflag:s31] =	stream.strided.gather @p0 [hbm4b:s9+s10], $0x8000, s11, s10, $0x38;
	[tilespmem:$0x1C480] =	vst v63  }
0x169: {  	s29 =	smulhi.u32 $0xAAAAAAAB, s26  }
0x16a: {  	s3 =	sshrl.u32 s3, $0x1;
	_ =	swait.ge @p0 [sflag:s30], $0x8000  }
0x16b: {  	s3 =	smul.u32 $0x3, s3;
	s1 =	sshrl.u32 s29, $0x1;
	[sflag:s30] =	ssyncset.done @p0 $0x0  }
0x16c: {  	s1 =	smul.u32 $0xFFFFFFF4, s1;
	[sflag:s30] =	ssyncadd.s32 @p0 $0xFFFF8000;
	p0 =	slt.s32 s25, $0xF4080  }
0x16d: {  	s3 =	ssub.s32 s28, s3;
	s25 =	simm.s32 @!p0 $0xF4080  }
0x16e: {  	s30 =	sshll.u32 s3, $0xF;
	s3 =	sadd.s32 $0x1, s3;
	s1 =	sshra.s32 s1, $0x2  }
0x16f: {  	s31 =	sadd.s32 s0, s25;
	s9 =	sor.u32 $0x400, s30;
	s1 =	sadd.s32 s1, s24  }
0x170: {  	[tilespmem:s9], [sflag:s3] =	stream.strided.gather [hbm4b:s31+s10], $0x8000, s11, s10, $0x38;
	[tilespmem:$0x1C480] =	vst v63  }
0x171: {  	_ =	swait.ge [sflag:s1], $0x8000  }
0x172: {  	[sflag:s1] =	ssyncset.done $0x0  }
0x173: {  	[sflag:s1] =	ssyncadd.s32 $0xFFFF8000  }
.LBB2_27:
0x174: {  	s1 =	sand.u32 $0xFFFFFE00, s23  }
0x175: {  	p0 =	slt.s32 s1, $0xF4080  }
0x176: {  	s1 =	simm.s32 @!p0 $0xF4080  }
0x177: {  	s1 =	ssub.s32 s23, s1  }
0x178: {  	v6 =	vmov s1  }
0x179: {  	v7 =	vshll.u32 v6, $0x3  }
0x17a: {  	s31 =	smulhi.u32 $0x55555556, s22;
	v6 =	vand.u32 $0x7F, v6;
	v7 =	vand.u32 $0xFFFFFC00, v7  }
0x17b: {  	v6 =	vor.u32 v6, v7  }
0x17c: {  	s1 =	smul.u32 $0x3, s31;
	v7 =	vadd.s32 v0, v6;
	_ =	sdelay $0x1  }
0x17d: {  	s1 =	ssub.s32 s22, s1  }
0x17e: {  	s1 =	sshll.u32 s1, $0xF  }
0x17f: {  	s1 =	sor.u32 $0x400, s1  }
0x180: {  	v7 =	vld.idx.msk [tilespmem:v7+s1+$0x0], $0xffff  }
0x181: {  	(v2sf) =	vpush v5, $0x4;
	v8 =	vadd.s32 v1, v6;
	_ =	sdelay $0x3  }
0x182: {  	[tilespmem:s20+$0x18580] =	vst v7  }
0x183: {  	v7 =	vld.idx.msk [tilespmem:v8+s1+$0x0], $0xffff  }
0x184: {  	v63 =	vadd.s32 v2, v6;
	_ =	sdelay $0x3  }
0x185: {  	[tilespmem:s20+$0x18590] =	vst v7  }
0x186: {  	v7 =	vld.idx.msk [tilespmem:v63+s1+$0x0], $0xffff  }
0x187: {  	v6 =	vadd.s32 v3, v6;
	_ =	sdelay $0x2  }
0x188: {  	s23 =	spop (v2sf)  }
0x189: {  	s21 =	smax.u32 s21, s22;
	s22 =	sshrl.u32 s23, $0x9;
	[tilespmem:s20+$0x185A0] =	vst v7  }
0x18a: {  	p0 =	sge.u32 s21, s22;
	v6 =	vld.idx.msk [tilespmem:v6+s1+$0x0], $0xffff  }
.Ltmp22:
0x18b: {  	_ = 	snop;
	(pc) =	sbr.rel @p0 .LBB2_33-.Ltmp22, $2  }
0x18c: {  	_ =	sdelay $0x2  }
0x18d: {  	[tilespmem:s20+$0x185B0] =	vst v6  }
0x18e: {  	s1 =	sshll.u32 s21, $0x2  }
0x18f: {  	s1 =	sshra.s32 s1, $0x2  }
0x190: {  	s24 =	sadd.s32 $0x2, s1;
	s1 =	sadd.s32 $0x1, s21  }
0x191: {  	p1 =	sne.s32 s22, s1  }
.Ltmp23:
0x192: {  	_ = 	snop;
	(pc) =	sbr.rel @!p1 .LBB2_29-.Ltmp23, $4  }
0x193: {  	s3 =	sadd.s32 $0x3, s21  }
0x194: {  	s28 =	smov.u32 s17;
	p0 =	slt.s32 s3, s17  }
0x195: {  	s26 =	sadd.s32 $0x1, s21;
	s28 =	smov.u32 @p0 s3  }
0x196: {  	p0 =	por $0x0, $0x0;
	s3 =	smulhi.u32 $0xAAAAAAAB, s28;
	s25 =	sshll.u32 s28, $0x9  }
0x197: {  	_ = 	snop  }
0x198: {  	s9 =	smulhi.u32 $0xAAAAAAAB, s26;
	s3 =	sshrl.u32 s3, $0x1  }
0x199: {  	s29 =	sadd.s32 $0x1, s1;
	p0 =	slt.s32 s25, $0xF4080;
	s3 =	smul.u32 $0x3, s3  }
0x19a: {  	s26 =	sadd.s32 $0x1, s26;
	p1 =	sne.s32 s22, s29;
	s9 =	sshrl.u32 s9, $0x1  }
0x19b: {  	s25 =	simm.s32 @!p0 $0xF4080;
	s9 =	smul.u32 $0xFFFFFFF4, s9;
	s3 =	ssub.s32 s28, s3  }
.Ltmp24:
0x19c: {  	p0 =	por $0x1, $0x1;
	s28 =	sshll.u32 s3, $0xF;
	(pc) =	sbr.rel @!p1 .LBB2_32-.Ltmp24, $4  }
0x19d: {  	s31 =	sadd.s32 $0x1, s3;
	s3 =	sadd.s32 $0x3, s1;
	s9 =	sshra.s32 s9, $0x2  }
0x19e: {  	s1 =	sor.u32 $0x400, s28;
	p2 =	slt.s32 s3, s17;
	s28 =	smov.u32 s17  }
0x19f: {  	s30 =	sadd.s32 s9, s24;
	s9 =	sadd.s32 s0, s25;
	s28 =	smov.u32 @p2 s3  }
0x1a0: {  	s24 =	sadd.s32 $0x1, s24;
	s3 =	smulhi.u32 $0xAAAAAAAB, s28;
	s25 =	sshll.u32 s28, $0x9  }
.LBB2_31:
0x1a1: {  	[tilespmem:s1], [sflag:s31] =	stream.strided.gather [hbm4b:s9+s10], $0x8000, s11, s10, $0x38;
	[tilespmem:$0x1C480] =	vst v63  }
0x1a2: {  	s1 =	smov.u32 s29;
	s9 =	smulhi.u32 $0xAAAAAAAB, s26  }
0x1a3: {  	s29 =	sadd.s32 $0x1, s29;
	s3 =	sshrl.u32 s3, $0x1;
	_ =	swait.ge [sflag:s30], $0x8000  }
0x1a4: {  	p2 =	slt.s32 s25, $0xF4080;
	s3 =	smul.u32 $0x3, s3;
	[sflag:s30] =	ssyncset.done $0x0  }
0x1a5: {  	p1 =	sne.s32 s22, s29;
	s9 =	sshrl.u32 s9, $0x1;
	[sflag:s30] =	ssyncadd.s32 $0xFFFF8000  }
0x1a6: {  	s25 =	simm.s32 @!p2 $0xF4080;
	s9 =	smul.u32 $0xFFFFFFF4, s9;
	s3 =	ssub.s32 s28, s3  }
.Ltmp25:
0x1a7: {  	s28 =	sshll.u32 s3, $0xF;
	s31 =	sadd.s32 $0x1, s3;
	(pc) =	sbr.rel @p1 .LBB2_31-.Ltmp25, $4  }
0x1a8: {  	s3 =	sadd.s32 $0x3, s1;
	s9 =	sshra.s32 s9, $0x2;
	s1 =	sor.u32 $0x400, s28  }
0x1a9: {  	p3 =	slt.s32 s3, s17;
	s30 =	sadd.s32 s9, s24;
	s28 =	smov.u32 s17  }
0x1aa: {  	s26 =	sadd.s32 $0x1, s26;
	s9 =	sadd.s32 s0, s25;
	s28 =	smov.u32 @p3 s3  }
0x1ab: {  	s24 =	sadd.s32 $0x1, s24;
	s3 =	smulhi.u32 $0xAAAAAAAB, s28;
	s25 =	sshll.u32 s28, $0x9  }
.LBB2_32:
0x1ac: {  	[tilespmem:s1], [sflag:s31] =	stream.strided.gather @p0 [hbm4b:s9+s10], $0x8000, s11, s10, $0x38;
	[tilespmem:$0x1C480] =	vst v63  }
0x1ad: {  	s29 =	smulhi.u32 $0xAAAAAAAB, s26  }
0x1ae: {  	s3 =	sshrl.u32 s3, $0x1;
	_ =	swait.ge @p0 [sflag:s30], $0x8000  }
0x1af: {  	s3 =	smul.u32 $0x3, s3;
	s1 =	sshrl.u32 s29, $0x1;
	[sflag:s30] =	ssyncset.done @p0 $0x0  }
0x1b0: {  	s1 =	smul.u32 $0xFFFFFFF4, s1;
	[sflag:s30] =	ssyncadd.s32 @p0 $0xFFFF8000;
	p0 =	slt.s32 s25, $0xF4080  }
0x1b1: {  	s3 =	ssub.s32 s28, s3;
	s25 =	simm.s32 @!p0 $0xF4080  }
0x1b2: {  	s30 =	sshll.u32 s3, $0xF;
	s3 =	sadd.s32 $0x1, s3;
	s1 =	sshra.s32 s1, $0x2  }
0x1b3: {  	s31 =	sadd.s32 s0, s25;
	s9 =	sor.u32 $0x400, s30;
	s1 =	sadd.s32 s1, s24  }
0x1b4: {  	[tilespmem:s9], [sflag:s3] =	stream.strided.gather [hbm4b:s31+s10], $0x8000, s11, s10, $0x38;
	[tilespmem:$0x1C480] =	vst v63  }
0x1b5: {  	_ =	swait.ge [sflag:s1], $0x8000  }
0x1b6: {  	[sflag:s1] =	ssyncset.done $0x0  }
0x1b7: {  	[sflag:s1] =	ssyncadd.s32 $0xFFFF8000  }
.LBB2_33:
0x1b8: {  	s1 =	sand.u32 $0xFFFFFE00, s23  }
0x1b9: {  	p0 =	slt.s32 s1, $0xF4080  }
0x1ba: {  	s1 =	simm.s32 @!p0 $0xF4080  }
0x1bb: {  	s1 =	ssub.s32 s23, s1  }
0x1bc: {  	v6 =	vmov s1  }
0x1bd: {  	v7 =	vshll.u32 v6, $0x3  }
0x1be: {  	s31 =	smulhi.u32 $0x55555556, s22;
	v6 =	vand.u32 $0x7F, v6;
	v7 =	vand.u32 $0xFFFFFC00, v7  }
0x1bf: {  	v6 =	vor.u32 v6, v7  }
0x1c0: {  	s1 =	smul.u32 $0x3, s31;
	v7 =	vadd.s32 v0, v6;
	_ =	sdelay $0x1  }
0x1c1: {  	s1 =	ssub.s32 s22, s1  }
0x1c2: {  	s1 =	sshll.u32 s1, $0xF  }
0x1c3: {  	s1 =	sor.u32 $0x400, s1  }
0x1c4: {  	v7 =	vld.idx.msk [tilespmem:v7+s1+$0x0], $0xffff  }
0x1c5: {  	(v2sf) =	vpush v5, $0x5;
	v8 =	vadd.s32 v1, v6;
	_ =	sdelay $0x3  }
0x1c6: {  	[tilespmem:s20+$0x18600] =	vst v7  }
0x1c7: {  	v7 =	vld.idx.msk [tilespmem:v8+s1+$0x0], $0xffff  }
0x1c8: {  	v63 =	vadd.s32 v2, v6;
	_ =	sdelay $0x3  }
0x1c9: {  	[tilespmem:s20+$0x18610] =	vst v7  }
0x1ca: {  	v7 =	vld.idx.msk [tilespmem:v63+s1+$0x0], $0xffff  }
0x1cb: {  	v6 =	vadd.s32 v3, v6;
	_ =	sdelay $0x2  }
0x1cc: {  	s23 =	spop (v2sf)  }
0x1cd: {  	s21 =	smax.u32 s21, s22;
	s22 =	sshrl.u32 s23, $0x9;
	[tilespmem:s20+$0x18620] =	vst v7  }
0x1ce: {  	p0 =	sge.u32 s21, s22;
	v6 =	vld.idx.msk [tilespmem:v6+s1+$0x0], $0xffff  }
.Ltmp26:
0x1cf: {  	_ = 	snop;
	(pc) =	sbr.rel @p0 .LBB2_39-.Ltmp26, $2  }
0x1d0: {  	_ =	sdelay $0x2  }
0x1d1: {  	[tilespmem:s20+$0x18630] =	vst v6  }
0x1d2: {  	s1 =	sshll.u32 s21, $0x2  }
0x1d3: {  	s1 =	sshra.s32 s1, $0x2  }
0x1d4: {  	s24 =	sadd.s32 $0x2, s1;
	s1 =	sadd.s32 $0x1, s21  }
0x1d5: {  	p1 =	sne.s32 s22, s1  }
.Ltmp27:
0x1d6: {  	_ = 	snop;
	(pc) =	sbr.rel @!p1 .LBB2_35-.Ltmp27, $4  }
0x1d7: {  	s3 =	sadd.s32 $0x3, s21  }
0x1d8: {  	s28 =	smov.u32 s17;
	p0 =	slt.s32 s3, s17  }
0x1d9: {  	s26 =	sadd.s32 $0x1, s21;
	s28 =	smov.u32 @p0 s3  }
0x1da: {  	p0 =	por $0x0, $0x0;
	s3 =	smulhi.u32 $0xAAAAAAAB, s28;
	s25 =	sshll.u32 s28, $0x9  }
0x1db: {  	_ = 	snop  }
0x1dc: {  	s9 =	smulhi.u32 $0xAAAAAAAB, s26;
	s3 =	sshrl.u32 s3, $0x1  }
0x1dd: {  	s29 =	sadd.s32 $0x1, s1;
	p0 =	slt.s32 s25, $0xF4080;
	s3 =	smul.u32 $0x3, s3  }
0x1de: {  	s26 =	sadd.s32 $0x1, s26;
	p1 =	sne.s32 s22, s29;
	s9 =	sshrl.u32 s9, $0x1  }
0x1df: {  	s25 =	simm.s32 @!p0 $0xF4080;
	s9 =	smul.u32 $0xFFFFFFF4, s9;
	s3 =	ssub.s32 s28, s3  }
.Ltmp28:
0x1e0: {  	p0 =	por $0x1, $0x1;
	s28 =	sshll.u32 s3, $0xF;
	(pc) =	sbr.rel @!p1 .LBB2_38-.Ltmp28, $4  }
0x1e1: {  	s31 =	sadd.s32 $0x1, s3;
	s3 =	sadd.s32 $0x3, s1;
	s9 =	sshra.s32 s9, $0x2  }
0x1e2: {  	s1 =	sor.u32 $0x400, s28;
	p2 =	slt.s32 s3, s17;
	s28 =	smov.u32 s17  }
0x1e3: {  	s30 =	sadd.s32 s9, s24;
	s9 =	sadd.s32 s0, s25;
	s28 =	smov.u32 @p2 s3  }
0x1e4: {  	s24 =	sadd.s32 $0x1, s24;
	s3 =	smulhi.u32 $0xAAAAAAAB, s28;
	s25 =	sshll.u32 s28, $0x9  }
.LBB2_37:
0x1e5: {  	[tilespmem:s1], [sflag:s31] =	stream.strided.gather [hbm4b:s9+s10], $0x8000, s11, s10, $0x38;
	[tilespmem:$0x1C480] =	vst v63  }
0x1e6: {  	s1 =	smov.u32 s29;
	s9 =	smulhi.u32 $0xAAAAAAAB, s26  }
0x1e7: {  	s29 =	sadd.s32 $0x1, s29;
	s3 =	sshrl.u32 s3, $0x1;
	_ =	swait.ge [sflag:s30], $0x8000  }
0x1e8: {  	p2 =	slt.s32 s25, $0xF4080;
	s3 =	smul.u32 $0x3, s3;
	[sflag:s30] =	ssyncset.done $0x0  }
0x1e9: {  	p1 =	sne.s32 s22, s29;
	s9 =	sshrl.u32 s9, $0x1;
	[sflag:s30] =	ssyncadd.s32 $0xFFFF8000  }
0x1ea: {  	s25 =	simm.s32 @!p2 $0xF4080;
	s9 =	smul.u32 $0xFFFFFFF4, s9;
	s3 =	ssub.s32 s28, s3  }
.Ltmp29:
0x1eb: {  	s28 =	sshll.u32 s3, $0xF;
	s31 =	sadd.s32 $0x1, s3;
	(pc) =	sbr.rel @p1 .LBB2_37-.Ltmp29, $4  }
0x1ec: {  	s3 =	sadd.s32 $0x3, s1;
	s9 =	sshra.s32 s9, $0x2;
	s1 =	sor.u32 $0x400, s28  }
0x1ed: {  	p3 =	slt.s32 s3, s17;
	s30 =	sadd.s32 s9, s24;
	s28 =	smov.u32 s17  }
0x1ee: {  	s26 =	sadd.s32 $0x1, s26;
	s9 =	sadd.s32 s0, s25;
	s28 =	smov.u32 @p3 s3  }
0x1ef: {  	s24 =	sadd.s32 $0x1, s24;
	s3 =	smulhi.u32 $0xAAAAAAAB, s28;
	s25 =	sshll.u32 s28, $0x9  }
.LBB2_38:
0x1f0: {  	[tilespmem:s1], [sflag:s31] =	stream.strided.gather @p0 [hbm4b:s9+s10], $0x8000, s11, s10, $0x38;
	[tilespmem:$0x1C480] =	vst v63  }
0x1f1: {  	s29 =	smulhi.u32 $0xAAAAAAAB, s26  }
0x1f2: {  	s3 =	sshrl.u32 s3, $0x1;
	_ =	swait.ge @p0 [sflag:s30], $0x8000  }
0x1f3: {  	s3 =	smul.u32 $0x3, s3;
	s1 =	sshrl.u32 s29, $0x1;
	[sflag:s30] =	ssyncset.done @p0 $0x0  }
0x1f4: {  	s1 =	smul.u32 $0xFFFFFFF4, s1;
	[sflag:s30] =	ssyncadd.s32 @p0 $0xFFFF8000;
	p0 =	slt.s32 s25, $0xF4080  }
0x1f5: {  	s3 =	ssub.s32 s28, s3;
	s25 =	simm.s32 @!p0 $0xF4080  }
0x1f6: {  	s30 =	sshll.u32 s3, $0xF;
	s3 =	sadd.s32 $0x1, s3;
	s1 =	sshra.s32 s1, $0x2  }
0x1f7: {  	s31 =	sadd.s32 s0, s25;
	s9 =	sor.u32 $0x400, s30;
	s1 =	sadd.s32 s1, s24  }
0x1f8: {  	[tilespmem:s9], [sflag:s3] =	stream.strided.gather [hbm4b:s31+s10], $0x8000, s11, s10, $0x38;
	[tilespmem:$0x1C480] =	vst v63  }
0x1f9: {  	_ =	swait.ge [sflag:s1], $0x8000  }
0x1fa: {  	[sflag:s1] =	ssyncset.done $0x0  }
0x1fb: {  	[sflag:s1] =	ssyncadd.s32 $0xFFFF8000  }
.LBB2_39:
0x1fc: {  	s1 =	sand.u32 $0xFFFFFE00, s23  }
0x1fd: {  	p0 =	slt.s32 s1, $0xF4080  }
0x1fe: {  	s1 =	simm.s32 @!p0 $0xF4080  }
0x1ff: {  	s1 =	ssub.s32 s23, s1  }
0x200: {  	v6 =	vmov s1  }
0x201: {  	v7 =	vshll.u32 v6, $0x3  }
0x202: {  	s31 =	smulhi.u32 $0x55555556, s22;
	v6 =	vand.u32 $0x7F, v6;
	v7 =	vand.u32 $0xFFFFFC00, v7  }
0x203: {  	v6 =	vor.u32 v6, v7  }
0x204: {  	s1 =	smul.u32 $0x3, s31;
	v7 =	vadd.s32 v0, v6;
	_ =	sdelay $0x1  }
0x205: {  	s1 =	ssub.s32 s22, s1  }
0x206: {  	s1 =	sshll.u32 s1, $0xF  }
0x207: {  	s1 =	sor.u32 $0x400, s1  }
0x208: {  	v7 =	vld.idx.msk [tilespmem:v7+s1+$0x0], $0xffff  }
0x209: {  	(v2sf) =	vpush v5, $0x6;
	v8 =	vadd.s32 v1, v6;
	_ =	sdelay $0x3  }
0x20a: {  	[tilespmem:s20+$0x18680] =	vst v7  }
0x20b: {  	v7 =	vld.idx.msk [tilespmem:v8+s1+$0x0], $0xffff  }
0x20c: {  	v63 =	vadd.s32 v2, v6;
	_ =	sdelay $0x3  }
0x20d: {  	[tilespmem:s20+$0x18690] =	vst v7  }
0x20e: {  	v7 =	vld.idx.msk [tilespmem:v63+s1+$0x0], $0xffff  }
0x20f: {  	v6 =	vadd.s32 v3, v6;
	_ =	sdelay $0x2  }
0x210: {  	s23 =	spop (v2sf)  }
0x211: {  	s21 =	smax.u32 s21, s22;
	s22 =	sshrl.u32 s23, $0x9;
	[tilespmem:s20+$0x186A0] =	vst v7  }
0x212: {  	p0 =	sge.u32 s21, s22;
	v6 =	vld.idx.msk [tilespmem:v6+s1+$0x0], $0xffff  }
.Ltmp30:
0x213: {  	_ = 	snop;
	(pc) =	sbr.rel @p0 .LBB2_45-.Ltmp30, $2  }
0x214: {  	_ =	sdelay $0x2  }
0x215: {  	[tilespmem:s20+$0x186B0] =	vst v6  }
0x216: {  	s1 =	sshll.u32 s21, $0x2  }
0x217: {  	s1 =	sshra.s32 s1, $0x2  }
0x218: {  	s24 =	sadd.s32 $0x2, s1;
	s1 =	sadd.s32 $0x1, s21  }
0x219: {  	p1 =	sne.s32 s22, s1  }
.Ltmp31:
0x21a: {  	_ = 	snop;
	(pc) =	sbr.rel @!p1 .LBB2_41-.Ltmp31, $4  }
0x21b: {  	s3 =	sadd.s32 $0x3, s21  }
0x21c: {  	s28 =	smov.u32 s17;
	p0 =	slt.s32 s3, s17  }
0x21d: {  	s26 =	sadd.s32 $0x1, s21;
	s28 =	smov.u32 @p0 s3  }
0x21e: {  	p0 =	por $0x0, $0x0;
	s3 =	smulhi.u32 $0xAAAAAAAB, s28;
	s25 =	sshll.u32 s28, $0x9  }
0x21f: {  	_ = 	snop  }
0x220: {  	s9 =	smulhi.u32 $0xAAAAAAAB, s26;
	s3 =	sshrl.u32 s3, $0x1  }
0x221: {  	s29 =	sadd.s32 $0x1, s1;
	p0 =	slt.s32 s25, $0xF4080;
	s3 =	smul.u32 $0x3, s3  }
0x222: {  	s26 =	sadd.s32 $0x1, s26;
	p1 =	sne.s32 s22, s29;
	s9 =	sshrl.u32 s9, $0x1  }
0x223: {  	s25 =	simm.s32 @!p0 $0xF4080;
	s9 =	smul.u32 $0xFFFFFFF4, s9;
	s3 =	ssub.s32 s28, s3  }
.Ltmp32:
0x224: {  	p0 =	por $0x1, $0x1;
	s28 =	sshll.u32 s3, $0xF;
	(pc) =	sbr.rel @!p1 .LBB2_44-.Ltmp32, $4  }
0x225: {  	s31 =	sadd.s32 $0x1, s3;
	s3 =	sadd.s32 $0x3, s1;
	s9 =	sshra.s32 s9, $0x2  }
0x226: {  	s1 =	sor.u32 $0x400, s28;
	p2 =	slt.s32 s3, s17;
	s28 =	smov.u32 s17  }
0x227: {  	s30 =	sadd.s32 s9, s24;
	s9 =	sadd.s32 s0, s25;
	s28 =	smov.u32 @p2 s3  }
0x228: {  	s24 =	sadd.s32 $0x1, s24;
	s3 =	smulhi.u32 $0xAAAAAAAB, s28;
	s25 =	sshll.u32 s28, $0x9  }
.LBB2_43:
0x229: {  	[tilespmem:s1], [sflag:s31] =	stream.strided.gather [hbm4b:s9+s10], $0x8000, s11, s10, $0x38;
	[tilespmem:$0x1C480] =	vst v63  }
0x22a: {  	s1 =	smov.u32 s29;
	s9 =	smulhi.u32 $0xAAAAAAAB, s26  }
0x22b: {  	s29 =	sadd.s32 $0x1, s29;
	s3 =	sshrl.u32 s3, $0x1;
	_ =	swait.ge [sflag:s30], $0x8000  }
0x22c: {  	p2 =	slt.s32 s25, $0xF4080;
	s3 =	smul.u32 $0x3, s3;
	[sflag:s30] =	ssyncset.done $0x0  }
0x22d: {  	p1 =	sne.s32 s22, s29;
	s9 =	sshrl.u32 s9, $0x1;
	[sflag:s30] =	ssyncadd.s32 $0xFFFF8000  }
0x22e: {  	s25 =	simm.s32 @!p2 $0xF4080;
	s9 =	smul.u32 $0xFFFFFFF4, s9;
	s3 =	ssub.s32 s28, s3  }
.Ltmp33:
0x22f: {  	s28 =	sshll.u32 s3, $0xF;
	s31 =	sadd.s32 $0x1, s3;
	(pc) =	sbr.rel @p1 .LBB2_43-.Ltmp33, $4  }
0x230: {  	s3 =	sadd.s32 $0x3, s1;
	s9 =	sshra.s32 s9, $0x2;
	s1 =	sor.u32 $0x400, s28  }
0x231: {  	p3 =	slt.s32 s3, s17;
	s30 =	sadd.s32 s9, s24;
	s28 =	smov.u32 s17  }
0x232: {  	s26 =	sadd.s32 $0x1, s26;
	s9 =	sadd.s32 s0, s25;
	s28 =	smov.u32 @p3 s3  }
0x233: {  	s24 =	sadd.s32 $0x1, s24;
	s3 =	smulhi.u32 $0xAAAAAAAB, s28;
	s25 =	sshll.u32 s28, $0x9  }
.LBB2_44:
0x234: {  	[tilespmem:s1], [sflag:s31] =	stream.strided.gather @p0 [hbm4b:s9+s10], $0x8000, s11, s10, $0x38;
	[tilespmem:$0x1C480] =	vst v63  }
0x235: {  	s29 =	smulhi.u32 $0xAAAAAAAB, s26  }
0x236: {  	s3 =	sshrl.u32 s3, $0x1;
	_ =	swait.ge @p0 [sflag:s30], $0x8000  }
0x237: {  	s3 =	smul.u32 $0x3, s3;
	s1 =	sshrl.u32 s29, $0x1;
	[sflag:s30] =	ssyncset.done @p0 $0x0  }
0x238: {  	s1 =	smul.u32 $0xFFFFFFF4, s1;
	[sflag:s30] =	ssyncadd.s32 @p0 $0xFFFF8000;
	p0 =	slt.s32 s25, $0xF4080  }
0x239: {  	s3 =	ssub.s32 s28, s3;
	s25 =	simm.s32 @!p0 $0xF4080  }
0x23a: {  	s30 =	sshll.u32 s3, $0xF;
	s3 =	sadd.s32 $0x1, s3;
	s1 =	sshra.s32 s1, $0x2  }
0x23b: {  	s31 =	sadd.s32 s0, s25;
	s9 =	sor.u32 $0x400, s30;
	s1 =	sadd.s32 s1, s24  }
0x23c: {  	[tilespmem:s9], [sflag:s3] =	stream.strided.gather [hbm4b:s31+s10], $0x8000, s11, s10, $0x38;
	[tilespmem:$0x1C480] =	vst v63  }
0x23d: {  	_ =	swait.ge [sflag:s1], $0x8000  }
0x23e: {  	[sflag:s1] =	ssyncset.done $0x0  }
0x23f: {  	[sflag:s1] =	ssyncadd.s32 $0xFFFF8000  }
.LBB2_45:
0x240: {  	s1 =	sand.u32 $0xFFFFFE00, s23  }
0x241: {  	p0 =	slt.s32 s1, $0xF4080  }
0x242: {  	s1 =	simm.s32 @!p0 $0xF4080  }
0x243: {  	s1 =	ssub.s32 s23, s1  }
0x244: {  	v6 =	vmov s1  }
0x245: {  	v7 =	vshll.u32 v6, $0x3  }
0x246: {  	s31 =	smulhi.u32 $0x55555556, s22;
	v6 =	vand.u32 $0x7F, v6;
	v7 =	vand.u32 $0xFFFFFC00, v7  }
0x247: {  	v6 =	vor.u32 v6, v7  }
0x248: {  	s1 =	smul.u32 $0x3, s31;
	v7 =	vadd.s32 v0, v6;
	_ =	sdelay $0x1  }
0x249: {  	s1 =	ssub.s32 s22, s1  }
0x24a: {  	s1 =	sshll.u32 s1, $0xF  }
0x24b: {  	s1 =	sor.u32 $0x400, s1  }
0x24c: {  	v7 =	vld.idx.msk [tilespmem:v7+s1+$0x0], $0xffff  }
0x24d: {  	(v2sf) =	vpush v5, $0x7;
	v8 =	vadd.s32 v1, v6;
	_ =	sdelay $0x3  }
0x24e: {  	[tilespmem:s20+$0x18700] =	vst v7  }
0x24f: {  	v7 =	vld.idx.msk [tilespmem:v8+s1+$0x0], $0xffff  }
0x250: {  	v63 =	vadd.s32 v2, v6;
	_ =	sdelay $0x3  }
0x251: {  	[tilespmem:s20+$0x18710] =	vst v7  }
0x252: {  	v7 =	vld.idx.msk [tilespmem:v63+s1+$0x0], $0xffff  }
0x253: {  	v6 =	vadd.s32 v3, v6;
	_ =	sdelay $0x2  }
0x254: {  	s23 =	spop (v2sf)  }
0x255: {  	s21 =	smax.u32 s21, s22;
	s22 =	sshrl.u32 s23, $0x9;
	[tilespmem:s20+$0x18720] =	vst v7  }
0x256: {  	p0 =	sge.u32 s21, s22;
	v6 =	vld.idx.msk [tilespmem:v6+s1+$0x0], $0xffff  }
.Ltmp34:
0x257: {  	_ = 	snop;
	(pc) =	sbr.rel @p0 .LBB2_51-.Ltmp34, $2  }
0x258: {  	_ =	sdelay $0x2  }
0x259: {  	[tilespmem:s20+$0x18730] =	vst v6  }
0x25a: {  	s1 =	sshll.u32 s21, $0x2  }
0x25b: {  	s1 =	sshra.s32 s1, $0x2  }
0x25c: {  	s24 =	sadd.s32 $0x2, s1;
	s1 =	sadd.s32 $0x1, s21  }
0x25d: {  	p1 =	sne.s32 s22, s1  }
.Ltmp35:
0x25e: {  	_ = 	snop;
	(pc) =	sbr.rel @!p1 .LBB2_47-.Ltmp35, $4  }
0x25f: {  	s3 =	sadd.s32 $0x3, s21  }
0x260: {  	s28 =	smov.u32 s17;
	p0 =	slt.s32 s3, s17  }
0x261: {  	s26 =	sadd.s32 $0x1, s21;
	s28 =	smov.u32 @p0 s3  }
0x262: {  	p0 =	por $0x0, $0x0;
	s3 =	smulhi.u32 $0xAAAAAAAB, s28;
	s25 =	sshll.u32 s28, $0x9  }
0x263: {  	_ = 	snop  }
0x264: {  	s9 =	smulhi.u32 $0xAAAAAAAB, s26;
	s3 =	sshrl.u32 s3, $0x1  }
0x265: {  	s29 =	sadd.s32 $0x1, s1;
	p0 =	slt.s32 s25, $0xF4080;
	s3 =	smul.u32 $0x3, s3  }
0x266: {  	s26 =	sadd.s32 $0x1, s26;
	p1 =	sne.s32 s22, s29;
	s9 =	sshrl.u32 s9, $0x1  }
0x267: {  	s25 =	simm.s32 @!p0 $0xF4080;
	s9 =	smul.u32 $0xFFFFFFF4, s9;
	s3 =	ssub.s32 s28, s3  }
.Ltmp36:
0x268: {  	p0 =	por $0x1, $0x1;
	s28 =	sshll.u32 s3, $0xF;
	(pc) =	sbr.rel @!p1 .LBB2_50-.Ltmp36, $4  }
0x269: {  	s31 =	sadd.s32 $0x1, s3;
	s3 =	sadd.s32 $0x3, s1;
	s9 =	sshra.s32 s9, $0x2  }
0x26a: {  	s1 =	sor.u32 $0x400, s28;
	p2 =	slt.s32 s3, s17;
	s28 =	smov.u32 s17  }
0x26b: {  	s30 =	sadd.s32 s9, s24;
	s9 =	sadd.s32 s0, s25;
	s28 =	smov.u32 @p2 s3  }
0x26c: {  	s24 =	sadd.s32 $0x1, s24;
	s3 =	smulhi.u32 $0xAAAAAAAB, s28;
	s25 =	sshll.u32 s28, $0x9  }
.LBB2_49:
0x26d: {  	[tilespmem:s1], [sflag:s31] =	stream.strided.gather [hbm4b:s9+s10], $0x8000, s11, s10, $0x38;
	[tilespmem:$0x1C480] =	vst v63  }
0x26e: {  	s1 =	smov.u32 s29;
	s9 =	smulhi.u32 $0xAAAAAAAB, s26  }
0x26f: {  	s29 =	sadd.s32 $0x1, s29;
	s3 =	sshrl.u32 s3, $0x1;
	_ =	swait.ge [sflag:s30], $0x8000  }
0x270: {  	p2 =	slt.s32 s25, $0xF4080;
	s3 =	smul.u32 $0x3, s3;
	[sflag:s30] =	ssyncset.done $0x0  }
0x271: {  	p1 =	sne.s32 s22, s29;
	s9 =	sshrl.u32 s9, $0x1;
	[sflag:s30] =	ssyncadd.s32 $0xFFFF8000  }
0x272: {  	s25 =	simm.s32 @!p2 $0xF4080;
	s9 =	smul.u32 $0xFFFFFFF4, s9;
	s3 =	ssub.s32 s28, s3  }
.Ltmp37:
0x273: {  	s28 =	sshll.u32 s3, $0xF;
	s31 =	sadd.s32 $0x1, s3;
	(pc) =	sbr.rel @p1 .LBB2_49-.Ltmp37, $4  }
0x274: {  	s3 =	sadd.s32 $0x3, s1;
	s9 =	sshra.s32 s9, $0x2;
	s1 =	sor.u32 $0x400, s28  }
0x275: {  	p3 =	slt.s32 s3, s17;
	s30 =	sadd.s32 s9, s24;
	s28 =	smov.u32 s17  }
0x276: {  	s26 =	sadd.s32 $0x1, s26;
	s9 =	sadd.s32 s0, s25;
	s28 =	smov.u32 @p3 s3  }
0x277: {  	s24 =	sadd.s32 $0x1, s24;
	s3 =	smulhi.u32 $0xAAAAAAAB, s28;
	s25 =	sshll.u32 s28, $0x9  }
.LBB2_50:
0x278: {  	[tilespmem:s1], [sflag:s31] =	stream.strided.gather @p0 [hbm4b:s9+s10], $0x8000, s11, s10, $0x38;
	[tilespmem:$0x1C480] =	vst v63  }
0x279: {  	s29 =	smulhi.u32 $0xAAAAAAAB, s26  }
0x27a: {  	s3 =	sshrl.u32 s3, $0x1;
	_ =	swait.ge @p0 [sflag:s30], $0x8000  }
0x27b: {  	s3 =	smul.u32 $0x3, s3;
	s1 =	sshrl.u32 s29, $0x1;
	[sflag:s30] =	ssyncset.done @p0 $0x0  }
0x27c: {  	s1 =	smul.u32 $0xFFFFFFF4, s1;
	[sflag:s30] =	ssyncadd.s32 @p0 $0xFFFF8000;
	p0 =	slt.s32 s25, $0xF4080  }
0x27d: {  	s3 =	ssub.s32 s28, s3;
	s25 =	simm.s32 @!p0 $0xF4080  }
0x27e: {  	s30 =	sshll.u32 s3, $0xF;
	s3 =	sadd.s32 $0x1, s3;
	s1 =	sshra.s32 s1, $0x2  }
0x27f: {  	s31 =	sadd.s32 s0, s25;
	s9 =	sor.u32 $0x400, s30;
	s1 =	sadd.s32 s1, s24  }
0x280: {  	[tilespmem:s9], [sflag:s3] =	stream.strided.gather [hbm4b:s31+s10], $0x8000, s11, s10, $0x38;
	[tilespmem:$0x1C480] =	vst v63  }
0x281: {  	_ =	swait.ge [sflag:s1], $0x8000  }
0x282: {  	[sflag:s1] =	ssyncset.done $0x0  }
0x283: {  	[sflag:s1] =	ssyncadd.s32 $0xFFFF8000  }
.LBB2_51:
0x284: {  	s1 =	sand.u32 $0xFFFFFE00, s23  }
0x285: {  	p0 =	slt.s32 s1, $0xF4080  }
0x286: {  	s1 =	simm.s32 @!p0 $0xF4080  }
0x287: {  	s1 =	ssub.s32 s23, s1  }
0x288: {  	v6 =	vmov s1  }
0x289: {  	v7 =	vshll.u32 v6, $0x3  }
0x28a: {  	s31 =	smulhi.u32 $0x55555556, s22;
	v6 =	vand.u32 $0x7F, v6;
	v7 =	vand.u32 $0xFFFFFC00, v7  }
0x28b: {  	v6 =	vor.u32 v6, v7  }
0x28c: {  	s1 =	smul.u32 $0x3, s31;
	v7 =	vadd.s32 v0, v6;
	_ =	sdelay $0x1  }
0x28d: {  	s1 =	ssub.s32 s22, s1  }
0x28e: {  	s1 =	sshll.u32 s1, $0xF  }
0x28f: {  	s1 =	sor.u32 $0x400, s1  }
0x290: {  	v7 =	vld.idx.msk [tilespmem:v7+s1+$0x0], $0xffff  }
0x291: {  	(v2sf) =	vpush v5, $0x8;
	v8 =	vadd.s32 v1, v6;
	_ =	sdelay $0x3  }
0x292: {  	[tilespmem:s20+$0x18780] =	vst v7  }
0x293: {  	v7 =	vld.idx.msk [tilespmem:v8+s1+$0x0], $0xffff  }
0x294: {  	v63 =	vadd.s32 v2, v6;
	_ =	sdelay $0x3  }
0x295: {  	[tilespmem:s20+$0x18790] =	vst v7  }
0x296: {  	v7 =	vld.idx.msk [tilespmem:v63+s1+$0x0], $0xffff  }
0x297: {  	v6 =	vadd.s32 v3, v6;
	_ =	sdelay $0x2  }
0x298: {  	s23 =	spop (v2sf)  }
0x299: {  	s21 =	smax.u32 s21, s22;
	s22 =	sshrl.u32 s23, $0x9;
	[tilespmem:s20+$0x187A0] =	vst v7  }
0x29a: {  	p0 =	sge.u32 s21, s22;
	v6 =	vld.idx.msk [tilespmem:v6+s1+$0x0], $0xffff  }
.Ltmp38:
0x29b: {  	_ = 	snop;
	(pc) =	sbr.rel @p0 .LBB2_57-.Ltmp38, $2  }
0x29c: {  	_ =	sdelay $0x2  }
0x29d: {  	[tilespmem:s20+$0x187B0] =	vst v6  }
0x29e: {  	s1 =	sshll.u32 s21, $0x2  }
0x29f: {  	s1 =	sshra.s32 s1, $0x2  }
0x2a0: {  	s24 =	sadd.s32 $0x2, s1;
	s1 =	sadd.s32 $0x1, s21  }
0x2a1: {  	p1 =	sne.s32 s22, s1  }
.Ltmp39:
0x2a2: {  	_ = 	snop;
	(pc) =	sbr.rel @!p1 .LBB2_53-.Ltmp39, $4  }
0x2a3: {  	s3 =	sadd.s32 $0x3, s21  }
0x2a4: {  	s28 =	smov.u32 s17;
	p0 =	slt.s32 s3, s17  }
0x2a5: {  	s26 =	sadd.s32 $0x1, s21;
	s28 =	smov.u32 @p0 s3  }
0x2a6: {  	p0 =	por $0x0, $0x0;
	s3 =	smulhi.u32 $0xAAAAAAAB, s28;
	s25 =	sshll.u32 s28, $0x9  }
0x2a7: {  	_ = 	snop  }
0x2a8: {  	s9 =	smulhi.u32 $0xAAAAAAAB, s26;
	s3 =	sshrl.u32 s3, $0x1  }
0x2a9: {  	s29 =	sadd.s32 $0x1, s1;
	p0 =	slt.s32 s25, $0xF4080;
	s3 =	smul.u32 $0x3, s3  }
0x2aa: {  	s26 =	sadd.s32 $0x1, s26;
	p1 =	sne.s32 s22, s29;
	s9 =	sshrl.u32 s9, $0x1  }
0x2ab: {  	s25 =	simm.s32 @!p0 $0xF4080;
	s9 =	smul.u32 $0xFFFFFFF4, s9;
	s3 =	ssub.s32 s28, s3  }
.Ltmp40:
0x2ac: {  	p0 =	por $0x1, $0x1;
	s28 =	sshll.u32 s3, $0xF;
	(pc) =	sbr.rel @!p1 .LBB2_56-.Ltmp40, $4  }
0x2ad: {  	s31 =	sadd.s32 $0x1, s3;
	s3 =	sadd.s32 $0x3, s1;
	s9 =	sshra.s32 s9, $0x2  }
0x2ae: {  	s1 =	sor.u32 $0x400, s28;
	p2 =	slt.s32 s3, s17;
	s28 =	smov.u32 s17  }
0x2af: {  	s30 =	sadd.s32 s9, s24;
	s9 =	sadd.s32 s0, s25;
	s28 =	smov.u32 @p2 s3  }
0x2b0: {  	s24 =	sadd.s32 $0x1, s24;
	s3 =	smulhi.u32 $0xAAAAAAAB, s28;
	s25 =	sshll.u32 s28, $0x9  }
.LBB2_55:
0x2b1: {  	[tilespmem:s1], [sflag:s31] =	stream.strided.gather [hbm4b:s9+s10], $0x8000, s11, s10, $0x38;
	[tilespmem:$0x1C480] =	vst v63  }
0x2b2: {  	s1 =	smov.u32 s29;
	s9 =	smulhi.u32 $0xAAAAAAAB, s26  }
0x2b3: {  	s29 =	sadd.s32 $0x1, s29;
	s3 =	sshrl.u32 s3, $0x1;
	_ =	swait.ge [sflag:s30], $0x8000  }
0x2b4: {  	p2 =	slt.s32 s25, $0xF4080;
	s3 =	smul.u32 $0x3, s3;
	[sflag:s30] =	ssyncset.done $0x0  }
0x2b5: {  	p1 =	sne.s32 s22, s29;
	s9 =	sshrl.u32 s9, $0x1;
	[sflag:s30] =	ssyncadd.s32 $0xFFFF8000  }
0x2b6: {  	s25 =	simm.s32 @!p2 $0xF4080;
	s9 =	smul.u32 $0xFFFFFFF4, s9;
	s3 =	ssub.s32 s28, s3  }
.Ltmp41:
0x2b7: {  	s28 =	sshll.u32 s3, $0xF;
	s31 =	sadd.s32 $0x1, s3;
	(pc) =	sbr.rel @p1 .LBB2_55-.Ltmp41, $4  }
0x2b8: {  	s3 =	sadd.s32 $0x3, s1;
	s9 =	sshra.s32 s9, $0x2;
	s1 =	sor.u32 $0x400, s28  }
0x2b9: {  	p3 =	slt.s32 s3, s17;
	s30 =	sadd.s32 s9, s24;
	s28 =	smov.u32 s17  }
0x2ba: {  	s26 =	sadd.s32 $0x1, s26;
	s9 =	sadd.s32 s0, s25;
	s28 =	smov.u32 @p3 s3  }
0x2bb: {  	s24 =	sadd.s32 $0x1, s24;
	s3 =	smulhi.u32 $0xAAAAAAAB, s28;
	s25 =	sshll.u32 s28, $0x9  }
.LBB2_56:
0x2bc: {  	[tilespmem:s1], [sflag:s31] =	stream.strided.gather @p0 [hbm4b:s9+s10], $0x8000, s11, s10, $0x38;
	[tilespmem:$0x1C480] =	vst v63  }
0x2bd: {  	s29 =	smulhi.u32 $0xAAAAAAAB, s26  }
0x2be: {  	s3 =	sshrl.u32 s3, $0x1;
	_ =	swait.ge @p0 [sflag:s30], $0x8000  }
0x2bf: {  	s3 =	smul.u32 $0x3, s3;
	s1 =	sshrl.u32 s29, $0x1;
	[sflag:s30] =	ssyncset.done @p0 $0x0  }
0x2c0: {  	s1 =	smul.u32 $0xFFFFFFF4, s1;
	[sflag:s30] =	ssyncadd.s32 @p0 $0xFFFF8000;
	p0 =	slt.s32 s25, $0xF4080  }
0x2c1: {  	s3 =	ssub.s32 s28, s3;
	s25 =	simm.s32 @!p0 $0xF4080  }
0x2c2: {  	s30 =	sshll.u32 s3, $0xF;
	s3 =	sadd.s32 $0x1, s3;
	s1 =	sshra.s32 s1, $0x2  }
0x2c3: {  	s31 =	sadd.s32 s0, s25;
	s9 =	sor.u32 $0x400, s30;
	s1 =	sadd.s32 s1, s24  }
0x2c4: {  	[tilespmem:s9], [sflag:s3] =	stream.strided.gather [hbm4b:s31+s10], $0x8000, s11, s10, $0x38;
	[tilespmem:$0x1C480] =	vst v63  }
0x2c5: {  	_ =	swait.ge [sflag:s1], $0x8000  }
0x2c6: {  	[sflag:s1] =	ssyncset.done $0x0  }
0x2c7: {  	[sflag:s1] =	ssyncadd.s32 $0xFFFF8000  }
.LBB2_57:
0x2c8: {  	s1 =	sand.u32 $0xFFFFFE00, s23  }
0x2c9: {  	p0 =	slt.s32 s1, $0xF4080  }
0x2ca: {  	s1 =	simm.s32 @!p0 $0xF4080  }
0x2cb: {  	s1 =	ssub.s32 s23, s1  }
0x2cc: {  	v6 =	vmov s1  }
0x2cd: {  	v7 =	vshll.u32 v6, $0x3  }
0x2ce: {  	s31 =	smulhi.u32 $0x55555556, s22;
	v6 =	vand.u32 $0x7F, v6;
	v7 =	vand.u32 $0xFFFFFC00, v7  }
0x2cf: {  	v6 =	vor.u32 v6, v7  }
0x2d0: {  	s1 =	smul.u32 $0x3, s31;
	v7 =	vadd.s32 v0, v6;
	_ =	sdelay $0x1  }
0x2d1: {  	s1 =	ssub.s32 s22, s1  }
0x2d2: {  	s1 =	sshll.u32 s1, $0xF  }
0x2d3: {  	s1 =	sor.u32 $0x400, s1  }
0x2d4: {  	v7 =	vld.idx.msk [tilespmem:v7+s1+$0x0], $0xffff  }
0x2d5: {  	(v2sf) =	vpush v5, $0x9;
	v8 =	vadd.s32 v1, v6;
	_ =	sdelay $0x3  }
0x2d6: {  	[tilespmem:s20+$0x18800] =	vst v7  }
0x2d7: {  	v7 =	vld.idx.msk [tilespmem:v8+s1+$0x0], $0xffff  }
0x2d8: {  	v63 =	vadd.s32 v2, v6;
	_ =	sdelay $0x3  }
0x2d9: {  	[tilespmem:s20+$0x18810] =	vst v7  }
0x2da: {  	v7 =	vld.idx.msk [tilespmem:v63+s1+$0x0], $0xffff  }
0x2db: {  	v6 =	vadd.s32 v3, v6;
	_ =	sdelay $0x2  }
0x2dc: {  	s23 =	spop (v2sf)  }
0x2dd: {  	s21 =	smax.u32 s21, s22;
	s22 =	sshrl.u32 s23, $0x9;
	[tilespmem:s20+$0x18820] =	vst v7  }
0x2de: {  	p0 =	sge.u32 s21, s22;
	v6 =	vld.idx.msk [tilespmem:v6+s1+$0x0], $0xffff  }
.Ltmp42:
0x2df: {  	_ = 	snop;
	(pc) =	sbr.rel @p0 .LBB2_63-.Ltmp42, $2  }
0x2e0: {  	_ =	sdelay $0x2  }
0x2e1: {  	[tilespmem:s20+$0x18830] =	vst v6  }
0x2e2: {  	s1 =	sshll.u32 s21, $0x2  }
0x2e3: {  	s1 =	sshra.s32 s1, $0x2  }
0x2e4: {  	s24 =	sadd.s32 $0x2, s1;
	s1 =	sadd.s32 $0x1, s21  }
0x2e5: {  	p1 =	sne.s32 s22, s1  }
.Ltmp43:
0x2e6: {  	_ = 	snop;
	(pc) =	sbr.rel @!p1 .LBB2_59-.Ltmp43, $4  }
0x2e7: {  	s3 =	sadd.s32 $0x3, s21  }
0x2e8: {  	s28 =	smov.u32 s17;
	p0 =	slt.s32 s3, s17  }
0x2e9: {  	s26 =	sadd.s32 $0x1, s21;
	s28 =	smov.u32 @p0 s3  }
0x2ea: {  	p0 =	por $0x0, $0x0;
	s3 =	smulhi.u32 $0xAAAAAAAB, s28;
	s25 =	sshll.u32 s28, $0x9  }
0x2eb: {  	_ = 	snop  }
0x2ec: {  	s9 =	smulhi.u32 $0xAAAAAAAB, s26;
	s3 =	sshrl.u32 s3, $0x1  }
0x2ed: {  	s29 =	sadd.s32 $0x1, s1;
	p0 =	slt.s32 s25, $0xF4080;
	s3 =	smul.u32 $0x3, s3  }
0x2ee: {  	s26 =	sadd.s32 $0x1, s26;
	p1 =	sne.s32 s22, s29;
	s9 =	sshrl.u32 s9, $0x1  }
0x2ef: {  	s25 =	simm.s32 @!p0 $0xF4080;
	s9 =	smul.u32 $0xFFFFFFF4, s9;
	s3 =	ssub.s32 s28, s3  }
.Ltmp44:
0x2f0: {  	p0 =	por $0x1, $0x1;
	s28 =	sshll.u32 s3, $0xF;
	(pc) =	sbr.rel @!p1 .LBB2_62-.Ltmp44, $4  }
0x2f1: {  	s31 =	sadd.s32 $0x1, s3;
	s3 =	sadd.s32 $0x3, s1;
	s9 =	sshra.s32 s9, $0x2  }
0x2f2: {  	s1 =	sor.u32 $0x400, s28;
	p2 =	slt.s32 s3, s17;
	s28 =	smov.u32 s17  }
0x2f3: {  	s30 =	sadd.s32 s9, s24;
	s9 =	sadd.s32 s0, s25;
	s28 =	smov.u32 @p2 s3  }
0x2f4: {  	s24 =	sadd.s32 $0x1, s24;
	s3 =	smulhi.u32 $0xAAAAAAAB, s28;
	s25 =	sshll.u32 s28, $0x9  }
.LBB2_61:
0x2f5: {  	[tilespmem:s1], [sflag:s31] =	stream.strided.gather [hbm4b:s9+s10], $0x8000, s11, s10, $0x38;
	[tilespmem:$0x1C480] =	vst v63  }
0x2f6: {  	s1 =	smov.u32 s29;
	s9 =	smulhi.u32 $0xAAAAAAAB, s26  }
0x2f7: {  	s29 =	sadd.s32 $0x1, s29;
	s3 =	sshrl.u32 s3, $0x1;
	_ =	swait.ge [sflag:s30], $0x8000  }
0x2f8: {  	p2 =	slt.s32 s25, $0xF4080;
	s3 =	smul.u32 $0x3, s3;
	[sflag:s30] =	ssyncset.done $0x0  }
0x2f9: {  	p1 =	sne.s32 s22, s29;
	s9 =	sshrl.u32 s9, $0x1;
	[sflag:s30] =	ssyncadd.s32 $0xFFFF8000  }
0x2fa: {  	s25 =	simm.s32 @!p2 $0xF4080;
	s9 =	smul.u32 $0xFFFFFFF4, s9;
	s3 =	ssub.s32 s28, s3  }
.Ltmp45:
0x2fb: {  	s28 =	sshll.u32 s3, $0xF;
	s31 =	sadd.s32 $0x1, s3;
	(pc) =	sbr.rel @p1 .LBB2_61-.Ltmp45, $4  }
0x2fc: {  	s3 =	sadd.s32 $0x3, s1;
	s9 =	sshra.s32 s9, $0x2;
	s1 =	sor.u32 $0x400, s28  }
0x2fd: {  	p3 =	slt.s32 s3, s17;
	s30 =	sadd.s32 s9, s24;
	s28 =	smov.u32 s17  }
0x2fe: {  	s26 =	sadd.s32 $0x1, s26;
	s9 =	sadd.s32 s0, s25;
	s28 =	smov.u32 @p3 s3  }
0x2ff: {  	s24 =	sadd.s32 $0x1, s24;
	s3 =	smulhi.u32 $0xAAAAAAAB, s28;
	s25 =	sshll.u32 s28, $0x9  }
.LBB2_62:
0x300: {  	[tilespmem:s1], [sflag:s31] =	stream.strided.gather @p0 [hbm4b:s9+s10], $0x8000, s11, s10, $0x38;
	[tilespmem:$0x1C480] =	vst v63  }
0x301: {  	s29 =	smulhi.u32 $0xAAAAAAAB, s26  }
0x302: {  	s3 =	sshrl.u32 s3, $0x1;
	_ =	swait.ge @p0 [sflag:s30], $0x8000  }
0x303: {  	s3 =	smul.u32 $0x3, s3;
	s1 =	sshrl.u32 s29, $0x1;
	[sflag:s30] =	ssyncset.done @p0 $0x0  }
0x304: {  	s1 =	smul.u32 $0xFFFFFFF4, s1;
	[sflag:s30] =	ssyncadd.s32 @p0 $0xFFFF8000;
	p0 =	slt.s32 s25, $0xF4080  }
0x305: {  	s3 =	ssub.s32 s28, s3;
	s25 =	simm.s32 @!p0 $0xF4080  }
0x306: {  	s30 =	sshll.u32 s3, $0xF;
	s3 =	sadd.s32 $0x1, s3;
	s1 =	sshra.s32 s1, $0x2  }
0x307: {  	s31 =	sadd.s32 s0, s25;
	s9 =	sor.u32 $0x400, s30;
	s1 =	sadd.s32 s1, s24  }
0x308: {  	[tilespmem:s9], [sflag:s3] =	stream.strided.gather [hbm4b:s31+s10], $0x8000, s11, s10, $0x38;
	[tilespmem:$0x1C480] =	vst v63  }
0x309: {  	_ =	swait.ge [sflag:s1], $0x8000  }
0x30a: {  	[sflag:s1] =	ssyncset.done $0x0  }
0x30b: {  	[sflag:s1] =	ssyncadd.s32 $0xFFFF8000  }
.LBB2_63:
0x30c: {  	s1 =	sand.u32 $0xFFFFFE00, s23  }
0x30d: {  	p0 =	slt.s32 s1, $0xF4080  }
0x30e: {  	s1 =	simm.s32 @!p0 $0xF4080  }
0x30f: {  	s1 =	ssub.s32 s23, s1  }
0x310: {  	v6 =	vmov s1  }
0x311: {  	v7 =	vshll.u32 v6, $0x3  }
0x312: {  	s31 =	smulhi.u32 $0x55555556, s22;
	v6 =	vand.u32 $0x7F, v6;
	v7 =	vand.u32 $0xFFFFFC00, v7  }
0x313: {  	v6 =	vor.u32 v6, v7  }
0x314: {  	s1 =	smul.u32 $0x3, s31;
	v7 =	vadd.s32 v0, v6;
	_ =	sdelay $0x1  }
0x315: {  	s1 =	ssub.s32 s22, s1  }
0x316: {  	s1 =	sshll.u32 s1, $0xF  }
0x317: {  	s1 =	sor.u32 $0x400, s1  }
0x318: {  	v7 =	vld.idx.msk [tilespmem:v7+s1+$0x0], $0xffff  }
0x319: {  	(v2sf) =	vpush v5, $0xA;
	v8 =	vadd.s32 v1, v6;
	_ =	sdelay $0x3  }
0x31a: {  	[tilespmem:s20+$0x18880] =	vst v7  }
0x31b: {  	v7 =	vld.idx.msk [tilespmem:v8+s1+$0x0], $0xffff  }
0x31c: {  	v63 =	vadd.s32 v2, v6;
	_ =	sdelay $0x3  }
0x31d: {  	[tilespmem:s20+$0x18890] =	vst v7  }
0x31e: {  	v7 =	vld.idx.msk [tilespmem:v63+s1+$0x0], $0xffff  }
0x31f: {  	v6 =	vadd.s32 v3, v6;
	_ =	sdelay $0x2  }
0x320: {  	s23 =	spop (v2sf)  }
0x321: {  	s21 =	smax.u32 s21, s22;
	s22 =	sshrl.u32 s23, $0x9;
	[tilespmem:s20+$0x188A0] =	vst v7  }
0x322: {  	p0 =	sge.u32 s21, s22;
	v6 =	vld.idx.msk [tilespmem:v6+s1+$0x0], $0xffff  }
.Ltmp46:
0x323: {  	_ = 	snop;
	(pc) =	sbr.rel @p0 .LBB2_69-.Ltmp46, $2  }
0x324: {  	_ =	sdelay $0x2  }
0x325: {  	[tilespmem:s20+$0x188B0] =	vst v6  }
0x326: {  	s1 =	sshll.u32 s21, $0x2  }
0x327: {  	s1 =	sshra.s32 s1, $0x2  }
0x328: {  	s24 =	sadd.s32 $0x2, s1;
	s1 =	sadd.s32 $0x1, s21  }
0x329: {  	p1 =	sne.s32 s22, s1  }
.Ltmp47:
0x32a: {  	_ = 	snop;
	(pc) =	sbr.rel @!p1 .LBB2_65-.Ltmp47, $4  }
0x32b: {  	s3 =	sadd.s32 $0x3, s21  }
0x32c: {  	s28 =	smov.u32 s17;
	p0 =	slt.s32 s3, s17  }
0x32d: {  	s26 =	sadd.s32 $0x1, s21;
	s28 =	smov.u32 @p0 s3  }
0x32e: {  	p0 =	por $0x0, $0x0;
	s3 =	smulhi.u32 $0xAAAAAAAB, s28;
	s25 =	sshll.u32 s28, $0x9  }
0x32f: {  	_ = 	snop  }
0x330: {  	s9 =	smulhi.u32 $0xAAAAAAAB, s26;
	s3 =	sshrl.u32 s3, $0x1  }
0x331: {  	s29 =	sadd.s32 $0x1, s1;
	p0 =	slt.s32 s25, $0xF4080;
	s3 =	smul.u32 $0x3, s3  }
0x332: {  	s26 =	sadd.s32 $0x1, s26;
	p1 =	sne.s32 s22, s29;
	s9 =	sshrl.u32 s9, $0x1  }
0x333: {  	s25 =	simm.s32 @!p0 $0xF4080;
	s9 =	smul.u32 $0xFFFFFFF4, s9;
	s3 =	ssub.s32 s28, s3  }
.Ltmp48:
0x334: {  	p0 =	por $0x1, $0x1;
	s28 =	sshll.u32 s3, $0xF;
	(pc) =	sbr.rel @!p1 .LBB2_68-.Ltmp48, $4  }
0x335: {  	s31 =	sadd.s32 $0x1, s3;
	s3 =	sadd.s32 $0x3, s1;
	s9 =	sshra.s32 s9, $0x2  }
0x336: {  	s1 =	sor.u32 $0x400, s28;
	p2 =	slt.s32 s3, s17;
	s28 =	smov.u32 s17  }
0x337: {  	s30 =	sadd.s32 s9, s24;
	s9 =	sadd.s32 s0, s25;
	s28 =	smov.u32 @p2 s3  }
0x338: {  	s24 =	sadd.s32 $0x1, s24;
	s3 =	smulhi.u32 $0xAAAAAAAB, s28;
	s25 =	sshll.u32 s28, $0x9  }
.LBB2_67:
0x339: {  	[tilespmem:s1], [sflag:s31] =	stream.strided.gather [hbm4b:s9+s10], $0x8000, s11, s10, $0x38;
	[tilespmem:$0x1C480] =	vst v63  }
0x33a: {  	s1 =	smov.u32 s29;
	s9 =	smulhi.u32 $0xAAAAAAAB, s26  }
0x33b: {  	s29 =	sadd.s32 $0x1, s29;
	s3 =	sshrl.u32 s3, $0x1;
	_ =	swait.ge [sflag:s30], $0x8000  }
0x33c: {  	p2 =	slt.s32 s25, $0xF4080;
	s3 =	smul.u32 $0x3, s3;
	[sflag:s30] =	ssyncset.done $0x0  }
0x33d: {  	p1 =	sne.s32 s22, s29;
	s9 =	sshrl.u32 s9, $0x1;
	[sflag:s30] =	ssyncadd.s32 $0xFFFF8000  }
0x33e: {  	s25 =	simm.s32 @!p2 $0xF4080;
	s9 =	smul.u32 $0xFFFFFFF4, s9;
	s3 =	ssub.s32 s28, s3  }
.Ltmp49:
0x33f: {  	s28 =	sshll.u32 s3, $0xF;
	s31 =	sadd.s32 $0x1, s3;
	(pc) =	sbr.rel @p1 .LBB2_67-.Ltmp49, $4  }
0x340: {  	s3 =	sadd.s32 $0x3, s1;
	s9 =	sshra.s32 s9, $0x2;
	s1 =	sor.u32 $0x400, s28  }
0x341: {  	p3 =	slt.s32 s3, s17;
	s30 =	sadd.s32 s9, s24;
	s28 =	smov.u32 s17  }
0x342: {  	s26 =	sadd.s32 $0x1, s26;
	s9 =	sadd.s32 s0, s25;
	s28 =	smov.u32 @p3 s3  }
0x343: {  	s24 =	sadd.s32 $0x1, s24;
	s3 =	smulhi.u32 $0xAAAAAAAB, s28;
	s25 =	sshll.u32 s28, $0x9  }
.LBB2_68:
0x344: {  	[tilespmem:s1], [sflag:s31] =	stream.strided.gather @p0 [hbm4b:s9+s10], $0x8000, s11, s10, $0x38;
	[tilespmem:$0x1C480] =	vst v63  }
0x345: {  	s29 =	smulhi.u32 $0xAAAAAAAB, s26  }
0x346: {  	s3 =	sshrl.u32 s3, $0x1;
	_ =	swait.ge @p0 [sflag:s30], $0x8000  }
0x347: {  	s3 =	smul.u32 $0x3, s3;
	s1 =	sshrl.u32 s29, $0x1;
	[sflag:s30] =	ssyncset.done @p0 $0x0  }
0x348: {  	s1 =	smul.u32 $0xFFFFFFF4, s1;
	[sflag:s30] =	ssyncadd.s32 @p0 $0xFFFF8000;
	p0 =	slt.s32 s25, $0xF4080  }
0x349: {  	s3 =	ssub.s32 s28, s3;
	s25 =	simm.s32 @!p0 $0xF4080  }
0x34a: {  	s30 =	sshll.u32 s3, $0xF;
	s3 =	sadd.s32 $0x1, s3;
	s1 =	sshra.s32 s1, $0x2  }
0x34b: {  	s31 =	sadd.s32 s0, s25;
	s9 =	sor.u32 $0x400, s30;
	s1 =	sadd.s32 s1, s24  }
0x34c: {  	[tilespmem:s9], [sflag:s3] =	stream.strided.gather [hbm4b:s31+s10], $0x8000, s11, s10, $0x38;
	[tilespmem:$0x1C480] =	vst v63  }
0x34d: {  	_ =	swait.ge [sflag:s1], $0x8000  }
0x34e: {  	[sflag:s1] =	ssyncset.done $0x0  }
0x34f: {  	[sflag:s1] =	ssyncadd.s32 $0xFFFF8000  }
.LBB2_69:
0x350: {  	s1 =	sand.u32 $0xFFFFFE00, s23  }
0x351: {  	p0 =	slt.s32 s1, $0xF4080  }
0x352: {  	s1 =	simm.s32 @!p0 $0xF4080  }
0x353: {  	s1 =	ssub.s32 s23, s1  }
0x354: {  	v6 =	vmov s1  }
0x355: {  	v7 =	vshll.u32 v6, $0x3  }
0x356: {  	s31 =	smulhi.u32 $0x55555556, s22;
	v6 =	vand.u32 $0x7F, v6;
	v7 =	vand.u32 $0xFFFFFC00, v7  }
0x357: {  	v6 =	vor.u32 v6, v7  }
0x358: {  	s1 =	smul.u32 $0x3, s31;
	v7 =	vadd.s32 v0, v6;
	_ =	sdelay $0x1  }
0x359: {  	s1 =	ssub.s32 s22, s1  }
0x35a: {  	s1 =	sshll.u32 s1, $0xF  }
0x35b: {  	s1 =	sor.u32 $0x400, s1  }
0x35c: {  	v7 =	vld.idx.msk [tilespmem:v7+s1+$0x0], $0xffff  }
0x35d: {  	(v2sf) =	vpush v5, $0xB;
	v8 =	vadd.s32 v1, v6;
	_ =	sdelay $0x3  }
0x35e: {  	[tilespmem:s20+$0x18900] =	vst v7  }
0x35f: {  	v7 =	vld.idx.msk [tilespmem:v8+s1+$0x0], $0xffff  }
0x360: {  	v63 =	vadd.s32 v2, v6;
	_ =	sdelay $0x3  }
0x361: {  	[tilespmem:s20+$0x18910] =	vst v7  }
0x362: {  	v7 =	vld.idx.msk [tilespmem:v63+s1+$0x0], $0xffff  }
0x363: {  	v6 =	vadd.s32 v3, v6;
	_ =	sdelay $0x2  }
0x364: {  	s23 =	spop (v2sf)  }
0x365: {  	s21 =	smax.u32 s21, s22;
	s22 =	sshrl.u32 s23, $0x9;
	[tilespmem:s20+$0x18920] =	vst v7  }
0x366: {  	p0 =	sge.u32 s21, s22;
	v6 =	vld.idx.msk [tilespmem:v6+s1+$0x0], $0xffff  }
.Ltmp50:
0x367: {  	_ = 	snop;
	(pc) =	sbr.rel @p0 .LBB2_75-.Ltmp50, $2  }
0x368: {  	_ =	sdelay $0x2  }
0x369: {  	[tilespmem:s20+$0x18930] =	vst v6  }
0x36a: {  	s1 =	sshll.u32 s21, $0x2  }
0x36b: {  	s1 =	sshra.s32 s1, $0x2  }
0x36c: {  	s24 =	sadd.s32 $0x2, s1;
	s1 =	sadd.s32 $0x1, s21  }
0x36d: {  	p1 =	sne.s32 s22, s1  }
.Ltmp51:
0x36e: {  	_ = 	snop;
	(pc) =	sbr.rel @!p1 .LBB2_71-.Ltmp51, $4  }
0x36f: {  	s3 =	sadd.s32 $0x3, s21  }
0x370: {  	s28 =	smov.u32 s17;
	p0 =	slt.s32 s3, s17  }
0x371: {  	s26 =	sadd.s32 $0x1, s21;
	s28 =	smov.u32 @p0 s3  }
0x372: {  	p0 =	por $0x0, $0x0;
	s3 =	smulhi.u32 $0xAAAAAAAB, s28;
	s25 =	sshll.u32 s28, $0x9  }
0x373: {  	_ = 	snop  }
0x374: {  	s9 =	smulhi.u32 $0xAAAAAAAB, s26;
	s3 =	sshrl.u32 s3, $0x1  }
0x375: {  	s29 =	sadd.s32 $0x1, s1;
	p0 =	slt.s32 s25, $0xF4080;
	s3 =	smul.u32 $0x3, s3  }
0x376: {  	s26 =	sadd.s32 $0x1, s26;
	p1 =	sne.s32 s22, s29;
	s9 =	sshrl.u32 s9, $0x1  }
0x377: {  	s25 =	simm.s32 @!p0 $0xF4080;
	s9 =	smul.u32 $0xFFFFFFF4, s9;
	s3 =	ssub.s32 s28, s3  }
.Ltmp52:
0x378: {  	p0 =	por $0x1, $0x1;
	s28 =	sshll.u32 s3, $0xF;
	(pc) =	sbr.rel @!p1 .LBB2_74-.Ltmp52, $4  }
0x379: {  	s31 =	sadd.s32 $0x1, s3;
	s3 =	sadd.s32 $0x3, s1;
	s9 =	sshra.s32 s9, $0x2  }
0x37a: {  	s1 =	sor.u32 $0x400, s28;
	p2 =	slt.s32 s3, s17;
	s28 =	smov.u32 s17  }
0x37b: {  	s30 =	sadd.s32 s9, s24;
	s9 =	sadd.s32 s0, s25;
	s28 =	smov.u32 @p2 s3  }
0x37c: {  	s24 =	sadd.s32 $0x1, s24;
	s3 =	smulhi.u32 $0xAAAAAAAB, s28;
	s25 =	sshll.u32 s28, $0x9  }
.LBB2_73:
0x37d: {  	[tilespmem:s1], [sflag:s31] =	stream.strided.gather [hbm4b:s9+s10], $0x8000, s11, s10, $0x38;
	[tilespmem:$0x1C480] =	vst v63  }
0x37e: {  	s1 =	smov.u32 s29;
	s9 =	smulhi.u32 $0xAAAAAAAB, s26  }
0x37f: {  	s29 =	sadd.s32 $0x1, s29;
	s3 =	sshrl.u32 s3, $0x1;
	_ =	swait.ge [sflag:s30], $0x8000  }
0x380: {  	p2 =	slt.s32 s25, $0xF4080;
	s3 =	smul.u32 $0x3, s3;
	[sflag:s30] =	ssyncset.done $0x0  }
0x381: {  	p1 =	sne.s32 s22, s29;
	s9 =	sshrl.u32 s9, $0x1;
	[sflag:s30] =	ssyncadd.s32 $0xFFFF8000  }
0x382: {  	s25 =	simm.s32 @!p2 $0xF4080;
	s9 =	smul.u32 $0xFFFFFFF4, s9;
	s3 =	ssub.s32 s28, s3  }
.Ltmp53:
0x383: {  	s28 =	sshll.u32 s3, $0xF;
	s31 =	sadd.s32 $0x1, s3;
	(pc) =	sbr.rel @p1 .LBB2_73-.Ltmp53, $4  }
0x384: {  	s3 =	sadd.s32 $0x3, s1;
	s9 =	sshra.s32 s9, $0x2;
	s1 =	sor.u32 $0x400, s28  }
0x385: {  	p3 =	slt.s32 s3, s17;
	s30 =	sadd.s32 s9, s24;
	s28 =	smov.u32 s17  }
0x386: {  	s26 =	sadd.s32 $0x1, s26;
	s9 =	sadd.s32 s0, s25;
	s28 =	smov.u32 @p3 s3  }
0x387: {  	s24 =	sadd.s32 $0x1, s24;
	s3 =	smulhi.u32 $0xAAAAAAAB, s28;
	s25 =	sshll.u32 s28, $0x9  }
.LBB2_74:
0x388: {  	[tilespmem:s1], [sflag:s31] =	stream.strided.gather @p0 [hbm4b:s9+s10], $0x8000, s11, s10, $0x38;
	[tilespmem:$0x1C480] =	vst v63  }
0x389: {  	s29 =	smulhi.u32 $0xAAAAAAAB, s26  }
0x38a: {  	s3 =	sshrl.u32 s3, $0x1;
	_ =	swait.ge @p0 [sflag:s30], $0x8000  }
0x38b: {  	s3 =	smul.u32 $0x3, s3;
	s1 =	sshrl.u32 s29, $0x1;
	[sflag:s30] =	ssyncset.done @p0 $0x0  }
0x38c: {  	s1 =	smul.u32 $0xFFFFFFF4, s1;
	[sflag:s30] =	ssyncadd.s32 @p0 $0xFFFF8000;
	p0 =	slt.s32 s25, $0xF4080  }
0x38d: {  	s3 =	ssub.s32 s28, s3;
	s25 =	simm.s32 @!p0 $0xF4080  }
0x38e: {  	s30 =	sshll.u32 s3, $0xF;
	s3 =	sadd.s32 $0x1, s3;
	s1 =	sshra.s32 s1, $0x2  }
0x38f: {  	s31 =	sadd.s32 s0, s25;
	s9 =	sor.u32 $0x400, s30;
	s1 =	sadd.s32 s1, s24  }
0x390: {  	[tilespmem:s9], [sflag:s3] =	stream.strided.gather [hbm4b:s31+s10], $0x8000, s11, s10, $0x38;
	[tilespmem:$0x1C480] =	vst v63  }
0x391: {  	_ =	swait.ge [sflag:s1], $0x8000  }
0x392: {  	[sflag:s1] =	ssyncset.done $0x0  }
0x393: {  	[sflag:s1] =	ssyncadd.s32 $0xFFFF8000  }
.LBB2_75:
0x394: {  	s1 =	sand.u32 $0xFFFFFE00, s23  }
0x395: {  	p0 =	slt.s32 s1, $0xF4080  }
0x396: {  	s1 =	simm.s32 @!p0 $0xF4080  }
0x397: {  	s1 =	ssub.s32 s23, s1  }
0x398: {  	v6 =	vmov s1  }
0x399: {  	v7 =	vshll.u32 v6, $0x3  }
0x39a: {  	s31 =	smulhi.u32 $0x55555556, s22;
	v6 =	vand.u32 $0x7F, v6;
	v7 =	vand.u32 $0xFFFFFC00, v7  }
0x39b: {  	v6 =	vor.u32 v6, v7  }
0x39c: {  	s1 =	smul.u32 $0x3, s31;
	v7 =	vadd.s32 v0, v6;
	_ =	sdelay $0x1  }
0x39d: {  	s1 =	ssub.s32 s22, s1  }
0x39e: {  	s1 =	sshll.u32 s1, $0xF  }
0x39f: {  	s1 =	sor.u32 $0x400, s1  }
0x3a0: {  	v7 =	vld.idx.msk [tilespmem:v7+s1+$0x0], $0xffff  }
0x3a1: {  	(v2sf) =	vpush v5, $0xC;
	v8 =	vadd.s32 v1, v6;
	_ =	sdelay $0x3  }
0x3a2: {  	[tilespmem:s20+$0x18980] =	vst v7  }
0x3a3: {  	v7 =	vld.idx.msk [tilespmem:v8+s1+$0x0], $0xffff  }
0x3a4: {  	v63 =	vadd.s32 v2, v6;
	_ =	sdelay $0x3  }
0x3a5: {  	[tilespmem:s20+$0x18990] =	vst v7  }
0x3a6: {  	v7 =	vld.idx.msk [tilespmem:v63+s1+$0x0], $0xffff  }
0x3a7: {  	v6 =	vadd.s32 v3, v6;
	_ =	sdelay $0x2  }
0x3a8: {  	s23 =	spop (v2sf)  }
0x3a9: {  	s21 =	smax.u32 s21, s22;
	s22 =	sshrl.u32 s23, $0x9;
	[tilespmem:s20+$0x189A0] =	vst v7  }
0x3aa: {  	p0 =	sge.u32 s21, s22;
	v6 =	vld.idx.msk [tilespmem:v6+s1+$0x0], $0xffff  }
.Ltmp54:
0x3ab: {  	_ = 	snop;
	(pc) =	sbr.rel @p0 .LBB2_81-.Ltmp54, $2  }
0x3ac: {  	_ =	sdelay $0x2  }
0x3ad: {  	[tilespmem:s20+$0x189B0] =	vst v6  }
0x3ae: {  	s1 =	sshll.u32 s21, $0x2  }
0x3af: {  	s1 =	sshra.s32 s1, $0x2  }
0x3b0: {  	s24 =	sadd.s32 $0x2, s1;
	s1 =	sadd.s32 $0x1, s21  }
0x3b1: {  	p1 =	sne.s32 s22, s1  }
.Ltmp55:
0x3b2: {  	_ = 	snop;
	(pc) =	sbr.rel @!p1 .LBB2_77-.Ltmp55, $4  }
0x3b3: {  	s3 =	sadd.s32 $0x3, s21  }
0x3b4: {  	s28 =	smov.u32 s17;
	p0 =	slt.s32 s3, s17  }
0x3b5: {  	s26 =	sadd.s32 $0x1, s21;
	s28 =	smov.u32 @p0 s3  }
0x3b6: {  	p0 =	por $0x0, $0x0;
	s3 =	smulhi.u32 $0xAAAAAAAB, s28;
	s25 =	sshll.u32 s28, $0x9  }
0x3b7: {  	_ = 	snop  }
0x3b8: {  	s9 =	smulhi.u32 $0xAAAAAAAB, s26;
	s3 =	sshrl.u32 s3, $0x1  }
0x3b9: {  	s29 =	sadd.s32 $0x1, s1;
	p0 =	slt.s32 s25, $0xF4080;
	s3 =	smul.u32 $0x3, s3  }
0x3ba: {  	s26 =	sadd.s32 $0x1, s26;
	p1 =	sne.s32 s22, s29;
	s9 =	sshrl.u32 s9, $0x1  }
0x3bb: {  	s25 =	simm.s32 @!p0 $0xF4080;
	s9 =	smul.u32 $0xFFFFFFF4, s9;
	s3 =	ssub.s32 s28, s3  }
.Ltmp56:
0x3bc: {  	p0 =	por $0x1, $0x1;
	s28 =	sshll.u32 s3, $0xF;
	(pc) =	sbr.rel @!p1 .LBB2_80-.Ltmp56, $4  }
0x3bd: {  	s31 =	sadd.s32 $0x1, s3;
	s3 =	sadd.s32 $0x3, s1;
	s9 =	sshra.s32 s9, $0x2  }
0x3be: {  	s1 =	sor.u32 $0x400, s28;
	p2 =	slt.s32 s3, s17;
	s28 =	smov.u32 s17  }
0x3bf: {  	s30 =	sadd.s32 s9, s24;
	s9 =	sadd.s32 s0, s25;
	s28 =	smov.u32 @p2 s3  }
0x3c0: {  	s24 =	sadd.s32 $0x1, s24;
	s3 =	smulhi.u32 $0xAAAAAAAB, s28;
	s25 =	sshll.u32 s28, $0x9  }
.LBB2_79:
0x3c1: {  	[tilespmem:s1], [sflag:s31] =	stream.strided.gather [hbm4b:s9+s10], $0x8000, s11, s10, $0x38;
	[tilespmem:$0x1C480] =	vst v63  }
0x3c2: {  	s1 =	smov.u32 s29;
	s9 =	smulhi.u32 $0xAAAAAAAB, s26  }
0x3c3: {  	s29 =	sadd.s32 $0x1, s29;
	s3 =	sshrl.u32 s3, $0x1;
	_ =	swait.ge [sflag:s30], $0x8000  }
0x3c4: {  	p2 =	slt.s32 s25, $0xF4080;
	s3 =	smul.u32 $0x3, s3;
	[sflag:s30] =	ssyncset.done $0x0  }
0x3c5: {  	p1 =	sne.s32 s22, s29;
	s9 =	sshrl.u32 s9, $0x1;
	[sflag:s30] =	ssyncadd.s32 $0xFFFF8000  }
0x3c6: {  	s25 =	simm.s32 @!p2 $0xF4080;
	s9 =	smul.u32 $0xFFFFFFF4, s9;
	s3 =	ssub.s32 s28, s3  }
.Ltmp57:
0x3c7: {  	s28 =	sshll.u32 s3, $0xF;
	s31 =	sadd.s32 $0x1, s3;
	(pc) =	sbr.rel @p1 .LBB2_79-.Ltmp57, $4  }
0x3c8: {  	s3 =	sadd.s32 $0x3, s1;
	s9 =	sshra.s32 s9, $0x2;
	s1 =	sor.u32 $0x400, s28  }
0x3c9: {  	p3 =	slt.s32 s3, s17;
	s30 =	sadd.s32 s9, s24;
	s28 =	smov.u32 s17  }
0x3ca: {  	s26 =	sadd.s32 $0x1, s26;
	s9 =	sadd.s32 s0, s25;
	s28 =	smov.u32 @p3 s3  }
0x3cb: {  	s24 =	sadd.s32 $0x1, s24;
	s3 =	smulhi.u32 $0xAAAAAAAB, s28;
	s25 =	sshll.u32 s28, $0x9  }
.LBB2_80:
0x3cc: {  	[tilespmem:s1], [sflag:s31] =	stream.strided.gather @p0 [hbm4b:s9+s10], $0x8000, s11, s10, $0x38;
	[tilespmem:$0x1C480] =	vst v63  }
0x3cd: {  	s29 =	smulhi.u32 $0xAAAAAAAB, s26  }
0x3ce: {  	s3 =	sshrl.u32 s3, $0x1;
	_ =	swait.ge @p0 [sflag:s30], $0x8000  }
0x3cf: {  	s3 =	smul.u32 $0x3, s3;
	s1 =	sshrl.u32 s29, $0x1;
	[sflag:s30] =	ssyncset.done @p0 $0x0  }
0x3d0: {  	s1 =	smul.u32 $0xFFFFFFF4, s1;
	[sflag:s30] =	ssyncadd.s32 @p0 $0xFFFF8000;
	p0 =	slt.s32 s25, $0xF4080  }
0x3d1: {  	s3 =	ssub.s32 s28, s3;
	s25 =	simm.s32 @!p0 $0xF4080  }
0x3d2: {  	s30 =	sshll.u32 s3, $0xF;
	s3 =	sadd.s32 $0x1, s3;
	s1 =	sshra.s32 s1, $0x2  }
0x3d3: {  	s31 =	sadd.s32 s0, s25;
	s9 =	sor.u32 $0x400, s30;
	s1 =	sadd.s32 s1, s24  }
0x3d4: {  	[tilespmem:s9], [sflag:s3] =	stream.strided.gather [hbm4b:s31+s10], $0x8000, s11, s10, $0x38;
	[tilespmem:$0x1C480] =	vst v63  }
0x3d5: {  	_ =	swait.ge [sflag:s1], $0x8000  }
0x3d6: {  	[sflag:s1] =	ssyncset.done $0x0  }
0x3d7: {  	[sflag:s1] =	ssyncadd.s32 $0xFFFF8000  }
.LBB2_81:
0x3d8: {  	s1 =	sand.u32 $0xFFFFFE00, s23  }
0x3d9: {  	p0 =	slt.s32 s1, $0xF4080  }
0x3da: {  	s1 =	simm.s32 @!p0 $0xF4080  }
0x3db: {  	s1 =	ssub.s32 s23, s1  }
0x3dc: {  	v6 =	vmov s1  }
0x3dd: {  	v7 =	vshll.u32 v6, $0x3  }
0x3de: {  	s31 =	smulhi.u32 $0x55555556, s22;
	v6 =	vand.u32 $0x7F, v6;
	v7 =	vand.u32 $0xFFFFFC00, v7  }
0x3df: {  	v6 =	vor.u32 v6, v7  }
0x3e0: {  	s1 =	smul.u32 $0x3, s31;
	v7 =	vadd.s32 v0, v6;
	_ =	sdelay $0x1  }
0x3e1: {  	s1 =	ssub.s32 s22, s1  }
0x3e2: {  	s1 =	sshll.u32 s1, $0xF  }
0x3e3: {  	s1 =	sor.u32 $0x400, s1  }
0x3e4: {  	v7 =	vld.idx.msk [tilespmem:v7+s1+$0x0], $0xffff  }
0x3e5: {  	(v2sf) =	vpush v5, $0xD;
	v8 =	vadd.s32 v1, v6;
	_ =	sdelay $0x3  }
0x3e6: {  	[tilespmem:s20+$0x18A00] =	vst v7  }
0x3e7: {  	v7 =	vld.idx.msk [tilespmem:v8+s1+$0x0], $0xffff  }
0x3e8: {  	v63 =	vadd.s32 v2, v6;
	_ =	sdelay $0x3  }
0x3e9: {  	[tilespmem:s20+$0x18A10] =	vst v7  }
0x3ea: {  	v7 =	vld.idx.msk [tilespmem:v63+s1+$0x0], $0xffff  }
0x3eb: {  	v6 =	vadd.s32 v3, v6;
	_ =	sdelay $0x2  }
0x3ec: {  	s23 =	spop (v2sf)  }
0x3ed: {  	s21 =	smax.u32 s21, s22;
	s22 =	sshrl.u32 s23, $0x9;
	[tilespmem:s20+$0x18A20] =	vst v7  }
0x3ee: {  	p0 =	sge.u32 s21, s22;
	v6 =	vld.idx.msk [tilespmem:v6+s1+$0x0], $0xffff  }
.Ltmp58:
0x3ef: {  	_ = 	snop;
	(pc) =	sbr.rel @p0 .LBB2_87-.Ltmp58, $2  }
0x3f0: {  	_ =	sdelay $0x2  }
0x3f1: {  	[tilespmem:s20+$0x18A30] =	vst v6  }
0x3f2: {  	s1 =	sshll.u32 s21, $0x2  }
0x3f3: {  	s1 =	sshra.s32 s1, $0x2  }
0x3f4: {  	s24 =	sadd.s32 $0x2, s1;
	s1 =	sadd.s32 $0x1, s21  }
0x3f5: {  	p1 =	slt.u32 s1, s22  }
.Ltmp59:
0x3f6: {  	_ = 	snop;
	(pc) =	sbr.rel @!p1 .LBB2_83-.Ltmp59, $4  }
0x3f7: {  	s3 =	sadd.s32 $0x3, s21  }
0x3f8: {  	s28 =	smov.u32 s17;
	p0 =	slt.s32 s3, s17  }
0x3f9: {  	s26 =	sadd.s32 $0x1, s21;
	s28 =	smov.u32 @p0 s3  }
0x3fa: {  	p0 =	por $0x0, $0x0;
	s3 =	smulhi.u32 $0xAAAAAAAB, s28;
	s25 =	sshll.u32 s28, $0x9  }
0x3fb: {  	_ = 	snop  }
0x3fc: {  	s9 =	smulhi.u32 $0xAAAAAAAB, s26;
	s3 =	sshrl.u32 s3, $0x1  }
0x3fd: {  	s29 =	sadd.s32 $0x1, s1;
	p0 =	slt.s32 s25, $0xF4080;
	s3 =	smul.u32 $0x3, s3  }
0x3fe: {  	s26 =	sadd.s32 $0x1, s26;
	p1 =	slt.u32 s29, s22;
	s9 =	sshrl.u32 s9, $0x1  }
0x3ff: {  	s25 =	simm.s32 @!p0 $0xF4080;
	s9 =	smul.u32 $0xFFFFFFF4, s9;
	s3 =	ssub.s32 s28, s3  }
.Ltmp60:
0x400: {  	p0 =	por $0x1, $0x1;
	s28 =	sshll.u32 s3, $0xF;
	(pc) =	sbr.rel @!p1 .LBB2_86-.Ltmp60, $4  }
0x401: {  	s31 =	sadd.s32 $0x1, s3;
	s3 =	sadd.s32 $0x3, s1;
	s9 =	sshra.s32 s9, $0x2  }
0x402: {  	s1 =	sor.u32 $0x400, s28;
	p2 =	slt.s32 s3, s17;
	s28 =	smov.u32 s17  }
0x403: {  	s30 =	sadd.s32 s9, s24;
	s9 =	sadd.s32 s0, s25;
	s28 =	smov.u32 @p2 s3  }
0x404: {  	s24 =	sadd.s32 $0x1, s24;
	s3 =	smulhi.u32 $0xAAAAAAAB, s28;
	s25 =	sshll.u32 s28, $0x9  }
.LBB2_85:
0x405: {  	[tilespmem:s1], [sflag:s31] =	stream.strided.gather [hbm4b:s9+s10], $0x8000, s11, s10, $0x38;
	[tilespmem:$0x1C480] =	vst v63  }
0x406: {  	s1 =	smov.u32 s29;
	s9 =	smulhi.u32 $0xAAAAAAAB, s26  }
0x407: {  	s29 =	sadd.s32 $0x1, s29;
	s3 =	sshrl.u32 s3, $0x1;
	_ =	swait.ge [sflag:s30], $0x8000  }
0x408: {  	p2 =	slt.s32 s25, $0xF4080;
	s3 =	smul.u32 $0x3, s3;
	[sflag:s30] =	ssyncset.done $0x0  }
0x409: {  	p1 =	slt.u32 s29, s22;
	s9 =	sshrl.u32 s9, $0x1;
	[sflag:s30] =	ssyncadd.s32 $0xFFFF8000  }
0x40a: {  	s25 =	simm.s32 @!p2 $0xF4080;
	s9 =	smul.u32 $0xFFFFFFF4, s9;
	s3 =	ssub.s32 s28, s3  }
.Ltmp61:
0x40b: {  	s28 =	sshll.u32 s3, $0xF;
	s31 =	sadd.s32 $0x1, s3;
	(pc) =	sbr.rel @p1 .LBB2_85-.Ltmp61, $4  }
0x40c: {  	s3 =	sadd.s32 $0x3, s1;
	s9 =	sshra.s32 s9, $0x2;
	s1 =	sor.u32 $0x400, s28  }
0x40d: {  	p3 =	slt.s32 s3, s17;
	s30 =	sadd.s32 s9, s24;
	s28 =	smov.u32 s17  }
0x40e: {  	s26 =	sadd.s32 $0x1, s26;
	s9 =	sadd.s32 s0, s25;
	s28 =	smov.u32 @p3 s3  }
0x40f: {  	s24 =	sadd.s32 $0x1, s24;
	s3 =	smulhi.u32 $0xAAAAAAAB, s28;
	s25 =	sshll.u32 s28, $0x9  }
.LBB2_86:
0x410: {  	[tilespmem:s1], [sflag:s31] =	stream.strided.gather @p0 [hbm4b:s9+s10], $0x8000, s11, s10, $0x38;
	[tilespmem:$0x1C480] =	vst v63  }
0x411: {  	s29 =	smulhi.u32 $0xAAAAAAAB, s26  }
0x412: {  	s3 =	sshrl.u32 s3, $0x1;
	_ =	swait.ge @p0 [sflag:s30], $0x8000  }
0x413: {  	s3 =	smul.u32 $0x3, s3;
	s1 =	sshrl.u32 s29, $0x1;
	[sflag:s30] =	ssyncset.done @p0 $0x0  }
0x414: {  	s1 =	smul.u32 $0xFFFFFFF4, s1;
	[sflag:s30] =	ssyncadd.s32 @p0 $0xFFFF8000;
	p0 =	slt.s32 s25, $0xF4080  }
0x415: {  	s3 =	ssub.s32 s28, s3;
	s25 =	simm.s32 @!p0 $0xF4080  }
0x416: {  	s30 =	sshll.u32 s3, $0xF;
	s3 =	sadd.s32 $0x1, s3;
	s1 =	sshra.s32 s1, $0x2  }
0x417: {  	s31 =	sadd.s32 s0, s25;
	s9 =	sor.u32 $0x400, s30;
	s1 =	sadd.s32 s1, s24  }
0x418: {  	[tilespmem:s9], [sflag:s3] =	stream.strided.gather [hbm4b:s31+s10], $0x8000, s11, s10, $0x38;
	[tilespmem:$0x1C480] =	vst v63  }
0x419: {  	_ =	swait.ge [sflag:s1], $0x8000  }
0x41a: {  	[sflag:s1] =	ssyncset.done $0x0  }
0x41b: {  	[sflag:s1] =	ssyncadd.s32 $0xFFFF8000  }
.LBB2_87:
0x41c: {  	s1 =	sand.u32 $0xFFFFFE00, s23  }
0x41d: {  	p0 =	slt.s32 s1, $0xF4080  }
0x41e: {  	s1 =	simm.s32 @!p0 $0xF4080  }
0x41f: {  	s1 =	ssub.s32 s23, s1  }
0x420: {  	v6 =	vmov s1  }
0x421: {  	v7 =	vshll.u32 v6, $0x3  }
0x422: {  	s31 =	smulhi.u32 $0x55555556, s22;
	v6 =	vand.u32 $0x7F, v6;
	v7 =	vand.u32 $0xFFFFFC00, v7  }
0x423: {  	v6 =	vor.u32 v6, v7  }
0x424: {  	s1 =	smul.u32 $0x3, s31;
	v7 =	vadd.s32 v0, v6;
	_ =	sdelay $0x1  }
0x425: {  	s1 =	ssub.s32 s22, s1  }
0x426: {  	s1 =	sshll.u32 s1, $0xF  }
0x427: {  	s1 =	sor.u32 $0x400, s1  }
0x428: {  	v7 =	vld.idx.msk [tilespmem:v7+s1+$0x0], $0xffff  }
0x429: {  	(v2sf) =	vpush v5, $0xE;
	v8 =	vadd.s32 v1, v6;
	_ =	sdelay $0x3  }
0x42a: {  	[tilespmem:s20+$0x18A80] =	vst v7  }
0x42b: {  	v7 =	vld.idx.msk [tilespmem:v8+s1+$0x0], $0xffff  }
0x42c: {  	v63 =	vadd.s32 v2, v6;
	_ =	sdelay $0x3  }
0x42d: {  	[tilespmem:s20+$0x18A90] =	vst v7  }
0x42e: {  	v7 =	vld.idx.msk [tilespmem:v63+s1+$0x0], $0xffff  }
0x42f: {  	v6 =	vadd.s32 v3, v6;
	_ =	sdelay $0x2  }
0x430: {  	s23 =	spop (v2sf)  }
0x431: {  	s21 =	smax.u32 s21, s22;
	s22 =	sshrl.u32 s23, $0x9;
	[tilespmem:s20+$0x18AA0] =	vst v7  }
0x432: {  	p0 =	sge.u32 s21, s22;
	v6 =	vld.idx.msk [tilespmem:v6+s1+$0x0], $0xffff  }
.Ltmp62:
0x433: {  	_ = 	snop;
	(pc) =	sbr.rel @p0 .LBB2_93-.Ltmp62, $2  }
0x434: {  	_ =	sdelay $0x2  }
0x435: {  	[tilespmem:s20+$0x18AB0] =	vst v6  }
0x436: {  	s1 =	sshll.u32 s21, $0x2  }
0x437: {  	s1 =	sshra.s32 s1, $0x2  }
0x438: {  	s24 =	sadd.s32 $0x2, s1;
	s1 =	sadd.s32 $0x1, s21  }
0x439: {  	p1 =	slt.u32 s1, s22  }
.Ltmp63:
0x43a: {  	_ = 	snop;
	(pc) =	sbr.rel @!p1 .LBB2_89-.Ltmp63, $4  }
0x43b: {  	s3 =	sadd.s32 $0x3, s21  }
0x43c: {  	s28 =	smov.u32 s17;
	p0 =	slt.s32 s3, s17  }
0x43d: {  	s26 =	sadd.s32 $0x1, s21;
	s28 =	smov.u32 @p0 s3  }
0x43e: {  	p0 =	por $0x0, $0x0;
	s3 =	smulhi.u32 $0xAAAAAAAB, s28;
	s25 =	sshll.u32 s28, $0x9  }
0x43f: {  	_ = 	snop  }
0x440: {  	s9 =	smulhi.u32 $0xAAAAAAAB, s26;
	s3 =	sshrl.u32 s3, $0x1  }
0x441: {  	s29 =	sadd.s32 $0x1, s1;
	p0 =	slt.s32 s25, $0xF4080;
	s3 =	smul.u32 $0x3, s3  }
0x442: {  	s26 =	sadd.s32 $0x1, s26;
	p1 =	slt.u32 s29, s22;
	s9 =	sshrl.u32 s9, $0x1  }
0x443: {  	s25 =	simm.s32 @!p0 $0xF4080;
	s9 =	smul.u32 $0xFFFFFFF4, s9;
	s3 =	ssub.s32 s28, s3  }
.Ltmp64:
0x444: {  	p0 =	por $0x1, $0x1;
	s28 =	sshll.u32 s3, $0xF;
	(pc) =	sbr.rel @!p1 .LBB2_92-.Ltmp64, $4  }
0x445: {  	s31 =	sadd.s32 $0x1, s3;
	s3 =	sadd.s32 $0x3, s1;
	s9 =	sshra.s32 s9, $0x2  }
0x446: {  	s1 =	sor.u32 $0x400, s28;
	p2 =	slt.s32 s3, s17;
	s28 =	smov.u32 s17  }
0x447: {  	s30 =	sadd.s32 s9, s24;
	s9 =	sadd.s32 s0, s25;
	s28 =	smov.u32 @p2 s3  }
0x448: {  	s24 =	sadd.s32 $0x1, s24;
	s3 =	smulhi.u32 $0xAAAAAAAB, s28;
	s25 =	sshll.u32 s28, $0x9  }
.LBB2_91:
0x449: {  	[tilespmem:s1], [sflag:s31] =	stream.strided.gather [hbm4b:s9+s10], $0x8000, s11, s10, $0x38;
	[tilespmem:$0x1C480] =	vst v63  }
0x44a: {  	s1 =	smov.u32 s29;
	s9 =	smulhi.u32 $0xAAAAAAAB, s26  }
0x44b: {  	s29 =	sadd.s32 $0x1, s29;
	s3 =	sshrl.u32 s3, $0x1;
	_ =	swait.ge [sflag:s30], $0x8000  }
0x44c: {  	p2 =	slt.s32 s25, $0xF4080;
	s3 =	smul.u32 $0x3, s3;
	[sflag:s30] =	ssyncset.done $0x0  }
0x44d: {  	p1 =	slt.u32 s29, s22;
	s9 =	sshrl.u32 s9, $0x1;
	[sflag:s30] =	ssyncadd.s32 $0xFFFF8000  }
0x44e: {  	s25 =	simm.s32 @!p2 $0xF4080;
	s9 =	smul.u32 $0xFFFFFFF4, s9;
	s3 =	ssub.s32 s28, s3  }
.Ltmp65:
0x44f: {  	s28 =	sshll.u32 s3, $0xF;
	s31 =	sadd.s32 $0x1, s3;
	(pc) =	sbr.rel @p1 .LBB2_91-.Ltmp65, $4  }
0x450: {  	s3 =	sadd.s32 $0x3, s1;
	s9 =	sshra.s32 s9, $0x2;
	s1 =	sor.u32 $0x400, s28  }
0x451: {  	p3 =	slt.s32 s3, s17;
	s30 =	sadd.s32 s9, s24;
	s28 =	smov.u32 s17  }
0x452: {  	s26 =	sadd.s32 $0x1, s26;
	s9 =	sadd.s32 s0, s25;
	s28 =	smov.u32 @p3 s3  }
0x453: {  	s24 =	sadd.s32 $0x1, s24;
	s3 =	smulhi.u32 $0xAAAAAAAB, s28;
	s25 =	sshll.u32 s28, $0x9  }
.LBB2_92:
0x454: {  	[tilespmem:s1], [sflag:s31] =	stream.strided.gather @p0 [hbm4b:s9+s10], $0x8000, s11, s10, $0x38;
	[tilespmem:$0x1C480] =	vst v63  }
0x455: {  	s29 =	smulhi.u32 $0xAAAAAAAB, s26  }
0x456: {  	s3 =	sshrl.u32 s3, $0x1;
	_ =	swait.ge @p0 [sflag:s30], $0x8000  }
0x457: {  	s3 =	smul.u32 $0x3, s3;
	s1 =	sshrl.u32 s29, $0x1;
	[sflag:s30] =	ssyncset.done @p0 $0x0  }
0x458: {  	s1 =	smul.u32 $0xFFFFFFF4, s1;
	[sflag:s30] =	ssyncadd.s32 @p0 $0xFFFF8000;
	p0 =	slt.s32 s25, $0xF4080  }
0x459: {  	s3 =	ssub.s32 s28, s3;
	s25 =	simm.s32 @!p0 $0xF4080  }
0x45a: {  	s30 =	sshll.u32 s3, $0xF;
	s3 =	sadd.s32 $0x1, s3;
	s1 =	sshra.s32 s1, $0x2  }
0x45b: {  	s31 =	sadd.s32 s0, s25;
	s9 =	sor.u32 $0x400, s30;
	s1 =	sadd.s32 s1, s24  }
0x45c: {  	[tilespmem:s9], [sflag:s3] =	stream.strided.gather [hbm4b:s31+s10], $0x8000, s11, s10, $0x38;
	[tilespmem:$0x1C480] =	vst v63  }
0x45d: {  	_ =	swait.ge [sflag:s1], $0x8000  }
0x45e: {  	[sflag:s1] =	ssyncset.done $0x0  }
0x45f: {  	[sflag:s1] =	ssyncadd.s32 $0xFFFF8000  }
.LBB2_93:
0x460: {  	s1 =	sand.u32 $0xFFFFFE00, s23  }
0x461: {  	p0 =	slt.s32 s1, $0xF4080  }
0x462: {  	s1 =	simm.s32 @!p0 $0xF4080  }
0x463: {  	s1 =	ssub.s32 s23, s1  }
0x464: {  	v6 =	vmov s1  }
0x465: {  	v7 =	vshll.u32 v6, $0x3  }
0x466: {  	s31 =	smulhi.u32 $0x55555556, s22;
	v6 =	vand.u32 $0x7F, v6;
	v7 =	vand.u32 $0xFFFFFC00, v7  }
0x467: {  	v6 =	vor.u32 v6, v7  }
0x468: {  	s1 =	smul.u32 $0x3, s31;
	v7 =	vadd.s32 v0, v6;
	_ =	sdelay $0x1  }
0x469: {  	s1 =	ssub.s32 s22, s1  }
0x46a: {  	s1 =	sshll.u32 s1, $0xF  }
0x46b: {  	s1 =	sor.u32 $0x400, s1  }
0x46c: {  	v7 =	vld.idx.msk [tilespmem:v7+s1+$0x0], $0xffff  }
0x46d: {  	(v2sf) =	vpush v5, $0xF;
	v8 =	vadd.s32 v1, v6;
	_ =	sdelay $0x3  }
0x46e: {  	[tilespmem:s20+$0x18B00] =	vst v7  }
0x46f: {  	v5 =	vld.idx.msk [tilespmem:v8+s1+$0x0], $0xffff  }
0x470: {  	v7 =	vadd.s32 v2, v6;
	_ =	sdelay $0x3  }
0x471: {  	[tilespmem:s20+$0x18B10] =	vst v5  }
0x472: {  	v5 =	vld.idx.msk [tilespmem:v7+s1+$0x0], $0xffff  }
0x473: {  	v6 =	vadd.s32 v3, v6;
	_ =	sdelay $0x2  }
0x474: {  	s23 =	spop (v2sf)  }
0x475: {  	s21 =	smax.u32 s21, s22;
	s22 =	sshrl.u32 s23, $0x9;
	[tilespmem:s20+$0x18B20] =	vst v5  }
0x476: {  	p0 =	sge.u32 s21, s22;
	v5 =	vld.idx.msk [tilespmem:v6+s1+$0x0], $0xffff  }
.Ltmp66:
0x477: {  	_ = 	snop;
	(pc) =	sbr.rel @p0 .LBB2_99-.Ltmp66, $2  }
0x478: {  	_ =	sdelay $0x2  }
0x479: {  	[tilespmem:s20+$0x18B30] =	vst v5  }
0x47a: {  	s1 =	sshll.u32 s21, $0x2  }
0x47b: {  	s1 =	sshra.s32 s1, $0x2  }
0x47c: {  	s24 =	sadd.s32 $0x2, s1;
	s1 =	sadd.s32 $0x1, s21  }
0x47d: {  	p1 =	slt.u32 s1, s22  }
.Ltmp67:
0x47e: {  	_ = 	snop;
	(pc) =	sbr.rel @!p1 .LBB2_95-.Ltmp67, $4  }
0x47f: {  	s3 =	sadd.s32 $0x3, s21  }
0x480: {  	s28 =	smov.u32 s17;
	p0 =	slt.s32 s3, s17  }
0x481: {  	s26 =	sadd.s32 $0x1, s21;
	s28 =	smov.u32 @p0 s3  }
0x482: {  	p0 =	por $0x0, $0x0;
	s3 =	smulhi.u32 $0xAAAAAAAB, s28;
	s25 =	sshll.u32 s28, $0x9  }
0x483: {  	_ = 	snop  }
0x484: {  	s9 =	smulhi.u32 $0xAAAAAAAB, s26;
	s3 =	sshrl.u32 s3, $0x1  }
0x485: {  	s29 =	sadd.s32 $0x1, s1;
	p0 =	slt.s32 s25, $0xF4080;
	s3 =	smul.u32 $0x3, s3  }
0x486: {  	s26 =	sadd.s32 $0x1, s26;
	p1 =	slt.u32 s29, s22;
	s9 =	sshrl.u32 s9, $0x1  }
0x487: {  	s25 =	simm.s32 @!p0 $0xF4080;
	s9 =	smul.u32 $0xFFFFFFF4, s9;
	s3 =	ssub.s32 s28, s3  }
.Ltmp68:
0x488: {  	p0 =	por $0x1, $0x1;
	s28 =	sshll.u32 s3, $0xF;
	(pc) =	sbr.rel @!p1 .LBB2_98-.Ltmp68, $4  }
0x489: {  	s31 =	sadd.s32 $0x1, s3;
	s3 =	sadd.s32 $0x3, s1;
	s9 =	sshra.s32 s9, $0x2  }
0x48a: {  	s1 =	sor.u32 $0x400, s28;
	p2 =	slt.s32 s3, s17;
	s28 =	smov.u32 s17  }
0x48b: {  	s30 =	sadd.s32 s9, s24;
	s9 =	sadd.s32 s0, s25;
	s28 =	smov.u32 @p2 s3  }
0x48c: {  	s24 =	sadd.s32 $0x1, s24;
	s3 =	smulhi.u32 $0xAAAAAAAB, s28;
	s25 =	sshll.u32 s28, $0x9  }
.LBB2_97:
0x48d: {  	[tilespmem:s1], [sflag:s31] =	stream.strided.gather [hbm4b:s9+s10], $0x8000, s11, s10, $0x38;
	[tilespmem:$0x1C480] =	vst v63  }
0x48e: {  	s1 =	smov.u32 s29;
	s9 =	smulhi.u32 $0xAAAAAAAB, s26  }
0x48f: {  	s3 =	sshrl.u32 s3, $0x1;
	s29 =	sadd.s32 $0x1, s29;
	_ =	swait.ge [sflag:s30], $0x8000  }
0x490: {  	p2 =	slt.s32 s25, $0xF4080;
	s3 =	smul.u32 $0x3, s3;
	[sflag:s30] =	ssyncset.done $0x0  }
0x491: {  	p1 =	slt.u32 s29, s22;
	s9 =	sshrl.u32 s9, $0x1;
	[sflag:s30] =	ssyncadd.s32 $0xFFFF8000  }
0x492: {  	s25 =	simm.s32 @!p2 $0xF4080;
	s9 =	smul.u32 $0xFFFFFFF4, s9;
	s3 =	ssub.s32 s28, s3  }
.Ltmp69:
0x493: {  	s28 =	sshll.u32 s3, $0xF;
	s31 =	sadd.s32 $0x1, s3;
	(pc) =	sbr.rel @p1 .LBB2_97-.Ltmp69, $4  }
0x494: {  	s3 =	sadd.s32 $0x3, s1;
	s9 =	sshra.s32 s9, $0x2;
	s1 =	sor.u32 $0x400, s28  }
0x495: {  	p3 =	slt.s32 s3, s17;
	s28 =	smov.u32 s17;
	s30 =	sadd.s32 s9, s24  }
0x496: {  	s26 =	sadd.s32 $0x1, s26;
	s28 =	smov.u32 @p3 s3;
	s9 =	sadd.s32 s0, s25  }
0x497: {  	s24 =	sadd.s32 $0x1, s24;
	s3 =	smulhi.u32 $0xAAAAAAAB, s28;
	s25 =	sshll.u32 s28, $0x9  }
.Ltmp70:
0x498: {  	_ = 	snop;
	(pc) =	sbr.rel .LBB2_98-.Ltmp70, $1  }
0x499: {  	_ =	sdelay $0x3  }
.LBB2_5:
.Ltmp71:
0x49a: {  	(pc) =	sbr.rel .LBB2_8-.Ltmp71, $2  }
0x49b: {  	_ =	sdelay $0x2  }
0x49c: {  	_ = 	snop  }
.LBB2_11:
.Ltmp72:
0x49d: {  	(pc) =	sbr.rel .LBB2_14-.Ltmp72, $2  }
0x49e: {  	_ =	sdelay $0x2  }
0x49f: {  	_ = 	snop  }
.LBB2_17:
.Ltmp73:
0x4a0: {  	(pc) =	sbr.rel .LBB2_20-.Ltmp73, $2  }
0x4a1: {  	_ =	sdelay $0x2  }
0x4a2: {  	_ = 	snop  }
.LBB2_23:
.Ltmp74:
0x4a3: {  	(pc) =	sbr.rel .LBB2_26-.Ltmp74, $2  }
0x4a4: {  	_ =	sdelay $0x2  }
0x4a5: {  	_ = 	snop  }
.LBB2_29:
.Ltmp75:
0x4a6: {  	(pc) =	sbr.rel .LBB2_32-.Ltmp75, $2  }
0x4a7: {  	_ =	sdelay $0x2  }
0x4a8: {  	_ = 	snop  }
.LBB2_35:
.Ltmp76:
0x4a9: {  	(pc) =	sbr.rel .LBB2_38-.Ltmp76, $2  }
0x4aa: {  	_ =	sdelay $0x2  }
0x4ab: {  	_ = 	snop  }
.LBB2_41:
.Ltmp77:
0x4ac: {  	(pc) =	sbr.rel .LBB2_44-.Ltmp77, $2  }
0x4ad: {  	_ =	sdelay $0x2  }
0x4ae: {  	_ = 	snop  }
.LBB2_47:
.Ltmp78:
0x4af: {  	(pc) =	sbr.rel .LBB2_50-.Ltmp78, $2  }
0x4b0: {  	_ =	sdelay $0x2  }
0x4b1: {  	_ = 	snop  }
.LBB2_53:
.Ltmp79:
0x4b2: {  	(pc) =	sbr.rel .LBB2_56-.Ltmp79, $2  }
0x4b3: {  	_ =	sdelay $0x2  }
0x4b4: {  	_ = 	snop  }
.LBB2_59:
.Ltmp80:
0x4b5: {  	(pc) =	sbr.rel .LBB2_62-.Ltmp80, $2  }
0x4b6: {  	_ =	sdelay $0x2  }
0x4b7: {  	_ = 	snop  }
.LBB2_65:
.Ltmp81:
0x4b8: {  	(pc) =	sbr.rel .LBB2_68-.Ltmp81, $2  }
0x4b9: {  	_ =	sdelay $0x2  }
0x4ba: {  	_ = 	snop  }
.LBB2_71:
.Ltmp82:
0x4bb: {  	(pc) =	sbr.rel .LBB2_74-.Ltmp82, $2  }
0x4bc: {  	_ =	sdelay $0x2  }
0x4bd: {  	_ = 	snop  }
.LBB2_77:
.Ltmp83:
0x4be: {  	(pc) =	sbr.rel .LBB2_80-.Ltmp83, $2  }
0x4bf: {  	_ =	sdelay $0x2  }
0x4c0: {  	_ = 	snop  }
.LBB2_83:
.Ltmp84:
0x4c1: {  	(pc) =	sbr.rel .LBB2_86-.Ltmp84, $2  }
0x4c2: {  	_ =	sdelay $0x2  }
0x4c3: {  	_ = 	snop  }
.LBB2_89:
.Ltmp85:
0x4c4: {  	(pc) =	sbr.rel .LBB2_92-.Ltmp85, $2  }
0x4c5: {  	_ =	sdelay $0x2  }
0x4c6: {  	_ = 	snop  }
.LBB2_102:
0x4c7: {  	_ =	sfence.sel $0x180000  }
0x4c8: {  	[bflag:$0x0] =	sbarrier.arrive $0xFFFF  }
0x4c9: {  	_ =	strace $0x90000047  }
0x4ca: {  	s0 =	stileid.u32;
	[bflag:$0x2] =	sbarrier.arrive $0xFFFF  }
0x4cb: {  	p0 =	sne.s32 s0, $0x0;
	s0 =	rddreg [dreg:$0x4]  }
0x4cc: {  	s0 =	sadd.s32 @!p0 $0x100000, s0  }
0x4cd: {  	[sflag:s0] =	ssyncadd.tile.s32 @!p0 $0x1;
	_ =	shalt  }
.Lfunc_end2:
_tile_overlayer_lowered:
.L_overlay_start_2:
0x4ce: {  	(tag) =	ssettag $0x2  }
0x4cf: {  	s0 =	rddreg [dreg:$0x0];
	s2 =	stileid.u32  }
0x4d0: {  	s1 =	rddreg [dreg:$0x1];
	p0 =	sne.s32 s2, $0x0  }
0x4d1: {  	s3 =	rddreg [dreg:$0x2];
	[bflag:$0x3] =	sbarrier.arrive $0xFFFF;
	s2 =	simm.s32 @!p0 $0x1C05  }
0x4d2: {  	[timem:s3], [sflag:s2] =	dma.local @!p0 [hbm:s0], s1  }
0x4d3: {  	s0 =	simm.s32 @!p0 $0x5  }
0x4d4: {  	_ =	swait.ge @!p0 [sflag:s0], s1  }
0x4d5: {  	s1 =	ssub.s32 @!p0 $0x0, s1;
	[sflag:s0] =	ssyncset.done @!p0 $0x0  }
0x4d6: {  	[sflag:s0] =	ssyncadd.s32 @!p0 s1  }
0x4d7: {  	[bflag:$0x3] =	sbarrier.arrive $0xFFFF  }
0x4d8: {  	_ =	shalt  }

</sc_bundles>
